<compile_context>
chip_gen: v7x
topology: tpu7x:2x2x1
jax: 0.10.2.dev20260603
libtpu: 0.0.44.dev20260713+nightly
codegen_flags: <defaults>
</compile_context>

<pallas_src>
import functools

import jax
import jax.numpy as jnp
from jax import lax
from jax.experimental import pallas as pl
from jax.experimental.pallas import tpu as pltpu
from jax.experimental.pallas import tpu_sc as plsc

N = 2048
D = 128
NT = 32
NC = 2
NS = 16
NW = NC * NS
RPW = N // NW
DMAX = 32
LSTW = 128

NBR_PE0, NBR_PE1, NBR_PA0, NBR_PA2, NBR_PT0, NBR_PT2 = 0, 128, 256, 384, 512, 640
OWN_PE0, OWN_PE1, OWN_PA1, OWN_PT1 = 0, 128, 256, 384

_mesh = plsc.VectorSubcoreMesh(core_axis_name="c", subcore_axis_name="s")
_sc_params = pltpu.CompilerParams(needs_layout_passes=False)


def _wid():
    return lax.axis_index("s") * NC + lax.axis_index("c")




def _tc_proj_body(atoms_ref, wemb_ref, wcat_ref, hv_ref, nbr_ref, own_ref, pt3_ref):
    oh = (atoms_ref[...] == lax.broadcasted_iota(jnp.int32, (N, NT), 1)).astype(jnp.float32)
    hv = jnp.dot(oh, wemb_ref[...], preferred_element_type=jnp.float32)
    hv_ref[...] = hv
    p = jnp.dot(hv, wcat_ref[...], preferred_element_type=jnp.float32)
    nbr_ref[...] = jnp.concatenate(
        [p[:, 0:384], p[:, 512:640], p[:, 640:768], p[:, 896:1024]], axis=1)
    own_ref[...] = jnp.concatenate([p[:, 0:256], p[:, 384:512], p[:, 768:896]], axis=1)
    pt3_ref[...] = p[:, 1024:1152]


def _tc_adjf_body(a_ref, at_ref, o_ref):
    o_ref[...] = a_ref[...] + at_ref[...].T


def _tc_final_body(hv_ref, agg_ref, sums_ref, wv_ref, bv_ref, wu_ref, bu_ref, o_ref):
    h = jnp.maximum(
        jnp.dot(hv_ref[...], wv_ref[0:D, :], preferred_element_type=jnp.float32)
        + jnp.dot(agg_ref[...], wv_ref[D:2 * D, :], preferred_element_type=jnp.float32)
        + bv_ref[...], 0.0)
    s = jnp.sum(sums_ref[...], axis=0, keepdims=True)
    sv = jnp.sum(h, axis=0, keepdims=True)
    cat = jnp.concatenate([s, sv], axis=1)
    u = jnp.maximum(jnp.dot(cat, wu_ref[...], preferred_element_type=jnp.float32)
                    + bu_ref[...], 0.0)
    o_ref[...] = h + u




def _sc_compact_body(adjf, lst, val, rows_v, nbr8, val8):
    base = _wid() * RPW
    z16i = jnp.zeros((16,), jnp.int32)
    z16f = jnp.zeros((16,), jnp.float32)

    def chunk_body(ch, _):
        r0 = base + ch * 8
        pltpu.sync_copy(adjf.at[pl.ds(r0, 8)], rows_v)

        def row_body(p, _):
            i0 = 2 * p
            i1 = i0 + 1

            def zb(t, _):
                nbr8[i0, pl.ds(t * 16, 16)] = z16i
                val8[i0, pl.ds(t * 16, 16)] = z16f
                nbr8[i1, pl.ds(t * 16, 16)] = z16i
                val8[i1, pl.ds(t * 16, 16)] = z16f
                return 0
            lax.fori_loop(0, 8, zb, 0)

            def grp(g, offs):
                oa, ob = offs
                va = rows_v[i0, pl.ds(g * 16, 16)]
                vb = rows_v[i1, pl.ds(g * 16, 16)]
                ma = va > 0.0
                mb = vb > 0.0
                ca = plsc.all_reduce_population_count(ma)[0]
                cb = plsc.all_reduce_population_count(mb)[0]
                idx = lax.broadcasted_iota(jnp.int32, (16,), 0) + g * 16

                @pl.when(ca > 0)
                def _():
                    offc = jnp.minimum(oa, 48)
                    plsc.store_compressed(nbr8.at[i0, pl.ds(offc, 16)], idx, mask=ma)
                    plsc.store_compressed(val8.at[i0, pl.ds(offc, 16)], va, mask=ma)

                @pl.when(cb > 0)
                def _():
                    offc = jnp.minimum(ob, 48)
                    plsc.store_compressed(nbr8.at[i1, pl.ds(offc, 16)], idx, mask=mb)
                    plsc.store_compressed(val8.at[i1, pl.ds(offc, 16)], vb, mask=mb)
                return (oa + ca, ob + cb)

            dega, degb2 = lax.fori_loop(0, 128, grp, (0, 0))
            lane0 = lax.broadcasted_iota(jnp.int32, (16,), 0) == 0
            nbr8[i0, pl.ds(DMAX, 16)] = jnp.where(lane0, jnp.minimum(dega, DMAX), 0)
            nbr8[i1, pl.ds(DMAX, 16)] = jnp.where(lane0, jnp.minimum(degb2, DMAX), 0)
            return 0

        lax.fori_loop(0, 4, row_body, 0)
        pltpu.sync_copy(nbr8, lst.at[pl.ds(r0, 8)])
        pltpu.sync_copy(val8, val.at[pl.ds(r0, 8)])
        return 0

    lax.fori_loop(0, RPW // 8, chunk_body, 0)




def _sc_msgs_body(lst, val, nbrtbl, owntbl, pt3tbl, bias, agg, sums,
                  lst_v, val_v, own_v, l8loc, nbrn, nbrl, pt3b, aggb, sums_v,
                  bias_v, sem, sem2, sem3):
    base = _wid() * RPW
    pltpu.sync_copy(lst.at[pl.ds(base, RPW)], lst_v)
    pltpu.sync_copy(val.at[pl.ds(base, RPW)], val_v)
    pltpu.sync_copy(owntbl.at[pl.ds(base, RPW)], own_v)
    pltpu.sync_copy(bias, bias_v)
    zf = jnp.zeros((16,), jnp.float32)

    def zrow(i, _):
        for g in range(8):
            aggb[i, pl.ds(g * 16, 16)] = zf
        return 0
    lax.fori_loop(0, RPW, zrow, 0)
    for g in range(24):
        sums_v[pl.ds(g * 16, 16)] = zf

    m8 = lax.broadcasted_iota(jnp.int32, (16,), 0) < 8

    def bl8(i, _):
        plsc.store_compressed(l8loc.at[pl.ds(i * 8, 16)], lst_v[i, pl.ds(0, 16)],
                              mask=m8)
        return 0
    lax.fori_loop(0, RPW, bl8, 0)

    GS = 4

    def grp_body(gg, _):
        cg1 = pltpu.async_copy(nbrtbl.at[l8loc.at[pl.ds(gg * 32, 32)]],
                               nbrn.at[pl.ds(0, 32)], sem)
        cg2 = pltpu.async_copy(lst.at[l8loc.at[pl.ds(gg * 32, 32)]],
                               nbrl.at[pl.ds(0, 32)], sem2)
        cg1.wait()
        cg2.wait()

        def node_body(t, _):
            i = gg * GS + t
            c = base + i
            deg = lst_v[i, pl.ds(DMAX, 16)][0]
            spill = deg > 8
            ro = jnp.where(spill, 32, t * 8)

            @pl.when(spill)
            def _():
                c3 = pltpu.async_copy(nbrtbl.at[lst_v.at[i, pl.ds(0, DMAX)]],
                                      nbrn.at[pl.ds(32, DMAX)], sem)
                c4 = pltpu.async_copy(lst.at[lst_v.at[i, pl.ds(0, DMAX)]],
                                      nbrl.at[pl.ds(32, DMAX)], sem2)
                c3.wait()
                c4.wait()

            @pl.when(deg > 0)
            def _():
                def fire_body(k1, np):
                    jf = lst_v[i, pl.ds(k1, 16)][0]
                    islo = c < jf

                    @pl.when(jnp.logical_and(islo, np < 4))
                    def _():
                        pltpu.async_copy(pt3tbl.at[nbrl.at[ro + k1, pl.ds(0, 8)]],
                                         pt3b.at[pl.ds((np % 4) * 8, 8)], sem3)
                    return np + jnp.where(islo, 1, 0)
                npt = lax.fori_loop(0, deg, fire_body, 0)

                def k1_body(k1, _):
                    j = lst_v[i, pl.ds(k1, 16)][0]
                    w = val_v[i, pl.ds(k1, 16)][0]
                    is_lo = c < j
                    r1 = ro + k1
                    for g in range(8):
                        sl = pl.ds(g * 16, 16)
                        pe0c = own_v[i, pl.ds(OWN_PE0 + g * 16, 16)]
                        pe1c = own_v[i, pl.ds(OWN_PE1 + g * 16, 16)]
                        pe0j = nbrn[r1, pl.ds(NBR_PE0 + g * 16, 16)]
                        pe1j = nbrn[r1, pl.ds(NBR_PE1 + g * 16, 16)]
                        arg = jnp.where(is_lo, pe0c + pe1j, pe0j + pe1c) + bias_v[0, sl]
                        e = jnp.maximum(arg, 0.0) * w
                        plsc.addupdate(aggb.at[i, sl], e)

                        @pl.when(is_lo)
                        def _():
                            plsc.addupdate(sums_v.at[pl.ds(g * 16, 16)], e)

                    def k2_body(k2, _):
                        for g in range(8):
                            a = jnp.maximum(
                                own_v[i, pl.ds(OWN_PA1 + g * 16, 16)]
                                + nbrn[r1, pl.ds(NBR_PA0 + g * 16, 16)]
                                + nbrn[ro + k2, pl.ds(NBR_PA2 + g * 16, 16)]
                                + bias_v[1, pl.ds(g * 16, 16)], 0.0)
                            plsc.addupdate(sums_v.at[pl.ds(D + g * 16, 16)], a)
                        return 0
                    lax.fori_loop(0, k1, k2_body, 0)
                    return 0
                lax.fori_loop(0, deg, k1_body, 0)

                def drain_body(q, _):
                    pltpu.make_async_copy(pt3tbl.at[nbrl.at[ro, pl.ds(0, 8)]],
                                          pt3b.at[pl.ds(0, 8)], sem3).wait()
                    return 0
                lax.fori_loop(0, jnp.minimum(npt, 4), drain_body, 0)

                def tor_body(k1, np):
                    j = lst_v[i, pl.ds(k1, 16)][0]
                    is_lo = c < j
                    r1 = ro + k1

                    @pl.when(is_lo)
                    def _():
                        slot = np % 4

                        @pl.when(np >= 4)
                        def _():
                            pltpu.async_copy(pt3tbl.at[nbrl.at[r1, pl.ds(0, 8)]],
                                             pt3b.at[pl.ds(slot * 8, 8)], sem3)
                            pltpu.make_async_copy(pt3tbl.at[nbrl.at[r1, pl.ds(0, 8)]],
                                                  pt3b.at[pl.ds(slot * 8, 8)], sem3).wait()

                        degb = nbrl[r1, pl.ds(DMAX, 16)][0]

                        @pl.when(degb > 8)
                        def _():
                            pltpu.async_copy(pt3tbl.at[nbrl.at[r1, pl.ds(8, 24)]],
                                             pt3b.at[pl.ds(32, 24)], sem).wait()

                        bas = tuple(
                            own_v[i, pl.ds(OWN_PT1 + g * 16, 16)]
                            + nbrn[r1, pl.ds(NBR_PT2 + g * 16, 16)]
                            + bias_v[2, pl.ds(g * 16, 16)] for g in range(8))

                        def jj_body(kj, acc):
                            def do_jj(acc):
                                basj = tuple(
                                    bas[g] + nbrn[ro + kj, pl.ds(NBR_PT0 + g * 16, 16)]
                                    for g in range(8))

                                def kk_body(kk, acc2):
                                    kvn = nbrl[r1, pl.ds(kk, 16)][0]
                                    keep = kvn != c
                                    rowk = jnp.where(kk < 8, slot * 8 + kk, 24 + kk)
                                    return tuple(
                                        jnp.where(
                                            keep,
                                            acc2[g] + jnp.maximum(
                                                basj[g] + pt3b[rowk, pl.ds(g * 16, 16)], 0.0),
                                            acc2[g]) for g in range(8))
                                return lax.fori_loop(0, degb, kk_body, acc)
                            return lax.cond(kj != k1, do_jj, lambda a: a, acc)

                        zacc = tuple(jnp.zeros((16,), jnp.float32) for _ in range(8))
                        acc = lax.fori_loop(0, deg, jj_body, zacc)
                        for g in range(8):
                            plsc.addupdate(sums_v.at[pl.ds(2 * D + g * 16, 16)], acc[g])
                    return np + jnp.where(is_lo, 1, 0)
                lax.fori_loop(0, deg, tor_body, 0)
            return 0

        lax.fori_loop(0, GS, node_body, 0)
        return 0

    lax.fori_loop(0, RPW // 4, grp_body, 0)
    pltpu.sync_copy(aggb, agg.at[pl.ds(base, RPW)])
    pltpu.sync_copy(sums_v, sums.at[_wid()])




def kernel(atoms, adjacency_map, W_emb, W_e, b_e, W_a, b_a, W_t, b_t, W_v, b_v, W_u, b_u):
    f32 = jnp.float32
    wcat = jnp.concatenate(
        [W_e[:D], W_e[D:], W_a[:D], W_a[D:2 * D], W_a[2 * D:],
         W_t[:D], W_t[D:2 * D], W_t[2 * D:3 * D], W_t[3 * D:]], axis=1)
    bias = jnp.stack([b_e, b_a, b_t])

    hv, nbrtbl, owntbl, pt3tbl = pl.pallas_call(
        _tc_proj_body,
        out_shape=[
            jax.ShapeDtypeStruct((N, D), f32),
            jax.ShapeDtypeStruct((N, 768), f32),
            jax.ShapeDtypeStruct((N, 512), f32),
            jax.ShapeDtypeStruct((N, D), f32),
        ],
    )(atoms[:, None], W_emb, wcat)

    adjf = pl.pallas_call(
        _tc_adjf_body,
        grid=(16, 16),
        in_specs=[
            pl.BlockSpec((128, 128), lambda i, j: (i, j)),
            pl.BlockSpec((128, 128), lambda i, j: (j, i)),
        ],
        out_specs=pl.BlockSpec((128, 128), lambda i, j: (i, j)),
        out_shape=jax.ShapeDtypeStruct((N, N), f32),
    )(adjacency_map, adjacency_map)

    lst, valtbl = pl.kernel(
        _sc_compact_body,
        mesh=_mesh,
        compiler_params=_sc_params,
        out_type=[
            jax.ShapeDtypeStruct((N, LSTW), jnp.int32),
            jax.ShapeDtypeStruct((N, LSTW), f32),
        ],
        scratch_types=[
            pltpu.VMEM((8, N), f32),
            pltpu.VMEM((8, LSTW), jnp.int32),
            pltpu.VMEM((8, LSTW), f32),
        ],
    )(adjf)

    agg, sums = pl.kernel(
        _sc_msgs_body,
        mesh=_mesh,
        compiler_params=_sc_params,
        out_type=[
            jax.ShapeDtypeStruct((N, D), f32),
            jax.ShapeDtypeStruct((NW, 3 * D), f32),
        ],
        scratch_types=[
            pltpu.VMEM((RPW, LSTW), jnp.int32),
            pltpu.VMEM((RPW, LSTW), f32),
            pltpu.VMEM((RPW, 512), f32),
            pltpu.VMEM((RPW * 8 + 16,), jnp.int32),
            pltpu.VMEM((64, 768), f32),
            pltpu.VMEM((64, LSTW), jnp.int32),
            pltpu.VMEM((56, D), f32),
            pltpu.VMEM((RPW, D), f32),
            pltpu.VMEM((3 * D,), f32),
            pltpu.VMEM((3, D), f32),
            pltpu.SemaphoreType.DMA,
            pltpu.SemaphoreType.DMA,
            pltpu.SemaphoreType.DMA,
        ],
    )(lst, valtbl, nbrtbl, owntbl, pt3tbl, bias)

    return pl.pallas_call(
        _tc_final_body,
        out_shape=jax.ShapeDtypeStruct((N, D), f32),
    )(hv, agg, sums, W_v, b_v[None, :], W_u, b_u[None, :])

# --- scband reference (transcript-rebuilt; emitter-appended) ---
"""Pipeline reference for scband-hyper-graph-net-44109314130696 (READ-ONLY COPY).

The authoritative reference and input builder live on the scoring server;
editing this copy changes nothing except your own understanding.
"""

import jax, jax.numpy as jnp
import numpy as np

N = 2048
D = 128
N_TYPES = 32


def _geometric_idxs(adjacency_map):
    # Faithful (vectorized) port of get_geometric_idxs: bonds from the upper-
    # triangular adjacency, angles as pairs of edges sharing a center atom,
    # torsions as neighbor pairs across each bond (with the same self-exclusion
    # filters as the TF while-loop version).
    n = adjacency_map.shape[0]
    # Static capacities: upper bounds for the avg-degree-~4 molecular graphs
    # produced by setup_inputs, derived from the static shape n.
    e_cap = 4 * n
    ef_cap = 2 * e_cap
    a_cap = 32 * n
    t_cap = 128 * n
    adj_full = adjacency_map + adjacency_map.T
    br, bc = jnp.nonzero(adjacency_map > 0, size=e_cap, fill_value=0)
    bond_idxs = jnp.stack([br, bc], axis=1)
    src, dst = jnp.nonzero(adj_full > 0, size=ef_cap, fill_value=0)
    e_valid = jnp.arange(ef_cap) < jnp.count_nonzero(adj_full > 0)
    same_center = (src[:, None] == src[None, :]) & (dst[:, None] > dst[None, :])
    same_center = same_center & e_valid[:, None] & e_valid[None, :]
    p, q = jnp.nonzero(same_center, size=a_cap, fill_value=0)
    angle_mask = jnp.arange(a_cap) < jnp.count_nonzero(same_center)
    angle_idxs = jnp.stack([dst[p], src[p], dst[q]], axis=1)
    B = adjacency_map > 0
    bonded = B[src][:, src]
    bonded = bonded & e_valid[:, None] & e_valid[None, :]
    p2, q2 = jnp.nonzero(bonded, size=t_cap, fill_value=0)
    t_valid = jnp.arange(t_cap) < jnp.count_nonzero(bonded)
    j, l, r, k = dst[p2], src[p2], src[q2], dst[q2]
    torsion_mask = (j != r) & (l != k) & t_valid
    torsion_idxs = jnp.stack([j, l, r, k], axis=1)
    return bond_idxs, angle_idxs, torsion_idxs, angle_mask, torsion_mask


def setup_inputs(seed: int = 0):
    key = jax.random.key(seed)
    ks = jax.random.split(key, 10)
    atoms = jax.random.randint(ks[0], (N,), 0, N_TYPES, dtype=jnp.int32)
    u = jax.random.uniform(ks[1], (N, N))
    # sparsify: avg degree ~4 (molecular graph), strictly upper-triangular,
    # positive bond orders where bonded
    adjacency_map = jnp.triu(jnp.where(u < 4.0 / N, u + 0.5, 0.0), k=1).astype(jnp.float32)

    def w(k, shape):
        return (jax.random.normal(k, shape) * 0.05).astype(jnp.float32)

    return {
        'atoms': atoms,
        'adjacency_map': adjacency_map,
        'W_emb': w(ks[2], (N_TYPES, D)),
        'W_e': w(ks[3], (2 * D, D)), 'b_e': jnp.zeros((D,), jnp.float32),
        'W_a': w(ks[4], (3 * D, D)), 'b_a': jnp.zeros((D,), jnp.float32),
        'W_t': w(ks[5], (4 * D, D)), 'b_t': jnp.zeros((D,), jnp.float32),
        'W_v': w(ks[6], (2 * D, D)), 'b_v': jnp.zeros((D,), jnp.float32),
        'W_u': w(ks[7], (4 * D, D)), 'b_u': jnp.zeros((D,), jnp.float32),
    }


def _forward(atoms, adjacency_map, bond_idxs, angle_idxs, torsion_idxs,
             angle_mask, torsion_mask,
             W_emb, W_e, b_e, W_a, b_a, W_t, b_t, W_v, b_v, W_u, b_u):
    relu = jax.nn.relu
    h_v = jnp.take(W_emb, atoms, axis=0)
    bl, brr = bond_idxs[:, 0], bond_idxs[:, 1]
    bond_vals = adjacency_map[bl, brr]
    # phi_e per edge (uses both endpoint atoms and bond order)
    h_e = relu(jnp.concatenate([h_v[bl], h_v[brr]], axis=1) @ W_e + b_e) * bond_vals[:, None]
    # phi_a per angle
    h_a = relu(jnp.concatenate([h_v[angle_idxs[:, 0]], h_v[angle_idxs[:, 1]], h_v[angle_idxs[:, 2]]], axis=1) @ W_a + b_a)
    h_a = jnp.where(angle_mask[:, None], h_a, 0.0)
    # phi_t per torsion
    h_t = relu(jnp.concatenate([h_v[torsion_idxs[:, 0]], h_v[torsion_idxs[:, 1]], h_v[torsion_idxs[:, 2]], h_v[torsion_idxs[:, 3]]], axis=1) @ W_t + b_t)
    h_t = jnp.where(torsion_mask[:, None], h_t, 0.0)
    # rho_e_v: scatter-add edge messages to both endpoints
    agg_e = jnp.zeros_like(h_v).at[bl].add(h_e).at[brr].add(h_e)
    # phi_v
    h_v_new = relu(jnp.concatenate([h_v, agg_e], axis=1) @ W_v + b_v)
    # rho_e_u / rho_a_u / rho_t_u / rho_v_u + phi_u
    u = relu(jnp.concatenate([h_e.sum(0), h_a.sum(0), h_t.sum(0), h_v_new.sum(0)]) @ W_u + b_u)
    return h_v_new + u[None, :]


def reference(atoms, adjacency_map, W_emb, W_e, b_e, W_a, b_a, W_t, b_t, W_v, b_v, W_u, b_u):
    bond_idxs, angle_idxs, torsion_idxs, angle_mask, torsion_mask = _geometric_idxs(adjacency_map)
    return _forward(atoms, adjacency_map, bond_idxs, angle_idxs, torsion_idxs,
                    angle_mask, torsion_mask,
                    W_emb, W_e, b_e, W_a, b_a, W_t, b_t, W_v, b_v, W_u, b_u)

if __name__ == "__main__":
    import jax
    _d = setup_inputs()
    print(jax.jit(kernel)(*tuple(_d.values())))

</pallas_src>

<mosaic_0001>
#map = affine_map<(d0, d1) -> (0, 0)>
module attributes {stable_mosaic.version = 14 : i64} {
  func.func @_sc_compact_body(%arg0: i32, %arg1: i32, %arg2: memref<2048x2048xf32, #tpu.memory_space<hbm>>, %arg3: memref<2048x128xi32, #tpu.memory_space<hbm>>, %arg4: memref<2048x128xf32, #tpu.memory_space<hbm>>, %arg5: memref<8x2048xf32, #tpu.memory_space<vmem>>, %arg6: memref<8x128xi32, #tpu.memory_space<vmem>>, %arg7: memref<8x128xf32, #tpu.memory_space<vmem>>) attributes {dimension_semantics = [#tpu.dimension_semantics<core_parallel>, #tpu.dimension_semantics<subcore_parallel>], iteration_bounds = array<i64: 2, 16>, scalar_prefetch = 0 : i64, scratch_operands = 3 : i64, tpu.core_type = #tpu.core_type<sc_vector_subcore>, window_params = [{transform_indices = #map}, {transform_indices = #map}, {transform_indices = #map}]} {
    %mul3A = arith.constant 2 : i32
    %mul3A_0 = arith.muli %arg1, %mul3A : i32
    %add3A = arith.addi %mul3A_0, %arg0 : i32
    %mul3A_1 = arith.constant 64 : i32
    %mul3A_2 = arith.muli %add3A, %mul3A_1 : i32
    %broadcast_in_dim3A = arith.constant 0 : i32
    %broadcast_in_dim3A_3 = vector.broadcast %broadcast_in_dim3A : i32 to vector<16xi32>
    %broadcast_in_dim3A_4 = arith.constant 0.000000e+00 : f32
    %broadcast_in_dim3A_5 = vector.broadcast %broadcast_in_dim3A_4 : f32 to vector<16xf32>
    %scan3A = arith.constant 0 : i32
    %scan3A_6 = arith.constant 0 : i32
    %scan3A_7 = arith.constant 8 : i32
    %scan3A_8 = arith.addi %scan3A_6, %scan3A_7 : i32
    %scan3A_9 = arith.constant 1 : i32
    %scan3A_10 = scf.for %scan3A_12 = %scan3A_6 to %scan3A_8 step %scan3A_9 iter_args(%scan3A_13 = %scan3A) -> (i32)  : i32 {
      %mul3A_14 = arith.constant 8 : i32
      %mul3A_15 = arith.muli %scan3A_12, %mul3A_14 : i32
      %add3A_16 = arith.addi %mul3A_2, %mul3A_15 : i32
      "tpu.region"() ({
        %run_scoped3A = tpu.sem_alloc : memref<!tpu.dma_semaphore, #tpu.memory_space<semaphore_mem>>
        %dma_start3A = arith.constant 0 : i32
        %dma_start3A_25 = tpu.memref_slice %arg2[%add3A_16, %dma_start3A] : memref<2048x2048xf32, #tpu.memory_space<hbm>> -> memref<8x2048xf32, #tpu.memory_space<hbm>>
        %dma_start3A_26 = arith.constant 0 : i32
        %dma_start3A_27 = tpu.memref_slice %arg2[%add3A_16, %dma_start3A_26] : memref<2048x2048xf32, #tpu.memory_space<hbm>> -> memref<8x2048xf32, #tpu.memory_space<hbm>>
        tpu.enqueue_dma source(%dma_start3A_27 : memref<8x2048xf32, #tpu.memory_space<hbm>>) target(%arg5 : memref<8x2048xf32, #tpu.memory_space<vmem>>) target_semaphore(%run_scoped3A : memref<!tpu.dma_semaphore, #tpu.memory_space<semaphore_mem>>)
        %dma_wait3A = arith.constant 0 : i32
        %dma_wait3A_28 = tpu.memref_slice %arg2[%add3A_16, %dma_wait3A] : memref<2048x2048xf32, #tpu.memory_space<hbm>> -> memref<8x2048xf32, #tpu.memory_space<hbm>>
        %dma_wait3A_29 = arith.constant 0 : i32
        %dma_wait3A_30 = tpu.memref_slice %arg2[%add3A_16, %dma_wait3A_29] : memref<2048x2048xf32, #tpu.memory_space<hbm>> -> memref<8x2048xf32, #tpu.memory_space<hbm>>
        tpu.wait_dma2 semaphore(%run_scoped3A : memref<!tpu.dma_semaphore, #tpu.memory_space<semaphore_mem>>) src(%dma_wait3A_30 : memref<8x2048xf32, #tpu.memory_space<hbm>>) dst(%arg5 : memref<8x2048xf32, #tpu.memory_space<vmem>>)
        tpu.yield
      }) : () -> ()
      %scan3A_17 = arith.constant 0 : i32
      %scan3A_18 = arith.constant 0 : i32
      %scan3A_19 = arith.constant 4 : i32
      %scan3A_20 = arith.addi %scan3A_18, %scan3A_19 : i32
      %scan3A_21 = arith.constant 1 : i32
      %scan3A_22 = scf.for %scan3A_25 = %scan3A_18 to %scan3A_20 step %scan3A_21 iter_args(%scan3A_26 = %scan3A_17) -> (i32)  : i32 {
        %mul3A_27 = arith.constant 2 : i32
        %mul3A_28 = arith.muli %mul3A_27, %scan3A_25 : i32
        %add3A_29 = arith.constant 1 : i32
        %add3A_30 = arith.addi %mul3A_28, %add3A_29 : i32
        %scan3A_31 = arith.constant 0 : i32
        %scan3A_32 = arith.constant 0 : i32
        %scan3A_33 = arith.constant 8 : i32
        %scan3A_34 = arith.addi %scan3A_32, %scan3A_33 : i32
        %scan3A_35 = arith.constant 1 : i32
        %scan3A_36 = scf.for %scan3A_63 = %scan3A_32 to %scan3A_34 step %scan3A_35 iter_args(%scan3A_64 = %scan3A_31) -> (i32)  : i32 {
          %mul3A_65 = arith.constant 16 : i32
          %mul3A_66 = arith.muli %scan3A_63, %mul3A_65 : i32
          %swap3A_67 = arith.index_cast %mul3A_28 : i32 to index
          %swap3A_68 = arith.index_cast %mul3A_66 : i32 to index
          %swap3A_69 = tpu.vector_load %arg6[%swap3A_67, %swap3A_68] {strides = array<i32>} : memref<8x128xi32, #tpu.memory_space<vmem>>, vector<16xi32>,
          tpu.vector_store %arg6[%swap3A_67, %swap3A_68], %broadcast_in_dim3A_3 {strides = array<i32>} : memref<8x128xi32, #tpu.memory_space<vmem>>, vector<16xi32>,
          %mul3A_70 = arith.constant 16 : i32
          %mul3A_71 = arith.muli %scan3A_63, %mul3A_70 : i32
          %swap3A_72 = arith.index_cast %mul3A_28 : i32 to index
          %swap3A_73 = arith.index_cast %mul3A_71 : i32 to index
          %swap3A_74 = tpu.vector_load %arg7[%swap3A_72, %swap3A_73] {strides = array<i32>} : memref<8x128xf32, #tpu.memory_space<vmem>>, vector<16xf32>,
          tpu.vector_store %arg7[%swap3A_72, %swap3A_73], %broadcast_in_dim3A_5 {strides = array<i32>} : memref<8x128xf32, #tpu.memory_space<vmem>>, vector<16xf32>,
          %mul3A_75 = arith.constant 16 : i32
          %mul3A_76 = arith.muli %scan3A_63, %mul3A_75 : i32
          %swap3A_77 = arith.index_cast %add3A_30 : i32 to index
          %swap3A_78 = arith.index_cast %mul3A_76 : i32 to index
          %swap3A_79 = tpu.vector_load %arg6[%swap3A_77, %swap3A_78] {strides = array<i32>} : memref<8x128xi32, #tpu.memory_space<vmem>>, vector<16xi32>,
          tpu.vector_store %arg6[%swap3A_77, %swap3A_78], %broadcast_in_dim3A_3 {strides = array<i32>} : memref<8x128xi32, #tpu.memory_space<vmem>>, vector<16xi32>,
          %mul3A_80 = arith.constant 16 : i32
          %mul3A_81 = arith.muli %scan3A_63, %mul3A_80 : i32
          %swap3A_82 = arith.index_cast %add3A_30 : i32 to index
          %swap3A_83 = arith.index_cast %mul3A_81 : i32 to index
          %swap3A_84 = tpu.vector_load %arg7[%swap3A_82, %swap3A_83] {strides = array<i32>} : memref<8x128xf32, #tpu.memory_space<vmem>>, vector<16xf32>,
          tpu.vector_store %arg7[%swap3A_82, %swap3A_83], %broadcast_in_dim3A_5 {strides = array<i32>} : memref<8x128xf32, #tpu.memory_space<vmem>>, vector<16xf32>,
          %scan3A_85 = arith.constant 0 : i32
          scf.yield %scan3A_85 : i32
        }
        %scan3A_37 = arith.constant 8 : i32
        %scan3A_38 = arith.constant 0 : i32
        %scan3A_39 = arith.constant 0 : i32
        %scan3A_40 = arith.constant 0 : i32
        %scan3A_41 = arith.constant 128 : i32
        %scan3A_42 = arith.addi %scan3A_40, %scan3A_41 : i32
        %scan3A_43 = arith.constant 1 : i32
        %scan3A_44:2 = scf.for %scan3A_63 = %scan3A_40 to %scan3A_42 step %scan3A_43 iter_args(%scan3A_64 = %scan3A_38, %scan3A_65 = %scan3A_39) -> (i32, i32)  : i32 {
          %mul3A_66 = arith.constant 16 : i32
          %mul3A_67 = arith.muli %scan3A_63, %mul3A_66 : i32
          %get3A = arith.index_cast %mul3A_28 : i32 to index
          %get3A_68 = arith.index_cast %mul3A_67 : i32 to index
          %get3A_69 = tpu.vector_load %arg5[%get3A, %get3A_68] {strides = array<i32>} : memref<8x2048xf32, #tpu.memory_space<vmem>>, vector<16xf32>,
          %mul3A_70 = arith.constant 16 : i32
          %mul3A_71 = arith.muli %scan3A_63, %mul3A_70 : i32
          %get3A_72 = arith.index_cast %add3A_30 : i32 to index
          %get3A_73 = arith.index_cast %mul3A_71 : i32 to index
          %get3A_74 = tpu.vector_load %arg5[%get3A_72, %get3A_73] {strides = array<i32>} : memref<8x2048xf32, #tpu.memory_space<vmem>>, vector<16xf32>,
          %gt3A = arith.constant 0.000000e+00 : f32
          %gt3A_75 = vector.broadcast %gt3A : f32 to vector<16xf32>
          %gt3A_76 = arith.cmpf ogt, %get3A_69, %gt3A_75 : vector<16xf32>
          %gt3A_77 = arith.constant 0.000000e+00 : f32
          %gt3A_78 = vector.broadcast %gt3A_77 : f32 to vector<16xf32>
          %gt3A_79 = arith.cmpf ogt, %get3A_74, %gt3A_78 : vector<16xf32>
          %all_reduce_population_count3A = tpu.all_reduce %gt3A_76 {dim = 0 : i64, kind = #tpu.reduction_kind<sum>} : vector<16xi1> -> vector<16xi32>
          %slice3A = vector.extract_strided_slice %all_reduce_population_count3A {offsets = [0], sizes = [1], strides = [1]} : vector<16xi32> to vector<1xi32>
          %squeeze3A = vector.extract %slice3A[0] : i32 from vector<1xi32>
          %all_reduce_population_count3A_80 = tpu.all_reduce %gt3A_79 {dim = 0 : i64, kind = #tpu.reduction_kind<sum>} : vector<16xi1> -> vector<16xi32>
          %slice3A_81 = vector.extract_strided_slice %all_reduce_population_count3A_80 {offsets = [0], sizes = [1], strides = [1]} : vector<16xi32> to vector<1xi32>
          %squeeze3A_82 = vector.extract %slice3A_81[0] : i32 from vector<1xi32>
          %iota3A_83 = tpu.iota {dimensions = array<i32: 0>} : vector<16xi32>
          %mul3A_84 = arith.constant 16 : i32
          %mul3A_85 = arith.muli %scan3A_63, %mul3A_84 : i32
          %add3A_86 = vector.broadcast %mul3A_85 : i32 to vector<16xi32>
          %add3A_87 = arith.addi %iota3A_83, %add3A_86 : vector<16xi32>
          %gt3A_88 = arith.constant 0 : i32
          %gt3A_89 = arith.cmpi sgt, %squeeze3A, %gt3A_88 : i32
          %convert_element_type3A = arith.extui %gt3A_89 : i1 to i32
          %cond3A = arith.constant 0 : i32
          %cond3A_90 = arith.cmpi ne, %convert_element_type3A, %cond3A : i32
          scf.if %cond3A_90 {
            %min3A_98 = arith.constant 48 : i32
            %min3A_99 = arith.minsi %scan3A_64, %min3A_98 : i32
            %swap3A_100 = arith.index_cast %mul3A_28 : i32 to index
            %swap3A_101 = arith.index_cast %min3A_99 : i32 to index
            %swap3A_102 = tpu.vector_load %arg6[%swap3A_100, %swap3A_101] masked %gt3A_76 {strides = array<i32>} : memref<8x128xi32, #tpu.memory_space<vmem>>, vector<16xi32>, vector<16xi1>
            tpu.vector_store %arg6[%swap3A_100, %swap3A_101], %add3A_87 masked %gt3A_76 {strides = array<i32>} : memref<8x128xi32, #tpu.memory_space<vmem>>, vector<16xi32>, vector<16xi1>
            %swap3A_103 = arith.index_cast %mul3A_28 : i32 to index
            %swap3A_104 = arith.index_cast %min3A_99 : i32 to index
            %swap3A_105 = tpu.vector_load %arg7[%swap3A_103, %swap3A_104] masked %gt3A_76 {strides = array<i32>} : memref<8x128xf32, #tpu.memory_space<vmem>>, vector<16xf32>, vector<16xi1>
            tpu.vector_store %arg7[%swap3A_103, %swap3A_104], %get3A_69 masked %gt3A_76 {strides = array<i32>} : memref<8x128xf32, #tpu.memory_space<vmem>>, vector<16xf32>, vector<16xi1>
          } else {
          }
          %gt3A_91 = arith.constant 0 : i32
          %gt3A_92 = arith.cmpi sgt, %squeeze3A_82, %gt3A_91 : i32
          %convert_element_type3A_93 = arith.extui %gt3A_92 : i1 to i32
          %cond3A_94 = arith.constant 0 : i32
          %cond3A_95 = arith.cmpi ne, %convert_element_type3A_93, %cond3A_94 : i32
          scf.if %cond3A_95 {
            %min3A_98 = arith.constant 48 : i32
            %min3A_99 = arith.minsi %scan3A_65, %min3A_98 : i32
            %swap3A_100 = arith.index_cast %add3A_30 : i32 to index
            %swap3A_101 = arith.index_cast %min3A_99 : i32 to index
            %swap3A_102 = tpu.vector_load %arg6[%swap3A_100, %swap3A_101] masked %gt3A_79 {strides = array<i32>} : memref<8x128xi32, #tpu.memory_space<vmem>>, vector<16xi32>, vector<16xi1>
            tpu.vector_store %arg6[%swap3A_100, %swap3A_101], %add3A_87 masked %gt3A_79 {strides = array<i32>} : memref<8x128xi32, #tpu.memory_space<vmem>>, vector<16xi32>, vector<16xi1>
            %swap3A_103 = arith.index_cast %add3A_30 : i32 to index
            %swap3A_104 = arith.index_cast %min3A_99 : i32 to index
            %swap3A_105 = tpu.vector_load %arg7[%swap3A_103, %swap3A_104] masked %gt3A_79 {strides = array<i32>} : memref<8x128xf32, #tpu.memory_space<vmem>>, vector<16xf32>, vector<16xi1>
            tpu.vector_store %arg7[%swap3A_103, %swap3A_104], %get3A_74 masked %gt3A_79 {strides = array<i32>} : memref<8x128xf32, #tpu.memory_space<vmem>>, vector<16xf32>, vector<16xi1>
          } else {
          }
          %add3A_96 = arith.addi %scan3A_64, %squeeze3A : i32
          %add3A_97 = arith.addi %scan3A_65, %squeeze3A_82 : i32
          scf.yield %add3A_96, %add3A_97 : i32, i32
        }
        %scan3A_45 = arith.constant 128 : i32
        %iota3A = tpu.iota {dimensions = array<i32: 0>} : vector<16xi32>
        %eq3A = arith.constant 0 : i32
        %eq3A_46 = vector.broadcast %eq3A : i32 to vector<16xi32>
        %eq3A_47 = arith.cmpi eq, %iota3A, %eq3A_46 : vector<16xi32>
        %min3A = arith.constant 32 : i32
        %min3A_48 = arith.minsi %scan3A_44#0, %min3A : i32
        %jit3A = arith.constant 0 : i32
        %broadcast_in_dim3A_49 = vector.broadcast %min3A_48 : i32 to vector<16xi32>
        %broadcast_in_dim3A_50 = vector.broadcast %jit3A : i32 to vector<16xi32>
        %select_n3A = arith.select %eq3A_47, %broadcast_in_dim3A_49, %broadcast_in_dim3A_50 : vector<16xi1>, vector<16xi32>
        %swap3A = arith.index_cast %mul3A_28 : i32 to index
        %swap3A_51 = arith.constant 32 : index
        %swap3A_52 = tpu.vector_load %arg6[%swap3A, %swap3A_51] {strides = array<i32>} : memref<8x128xi32, #tpu.memory_space<vmem>>, vector<16xi32>,
        tpu.vector_store %arg6[%swap3A, %swap3A_51], %select_n3A {strides = array<i32>} : memref<8x128xi32, #tpu.memory_space<vmem>>, vector<16xi32>,
        %min3A_53 = arith.constant 32 : i32
        %min3A_54 = arith.minsi %scan3A_44#1, %min3A_53 : i32
        %jit3A_55 = arith.constant 0 : i32
        %broadcast_in_dim3A_56 = vector.broadcast %min3A_54 : i32 to vector<16xi32>
        %broadcast_in_dim3A_57 = vector.broadcast %jit3A_55 : i32 to vector<16xi32>
        %select_n3A_58 = arith.select %eq3A_47, %broadcast_in_dim3A_56, %broadcast_in_dim3A_57 : vector<16xi1>, vector<16xi32>
        %swap3A_59 = arith.index_cast %add3A_30 : i32 to index
        %swap3A_60 = arith.constant 32 : index
        %swap3A_61 = tpu.vector_load %arg6[%swap3A_59, %swap3A_60] {strides = array<i32>} : memref<8x128xi32, #tpu.memory_space<vmem>>, vector<16xi32>,
        tpu.vector_store %arg6[%swap3A_59, %swap3A_60], %select_n3A_58 {strides = array<i32>} : memref<8x128xi32, #tpu.memory_space<vmem>>, vector<16xi32>,
        %scan3A_62 = arith.constant 0 : i32
        scf.yield %scan3A_62 : i32
      }
      %scan3A_23 = arith.constant 4 : i32
      "tpu.region"() ({
        %run_scoped3A = tpu.sem_alloc : memref<!tpu.dma_semaphore, #tpu.memory_space<semaphore_mem>>
        %dma_start3A = arith.constant 0 : i32
        %dma_start3A_25 = tpu.memref_slice %arg3[%add3A_16, %dma_start3A] : memref<2048x128xi32, #tpu.memory_space<hbm>> -> memref<8x128xi32, #tpu.memory_space<hbm>>
        %dma_start3A_26 = arith.constant 0 : i32
        %dma_start3A_27 = tpu.memref_slice %arg3[%add3A_16, %dma_start3A_26] : memref<2048x128xi32, #tpu.memory_space<hbm>> -> memref<8x128xi32, #tpu.memory_space<hbm>>
        tpu.enqueue_dma source(%arg6 : memref<8x128xi32, #tpu.memory_space<vmem>>) target(%dma_start3A_27 : memref<8x128xi32, #tpu.memory_space<hbm>>) target_semaphore(%run_scoped3A : memref<!tpu.dma_semaphore, #tpu.memory_space<semaphore_mem>>)
        %dma_wait3A = arith.constant 0 : i32
        %dma_wait3A_28 = tpu.memref_slice %arg3[%add3A_16, %dma_wait3A] : memref<2048x128xi32, #tpu.memory_space<hbm>> -> memref<8x128xi32, #tpu.memory_space<hbm>>
        %dma_wait3A_29 = arith.constant 0 : i32
        %dma_wait3A_30 = tpu.memref_slice %arg3[%add3A_16, %dma_wait3A_29] : memref<2048x128xi32, #tpu.memory_space<hbm>> -> memref<8x128xi32, #tpu.memory_space<hbm>>
        tpu.wait_dma2 semaphore(%run_scoped3A : memref<!tpu.dma_semaphore, #tpu.memory_space<semaphore_mem>>) src(%arg6 : memref<8x128xi32, #tpu.memory_space<vmem>>) dst(%dma_wait3A_30 : memref<8x128xi32, #tpu.memory_space<hbm>>)
        tpu.yield
      }) : () -> ()
      "tpu.region"() ({
        %run_scoped3A = tpu.sem_alloc : memref<!tpu.dma_semaphore, #tpu.memory_space<semaphore_mem>>
        %dma_start3A = arith.constant 0 : i32
        %dma_start3A_25 = tpu.memref_slice %arg4[%add3A_16, %dma_start3A] : memref<2048x128xf32, #tpu.memory_space<hbm>> -> memref<8x128xf32, #tpu.memory_space<hbm>>
        %dma_start3A_26 = arith.constant 0 : i32
        %dma_start3A_27 = tpu.memref_slice %arg4[%add3A_16, %dma_start3A_26] : memref<2048x128xf32, #tpu.memory_space<hbm>> -> memref<8x128xf32, #tpu.memory_space<hbm>>
        tpu.enqueue_dma source(%arg7 : memref<8x128xf32, #tpu.memory_space<vmem>>) target(%dma_start3A_27 : memref<8x128xf32, #tpu.memory_space<hbm>>) target_semaphore(%run_scoped3A : memref<!tpu.dma_semaphore, #tpu.memory_space<semaphore_mem>>)
        %dma_wait3A = arith.constant 0 : i32
        %dma_wait3A_28 = tpu.memref_slice %arg4[%add3A_16, %dma_wait3A] : memref<2048x128xf32, #tpu.memory_space<hbm>> -> memref<8x128xf32, #tpu.memory_space<hbm>>
        %dma_wait3A_29 = arith.constant 0 : i32
        %dma_wait3A_30 = tpu.memref_slice %arg4[%add3A_16, %dma_wait3A_29] : memref<2048x128xf32, #tpu.memory_space<hbm>> -> memref<8x128xf32, #tpu.memory_space<hbm>>
        tpu.wait_dma2 semaphore(%run_scoped3A : memref<!tpu.dma_semaphore, #tpu.memory_space<semaphore_mem>>) src(%arg7 : memref<8x128xf32, #tpu.memory_space<vmem>>) dst(%dma_wait3A_30 : memref<8x128xf32, #tpu.memory_space<hbm>>)
        tpu.yield
      }) : () -> ()
      %scan3A_24 = arith.constant 0 : i32
      scf.yield %scan3A_24 : i32
    }
    %scan3A_11 = arith.constant 8 : i32
    return
  }
}

#map = affine_map<(d0, d1) -> (0, 0)>
module attributes {stable_mosaic.version = 14 : i64} {
  func.func @_sc_msgs_body(%arg0: i32, %arg1: i32, %arg2: memref<2048x128xi32, #tpu.memory_space<hbm>>, %arg3: memref<2048x128xf32, #tpu.memory_space<hbm>>, %arg4: memref<2048x768xf32, #tpu.memory_space<hbm>>, %arg5: memref<2048x512xf32, #tpu.memory_space<hbm>>, %arg6: memref<2048x128xf32, #tpu.memory_space<hbm>>, %arg7: memref<3x128xf32, #tpu.memory_space<hbm>>, %arg8: memref<2048x128xf32, #tpu.memory_space<hbm>>, %arg9: memref<32x384xf32, #tpu.memory_space<hbm>>, %arg10: memref<64x128xi32, #tpu.memory_space<vmem>>, %arg11: memref<64x128xf32, #tpu.memory_space<vmem>>, %arg12: memref<64x512xf32, #tpu.memory_space<vmem>>, %arg13: memref<528xi32, #tpu.memory_space<vmem>>, %arg14: memref<64x768xf32, #tpu.memory_space<vmem>>, %arg15: memref<64x128xi32, #tpu.memory_space<vmem>>, %arg16: memref<56x128xf32, #tpu.memory_space<vmem>>, %arg17: memref<64x128xf32, #tpu.memory_space<vmem>>, %arg18: memref<384xf32, #tpu.memory_space<vmem>>, %arg19: memref<3x128xf32, #tpu.memory_space<vmem>>, %arg20: memref<!tpu.dma_semaphore, #tpu.memory_space<semaphore_mem>>, %arg21: memref<!tpu.dma_semaphore, #tpu.memory_space<semaphore_mem>>, %arg22: memref<!tpu.dma_semaphore, #tpu.memory_space<semaphore_mem>>) attributes {dimension_semantics = [#tpu.dimension_semantics<core_parallel>, #tpu.dimension_semantics<subcore_parallel>], iteration_bounds = array<i64: 2, 16>, scalar_prefetch = 0 : i64, scratch_operands = 13 : i64, tpu.core_type = #tpu.core_type<sc_vector_subcore>, window_params = [{transform_indices = #map}, {transform_indices = #map}, {transform_indices = #map}, {transform_indices = #map}, {transform_indices = #map}, {transform_indices = #map}, {transform_indices = #map}, {transform_indices = #map}]} {
    %mul3A = arith.constant 2 : i32
    %mul3A_0 = arith.muli %arg1, %mul3A : i32
    %add3A = arith.addi %mul3A_0, %arg0 : i32
    %mul3A_1 = arith.constant 64 : i32
    %mul3A_2 = arith.muli %add3A, %mul3A_1 : i32
    "tpu.region"() ({
      %run_scoped3A = tpu.sem_alloc : memref<!tpu.dma_semaphore, #tpu.memory_space<semaphore_mem>>
      %dma_start3A = arith.constant 0 : i32
      %dma_start3A_76 = tpu.memref_slice %arg2[%mul3A_2, %dma_start3A] : memref<2048x128xi32, #tpu.memory_space<hbm>> -> memref<64x128xi32, #tpu.memory_space<hbm>>
      %dma_start3A_77 = arith.constant 0 : i32
      %dma_start3A_78 = tpu.memref_slice %arg2[%mul3A_2, %dma_start3A_77] : memref<2048x128xi32, #tpu.memory_space<hbm>> -> memref<64x128xi32, #tpu.memory_space<hbm>>
      tpu.enqueue_dma source(%dma_start3A_78 : memref<64x128xi32, #tpu.memory_space<hbm>>) target(%arg10 : memref<64x128xi32, #tpu.memory_space<vmem>>) target_semaphore(%run_scoped3A : memref<!tpu.dma_semaphore, #tpu.memory_space<semaphore_mem>>)
      %dma_wait3A = arith.constant 0 : i32
      %dma_wait3A_79 = tpu.memref_slice %arg2[%mul3A_2, %dma_wait3A] : memref<2048x128xi32, #tpu.memory_space<hbm>> -> memref<64x128xi32, #tpu.memory_space<hbm>>
      %dma_wait3A_80 = arith.constant 0 : i32
      %dma_wait3A_81 = tpu.memref_slice %arg2[%mul3A_2, %dma_wait3A_80] : memref<2048x128xi32, #tpu.memory_space<hbm>> -> memref<64x128xi32, #tpu.memory_space<hbm>>
      tpu.wait_dma2 semaphore(%run_scoped3A : memref<!tpu.dma_semaphore, #tpu.memory_space<semaphore_mem>>) src(%dma_wait3A_81 : memref<64x128xi32, #tpu.memory_space<hbm>>) dst(%arg10 : memref<64x128xi32, #tpu.memory_space<vmem>>)
      tpu.yield
    }) : () -> ()
    "tpu.region"() ({
      %run_scoped3A = tpu.sem_alloc : memref<!tpu.dma_semaphore, #tpu.memory_space<semaphore_mem>>
      %dma_start3A = arith.constant 0 : i32
      %dma_start3A_76 = tpu.memref_slice %arg3[%mul3A_2, %dma_start3A] : memref<2048x128xf32, #tpu.memory_space<hbm>> -> memref<64x128xf32, #tpu.memory_space<hbm>>
      %dma_start3A_77 = arith.constant 0 : i32
      %dma_start3A_78 = tpu.memref_slice %arg3[%mul3A_2, %dma_start3A_77] : memref<2048x128xf32, #tpu.memory_space<hbm>> -> memref<64x128xf32, #tpu.memory_space<hbm>>
      tpu.enqueue_dma source(%dma_start3A_78 : memref<64x128xf32, #tpu.memory_space<hbm>>) target(%arg11 : memref<64x128xf32, #tpu.memory_space<vmem>>) target_semaphore(%run_scoped3A : memref<!tpu.dma_semaphore, #tpu.memory_space<semaphore_mem>>)
      %dma_wait3A = arith.constant 0 : i32
      %dma_wait3A_79 = tpu.memref_slice %arg3[%mul3A_2, %dma_wait3A] : memref<2048x128xf32, #tpu.memory_space<hbm>> -> memref<64x128xf32, #tpu.memory_space<hbm>>
      %dma_wait3A_80 = arith.constant 0 : i32
      %dma_wait3A_81 = tpu.memref_slice %arg3[%mul3A_2, %dma_wait3A_80] : memref<2048x128xf32, #tpu.memory_space<hbm>> -> memref<64x128xf32, #tpu.memory_space<hbm>>
      tpu.wait_dma2 semaphore(%run_scoped3A : memref<!tpu.dma_semaphore, #tpu.memory_space<semaphore_mem>>) src(%dma_wait3A_81 : memref<64x128xf32, #tpu.memory_space<hbm>>) dst(%arg11 : memref<64x128xf32, #tpu.memory_space<vmem>>)
      tpu.yield
    }) : () -> ()
    "tpu.region"() ({
      %run_scoped3A = tpu.sem_alloc : memref<!tpu.dma_semaphore, #tpu.memory_space<semaphore_mem>>
      %dma_start3A = arith.constant 0 : i32
      %dma_start3A_76 = tpu.memref_slice %arg5[%mul3A_2, %dma_start3A] : memref<2048x512xf32, #tpu.memory_space<hbm>> -> memref<64x512xf32, #tpu.memory_space<hbm>>
      %dma_start3A_77 = arith.constant 0 : i32
      %dma_start3A_78 = tpu.memref_slice %arg5[%mul3A_2, %dma_start3A_77] : memref<2048x512xf32, #tpu.memory_space<hbm>> -> memref<64x512xf32, #tpu.memory_space<hbm>>
      tpu.enqueue_dma source(%dma_start3A_78 : memref<64x512xf32, #tpu.memory_space<hbm>>) target(%arg12 : memref<64x512xf32, #tpu.memory_space<vmem>>) target_semaphore(%run_scoped3A : memref<!tpu.dma_semaphore, #tpu.memory_space<semaphore_mem>>)
      %dma_wait3A = arith.constant 0 : i32
      %dma_wait3A_79 = tpu.memref_slice %arg5[%mul3A_2, %dma_wait3A] : memref<2048x512xf32, #tpu.memory_space<hbm>> -> memref<64x512xf32, #tpu.memory_space<hbm>>
      %dma_wait3A_80 = arith.constant 0 : i32
      %dma_wait3A_81 = tpu.memref_slice %arg5[%mul3A_2, %dma_wait3A_80] : memref<2048x512xf32, #tpu.memory_space<hbm>> -> memref<64x512xf32, #tpu.memory_space<hbm>>
      tpu.wait_dma2 semaphore(%run_scoped3A : memref<!tpu.dma_semaphore, #tpu.memory_space<semaphore_mem>>) src(%dma_wait3A_81 : memref<64x512xf32, #tpu.memory_space<hbm>>) dst(%arg12 : memref<64x512xf32, #tpu.memory_space<vmem>>)
      tpu.yield
    }) : () -> ()
    "tpu.region"() ({
      %run_scoped3A = tpu.sem_alloc : memref<!tpu.dma_semaphore, #tpu.memory_space<semaphore_mem>>
      tpu.enqueue_dma source(%arg7 : memref<3x128xf32, #tpu.memory_space<hbm>>) target(%arg19 : memref<3x128xf32, #tpu.memory_space<vmem>>) target_semaphore(%run_scoped3A : memref<!tpu.dma_semaphore, #tpu.memory_space<semaphore_mem>>)
      tpu.wait_dma2 semaphore(%run_scoped3A : memref<!tpu.dma_semaphore, #tpu.memory_space<semaphore_mem>>) src(%arg7 : memref<3x128xf32, #tpu.memory_space<hbm>>) dst(%arg19 : memref<3x128xf32, #tpu.memory_space<vmem>>)
      tpu.yield
    }) : () -> ()
    %broadcast_in_dim3A = arith.constant 0.000000e+00 : f32
    %broadcast_in_dim3A_3 = vector.broadcast %broadcast_in_dim3A : f32 to vector<16xf32>
    %scan3A = arith.constant 0 : i32
    %scan3A_4 = arith.constant 0 : i32
    %scan3A_5 = arith.constant 64 : i32
    %scan3A_6 = arith.addi %scan3A_4, %scan3A_5 : i32
    %scan3A_7 = arith.constant 1 : i32
    %scan3A_8 = scf.for %scan3A_76 = %scan3A_4 to %scan3A_6 step %scan3A_7 iter_args(%scan3A_77 = %scan3A) -> (i32)  : i32 {
      %swap3A_78 = arith.index_cast %scan3A_76 : i32 to index
      %swap3A_79 = arith.constant 0 : index
      %swap3A_80 = tpu.vector_load %arg17[%swap3A_78, %swap3A_79] {strides = array<i32>} : memref<64x128xf32, #tpu.memory_space<vmem>>, vector<16xf32>,
      tpu.vector_store %arg17[%swap3A_78, %swap3A_79], %broadcast_in_dim3A_3 {strides = array<i32>} : memref<64x128xf32, #tpu.memory_space<vmem>>, vector<16xf32>,
      %swap3A_81 = arith.index_cast %scan3A_76 : i32 to index
      %swap3A_82 = arith.constant 16 : index
      %swap3A_83 = tpu.vector_load %arg17[%swap3A_81, %swap3A_82] {strides = array<i32>} : memref<64x128xf32, #tpu.memory_space<vmem>>, vector<16xf32>,
      tpu.vector_store %arg17[%swap3A_81, %swap3A_82], %broadcast_in_dim3A_3 {strides = array<i32>} : memref<64x128xf32, #tpu.memory_space<vmem>>, vector<16xf32>,
      %swap3A_84 = arith.index_cast %scan3A_76 : i32 to index
      %swap3A_85 = arith.constant 32 : index
      %swap3A_86 = tpu.vector_load %arg17[%swap3A_84, %swap3A_85] {strides = array<i32>} : memref<64x128xf32, #tpu.memory_space<vmem>>, vector<16xf32>,
      tpu.vector_store %arg17[%swap3A_84, %swap3A_85], %broadcast_in_dim3A_3 {strides = array<i32>} : memref<64x128xf32, #tpu.memory_space<vmem>>, vector<16xf32>,
      %swap3A_87 = arith.index_cast %scan3A_76 : i32 to index
      %swap3A_88 = arith.constant 48 : index
      %swap3A_89 = tpu.vector_load %arg17[%swap3A_87, %swap3A_88] {strides = array<i32>} : memref<64x128xf32, #tpu.memory_space<vmem>>, vector<16xf32>,
      tpu.vector_store %arg17[%swap3A_87, %swap3A_88], %broadcast_in_dim3A_3 {strides = array<i32>} : memref<64x128xf32, #tpu.memory_space<vmem>>, vector<16xf32>,
      %swap3A_90 = arith.index_cast %scan3A_76 : i32 to index
      %swap3A_91 = arith.constant 64 : index
      %swap3A_92 = tpu.vector_load %arg17[%swap3A_90, %swap3A_91] {strides = array<i32>} : memref<64x128xf32, #tpu.memory_space<vmem>>, vector<16xf32>,
      tpu.vector_store %arg17[%swap3A_90, %swap3A_91], %broadcast_in_dim3A_3 {strides = array<i32>} : memref<64x128xf32, #tpu.memory_space<vmem>>, vector<16xf32>,
      %swap3A_93 = arith.index_cast %scan3A_76 : i32 to index
      %swap3A_94 = arith.constant 80 : index
      %swap3A_95 = tpu.vector_load %arg17[%swap3A_93, %swap3A_94] {strides = array<i32>} : memref<64x128xf32, #tpu.memory_space<vmem>>, vector<16xf32>,
      tpu.vector_store %arg17[%swap3A_93, %swap3A_94], %broadcast_in_dim3A_3 {strides = array<i32>} : memref<64x128xf32, #tpu.memory_space<vmem>>, vector<16xf32>,
      %swap3A_96 = arith.index_cast %scan3A_76 : i32 to index
      %swap3A_97 = arith.constant 96 : index
      %swap3A_98 = tpu.vector_load %arg17[%swap3A_96, %swap3A_97] {strides = array<i32>} : memref<64x128xf32, #tpu.memory_space<vmem>>, vector<16xf32>,
      tpu.vector_store %arg17[%swap3A_96, %swap3A_97], %broadcast_in_dim3A_3 {strides = array<i32>} : memref<64x128xf32, #tpu.memory_space<vmem>>, vector<16xf32>,
      %swap3A_99 = arith.index_cast %scan3A_76 : i32 to index
      %swap3A_100 = arith.constant 112 : index
      %swap3A_101 = tpu.vector_load %arg17[%swap3A_99, %swap3A_100] {strides = array<i32>} : memref<64x128xf32, #tpu.memory_space<vmem>>, vector<16xf32>,
      tpu.vector_store %arg17[%swap3A_99, %swap3A_100], %broadcast_in_dim3A_3 {strides = array<i32>} : memref<64x128xf32, #tpu.memory_space<vmem>>, vector<16xf32>,
      %scan3A_102 = arith.constant 0 : i32
      scf.yield %scan3A_102 : i32
    }
    %scan3A_9 = arith.constant 64 : i32
    %swap3A = arith.constant 0 : index
    %swap3A_10 = tpu.vector_load %arg18[%swap3A] {strides = array<i32>} : memref<384xf32, #tpu.memory_space<vmem>>, vector<16xf32>,
    tpu.vector_store %arg18[%swap3A], %broadcast_in_dim3A_3 {strides = array<i32>} : memref<384xf32, #tpu.memory_space<vmem>>, vector<16xf32>,
    %swap3A_11 = arith.constant 16 : index
    %swap3A_12 = tpu.vector_load %arg18[%swap3A_11] {strides = array<i32>} : memref<384xf32, #tpu.memory_space<vmem>>, vector<16xf32>,
    tpu.vector_store %arg18[%swap3A_11], %broadcast_in_dim3A_3 {strides = array<i32>} : memref<384xf32, #tpu.memory_space<vmem>>, vector<16xf32>,
    %swap3A_13 = arith.constant 32 : index
    %swap3A_14 = tpu.vector_load %arg18[%swap3A_13] {strides = array<i32>} : memref<384xf32, #tpu.memory_space<vmem>>, vector<16xf32>,
    tpu.vector_store %arg18[%swap3A_13], %broadcast_in_dim3A_3 {strides = array<i32>} : memref<384xf32, #tpu.memory_space<vmem>>, vector<16xf32>,
    %swap3A_15 = arith.constant 48 : index
    %swap3A_16 = tpu.vector_load %arg18[%swap3A_15] {strides = array<i32>} : memref<384xf32, #tpu.memory_space<vmem>>, vector<16xf32>,
    tpu.vector_store %arg18[%swap3A_15], %broadcast_in_dim3A_3 {strides = array<i32>} : memref<384xf32, #tpu.memory_space<vmem>>, vector<16xf32>,
    %swap3A_17 = arith.constant 64 : index
    %swap3A_18 = tpu.vector_load %arg18[%swap3A_17] {strides = array<i32>} : memref<384xf32, #tpu.memory_space<vmem>>, vector<16xf32>,
    tpu.vector_store %arg18[%swap3A_17], %broadcast_in_dim3A_3 {strides = array<i32>} : memref<384xf32, #tpu.memory_space<vmem>>, vector<16xf32>,
    %swap3A_19 = arith.constant 80 : index
    %swap3A_20 = tpu.vector_load %arg18[%swap3A_19] {strides = array<i32>} : memref<384xf32, #tpu.memory_space<vmem>>, vector<16xf32>,
    tpu.vector_store %arg18[%swap3A_19], %broadcast_in_dim3A_3 {strides = array<i32>} : memref<384xf32, #tpu.memory_space<vmem>>, vector<16xf32>,
    %swap3A_21 = arith.constant 96 : index
    %swap3A_22 = tpu.vector_load %arg18[%swap3A_21] {strides = array<i32>} : memref<384xf32, #tpu.memory_space<vmem>>, vector<16xf32>,
    tpu.vector_store %arg18[%swap3A_21], %broadcast_in_dim3A_3 {strides = array<i32>} : memref<384xf32, #tpu.memory_space<vmem>>, vector<16xf32>,
    %swap3A_23 = arith.constant 112 : index
    %swap3A_24 = tpu.vector_load %arg18[%swap3A_23] {strides = array<i32>} : memref<384xf32, #tpu.memory_space<vmem>>, vector<16xf32>,
    tpu.vector_store %arg18[%swap3A_23], %broadcast_in_dim3A_3 {strides = array<i32>} : memref<384xf32, #tpu.memory_space<vmem>>, vector<16xf32>,
    %swap3A_25 = arith.constant 128 : index
    %swap3A_26 = tpu.vector_load %arg18[%swap3A_25] {strides = array<i32>} : memref<384xf32, #tpu.memory_space<vmem>>, vector<16xf32>,
    tpu.vector_store %arg18[%swap3A_25], %broadcast_in_dim3A_3 {strides = array<i32>} : memref<384xf32, #tpu.memory_space<vmem>>, vector<16xf32>,
    %swap3A_27 = arith.constant 144 : index
    %swap3A_28 = tpu.vector_load %arg18[%swap3A_27] {strides = array<i32>} : memref<384xf32, #tpu.memory_space<vmem>>, vector<16xf32>,
    tpu.vector_store %arg18[%swap3A_27], %broadcast_in_dim3A_3 {strides = array<i32>} : memref<384xf32, #tpu.memory_space<vmem>>, vector<16xf32>,
    %swap3A_29 = arith.constant 160 : index
    %swap3A_30 = tpu.vector_load %arg18[%swap3A_29] {strides = array<i32>} : memref<384xf32, #tpu.memory_space<vmem>>, vector<16xf32>,
    tpu.vector_store %arg18[%swap3A_29], %broadcast_in_dim3A_3 {strides = array<i32>} : memref<384xf32, #tpu.memory_space<vmem>>, vector<16xf32>,
    %swap3A_31 = arith.constant 176 : index
    %swap3A_32 = tpu.vector_load %arg18[%swap3A_31] {strides = array<i32>} : memref<384xf32, #tpu.memory_space<vmem>>, vector<16xf32>,
    tpu.vector_store %arg18[%swap3A_31], %broadcast_in_dim3A_3 {strides = array<i32>} : memref<384xf32, #tpu.memory_space<vmem>>, vector<16xf32>,
    %swap3A_33 = arith.constant 192 : index
    %swap3A_34 = tpu.vector_load %arg18[%swap3A_33] {strides = array<i32>} : memref<384xf32, #tpu.memory_space<vmem>>, vector<16xf32>,
    tpu.vector_store %arg18[%swap3A_33], %broadcast_in_dim3A_3 {strides = array<i32>} : memref<384xf32, #tpu.memory_space<vmem>>, vector<16xf32>,
    %swap3A_35 = arith.constant 208 : index
    %swap3A_36 = tpu.vector_load %arg18[%swap3A_35] {strides = array<i32>} : memref<384xf32, #tpu.memory_space<vmem>>, vector<16xf32>,
    tpu.vector_store %arg18[%swap3A_35], %broadcast_in_dim3A_3 {strides = array<i32>} : memref<384xf32, #tpu.memory_space<vmem>>, vector<16xf32>,
    %swap3A_37 = arith.constant 224 : index
    %swap3A_38 = tpu.vector_load %arg18[%swap3A_37] {strides = array<i32>} : memref<384xf32, #tpu.memory_space<vmem>>, vector<16xf32>,
    tpu.vector_store %arg18[%swap3A_37], %broadcast_in_dim3A_3 {strides = array<i32>} : memref<384xf32, #tpu.memory_space<vmem>>, vector<16xf32>,
    %swap3A_39 = arith.constant 240 : index
    %swap3A_40 = tpu.vector_load %arg18[%swap3A_39] {strides = array<i32>} : memref<384xf32, #tpu.memory_space<vmem>>, vector<16xf32>,
    tpu.vector_store %arg18[%swap3A_39], %broadcast_in_dim3A_3 {strides = array<i32>} : memref<384xf32, #tpu.memory_space<vmem>>, vector<16xf32>,
    %swap3A_41 = arith.constant 256 : index
    %swap3A_42 = tpu.vector_load %arg18[%swap3A_41] {strides = array<i32>} : memref<384xf32, #tpu.memory_space<vmem>>, vector<16xf32>,
    tpu.vector_store %arg18[%swap3A_41], %broadcast_in_dim3A_3 {strides = array<i32>} : memref<384xf32, #tpu.memory_space<vmem>>, vector<16xf32>,
    %swap3A_43 = arith.constant 272 : index
    %swap3A_44 = tpu.vector_load %arg18[%swap3A_43] {strides = array<i32>} : memref<384xf32, #tpu.memory_space<vmem>>, vector<16xf32>,
    tpu.vector_store %arg18[%swap3A_43], %broadcast_in_dim3A_3 {strides = array<i32>} : memref<384xf32, #tpu.memory_space<vmem>>, vector<16xf32>,
    %swap3A_45 = arith.constant 288 : index
    %swap3A_46 = tpu.vector_load %arg18[%swap3A_45] {strides = array<i32>} : memref<384xf32, #tpu.memory_space<vmem>>, vector<16xf32>,
    tpu.vector_store %arg18[%swap3A_45], %broadcast_in_dim3A_3 {strides = array<i32>} : memref<384xf32, #tpu.memory_space<vmem>>, vector<16xf32>,
    %swap3A_47 = arith.constant 304 : index
    %swap3A_48 = tpu.vector_load %arg18[%swap3A_47] {strides = array<i32>} : memref<384xf32, #tpu.memory_space<vmem>>, vector<16xf32>,
    tpu.vector_store %arg18[%swap3A_47], %broadcast_in_dim3A_3 {strides = array<i32>} : memref<384xf32, #tpu.memory_space<vmem>>, vector<16xf32>,
    %swap3A_49 = arith.constant 320 : index
    %swap3A_50 = tpu.vector_load %arg18[%swap3A_49] {strides = array<i32>} : memref<384xf32, #tpu.memory_space<vmem>>, vector<16xf32>,
    tpu.vector_store %arg18[%swap3A_49], %broadcast_in_dim3A_3 {strides = array<i32>} : memref<384xf32, #tpu.memory_space<vmem>>, vector<16xf32>,
    %swap3A_51 = arith.constant 336 : index
    %swap3A_52 = tpu.vector_load %arg18[%swap3A_51] {strides = array<i32>} : memref<384xf32, #tpu.memory_space<vmem>>, vector<16xf32>,
    tpu.vector_store %arg18[%swap3A_51], %broadcast_in_dim3A_3 {strides = array<i32>} : memref<384xf32, #tpu.memory_space<vmem>>, vector<16xf32>,
    %swap3A_53 = arith.constant 352 : index
    %swap3A_54 = tpu.vector_load %arg18[%swap3A_53] {strides = array<i32>} : memref<384xf32, #tpu.memory_space<vmem>>, vector<16xf32>,
    tpu.vector_store %arg18[%swap3A_53], %broadcast_in_dim3A_3 {strides = array<i32>} : memref<384xf32, #tpu.memory_space<vmem>>, vector<16xf32>,
    %swap3A_55 = arith.constant 368 : index
    %swap3A_56 = tpu.vector_load %arg18[%swap3A_55] {strides = array<i32>} : memref<384xf32, #tpu.memory_space<vmem>>, vector<16xf32>,
    tpu.vector_store %arg18[%swap3A_55], %broadcast_in_dim3A_3 {strides = array<i32>} : memref<384xf32, #tpu.memory_space<vmem>>, vector<16xf32>,
    %iota3A = tpu.iota {dimensions = array<i32: 0>} : vector<16xi32>
    %lt3A = arith.constant 8 : i32
    %lt3A_57 = vector.broadcast %lt3A : i32 to vector<16xi32>
    %lt3A_58 = arith.cmpi slt, %iota3A, %lt3A_57 : vector<16xi32>
    %scan3A_59 = arith.constant 0 : i32
    %scan3A_60 = arith.constant 0 : i32
    %scan3A_61 = arith.constant 64 : i32
    %scan3A_62 = arith.addi %scan3A_60, %scan3A_61 : i32
    %scan3A_63 = arith.constant 1 : i32
    %scan3A_64 = scf.for %scan3A_76 = %scan3A_60 to %scan3A_62 step %scan3A_63 iter_args(%scan3A_77 = %scan3A_59) -> (i32)  : i32 {
      %mul3A_78 = arith.constant 8 : i32
      %mul3A_79 = arith.muli %scan3A_76, %mul3A_78 : i32
      %get3A = arith.index_cast %scan3A_76 : i32 to index
      %get3A_80 = arith.constant 0 : index
      %get3A_81 = tpu.vector_load %arg10[%get3A, %get3A_80] {strides = array<i32>} : memref<64x128xi32, #tpu.memory_space<vmem>>, vector<16xi32>,
      %swap3A_82 = arith.index_cast %mul3A_79 : i32 to index
      %swap3A_83 = tpu.vector_load %arg13[%swap3A_82] masked %lt3A_58 {strides = array<i32>} : memref<528xi32, #tpu.memory_space<vmem>>, vector<16xi32>, vector<16xi1>
      tpu.vector_store %arg13[%swap3A_82], %get3A_81 masked %lt3A_58 {strides = array<i32>} : memref<528xi32, #tpu.memory_space<vmem>>, vector<16xi32>, vector<16xi1>
      %scan3A_84 = arith.constant 0 : i32
      scf.yield %scan3A_84 : i32
    }
    %scan3A_65 = arith.constant 64 : i32
    %scan3A_66 = arith.constant 0 : i32
    %scan3A_67 = arith.constant 0 : i32
    %scan3A_68 = arith.constant 16 : i32
    %scan3A_69 = arith.addi %scan3A_67, %scan3A_68 : i32
    %scan3A_70 = arith.constant 1 : i32
    %scan3A_71 = scf.for %scan3A_76 = %scan3A_67 to %scan3A_69 step %scan3A_70 iter_args(%scan3A_77 = %scan3A_66) -> (i32)  : i32 {
      %mul3A_78 = arith.constant 32 : i32
      %mul3A_79 = arith.muli %scan3A_76, %mul3A_78 : i32
      %dma_start3A = arith.constant 0 : i32
      %dma_start3A_80 = arith.constant 0 : i32
      %dma_start3A_81 = tpu.memref_slice %arg14[%dma_start3A, %dma_start3A_80] : memref<64x768xf32, #tpu.memory_space<vmem>> -> memref<32x768xf32, #tpu.memory_space<vmem>>
      %dma_start3A_82 = tpu.memref_slice %arg13[%mul3A_79] : memref<528xi32, #tpu.memory_space<vmem>> -> memref<32xi32, #tpu.memory_space<vmem>>
      %dma_start3A_83 = arith.constant 0 : i32
      %dma_start3A_84 = arith.constant 0 : i32
      %dma_start3A_85 = tpu.memref_slice %arg4[%dma_start3A_83, %dma_start3A_84] : memref<2048x768xf32, #tpu.memory_space<hbm>> -> memref<2048x768xf32, #tpu.memory_space<hbm>>
      tpu.enqueue_indirect_dma source(%dma_start3A_85 : memref<2048x768xf32, #tpu.memory_space<hbm>>) target(%dma_start3A_81 : memref<32x768xf32, #tpu.memory_space<vmem>>) offsets(%dma_start3A_82 : memref<32xi32, #tpu.memory_space<vmem>>) semaphore(%arg20 : memref<!tpu.dma_semaphore, #tpu.memory_space<semaphore_mem>>)
      %mul3A_86 = arith.constant 32 : i32
      %mul3A_87 = arith.muli %scan3A_76, %mul3A_86 : i32
      %dma_start3A_88 = arith.constant 0 : i32
      %dma_start3A_89 = arith.constant 0 : i32
      %dma_start3A_90 = tpu.memref_slice %arg15[%dma_start3A_88, %dma_start3A_89] : memref<64x128xi32, #tpu.memory_space<vmem>> -> memref<32x128xi32, #tpu.memory_space<vmem>>
      %dma_start3A_91 = tpu.memref_slice %arg13[%mul3A_87] : memref<528xi32, #tpu.memory_space<vmem>> -> memref<32xi32, #tpu.memory_space<vmem>>
      %dma_start3A_92 = arith.constant 0 : i32
      %dma_start3A_93 = arith.constant 0 : i32
      %dma_start3A_94 = tpu.memref_slice %arg2[%dma_start3A_92, %dma_start3A_93] : memref<2048x128xi32, #tpu.memory_space<hbm>> -> memref<2048x128xi32, #tpu.memory_space<hbm>>
      tpu.enqueue_indirect_dma source(%dma_start3A_94 : memref<2048x128xi32, #tpu.memory_space<hbm>>) target(%dma_start3A_90 : memref<32x128xi32, #tpu.memory_space<vmem>>) offsets(%dma_start3A_91 : memref<32xi32, #tpu.memory_space<vmem>>) semaphore(%arg21 : memref<!tpu.dma_semaphore, #tpu.memory_space<semaphore_mem>>)
      %dma_wait3A = arith.constant 0 : i32
      %dma_wait3A_95 = arith.constant 0 : i32
      %dma_wait3A_96 = tpu.memref_slice %arg14[%dma_wait3A, %dma_wait3A_95] : memref<64x768xf32, #tpu.memory_space<vmem>> -> memref<32x768xf32, #tpu.memory_space<vmem>>
      %dma_wait3A_97 = tpu.memref_slice %arg13[%mul3A_79] : memref<528xi32, #tpu.memory_space<vmem>> -> memref<32xi32, #tpu.memory_space<vmem>>
      %dma_wait3A_98 = arith.constant 0 : i32
      %dma_wait3A_99 = arith.constant 0 : i32
      %dma_wait3A_100 = tpu.memref_slice %arg4[%dma_wait3A_98, %dma_wait3A_99] : memref<2048x768xf32, #tpu.memory_space<hbm>> -> memref<2048x768xf32, #tpu.memory_space<hbm>>
      tpu.wait_indirect_dma semaphore(%arg20 : memref<!tpu.dma_semaphore, #tpu.memory_space<semaphore_mem>>) src(%dma_wait3A_100 : memref<2048x768xf32, #tpu.memory_space<hbm>>) dst(%dma_wait3A_96 : memref<32x768xf32, #tpu.memory_space<vmem>>)
      %dma_wait3A_101 = arith.constant 0 : i32
      %dma_wait3A_102 = arith.constant 0 : i32
      %dma_wait3A_103 = tpu.memref_slice %arg15[%dma_wait3A_101, %dma_wait3A_102] : memref<64x128xi32, #tpu.memory_space<vmem>> -> memref<32x128xi32, #tpu.memory_space<vmem>>
      %dma_wait3A_104 = tpu.memref_slice %arg13[%mul3A_87] : memref<528xi32, #tpu.memory_space<vmem>> -> memref<32xi32, #tpu.memory_space<vmem>>
      %dma_wait3A_105 = arith.constant 0 : i32
      %dma_wait3A_106 = arith.constant 0 : i32
      %dma_wait3A_107 = tpu.memref_slice %arg2[%dma_wait3A_105, %dma_wait3A_106] : memref<2048x128xi32, #tpu.memory_space<hbm>> -> memref<2048x128xi32, #tpu.memory_space<hbm>>
      tpu.wait_indirect_dma semaphore(%arg21 : memref<!tpu.dma_semaphore, #tpu.memory_space<semaphore_mem>>) src(%dma_wait3A_107 : memref<2048x128xi32, #tpu.memory_space<hbm>>) dst(%dma_wait3A_103 : memref<32x128xi32, #tpu.memory_space<vmem>>)
      %scan3A_108 = arith.constant 0 : i32
      %scan3A_109 = arith.constant 0 : i32
      %scan3A_110 = arith.constant 4 : i32
      %scan3A_111 = arith.addi %scan3A_109, %scan3A_110 : i32
      %scan3A_112 = arith.constant 1 : i32
      %scan3A_113 = scf.for %scan3A_116 = %scan3A_109 to %scan3A_111 step %scan3A_112 iter_args(%scan3A_117 = %scan3A_108) -> (i32)  : i32 {
        %mul3A_118 = arith.constant 4 : i32
        %mul3A_119 = arith.muli %scan3A_76, %mul3A_118 : i32
        %add3A_120 = arith.addi %mul3A_119, %scan3A_116 : i32
        %add3A_121 = arith.addi %mul3A_2, %add3A_120 : i32
        %get3A = arith.index_cast %add3A_120 : i32 to index
        %get3A_122 = arith.constant 32 : index
        %get3A_123 = tpu.vector_load %arg10[%get3A, %get3A_122] {strides = array<i32>} : memref<64x128xi32, #tpu.memory_space<vmem>>, vector<16xi32>,
        %slice3A = vector.extract_strided_slice %get3A_123 {offsets = [0], sizes = [1], strides = [1]} : vector<16xi32> to vector<1xi32>
        %squeeze3A = vector.extract %slice3A[0] : i32 from vector<1xi32>
        %gt3A = arith.constant 8 : i32
        %gt3A_124 = arith.cmpi sgt, %squeeze3A, %gt3A : i32
        %mul3A_125 = arith.constant 8 : i32
        %mul3A_126 = arith.muli %scan3A_116, %mul3A_125 : i32
        %jit3A = arith.constant 32 : i32
        %select_n3A = arith.select %gt3A_124, %jit3A, %mul3A_126 : i32
        %convert_element_type3A = arith.extui %gt3A_124 : i1 to i32
        %cond3A = arith.constant 0 : i32
        %cond3A_127 = arith.cmpi ne, %convert_element_type3A, %cond3A : i32
        scf.if %cond3A_127 {
          %dma_start3A_134 = arith.constant 32 : i32
          %dma_start3A_135 = arith.constant 0 : i32
          %dma_start3A_136 = tpu.memref_slice %arg14[%dma_start3A_134, %dma_start3A_135] : memref<64x768xf32, #tpu.memory_space<vmem>> -> memref<32x768xf32, #tpu.memory_space<vmem>>
          %dma_start3A_137 = arith.constant 0 : i32
          %dma_start3A_138 = tpu.memref_slice %arg10[%add3A_120, %dma_start3A_137] : memref<64x128xi32, #tpu.memory_space<vmem>> -> memref<1x32xi32, #tpu.memory_space<vmem>>
          %dma_start3A_139 = tpu.memref_squeeze %dma_start3A_138 : memref<1x32xi32, #tpu.memory_space<vmem>> -> memref<32xi32, #tpu.memory_space<vmem>>
          %dma_start3A_140 = arith.constant 0 : i32
          %dma_start3A_141 = arith.constant 0 : i32
          %dma_start3A_142 = tpu.memref_slice %arg4[%dma_start3A_140, %dma_start3A_141] : memref<2048x768xf32, #tpu.memory_space<hbm>> -> memref<2048x768xf32, #tpu.memory_space<hbm>>
          tpu.enqueue_indirect_dma source(%dma_start3A_142 : memref<2048x768xf32, #tpu.memory_space<hbm>>) target(%dma_start3A_136 : memref<32x768xf32, #tpu.memory_space<vmem>>) offsets(%dma_start3A_139 : memref<32xi32, #tpu.memory_space<vmem>>) semaphore(%arg20 : memref<!tpu.dma_semaphore, #tpu.memory_space<semaphore_mem>>)
          %dma_start3A_143 = arith.constant 32 : i32
          %dma_start3A_144 = arith.constant 0 : i32
          %dma_start3A_145 = tpu.memref_slice %arg15[%dma_start3A_143, %dma_start3A_144] : memref<64x128xi32, #tpu.memory_space<vmem>> -> memref<32x128xi32, #tpu.memory_space<vmem>>
          %dma_start3A_146 = arith.constant 0 : i32
          %dma_start3A_147 = tpu.memref_slice %arg10[%add3A_120, %dma_start3A_146] : memref<64x128xi32, #tpu.memory_space<vmem>> -> memref<1x32xi32, #tpu.memory_space<vmem>>
          %dma_start3A_148 = tpu.memref_squeeze %dma_start3A_147 : memref<1x32xi32, #tpu.memory_space<vmem>> -> memref<32xi32, #tpu.memory_space<vmem>>
          %dma_start3A_149 = arith.constant 0 : i32
          %dma_start3A_150 = arith.constant 0 : i32
          %dma_start3A_151 = tpu.memref_slice %arg2[%dma_start3A_149, %dma_start3A_150] : memref<2048x128xi32, #tpu.memory_space<hbm>> -> memref<2048x128xi32, #tpu.memory_space<hbm>>
          tpu.enqueue_indirect_dma source(%dma_start3A_151 : memref<2048x128xi32, #tpu.memory_space<hbm>>) target(%dma_start3A_145 : memref<32x128xi32, #tpu.memory_space<vmem>>) offsets(%dma_start3A_148 : memref<32xi32, #tpu.memory_space<vmem>>) semaphore(%arg21 : memref<!tpu.dma_semaphore, #tpu.memory_space<semaphore_mem>>)
          %dma_wait3A_152 = arith.constant 32 : i32
          %dma_wait3A_153 = arith.constant 0 : i32
          %dma_wait3A_154 = tpu.memref_slice %arg14[%dma_wait3A_152, %dma_wait3A_153] : memref<64x768xf32, #tpu.memory_space<vmem>> -> memref<32x768xf32, #tpu.memory_space<vmem>>
          %dma_wait3A_155 = arith.constant 0 : i32
          %dma_wait3A_156 = tpu.memref_slice %arg10[%add3A_120, %dma_wait3A_155] : memref<64x128xi32, #tpu.memory_space<vmem>> -> memref<1x32xi32, #tpu.memory_space<vmem>>
          %dma_wait3A_157 = tpu.memref_squeeze %dma_wait3A_156 : memref<1x32xi32, #tpu.memory_space<vmem>> -> memref<32xi32, #tpu.memory_space<vmem>>
          %dma_wait3A_158 = arith.constant 0 : i32
          %dma_wait3A_159 = arith.constant 0 : i32
          %dma_wait3A_160 = tpu.memref_slice %arg4[%dma_wait3A_158, %dma_wait3A_159] : memref<2048x768xf32, #tpu.memory_space<hbm>> -> memref<2048x768xf32, #tpu.memory_space<hbm>>
          tpu.wait_indirect_dma semaphore(%arg20 : memref<!tpu.dma_semaphore, #tpu.memory_space<semaphore_mem>>) src(%dma_wait3A_160 : memref<2048x768xf32, #tpu.memory_space<hbm>>) dst(%dma_wait3A_154 : memref<32x768xf32, #tpu.memory_space<vmem>>)
          %dma_wait3A_161 = arith.constant 32 : i32
          %dma_wait3A_162 = arith.constant 0 : i32
          %dma_wait3A_163 = tpu.memref_slice %arg15[%dma_wait3A_161, %dma_wait3A_162] : memref<64x128xi32, #tpu.memory_space<vmem>> -> memref<32x128xi32, #tpu.memory_space<vmem>>
          %dma_wait3A_164 = arith.constant 0 : i32
          %dma_wait3A_165 = tpu.memref_slice %arg10[%add3A_120, %dma_wait3A_164] : memref<64x128xi32, #tpu.memory_space<vmem>> -> memref<1x32xi32, #tpu.memory_space<vmem>>
          %dma_wait3A_166 = tpu.memref_squeeze %dma_wait3A_165 : memref<1x32xi32, #tpu.memory_space<vmem>> -> memref<32xi32, #tpu.memory_space<vmem>>
          %dma_wait3A_167 = arith.constant 0 : i32
          %dma_wait3A_168 = arith.constant 0 : i32
          %dma_wait3A_169 = tpu.memref_slice %arg2[%dma_wait3A_167, %dma_wait3A_168] : memref<2048x128xi32, #tpu.memory_space<hbm>> -> memref<2048x128xi32, #tpu.memory_space<hbm>>
          tpu.wait_indirect_dma semaphore(%arg21 : memref<!tpu.dma_semaphore, #tpu.memory_space<semaphore_mem>>) src(%dma_wait3A_169 : memref<2048x128xi32, #tpu.memory_space<hbm>>) dst(%dma_wait3A_163 : memref<32x128xi32, #tpu.memory_space<vmem>>)
        } else {
        }
        %gt3A_128 = arith.constant 0 : i32
        %gt3A_129 = arith.cmpi sgt, %squeeze3A, %gt3A_128 : i32
        %convert_element_type3A_130 = arith.extui %gt3A_129 : i1 to i32
        %cond3A_131 = arith.constant 0 : i32
        %cond3A_132 = arith.cmpi ne, %convert_element_type3A_130, %cond3A_131 : i32
        scf.if %cond3A_132 {
          %while3A = arith.constant 0 : i32
          %while3A_134 = arith.constant 0 : i32
          %while3A_135 = arith.subi %squeeze3A, %while3A : i32
          %while3A_136 = arith.addi %while3A, %while3A_135 : i32
          %while3A_137 = arith.constant 1 : i32
          %while3A_138 = arith.divsi %while3A_135, %while3A_137 : i32
          %while3A_139 = arith.muli %while3A_138, %while3A_137 : i32
          %while3A_140 = arith.addi %while3A, %while3A_139 : i32
          %while3A_141 = arith.constant 1 : i32
          %while3A_142 = scf.for %while3A_182 = %while3A to %while3A_140 step %while3A_141 iter_args(%while3A_183 = %while3A_134) -> (i32)  : i32 {
            %get3A_184 = arith.index_cast %add3A_120 : i32 to index
            %get3A_185 = arith.index_cast %while3A_182 : i32 to index
            %get3A_186 = tpu.vector_load %arg10[%get3A_184, %get3A_185] {strides = array<i32>} : memref<64x128xi32, #tpu.memory_space<vmem>>, vector<16xi32>,
            %slice3A_187 = vector.extract_strided_slice %get3A_186 {offsets = [0], sizes = [1], strides = [1]} : vector<16xi32> to vector<1xi32>
            %squeeze3A_188 = vector.extract %slice3A_187[0] : i32 from vector<1xi32>
            %lt3A_189 = arith.cmpi slt, %add3A_121, %squeeze3A_188 : i32
            %lt3A_190 = arith.constant 4 : i32
            %lt3A_191 = arith.cmpi slt, %while3A_183, %lt3A_190 : i32
            %and3A = arith.andi %lt3A_189, %lt3A_191 : i1
            %convert_element_type3A_192 = arith.extui %and3A : i1 to i32
            %cond3A_193 = arith.constant 0 : i32
            %cond3A_194 = arith.cmpi ne, %convert_element_type3A_192, %cond3A_193 : i32
            scf.if %cond3A_194 {
              %add3A_199 = arith.addi %select_n3A, %while3A_182 : i32
              %jit3A_200 = arith.constant 4 : i32
              %eq3A = arith.constant 0 : i32
              %eq3A_201 = arith.cmpi eq, %jit3A_200, %eq3A : i32
              %jit3A_202 = arith.constant 1 : i32
              %select_n3A_203 = arith.select %eq3A_201, %jit3A_202, %jit3A_200 : i32
              %rem3A = arith.remsi %while3A_183, %select_n3A_203 : i32
              %ne3A = arith.constant 0 : i32
              %ne3A_204 = arith.cmpi ne, %rem3A, %ne3A : i32
              %lt3A_205 = arith.constant 0 : i32
              %lt3A_206 = arith.cmpi slt, %rem3A, %lt3A_205 : i32
              %lt3A_207 = arith.constant 0 : i32
              %lt3A_208 = arith.cmpi slt, %select_n3A_203, %lt3A_207 : i32
              %ne3A_209 = arith.xori %lt3A_206, %lt3A_208 : i1
              %and3A_210 = arith.andi %ne3A_209, %ne3A_204 : i1
              %add3A_211 = arith.addi %rem3A, %select_n3A_203 : i32
              %select_n3A_212 = arith.select %and3A_210, %add3A_211, %rem3A : i32
              %mul3A_213 = arith.constant 8 : i32
              %mul3A_214 = arith.muli %select_n3A_212, %mul3A_213 : i32
              %dma_start3A_215 = arith.constant 0 : i32
              %dma_start3A_216 = tpu.memref_slice %arg16[%mul3A_214, %dma_start3A_215] : memref<56x128xf32, #tpu.memory_space<vmem>> -> memref<8x128xf32, #tpu.memory_space<vmem>>
              %dma_start3A_217 = arith.constant 0 : i32
              %dma_start3A_218 = tpu.memref_slice %arg15[%add3A_199, %dma_start3A_217] : memref<64x128xi32, #tpu.memory_space<vmem>> -> memref<1x8xi32, #tpu.memory_space<vmem>>
              %dma_start3A_219 = tpu.memref_squeeze %dma_start3A_218 : memref<1x8xi32, #tpu.memory_space<vmem>> -> memref<8xi32, #tpu.memory_space<vmem>>
              %dma_start3A_220 = arith.constant 0 : i32
              %dma_start3A_221 = arith.constant 0 : i32
              %dma_start3A_222 = tpu.memref_slice %arg6[%dma_start3A_220, %dma_start3A_221] : memref<2048x128xf32, #tpu.memory_space<hbm>> -> memref<2048x128xf32, #tpu.memory_space<hbm>>
              tpu.enqueue_indirect_dma source(%dma_start3A_222 : memref<2048x128xf32, #tpu.memory_space<hbm>>) target(%dma_start3A_216 : memref<8x128xf32, #tpu.memory_space<vmem>>) offsets(%dma_start3A_219 : memref<8xi32, #tpu.memory_space<vmem>>) semaphore(%arg22 : memref<!tpu.dma_semaphore, #tpu.memory_space<semaphore_mem>>)
            } else {
            }
            %jit3A_195 = arith.constant 1 : i32
            %jit3A_196 = arith.constant 0 : i32
            %select_n3A_197 = arith.select %lt3A_189, %jit3A_195, %jit3A_196 : i32
            %add3A_198 = arith.addi %while3A_183, %select_n3A_197 : i32
            scf.yield %add3A_198 : i32
          }
          %while3A_143 = arith.constant 1 : i32
          %while3A_144 = scf.for %while3A_182 = %while3A_140 to %while3A_136 step %while3A_143 iter_args(%while3A_183 = %while3A_142) -> (i32)  : i32 {
            %get3A_184 = arith.index_cast %add3A_120 : i32 to index
            %get3A_185 = arith.index_cast %while3A_182 : i32 to index
            %get3A_186 = tpu.vector_load %arg10[%get3A_184, %get3A_185] {strides = array<i32>} : memref<64x128xi32, #tpu.memory_space<vmem>>, vector<16xi32>,
            %slice3A_187 = vector.extract_strided_slice %get3A_186 {offsets = [0], sizes = [1], strides = [1]} : vector<16xi32> to vector<1xi32>
            %squeeze3A_188 = vector.extract %slice3A_187[0] : i32 from vector<1xi32>
            %lt3A_189 = arith.cmpi slt, %add3A_121, %squeeze3A_188 : i32
            %lt3A_190 = arith.constant 4 : i32
            %lt3A_191 = arith.cmpi slt, %while3A_183, %lt3A_190 : i32
            %and3A = arith.andi %lt3A_189, %lt3A_191 : i1
            %convert_element_type3A_192 = arith.extui %and3A : i1 to i32
            %cond3A_193 = arith.constant 0 : i32
            %cond3A_194 = arith.cmpi ne, %convert_element_type3A_192, %cond3A_193 : i32
            scf.if %cond3A_194 {
              %add3A_199 = arith.addi %select_n3A, %while3A_182 : i32
              %jit3A_200 = arith.constant 4 : i32
              %eq3A = arith.constant 0 : i32
              %eq3A_201 = arith.cmpi eq, %jit3A_200, %eq3A : i32
              %jit3A_202 = arith.constant 1 : i32
              %select_n3A_203 = arith.select %eq3A_201, %jit3A_202, %jit3A_200 : i32
              %rem3A = arith.remsi %while3A_183, %select_n3A_203 : i32
              %ne3A = arith.constant 0 : i32
              %ne3A_204 = arith.cmpi ne, %rem3A, %ne3A : i32
              %lt3A_205 = arith.constant 0 : i32
              %lt3A_206 = arith.cmpi slt, %rem3A, %lt3A_205 : i32
              %lt3A_207 = arith.constant 0 : i32
              %lt3A_208 = arith.cmpi slt, %select_n3A_203, %lt3A_207 : i32
              %ne3A_209 = arith.xori %lt3A_206, %lt3A_208 : i1
              %and3A_210 = arith.andi %ne3A_209, %ne3A_204 : i1
              %add3A_211 = arith.addi %rem3A, %select_n3A_203 : i32
              %select_n3A_212 = arith.select %and3A_210, %add3A_211, %rem3A : i32
              %mul3A_213 = arith.constant 8 : i32
              %mul3A_214 = arith.muli %select_n3A_212, %mul3A_213 : i32
              %dma_start3A_215 = arith.constant 0 : i32
              %dma_start3A_216 = tpu.memref_slice %arg16[%mul3A_214, %dma_start3A_215] : memref<56x128xf32, #tpu.memory_space<vmem>> -> memref<8x128xf32, #tpu.memory_space<vmem>>
              %dma_start3A_217 = arith.constant 0 : i32
              %dma_start3A_218 = tpu.memref_slice %arg15[%add3A_199, %dma_start3A_217] : memref<64x128xi32, #tpu.memory_space<vmem>> -> memref<1x8xi32, #tpu.memory_space<vmem>>
              %dma_start3A_219 = tpu.memref_squeeze %dma_start3A_218 : memref<1x8xi32, #tpu.memory_space<vmem>> -> memref<8xi32, #tpu.memory_space<vmem>>
              %dma_start3A_220 = arith.constant 0 : i32
              %dma_start3A_221 = arith.constant 0 : i32
              %dma_start3A_222 = tpu.memref_slice %arg6[%dma_start3A_220, %dma_start3A_221] : memref<2048x128xf32, #tpu.memory_space<hbm>> -> memref<2048x128xf32, #tpu.memory_space<hbm>>
              tpu.enqueue_indirect_dma source(%dma_start3A_222 : memref<2048x128xf32, #tpu.memory_space<hbm>>) target(%dma_start3A_216 : memref<8x128xf32, #tpu.memory_space<vmem>>) offsets(%dma_start3A_219 : memref<8xi32, #tpu.memory_space<vmem>>) semaphore(%arg22 : memref<!tpu.dma_semaphore, #tpu.memory_space<semaphore_mem>>)
            } else {
            }
            %jit3A_195 = arith.constant 1 : i32
            %jit3A_196 = arith.constant 0 : i32
            %select_n3A_197 = arith.select %lt3A_189, %jit3A_195, %jit3A_196 : i32
            %add3A_198 = arith.addi %while3A_183, %select_n3A_197 : i32
            scf.yield %add3A_198 : i32
          }
          %while3A_145 = arith.constant 0 : i32
          %while3A_146 = arith.constant 0 : i32
          %while3A_147 = arith.subi %squeeze3A, %while3A_145 : i32
          %while3A_148 = arith.addi %while3A_145, %while3A_147 : i32
          %while3A_149 = arith.constant 1 : i32
          %while3A_150 = arith.divsi %while3A_147, %while3A_149 : i32
          %while3A_151 = arith.muli %while3A_150, %while3A_149 : i32
          %while3A_152 = arith.addi %while3A_145, %while3A_151 : i32
          %while3A_153 = arith.constant 1 : i32
          %while3A_154 = scf.for %while3A_182 = %while3A_145 to %while3A_152 step %while3A_153 iter_args(%while3A_183 = %while3A_146) -> (i32)  : i32 {
            %get3A_184 = arith.index_cast %add3A_120 : i32 to index
            %get3A_185 = arith.index_cast %while3A_182 : i32 to index
            %get3A_186 = tpu.vector_load %arg10[%get3A_184, %get3A_185] {strides = array<i32>} : memref<64x128xi32, #tpu.memory_space<vmem>>, vector<16xi32>,
            %slice3A_187 = vector.extract_strided_slice %get3A_186 {offsets = [0], sizes = [1], strides = [1]} : vector<16xi32> to vector<1xi32>
            %squeeze3A_188 = vector.extract %slice3A_187[0] : i32 from vector<1xi32>
            %get3A_189 = arith.index_cast %add3A_120 : i32 to index
            %get3A_190 = arith.index_cast %while3A_182 : i32 to index
            %get3A_191 = tpu.vector_load %arg11[%get3A_189, %get3A_190] {strides = array<i32>} : memref<64x128xf32, #tpu.memory_space<vmem>>, vector<16xf32>,
            %slice3A_192 = vector.extract_strided_slice %get3A_191 {offsets = [0], sizes = [1], strides = [1]} : vector<16xf32> to vector<1xf32>
            %squeeze3A_193 = vector.extract %slice3A_192[0] : f32 from vector<1xf32>
            %lt3A_194 = arith.cmpi slt, %add3A_121, %squeeze3A_188 : i32
            %add3A_195 = arith.addi %select_n3A, %while3A_182 : i32
            %get3A_196 = arith.index_cast %add3A_120 : i32 to index
            %get3A_197 = arith.constant 0 : index
            %get3A_198 = tpu.vector_load %arg12[%get3A_196, %get3A_197] {strides = array<i32>} : memref<64x512xf32, #tpu.memory_space<vmem>>, vector<16xf32>,
            %get3A_199 = arith.index_cast %add3A_120 : i32 to index
            %get3A_200 = arith.constant 128 : index
            %get3A_201 = tpu.vector_load %arg12[%get3A_199, %get3A_200] {strides = array<i32>} : memref<64x512xf32, #tpu.memory_space<vmem>>, vector<16xf32>,
            %get3A_202 = arith.index_cast %add3A_195 : i32 to index
            %get3A_203 = arith.constant 0 : index
            %get3A_204 = tpu.vector_load %arg14[%get3A_202, %get3A_203] {strides = array<i32>} : memref<64x768xf32, #tpu.memory_space<vmem>>, vector<16xf32>,
            %get3A_205 = arith.index_cast %add3A_195 : i32 to index
            %get3A_206 = arith.constant 128 : index
            %get3A_207 = tpu.vector_load %arg14[%get3A_205, %get3A_206] {strides = array<i32>} : memref<64x768xf32, #tpu.memory_space<vmem>>, vector<16xf32>,
            %add3A_208 = arith.addf %get3A_198, %get3A_207 : vector<16xf32>
            %add3A_209 = arith.addf %get3A_204, %get3A_201 : vector<16xf32>
            %select_n3A_210 = arith.select %lt3A_194, %add3A_208, %add3A_209 : vector<16xf32>
            %get3A_211 = arith.constant 0 : i32
            %get3A_212 = arith.index_cast %get3A_211 : i32 to index
            %get3A_213 = arith.constant 0 : index
            %get3A_214 = tpu.vector_load %arg19[%get3A_212, %get3A_213] {strides = array<i32>} : memref<3x128xf32, #tpu.memory_space<vmem>>, vector<16xf32>,
            %add3A_215 = arith.addf %select_n3A_210, %get3A_214 : vector<16xf32>
            %max3A = arith.constant 0.000000e+00 : f32
            %max3A_216 = vector.broadcast %max3A : f32 to vector<16xf32>
            %max3A_217 = arith.maximumf %add3A_215, %max3A_216 : vector<16xf32>
            %mul3A_218 = vector.broadcast %squeeze3A_193 : f32 to vector<16xf32>
            %mul3A_219 = arith.mulf %max3A_217, %mul3A_218 : vector<16xf32>
            %swap3A_220 = arith.index_cast %add3A_120 : i32 to index
            %swap3A_221 = arith.constant 0 : index
            %swap3A_222 = tpu.vector_load %arg17[%swap3A_220, %swap3A_221] {strides = array<i32>} : memref<64x128xf32, #tpu.memory_space<vmem>>, vector<16xf32>,
            tpu.vector_store %arg17[%swap3A_220, %swap3A_221], %mul3A_219 {add = true, strides = array<i32>} : memref<64x128xf32, #tpu.memory_space<vmem>>, vector<16xf32>,
            %convert_element_type3A_223 = arith.extui %lt3A_194 : i1 to i32
            %cond3A_224 = arith.constant 0 : i32
            %cond3A_225 = arith.cmpi ne, %convert_element_type3A_223, %cond3A_224 : i32
            scf.if %cond3A_225 {
              %swap3A_456 = arith.constant 0 : index
              %swap3A_457 = tpu.vector_load %arg18[%swap3A_456] {strides = array<i32>} : memref<384xf32, #tpu.memory_space<vmem>>, vector<16xf32>,
              tpu.vector_store %arg18[%swap3A_456], %mul3A_219 {add = true, strides = array<i32>} : memref<384xf32, #tpu.memory_space<vmem>>, vector<16xf32>,
            } else {
            }
            %get3A_226 = arith.index_cast %add3A_120 : i32 to index
            %get3A_227 = arith.constant 16 : index
            %get3A_228 = tpu.vector_load %arg12[%get3A_226, %get3A_227] {strides = array<i32>} : memref<64x512xf32, #tpu.memory_space<vmem>>, vector<16xf32>,
            %get3A_229 = arith.index_cast %add3A_120 : i32 to index
            %get3A_230 = arith.constant 144 : index
            %get3A_231 = tpu.vector_load %arg12[%get3A_229, %get3A_230] {strides = array<i32>} : memref<64x512xf32, #tpu.memory_space<vmem>>, vector<16xf32>,
            %get3A_232 = arith.index_cast %add3A_195 : i32 to index
            %get3A_233 = arith.constant 16 : index
            %get3A_234 = tpu.vector_load %arg14[%get3A_232, %get3A_233] {strides = array<i32>} : memref<64x768xf32, #tpu.memory_space<vmem>>, vector<16xf32>,
            %get3A_235 = arith.index_cast %add3A_195 : i32 to index
            %get3A_236 = arith.constant 144 : index
            %get3A_237 = tpu.vector_load %arg14[%get3A_235, %get3A_236] {strides = array<i32>} : memref<64x768xf32, #tpu.memory_space<vmem>>, vector<16xf32>,
            %add3A_238 = arith.addf %get3A_228, %get3A_237 : vector<16xf32>
            %add3A_239 = arith.addf %get3A_234, %get3A_231 : vector<16xf32>
            %select_n3A_240 = arith.select %lt3A_194, %add3A_238, %add3A_239 : vector<16xf32>
            %get3A_241 = arith.constant 0 : i32
            %get3A_242 = arith.index_cast %get3A_241 : i32 to index
            %get3A_243 = arith.constant 16 : index
            %get3A_244 = tpu.vector_load %arg19[%get3A_242, %get3A_243] {strides = array<i32>} : memref<3x128xf32, #tpu.memory_space<vmem>>, vector<16xf32>,
            %add3A_245 = arith.addf %select_n3A_240, %get3A_244 : vector<16xf32>
            %max3A_246 = arith.constant 0.000000e+00 : f32
            %max3A_247 = vector.broadcast %max3A_246 : f32 to vector<16xf32>
            %max3A_248 = arith.maximumf %add3A_245, %max3A_247 : vector<16xf32>
            %mul3A_249 = vector.broadcast %squeeze3A_193 : f32 to vector<16xf32>
            %mul3A_250 = arith.mulf %max3A_248, %mul3A_249 : vector<16xf32>
            %swap3A_251 = arith.index_cast %add3A_120 : i32 to index
            %swap3A_252 = arith.constant 16 : index
            %swap3A_253 = tpu.vector_load %arg17[%swap3A_251, %swap3A_252] {strides = array<i32>} : memref<64x128xf32, #tpu.memory_space<vmem>>, vector<16xf32>,
            tpu.vector_store %arg17[%swap3A_251, %swap3A_252], %mul3A_250 {add = true, strides = array<i32>} : memref<64x128xf32, #tpu.memory_space<vmem>>, vector<16xf32>,
            %convert_element_type3A_254 = arith.extui %lt3A_194 : i1 to i32
            %cond3A_255 = arith.constant 0 : i32
            %cond3A_256 = arith.cmpi ne, %convert_element_type3A_254, %cond3A_255 : i32
            scf.if %cond3A_256 {
              %swap3A_456 = arith.constant 16 : index
              %swap3A_457 = tpu.vector_load %arg18[%swap3A_456] {strides = array<i32>} : memref<384xf32, #tpu.memory_space<vmem>>, vector<16xf32>,
              tpu.vector_store %arg18[%swap3A_456], %mul3A_250 {add = true, strides = array<i32>} : memref<384xf32, #tpu.memory_space<vmem>>, vector<16xf32>,
            } else {
            }
            %get3A_257 = arith.index_cast %add3A_120 : i32 to index
            %get3A_258 = arith.constant 32 : index
            %get3A_259 = tpu.vector_load %arg12[%get3A_257, %get3A_258] {strides = array<i32>} : memref<64x512xf32, #tpu.memory_space<vmem>>, vector<16xf32>,
            %get3A_260 = arith.index_cast %add3A_120 : i32 to index
            %get3A_261 = arith.constant 160 : index
            %get3A_262 = tpu.vector_load %arg12[%get3A_260, %get3A_261] {strides = array<i32>} : memref<64x512xf32, #tpu.memory_space<vmem>>, vector<16xf32>,
            %get3A_263 = arith.index_cast %add3A_195 : i32 to index
            %get3A_264 = arith.constant 32 : index
            %get3A_265 = tpu.vector_load %arg14[%get3A_263, %get3A_264] {strides = array<i32>} : memref<64x768xf32, #tpu.memory_space<vmem>>, vector<16xf32>,
            %get3A_266 = arith.index_cast %add3A_195 : i32 to index
            %get3A_267 = arith.constant 160 : index
            %get3A_268 = tpu.vector_load %arg14[%get3A_266, %get3A_267] {strides = array<i32>} : memref<64x768xf32, #tpu.memory_space<vmem>>, vector<16xf32>,
            %add3A_269 = arith.addf %get3A_259, %get3A_268 : vector<16xf32>
            %add3A_270 = arith.addf %get3A_265, %get3A_262 : vector<16xf32>
            %select_n3A_271 = arith.select %lt3A_194, %add3A_269, %add3A_270 : vector<16xf32>
            %get3A_272 = arith.constant 0 : i32
            %get3A_273 = arith.index_cast %get3A_272 : i32 to index
            %get3A_274 = arith.constant 32 : index
            %get3A_275 = tpu.vector_load %arg19[%get3A_273, %get3A_274] {strides = array<i32>} : memref<3x128xf32, #tpu.memory_space<vmem>>, vector<16xf32>,
            %add3A_276 = arith.addf %select_n3A_271, %get3A_275 : vector<16xf32>
            %max3A_277 = arith.constant 0.000000e+00 : f32
            %max3A_278 = vector.broadcast %max3A_277 : f32 to vector<16xf32>
            %max3A_279 = arith.maximumf %add3A_276, %max3A_278 : vector<16xf32>
            %mul3A_280 = vector.broadcast %squeeze3A_193 : f32 to vector<16xf32>
            %mul3A_281 = arith.mulf %max3A_279, %mul3A_280 : vector<16xf32>
            %swap3A_282 = arith.index_cast %add3A_120 : i32 to index
            %swap3A_283 = arith.constant 32 : index
            %swap3A_284 = tpu.vector_load %arg17[%swap3A_282, %swap3A_283] {strides = array<i32>} : memref<64x128xf32, #tpu.memory_space<vmem>>, vector<16xf32>,
            tpu.vector_store %arg17[%swap3A_282, %swap3A_283], %mul3A_281 {add = true, strides = array<i32>} : memref<64x128xf32, #tpu.memory_space<vmem>>, vector<16xf32>,
            %convert_element_type3A_285 = arith.extui %lt3A_194 : i1 to i32
            %cond3A_286 = arith.constant 0 : i32
            %cond3A_287 = arith.cmpi ne, %convert_element_type3A_285, %cond3A_286 : i32
            scf.if %cond3A_287 {
              %swap3A_456 = arith.constant 32 : index
              %swap3A_457 = tpu.vector_load %arg18[%swap3A_456] {strides = array<i32>} : memref<384xf32, #tpu.memory_space<vmem>>, vector<16xf32>,
              tpu.vector_store %arg18[%swap3A_456], %mul3A_281 {add = true, strides = array<i32>} : memref<384xf32, #tpu.memory_space<vmem>>, vector<16xf32>,
            } else {
            }
            %get3A_288 = arith.index_cast %add3A_120 : i32 to index
            %get3A_289 = arith.constant 48 : index
            %get3A_290 = tpu.vector_load %arg12[%get3A_288, %get3A_289] {strides = array<i32>} : memref<64x512xf32, #tpu.memory_space<vmem>>, vector<16xf32>,
            %get3A_291 = arith.index_cast %add3A_120 : i32 to index
            %get3A_292 = arith.constant 176 : index
            %get3A_293 = tpu.vector_load %arg12[%get3A_291, %get3A_292] {strides = array<i32>} : memref<64x512xf32, #tpu.memory_space<vmem>>, vector<16xf32>,
            %get3A_294 = arith.index_cast %add3A_195 : i32 to index
            %get3A_295 = arith.constant 48 : index
            %get3A_296 = tpu.vector_load %arg14[%get3A_294, %get3A_295] {strides = array<i32>} : memref<64x768xf32, #tpu.memory_space<vmem>>, vector<16xf32>,
            %get3A_297 = arith.index_cast %add3A_195 : i32 to index
            %get3A_298 = arith.constant 176 : index
            %get3A_299 = tpu.vector_load %arg14[%get3A_297, %get3A_298] {strides = array<i32>} : memref<64x768xf32, #tpu.memory_space<vmem>>, vector<16xf32>,
            %add3A_300 = arith.addf %get3A_290, %get3A_299 : vector<16xf32>
            %add3A_301 = arith.addf %get3A_296, %get3A_293 : vector<16xf32>
            %select_n3A_302 = arith.select %lt3A_194, %add3A_300, %add3A_301 : vector<16xf32>
            %get3A_303 = arith.constant 0 : i32
            %get3A_304 = arith.index_cast %get3A_303 : i32 to index
            %get3A_305 = arith.constant 48 : index
            %get3A_306 = tpu.vector_load %arg19[%get3A_304, %get3A_305] {strides = array<i32>} : memref<3x128xf32, #tpu.memory_space<vmem>>, vector<16xf32>,
            %add3A_307 = arith.addf %select_n3A_302, %get3A_306 : vector<16xf32>
            %max3A_308 = arith.constant 0.000000e+00 : f32
            %max3A_309 = vector.broadcast %max3A_308 : f32 to vector<16xf32>
            %max3A_310 = arith.maximumf %add3A_307, %max3A_309 : vector<16xf32>
            %mul3A_311 = vector.broadcast %squeeze3A_193 : f32 to vector<16xf32>
            %mul3A_312 = arith.mulf %max3A_310, %mul3A_311 : vector<16xf32>
            %swap3A_313 = arith.index_cast %add3A_120 : i32 to index
            %swap3A_314 = arith.constant 48 : index
            %swap3A_315 = tpu.vector_load %arg17[%swap3A_313, %swap3A_314] {strides = array<i32>} : memref<64x128xf32, #tpu.memory_space<vmem>>, vector<16xf32>,
            tpu.vector_store %arg17[%swap3A_313, %swap3A_314], %mul3A_312 {add = true, strides = array<i32>} : memref<64x128xf32, #tpu.memory_space<vmem>>, vector<16xf32>,
            %convert_element_type3A_316 = arith.extui %lt3A_194 : i1 to i32
            %cond3A_317 = arith.constant 0 : i32
            %cond3A_318 = arith.cmpi ne, %convert_element_type3A_316, %cond3A_317 : i32
            scf.if %cond3A_318 {
              %swap3A_456 = arith.constant 48 : index
              %swap3A_457 = tpu.vector_load %arg18[%swap3A_456] {strides = array<i32>} : memref<384xf32, #tpu.memory_space<vmem>>, vector<16xf32>,
              tpu.vector_store %arg18[%swap3A_456], %mul3A_312 {add = true, strides = array<i32>} : memref<384xf32, #tpu.memory_space<vmem>>, vector<16xf32>,
            } else {
            }
            %get3A_319 = arith.index_cast %add3A_120 : i32 to index
            %get3A_320 = arith.constant 64 : index
            %get3A_321 = tpu.vector_load %arg12[%get3A_319, %get3A_320] {strides = array<i32>} : memref<64x512xf32, #tpu.memory_space<vmem>>, vector<16xf32>,
            %get3A_322 = arith.index_cast %add3A_120 : i32 to index
            %get3A_323 = arith.constant 192 : index
            %get3A_324 = tpu.vector_load %arg12[%get3A_322, %get3A_323] {strides = array<i32>} : memref<64x512xf32, #tpu.memory_space<vmem>>, vector<16xf32>,
            %get3A_325 = arith.index_cast %add3A_195 : i32 to index
            %get3A_326 = arith.constant 64 : index
            %get3A_327 = tpu.vector_load %arg14[%get3A_325, %get3A_326] {strides = array<i32>} : memref<64x768xf32, #tpu.memory_space<vmem>>, vector<16xf32>,
            %get3A_328 = arith.index_cast %add3A_195 : i32 to index
            %get3A_329 = arith.constant 192 : index
            %get3A_330 = tpu.vector_load %arg14[%get3A_328, %get3A_329] {strides = array<i32>} : memref<64x768xf32, #tpu.memory_space<vmem>>, vector<16xf32>,
            %add3A_331 = arith.addf %get3A_321, %get3A_330 : vector<16xf32>
            %add3A_332 = arith.addf %get3A_327, %get3A_324 : vector<16xf32>
            %select_n3A_333 = arith.select %lt3A_194, %add3A_331, %add3A_332 : vector<16xf32>
            %get3A_334 = arith.constant 0 : i32
            %get3A_335 = arith.index_cast %get3A_334 : i32 to index
            %get3A_336 = arith.constant 64 : index
            %get3A_337 = tpu.vector_load %arg19[%get3A_335, %get3A_336] {strides = array<i32>} : memref<3x128xf32, #tpu.memory_space<vmem>>, vector<16xf32>,
            %add3A_338 = arith.addf %select_n3A_333, %get3A_337 : vector<16xf32>
            %max3A_339 = arith.constant 0.000000e+00 : f32
            %max3A_340 = vector.broadcast %max3A_339 : f32 to vector<16xf32>
            %max3A_341 = arith.maximumf %add3A_338, %max3A_340 : vector<16xf32>
            %mul3A_342 = vector.broadcast %squeeze3A_193 : f32 to vector<16xf32>
            %mul3A_343 = arith.mulf %max3A_341, %mul3A_342 : vector<16xf32>
            %swap3A_344 = arith.index_cast %add3A_120 : i32 to index
            %swap3A_345 = arith.constant 64 : index
            %swap3A_346 = tpu.vector_load %arg17[%swap3A_344, %swap3A_345] {strides = array<i32>} : memref<64x128xf32, #tpu.memory_space<vmem>>, vector<16xf32>,
            tpu.vector_store %arg17[%swap3A_344, %swap3A_345], %mul3A_343 {add = true, strides = array<i32>} : memref<64x128xf32, #tpu.memory_space<vmem>>, vector<16xf32>,
            %convert_element_type3A_347 = arith.extui %lt3A_194 : i1 to i32
            %cond3A_348 = arith.constant 0 : i32
            %cond3A_349 = arith.cmpi ne, %convert_element_type3A_347, %cond3A_348 : i32
            scf.if %cond3A_349 {
              %swap3A_456 = arith.constant 64 : index
              %swap3A_457 = tpu.vector_load %arg18[%swap3A_456] {strides = array<i32>} : memref<384xf32, #tpu.memory_space<vmem>>, vector<16xf32>,
              tpu.vector_store %arg18[%swap3A_456], %mul3A_343 {add = true, strides = array<i32>} : memref<384xf32, #tpu.memory_space<vmem>>, vector<16xf32>,
            } else {
            }
            %get3A_350 = arith.index_cast %add3A_120 : i32 to index
            %get3A_351 = arith.constant 80 : index
            %get3A_352 = tpu.vector_load %arg12[%get3A_350, %get3A_351] {strides = array<i32>} : memref<64x512xf32, #tpu.memory_space<vmem>>, vector<16xf32>,
            %get3A_353 = arith.index_cast %add3A_120 : i32 to index
            %get3A_354 = arith.constant 208 : index
            %get3A_355 = tpu.vector_load %arg12[%get3A_353, %get3A_354] {strides = array<i32>} : memref<64x512xf32, #tpu.memory_space<vmem>>, vector<16xf32>,
            %get3A_356 = arith.index_cast %add3A_195 : i32 to index
            %get3A_357 = arith.constant 80 : index
            %get3A_358 = tpu.vector_load %arg14[%get3A_356, %get3A_357] {strides = array<i32>} : memref<64x768xf32, #tpu.memory_space<vmem>>, vector<16xf32>,
            %get3A_359 = arith.index_cast %add3A_195 : i32 to index
            %get3A_360 = arith.constant 208 : index
            %get3A_361 = tpu.vector_load %arg14[%get3A_359, %get3A_360] {strides = array<i32>} : memref<64x768xf32, #tpu.memory_space<vmem>>, vector<16xf32>,
            %add3A_362 = arith.addf %get3A_352, %get3A_361 : vector<16xf32>
            %add3A_363 = arith.addf %get3A_358, %get3A_355 : vector<16xf32>
            %select_n3A_364 = arith.select %lt3A_194, %add3A_362, %add3A_363 : vector<16xf32>
            %get3A_365 = arith.constant 0 : i32
            %get3A_366 = arith.index_cast %get3A_365 : i32 to index
            %get3A_367 = arith.constant 80 : index
            %get3A_368 = tpu.vector_load %arg19[%get3A_366, %get3A_367] {strides = array<i32>} : memref<3x128xf32, #tpu.memory_space<vmem>>, vector<16xf32>,
            %add3A_369 = arith.addf %select_n3A_364, %get3A_368 : vector<16xf32>
            %max3A_370 = arith.constant 0.000000e+00 : f32
            %max3A_371 = vector.broadcast %max3A_370 : f32 to vector<16xf32>
            %max3A_372 = arith.maximumf %add3A_369, %max3A_371 : vector<16xf32>
            %mul3A_373 = vector.broadcast %squeeze3A_193 : f32 to vector<16xf32>
            %mul3A_374 = arith.mulf %max3A_372, %mul3A_373 : vector<16xf32>
            %swap3A_375 = arith.index_cast %add3A_120 : i32 to index
            %swap3A_376 = arith.constant 80 : index
            %swap3A_377 = tpu.vector_load %arg17[%swap3A_375, %swap3A_376] {strides = array<i32>} : memref<64x128xf32, #tpu.memory_space<vmem>>, vector<16xf32>,
            tpu.vector_store %arg17[%swap3A_375, %swap3A_376], %mul3A_374 {add = true, strides = array<i32>} : memref<64x128xf32, #tpu.memory_space<vmem>>, vector<16xf32>,
            %convert_element_type3A_378 = arith.extui %lt3A_194 : i1 to i32
            %cond3A_379 = arith.constant 0 : i32
            %cond3A_380 = arith.cmpi ne, %convert_element_type3A_378, %cond3A_379 : i32
            scf.if %cond3A_380 {
              %swap3A_456 = arith.constant 80 : index
              %swap3A_457 = tpu.vector_load %arg18[%swap3A_456] {strides = array<i32>} : memref<384xf32, #tpu.memory_space<vmem>>, vector<16xf32>,
              tpu.vector_store %arg18[%swap3A_456], %mul3A_374 {add = true, strides = array<i32>} : memref<384xf32, #tpu.memory_space<vmem>>, vector<16xf32>,
            } else {
            }
            %get3A_381 = arith.index_cast %add3A_120 : i32 to index
            %get3A_382 = arith.constant 96 : index
            %get3A_383 = tpu.vector_load %arg12[%get3A_381, %get3A_382] {strides = array<i32>} : memref<64x512xf32, #tpu.memory_space<vmem>>, vector<16xf32>,
            %get3A_384 = arith.index_cast %add3A_120 : i32 to index
            %get3A_385 = arith.constant 224 : index
            %get3A_386 = tpu.vector_load %arg12[%get3A_384, %get3A_385] {strides = array<i32>} : memref<64x512xf32, #tpu.memory_space<vmem>>, vector<16xf32>,
            %get3A_387 = arith.index_cast %add3A_195 : i32 to index
            %get3A_388 = arith.constant 96 : index
            %get3A_389 = tpu.vector_load %arg14[%get3A_387, %get3A_388] {strides = array<i32>} : memref<64x768xf32, #tpu.memory_space<vmem>>, vector<16xf32>,
            %get3A_390 = arith.index_cast %add3A_195 : i32 to index
            %get3A_391 = arith.constant 224 : index
            %get3A_392 = tpu.vector_load %arg14[%get3A_390, %get3A_391] {strides = array<i32>} : memref<64x768xf32, #tpu.memory_space<vmem>>, vector<16xf32>,
            %add3A_393 = arith.addf %get3A_383, %get3A_392 : vector<16xf32>
            %add3A_394 = arith.addf %get3A_389, %get3A_386 : vector<16xf32>
            %select_n3A_395 = arith.select %lt3A_194, %add3A_393, %add3A_394 : vector<16xf32>
            %get3A_396 = arith.constant 0 : i32
            %get3A_397 = arith.index_cast %get3A_396 : i32 to index
            %get3A_398 = arith.constant 96 : index
            %get3A_399 = tpu.vector_load %arg19[%get3A_397, %get3A_398] {strides = array<i32>} : memref<3x128xf32, #tpu.memory_space<vmem>>, vector<16xf32>,
            %add3A_400 = arith.addf %select_n3A_395, %get3A_399 : vector<16xf32>
            %max3A_401 = arith.constant 0.000000e+00 : f32
            %max3A_402 = vector.broadcast %max3A_401 : f32 to vector<16xf32>
            %max3A_403 = arith.maximumf %add3A_400, %max3A_402 : vector<16xf32>
            %mul3A_404 = vector.broadcast %squeeze3A_193 : f32 to vector<16xf32>
            %mul3A_405 = arith.mulf %max3A_403, %mul3A_404 : vector<16xf32>
            %swap3A_406 = arith.index_cast %add3A_120 : i32 to index
            %swap3A_407 = arith.constant 96 : index
            %swap3A_408 = tpu.vector_load %arg17[%swap3A_406, %swap3A_407] {strides = array<i32>} : memref<64x128xf32, #tpu.memory_space<vmem>>, vector<16xf32>,
            tpu.vector_store %arg17[%swap3A_406, %swap3A_407], %mul3A_405 {add = true, strides = array<i32>} : memref<64x128xf32, #tpu.memory_space<vmem>>, vector<16xf32>,
            %convert_element_type3A_409 = arith.extui %lt3A_194 : i1 to i32
            %cond3A_410 = arith.constant 0 : i32
            %cond3A_411 = arith.cmpi ne, %convert_element_type3A_409, %cond3A_410 : i32
            scf.if %cond3A_411 {
              %swap3A_456 = arith.constant 96 : index
              %swap3A_457 = tpu.vector_load %arg18[%swap3A_456] {strides = array<i32>} : memref<384xf32, #tpu.memory_space<vmem>>, vector<16xf32>,
              tpu.vector_store %arg18[%swap3A_456], %mul3A_405 {add = true, strides = array<i32>} : memref<384xf32, #tpu.memory_space<vmem>>, vector<16xf32>,
            } else {
            }
            %get3A_412 = arith.index_cast %add3A_120 : i32 to index
            %get3A_413 = arith.constant 112 : index
            %get3A_414 = tpu.vector_load %arg12[%get3A_412, %get3A_413] {strides = array<i32>} : memref<64x512xf32, #tpu.memory_space<vmem>>, vector<16xf32>,
            %get3A_415 = arith.index_cast %add3A_120 : i32 to index
            %get3A_416 = arith.constant 240 : index
            %get3A_417 = tpu.vector_load %arg12[%get3A_415, %get3A_416] {strides = array<i32>} : memref<64x512xf32, #tpu.memory_space<vmem>>, vector<16xf32>,
            %get3A_418 = arith.index_cast %add3A_195 : i32 to index
            %get3A_419 = arith.constant 112 : index
            %get3A_420 = tpu.vector_load %arg14[%get3A_418, %get3A_419] {strides = array<i32>} : memref<64x768xf32, #tpu.memory_space<vmem>>, vector<16xf32>,
            %get3A_421 = arith.index_cast %add3A_195 : i32 to index
            %get3A_422 = arith.constant 240 : index
            %get3A_423 = tpu.vector_load %arg14[%get3A_421, %get3A_422] {strides = array<i32>} : memref<64x768xf32, #tpu.memory_space<vmem>>, vector<16xf32>,
            %add3A_424 = arith.addf %get3A_414, %get3A_423 : vector<16xf32>
            %add3A_425 = arith.addf %get3A_420, %get3A_417 : vector<16xf32>
            %select_n3A_426 = arith.select %lt3A_194, %add3A_424, %add3A_425 : vector<16xf32>
            %get3A_427 = arith.constant 0 : i32
            %get3A_428 = arith.index_cast %get3A_427 : i32 to index
            %get3A_429 = arith.constant 112 : index
            %get3A_430 = tpu.vector_load %arg19[%get3A_428, %get3A_429] {strides = array<i32>} : memref<3x128xf32, #tpu.memory_space<vmem>>, vector<16xf32>,
            %add3A_431 = arith.addf %select_n3A_426, %get3A_430 : vector<16xf32>
            %max3A_432 = arith.constant 0.000000e+00 : f32
            %max3A_433 = vector.broadcast %max3A_432 : f32 to vector<16xf32>
            %max3A_434 = arith.maximumf %add3A_431, %max3A_433 : vector<16xf32>
            %mul3A_435 = vector.broadcast %squeeze3A_193 : f32 to vector<16xf32>
            %mul3A_436 = arith.mulf %max3A_434, %mul3A_435 : vector<16xf32>
            %swap3A_437 = arith.index_cast %add3A_120 : i32 to index
            %swap3A_438 = arith.constant 112 : index
            %swap3A_439 = tpu.vector_load %arg17[%swap3A_437, %swap3A_438] {strides = array<i32>} : memref<64x128xf32, #tpu.memory_space<vmem>>, vector<16xf32>,
            tpu.vector_store %arg17[%swap3A_437, %swap3A_438], %mul3A_436 {add = true, strides = array<i32>} : memref<64x128xf32, #tpu.memory_space<vmem>>, vector<16xf32>,
            %convert_element_type3A_440 = arith.extui %lt3A_194 : i1 to i32
            %cond3A_441 = arith.constant 0 : i32
            %cond3A_442 = arith.cmpi ne, %convert_element_type3A_440, %cond3A_441 : i32
            scf.if %cond3A_442 {
              %swap3A_456 = arith.constant 112 : index
              %swap3A_457 = tpu.vector_load %arg18[%swap3A_456] {strides = array<i32>} : memref<384xf32, #tpu.memory_space<vmem>>, vector<16xf32>,
              tpu.vector_store %arg18[%swap3A_456], %mul3A_436 {add = true, strides = array<i32>} : memref<384xf32, #tpu.memory_space<vmem>>, vector<16xf32>,
            } else {
            }
            %while3A_443 = arith.constant 0 : i32
            %while3A_444 = arith.constant 0 : i32
            %while3A_445 = arith.subi %while3A_182, %while3A_443 : i32
            %while3A_446 = arith.addi %while3A_443, %while3A_445 : i32
            %while3A_447 = arith.constant 1 : i32
            %while3A_448 = arith.divsi %while3A_445, %while3A_447 : i32
            %while3A_449 = arith.muli %while3A_448, %while3A_447 : i32
            %while3A_450 = arith.addi %while3A_443, %while3A_449 : i32
            %while3A_451 = arith.constant 1 : i32
            %while3A_452 = scf.for %while3A_456 = %while3A_443 to %while3A_450 step %while3A_451 iter_args(%while3A_457 = %while3A_444) -> (i32)  : i32 {
              %get3A_458 = arith.index_cast %add3A_120 : i32 to index
              %get3A_459 = arith.constant 256 : index
              %get3A_460 = tpu.vector_load %arg12[%get3A_458, %get3A_459] {strides = array<i32>} : memref<64x512xf32, #tpu.memory_space<vmem>>, vector<16xf32>,
              %get3A_461 = arith.index_cast %add3A_195 : i32 to index
              %get3A_462 = arith.constant 256 : index
              %get3A_463 = tpu.vector_load %arg14[%get3A_461, %get3A_462] {strides = array<i32>} : memref<64x768xf32, #tpu.memory_space<vmem>>, vector<16xf32>,
              %add3A_464 = arith.addf %get3A_460, %get3A_463 : vector<16xf32>
              %add3A_465 = arith.addi %select_n3A, %while3A_456 : i32
              %get3A_466 = arith.index_cast %add3A_465 : i32 to index
              %get3A_467 = arith.constant 384 : index
              %get3A_468 = tpu.vector_load %arg14[%get3A_466, %get3A_467] {strides = array<i32>} : memref<64x768xf32, #tpu.memory_space<vmem>>, vector<16xf32>,
              %add3A_469 = arith.addf %add3A_464, %get3A_468 : vector<16xf32>
              %get3A_470 = arith.constant 1 : i32
              %get3A_471 = arith.index_cast %get3A_470 : i32 to index
              %get3A_472 = arith.constant 0 : index
              %get3A_473 = tpu.vector_load %arg19[%get3A_471, %get3A_472] {strides = array<i32>} : memref<3x128xf32, #tpu.memory_space<vmem>>, vector<16xf32>,
              %add3A_474 = arith.addf %add3A_469, %get3A_473 : vector<16xf32>
              %max3A_475 = arith.constant 0.000000e+00 : f32
              %max3A_476 = vector.broadcast %max3A_475 : f32 to vector<16xf32>
              %max3A_477 = arith.maximumf %add3A_474, %max3A_476 : vector<16xf32>
              %swap3A_478 = arith.constant 128 : index
              %swap3A_479 = tpu.vector_load %arg18[%swap3A_478] {strides = array<i32>} : memref<384xf32, #tpu.memory_space<vmem>>, vector<16xf32>,
              tpu.vector_store %arg18[%swap3A_478], %max3A_477 {add = true, strides = array<i32>} : memref<384xf32, #tpu.memory_space<vmem>>, vector<16xf32>,
              %get3A_480 = arith.index_cast %add3A_120 : i32 to index
              %get3A_481 = arith.constant 272 : index
              %get3A_482 = tpu.vector_load %arg12[%get3A_480, %get3A_481] {strides = array<i32>} : memref<64x512xf32, #tpu.memory_space<vmem>>, vector<16xf32>,
              %get3A_483 = arith.index_cast %add3A_195 : i32 to index
              %get3A_484 = arith.constant 272 : index
              %get3A_485 = tpu.vector_load %arg14[%get3A_483, %get3A_484] {strides = array<i32>} : memref<64x768xf32, #tpu.memory_space<vmem>>, vector<16xf32>,
              %add3A_486 = arith.addf %get3A_482, %get3A_485 : vector<16xf32>
              %add3A_487 = arith.addi %select_n3A, %while3A_456 : i32
              %get3A_488 = arith.index_cast %add3A_487 : i32 to index
              %get3A_489 = arith.constant 400 : index
              %get3A_490 = tpu.vector_load %arg14[%get3A_488, %get3A_489] {strides = array<i32>} : memref<64x768xf32, #tpu.memory_space<vmem>>, vector<16xf32>,
              %add3A_491 = arith.addf %add3A_486, %get3A_490 : vector<16xf32>
              %get3A_492 = arith.constant 1 : i32
              %get3A_493 = arith.index_cast %get3A_492 : i32 to index
              %get3A_494 = arith.constant 16 : index
              %get3A_495 = tpu.vector_load %arg19[%get3A_493, %get3A_494] {strides = array<i32>} : memref<3x128xf32, #tpu.memory_space<vmem>>, vector<16xf32>,
              %add3A_496 = arith.addf %add3A_491, %get3A_495 : vector<16xf32>
              %max3A_497 = arith.constant 0.000000e+00 : f32
              %max3A_498 = vector.broadcast %max3A_497 : f32 to vector<16xf32>
              %max3A_499 = arith.maximumf %add3A_496, %max3A_498 : vector<16xf32>
              %swap3A_500 = arith.constant 144 : index
              %swap3A_501 = tpu.vector_load %arg18[%swap3A_500] {strides = array<i32>} : memref<384xf32, #tpu.memory_space<vmem>>, vector<16xf32>,
              tpu.vector_store %arg18[%swap3A_500], %max3A_499 {add = true, strides = array<i32>} : memref<384xf32, #tpu.memory_space<vmem>>, vector<16xf32>,
              %get3A_502 = arith.index_cast %add3A_120 : i32 to index
              %get3A_503 = arith.constant 288 : index
              %get3A_504 = tpu.vector_load %arg12[%get3A_502, %get3A_503] {strides = array<i32>} : memref<64x512xf32, #tpu.memory_space<vmem>>, vector<16xf32>,
              %get3A_505 = arith.index_cast %add3A_195 : i32 to index
              %get3A_506 = arith.constant 288 : index
              %get3A_507 = tpu.vector_load %arg14[%get3A_505, %get3A_506] {strides = array<i32>} : memref<64x768xf32, #tpu.memory_space<vmem>>, vector<16xf32>,
              %add3A_508 = arith.addf %get3A_504, %get3A_507 : vector<16xf32>
              %add3A_509 = arith.addi %select_n3A, %while3A_456 : i32
              %get3A_510 = arith.index_cast %add3A_509 : i32 to index
              %get3A_511 = arith.constant 416 : index
              %get3A_512 = tpu.vector_load %arg14[%get3A_510, %get3A_511] {strides = array<i32>} : memref<64x768xf32, #tpu.memory_space<vmem>>, vector<16xf32>,
              %add3A_513 = arith.addf %add3A_508, %get3A_512 : vector<16xf32>
              %get3A_514 = arith.constant 1 : i32
              %get3A_515 = arith.index_cast %get3A_514 : i32 to index
              %get3A_516 = arith.constant 32 : index
              %get3A_517 = tpu.vector_load %arg19[%get3A_515, %get3A_516] {strides = array<i32>} : memref<3x128xf32, #tpu.memory_space<vmem>>, vector<16xf32>,
              %add3A_518 = arith.addf %add3A_513, %get3A_517 : vector<16xf32>
              %max3A_519 = arith.constant 0.000000e+00 : f32
              %max3A_520 = vector.broadcast %max3A_519 : f32 to vector<16xf32>
              %max3A_521 = arith.maximumf %add3A_518, %max3A_520 : vector<16xf32>
              %swap3A_522 = arith.constant 160 : index
              %swap3A_523 = tpu.vector_load %arg18[%swap3A_522] {strides = array<i32>} : memref<384xf32, #tpu.memory_space<vmem>>, vector<16xf32>,
              tpu.vector_store %arg18[%swap3A_522], %max3A_521 {add = true, strides = array<i32>} : memref<384xf32, #tpu.memory_space<vmem>>, vector<16xf32>,
              %get3A_524 = arith.index_cast %add3A_120 : i32 to index
              %get3A_525 = arith.constant 304 : index
              %get3A_526 = tpu.vector_load %arg12[%get3A_524, %get3A_525] {strides = array<i32>} : memref<64x512xf32, #tpu.memory_space<vmem>>, vector<16xf32>,
              %get3A_527 = arith.index_cast %add3A_195 : i32 to index
              %get3A_528 = arith.constant 304 : index
              %get3A_529 = tpu.vector_load %arg14[%get3A_527, %get3A_528] {strides = array<i32>} : memref<64x768xf32, #tpu.memory_space<vmem>>, vector<16xf32>,
              %add3A_530 = arith.addf %get3A_526, %get3A_529 : vector<16xf32>
              %add3A_531 = arith.addi %select_n3A, %while3A_456 : i32
              %get3A_532 = arith.index_cast %add3A_531 : i32 to index
              %get3A_533 = arith.constant 432 : index
              %get3A_534 = tpu.vector_load %arg14[%get3A_532, %get3A_533] {strides = array<i32>} : memref<64x768xf32, #tpu.memory_space<vmem>>, vector<16xf32>,
              %add3A_535 = arith.addf %add3A_530, %get3A_534 : vector<16xf32>
              %get3A_536 = arith.constant 1 : i32
              %get3A_537 = arith.index_cast %get3A_536 : i32 to index
              %get3A_538 = arith.constant 48 : index
              %get3A_539 = tpu.vector_load %arg19[%get3A_537, %get3A_538] {strides = array<i32>} : memref<3x128xf32, #tpu.memory_space<vmem>>, vector<16xf32>,
              %add3A_540 = arith.addf %add3A_535, %get3A_539 : vector<16xf32>
              %max3A_541 = arith.constant 0.000000e+00 : f32
              %max3A_542 = vector.broadcast %max3A_541 : f32 to vector<16xf32>
              %max3A_543 = arith.maximumf %add3A_540, %max3A_542 : vector<16xf32>
              %swap3A_544 = arith.constant 176 : index
              %swap3A_545 = tpu.vector_load %arg18[%swap3A_544] {strides = array<i32>} : memref<384xf32, #tpu.memory_space<vmem>>, vector<16xf32>,
              tpu.vector_store %arg18[%swap3A_544], %max3A_543 {add = true, strides = array<i32>} : memref<384xf32, #tpu.memory_space<vmem>>, vector<16xf32>,
              %get3A_546 = arith.index_cast %add3A_120 : i32 to index
              %get3A_547 = arith.constant 320 : index
              %get3A_548 = tpu.vector_load %arg12[%get3A_546, %get3A_547] {strides = array<i32>} : memref<64x512xf32, #tpu.memory_space<vmem>>, vector<16xf32>,
              %get3A_549 = arith.index_cast %add3A_195 : i32 to index
              %get3A_550 = arith.constant 320 : index
              %get3A_551 = tpu.vector_load %arg14[%get3A_549, %get3A_550] {strides = array<i32>} : memref<64x768xf32, #tpu.memory_space<vmem>>, vector<16xf32>,
              %add3A_552 = arith.addf %get3A_548, %get3A_551 : vector<16xf32>
              %add3A_553 = arith.addi %select_n3A, %while3A_456 : i32
              %get3A_554 = arith.index_cast %add3A_553 : i32 to index
              %get3A_555 = arith.constant 448 : index
              %get3A_556 = tpu.vector_load %arg14[%get3A_554, %get3A_555] {strides = array<i32>} : memref<64x768xf32, #tpu.memory_space<vmem>>, vector<16xf32>,
              %add3A_557 = arith.addf %add3A_552, %get3A_556 : vector<16xf32>
              %get3A_558 = arith.constant 1 : i32
              %get3A_559 = arith.index_cast %get3A_558 : i32 to index
              %get3A_560 = arith.constant 64 : index
              %get3A_561 = tpu.vector_load %arg19[%get3A_559, %get3A_560] {strides = array<i32>} : memref<3x128xf32, #tpu.memory_space<vmem>>, vector<16xf32>,
              %add3A_562 = arith.addf %add3A_557, %get3A_561 : vector<16xf32>
              %max3A_563 = arith.constant 0.000000e+00 : f32
              %max3A_564 = vector.broadcast %max3A_563 : f32 to vector<16xf32>
              %max3A_565 = arith.maximumf %add3A_562, %max3A_564 : vector<16xf32>
              %swap3A_566 = arith.constant 192 : index
              %swap3A_567 = tpu.vector_load %arg18[%swap3A_566] {strides = array<i32>} : memref<384xf32, #tpu.memory_space<vmem>>, vector<16xf32>,
              tpu.vector_store %arg18[%swap3A_566], %max3A_565 {add = true, strides = array<i32>} : memref<384xf32, #tpu.memory_space<vmem>>, vector<16xf32>,
              %get3A_568 = arith.index_cast %add3A_120 : i32 to index
              %get3A_569 = arith.constant 336 : index
              %get3A_570 = tpu.vector_load %arg12[%get3A_568, %get3A_569] {strides = array<i32>} : memref<64x512xf32, #tpu.memory_space<vmem>>, vector<16xf32>,
              %get3A_571 = arith.index_cast %add3A_195 : i32 to index
              %get3A_572 = arith.constant 336 : index
              %get3A_573 = tpu.vector_load %arg14[%get3A_571, %get3A_572] {strides = array<i32>} : memref<64x768xf32, #tpu.memory_space<vmem>>, vector<16xf32>,
              %add3A_574 = arith.addf %get3A_570, %get3A_573 : vector<16xf32>
              %add3A_575 = arith.addi %select_n3A, %while3A_456 : i32
              %get3A_576 = arith.index_cast %add3A_575 : i32 to index
              %get3A_577 = arith.constant 464 : index
              %get3A_578 = tpu.vector_load %arg14[%get3A_576, %get3A_577] {strides = array<i32>} : memref<64x768xf32, #tpu.memory_space<vmem>>, vector<16xf32>,
              %add3A_579 = arith.addf %add3A_574, %get3A_578 : vector<16xf32>
              %get3A_580 = arith.constant 1 : i32
              %get3A_581 = arith.index_cast %get3A_580 : i32 to index
              %get3A_582 = arith.constant 80 : index
              %get3A_583 = tpu.vector_load %arg19[%get3A_581, %get3A_582] {strides = array<i32>} : memref<3x128xf32, #tpu.memory_space<vmem>>, vector<16xf32>,
              %add3A_584 = arith.addf %add3A_579, %get3A_583 : vector<16xf32>
              %max3A_585 = arith.constant 0.000000e+00 : f32
              %max3A_586 = vector.broadcast %max3A_585 : f32 to vector<16xf32>
              %max3A_587 = arith.maximumf %add3A_584, %max3A_586 : vector<16xf32>
              %swap3A_588 = arith.constant 208 : index
              %swap3A_589 = tpu.vector_load %arg18[%swap3A_588] {strides = array<i32>} : memref<384xf32, #tpu.memory_space<vmem>>, vector<16xf32>,
              tpu.vector_store %arg18[%swap3A_588], %max3A_587 {add = true, strides = array<i32>} : memref<384xf32, #tpu.memory_space<vmem>>, vector<16xf32>,
              %get3A_590 = arith.index_cast %add3A_120 : i32 to index
              %get3A_591 = arith.constant 352 : index
              %get3A_592 = tpu.vector_load %arg12[%get3A_590, %get3A_591] {strides = array<i32>} : memref<64x512xf32, #tpu.memory_space<vmem>>, vector<16xf32>,
              %get3A_593 = arith.index_cast %add3A_195 : i32 to index
              %get3A_594 = arith.constant 352 : index
              %get3A_595 = tpu.vector_load %arg14[%get3A_593, %get3A_594] {strides = array<i32>} : memref<64x768xf32, #tpu.memory_space<vmem>>, vector<16xf32>,
              %add3A_596 = arith.addf %get3A_592, %get3A_595 : vector<16xf32>
              %add3A_597 = arith.addi %select_n3A, %while3A_456 : i32
              %get3A_598 = arith.index_cast %add3A_597 : i32 to index
              %get3A_599 = arith.constant 480 : index
              %get3A_600 = tpu.vector_load %arg14[%get3A_598, %get3A_599] {strides = array<i32>} : memref<64x768xf32, #tpu.memory_space<vmem>>, vector<16xf32>,
              %add3A_601 = arith.addf %add3A_596, %get3A_600 : vector<16xf32>
              %get3A_602 = arith.constant 1 : i32
              %get3A_603 = arith.index_cast %get3A_602 : i32 to index
              %get3A_604 = arith.constant 96 : index
              %get3A_605 = tpu.vector_load %arg19[%get3A_603, %get3A_604] {strides = array<i32>} : memref<3x128xf32, #tpu.memory_space<vmem>>, vector<16xf32>,
              %add3A_606 = arith.addf %add3A_601, %get3A_605 : vector<16xf32>
              %max3A_607 = arith.constant 0.000000e+00 : f32
              %max3A_608 = vector.broadcast %max3A_607 : f32 to vector<16xf32>
              %max3A_609 = arith.maximumf %add3A_606, %max3A_608 : vector<16xf32>
              %swap3A_610 = arith.constant 224 : index
              %swap3A_611 = tpu.vector_load %arg18[%swap3A_610] {strides = array<i32>} : memref<384xf32, #tpu.memory_space<vmem>>, vector<16xf32>,
              tpu.vector_store %arg18[%swap3A_610], %max3A_609 {add = true, strides = array<i32>} : memref<384xf32, #tpu.memory_space<vmem>>, vector<16xf32>,
              %get3A_612 = arith.index_cast %add3A_120 : i32 to index
              %get3A_613 = arith.constant 368 : index
              %get3A_614 = tpu.vector_load %arg12[%get3A_612, %get3A_613] {strides = array<i32>} : memref<64x512xf32, #tpu.memory_space<vmem>>, vector<16xf32>,
              %get3A_615 = arith.index_cast %add3A_195 : i32 to index
              %get3A_616 = arith.constant 368 : index
              %get3A_617 = tpu.vector_load %arg14[%get3A_615, %get3A_616] {strides = array<i32>} : memref<64x768xf32, #tpu.memory_space<vmem>>, vector<16xf32>,
              %add3A_618 = arith.addf %get3A_614, %get3A_617 : vector<16xf32>
              %add3A_619 = arith.addi %select_n3A, %while3A_456 : i32
              %get3A_620 = arith.index_cast %add3A_619 : i32 to index
              %get3A_621 = arith.constant 496 : index
              %get3A_622 = tpu.vector_load %arg14[%get3A_620, %get3A_621] {strides = array<i32>} : memref<64x768xf32, #tpu.memory_space<vmem>>, vector<16xf32>,
              %add3A_623 = arith.addf %add3A_618, %get3A_622 : vector<16xf32>
              %get3A_624 = arith.constant 1 : i32
              %get3A_625 = arith.index_cast %get3A_624 : i32 to index
              %get3A_626 = arith.constant 112 : index
              %get3A_627 = tpu.vector_load %arg19[%get3A_625, %get3A_626] {strides = array<i32>} : memref<3x128xf32, #tpu.memory_space<vmem>>, vector<16xf32>,
              %add3A_628 = arith.addf %add3A_623, %get3A_627 : vector<16xf32>
              %max3A_629 = arith.constant 0.000000e+00 : f32
              %max3A_630 = vector.broadcast %max3A_629 : f32 to vector<16xf32>
              %max3A_631 = arith.maximumf %add3A_628, %max3A_630 : vector<16xf32>
              %swap3A_632 = arith.constant 240 : index
              %swap3A_633 = tpu.vector_load %arg18[%swap3A_632] {strides = array<i32>} : memref<384xf32, #tpu.memory_space<vmem>>, vector<16xf32>,
              tpu.vector_store %arg18[%swap3A_632], %max3A_631 {add = true, strides = array<i32>} : memref<384xf32, #tpu.memory_space<vmem>>, vector<16xf32>,
              %while3A_634 = arith.constant 0 : i32
              scf.yield %while3A_634 : i32
            }
            %while3A_453 = arith.constant 1 : i32
            %while3A_454 = scf.for %while3A_456 = %while3A_450 to %while3A_446 step %while3A_453 iter_args(%while3A_457 = %while3A_452) -> (i32)  : i32 {
              %get3A_458 = arith.index_cast %add3A_120 : i32 to index
              %get3A_459 = arith.constant 256 : index
              %get3A_460 = tpu.vector_load %arg12[%get3A_458, %get3A_459] {strides = array<i32>} : memref<64x512xf32, #tpu.memory_space<vmem>>, vector<16xf32>,
              %get3A_461 = arith.index_cast %add3A_195 : i32 to index
              %get3A_462 = arith.constant 256 : index
              %get3A_463 = tpu.vector_load %arg14[%get3A_461, %get3A_462] {strides = array<i32>} : memref<64x768xf32, #tpu.memory_space<vmem>>, vector<16xf32>,
              %add3A_464 = arith.addf %get3A_460, %get3A_463 : vector<16xf32>
              %add3A_465 = arith.addi %select_n3A, %while3A_456 : i32
              %get3A_466 = arith.index_cast %add3A_465 : i32 to index
              %get3A_467 = arith.constant 384 : index
              %get3A_468 = tpu.vector_load %arg14[%get3A_466, %get3A_467] {strides = array<i32>} : memref<64x768xf32, #tpu.memory_space<vmem>>, vector<16xf32>,
              %add3A_469 = arith.addf %add3A_464, %get3A_468 : vector<16xf32>
              %get3A_470 = arith.constant 1 : i32
              %get3A_471 = arith.index_cast %get3A_470 : i32 to index
              %get3A_472 = arith.constant 0 : index
              %get3A_473 = tpu.vector_load %arg19[%get3A_471, %get3A_472] {strides = array<i32>} : memref<3x128xf32, #tpu.memory_space<vmem>>, vector<16xf32>,
              %add3A_474 = arith.addf %add3A_469, %get3A_473 : vector<16xf32>
              %max3A_475 = arith.constant 0.000000e+00 : f32
              %max3A_476 = vector.broadcast %max3A_475 : f32 to vector<16xf32>
              %max3A_477 = arith.maximumf %add3A_474, %max3A_476 : vector<16xf32>
              %swap3A_478 = arith.constant 128 : index
              %swap3A_479 = tpu.vector_load %arg18[%swap3A_478] {strides = array<i32>} : memref<384xf32, #tpu.memory_space<vmem>>, vector<16xf32>,
              tpu.vector_store %arg18[%swap3A_478], %max3A_477 {add = true, strides = array<i32>} : memref<384xf32, #tpu.memory_space<vmem>>, vector<16xf32>,
              %get3A_480 = arith.index_cast %add3A_120 : i32 to index
              %get3A_481 = arith.constant 272 : index
              %get3A_482 = tpu.vector_load %arg12[%get3A_480, %get3A_481] {strides = array<i32>} : memref<64x512xf32, #tpu.memory_space<vmem>>, vector<16xf32>,
              %get3A_483 = arith.index_cast %add3A_195 : i32 to index
              %get3A_484 = arith.constant 272 : index
              %get3A_485 = tpu.vector_load %arg14[%get3A_483, %get3A_484] {strides = array<i32>} : memref<64x768xf32, #tpu.memory_space<vmem>>, vector<16xf32>,
              %add3A_486 = arith.addf %get3A_482, %get3A_485 : vector<16xf32>
              %add3A_487 = arith.addi %select_n3A, %while3A_456 : i32
              %get3A_488 = arith.index_cast %add3A_487 : i32 to index
              %get3A_489 = arith.constant 400 : index
              %get3A_490 = tpu.vector_load %arg14[%get3A_488, %get3A_489] {strides = array<i32>} : memref<64x768xf32, #tpu.memory_space<vmem>>, vector<16xf32>,
              %add3A_491 = arith.addf %add3A_486, %get3A_490 : vector<16xf32>
              %get3A_492 = arith.constant 1 : i32
              %get3A_493 = arith.index_cast %get3A_492 : i32 to index
              %get3A_494 = arith.constant 16 : index
              %get3A_495 = tpu.vector_load %arg19[%get3A_493, %get3A_494] {strides = array<i32>} : memref<3x128xf32, #tpu.memory_space<vmem>>, vector<16xf32>,
              %add3A_496 = arith.addf %add3A_491, %get3A_495 : vector<16xf32>
              %max3A_497 = arith.constant 0.000000e+00 : f32
              %max3A_498 = vector.broadcast %max3A_497 : f32 to vector<16xf32>
              %max3A_499 = arith.maximumf %add3A_496, %max3A_498 : vector<16xf32>
              %swap3A_500 = arith.constant 144 : index
              %swap3A_501 = tpu.vector_load %arg18[%swap3A_500] {strides = array<i32>} : memref<384xf32, #tpu.memory_space<vmem>>, vector<16xf32>,
              tpu.vector_store %arg18[%swap3A_500], %max3A_499 {add = true, strides = array<i32>} : memref<384xf32, #tpu.memory_space<vmem>>, vector<16xf32>,
              %get3A_502 = arith.index_cast %add3A_120 : i32 to index
              %get3A_503 = arith.constant 288 : index
              %get3A_504 = tpu.vector_load %arg12[%get3A_502, %get3A_503] {strides = array<i32>} : memref<64x512xf32, #tpu.memory_space<vmem>>, vector<16xf32>,
              %get3A_505 = arith.index_cast %add3A_195 : i32 to index
              %get3A_506 = arith.constant 288 : index
              %get3A_507 = tpu.vector_load %arg14[%get3A_505, %get3A_506] {strides = array<i32>} : memref<64x768xf32, #tpu.memory_space<vmem>>, vector<16xf32>,
              %add3A_508 = arith.addf %get3A_504, %get3A_507 : vector<16xf32>
              %add3A_509 = arith.addi %select_n3A, %while3A_456 : i32
              %get3A_510 = arith.index_cast %add3A_509 : i32 to index
              %get3A_511 = arith.constant 416 : index
              %get3A_512 = tpu.vector_load %arg14[%get3A_510, %get3A_511] {strides = array<i32>} : memref<64x768xf32, #tpu.memory_space<vmem>>, vector<16xf32>,
              %add3A_513 = arith.addf %add3A_508, %get3A_512 : vector<16xf32>
              %get3A_514 = arith.constant 1 : i32
              %get3A_515 = arith.index_cast %get3A_514 : i32 to index
              %get3A_516 = arith.constant 32 : index
              %get3A_517 = tpu.vector_load %arg19[%get3A_515, %get3A_516] {strides = array<i32>} : memref<3x128xf32, #tpu.memory_space<vmem>>, vector<16xf32>,
              %add3A_518 = arith.addf %add3A_513, %get3A_517 : vector<16xf32>
              %max3A_519 = arith.constant 0.000000e+00 : f32
              %max3A_520 = vector.broadcast %max3A_519 : f32 to vector<16xf32>
              %max3A_521 = arith.maximumf %add3A_518, %max3A_520 : vector<16xf32>
              %swap3A_522 = arith.constant 160 : index
              %swap3A_523 = tpu.vector_load %arg18[%swap3A_522] {strides = array<i32>} : memref<384xf32, #tpu.memory_space<vmem>>, vector<16xf32>,
              tpu.vector_store %arg18[%swap3A_522], %max3A_521 {add = true, strides = array<i32>} : memref<384xf32, #tpu.memory_space<vmem>>, vector<16xf32>,
              %get3A_524 = arith.index_cast %add3A_120 : i32 to index
              %get3A_525 = arith.constant 304 : index
              %get3A_526 = tpu.vector_load %arg12[%get3A_524, %get3A_525] {strides = array<i32>} : memref<64x512xf32, #tpu.memory_space<vmem>>, vector<16xf32>,
              %get3A_527 = arith.index_cast %add3A_195 : i32 to index
              %get3A_528 = arith.constant 304 : index
              %get3A_529 = tpu.vector_load %arg14[%get3A_527, %get3A_528] {strides = array<i32>} : memref<64x768xf32, #tpu.memory_space<vmem>>, vector<16xf32>,
              %add3A_530 = arith.addf %get3A_526, %get3A_529 : vector<16xf32>
              %add3A_531 = arith.addi %select_n3A, %while3A_456 : i32
              %get3A_532 = arith.index_cast %add3A_531 : i32 to index
              %get3A_533 = arith.constant 432 : index
              %get3A_534 = tpu.vector_load %arg14[%get3A_532, %get3A_533] {strides = array<i32>} : memref<64x768xf32, #tpu.memory_space<vmem>>, vector<16xf32>,
              %add3A_535 = arith.addf %add3A_530, %get3A_534 : vector<16xf32>
              %get3A_536 = arith.constant 1 : i32
              %get3A_537 = arith.index_cast %get3A_536 : i32 to index
              %get3A_538 = arith.constant 48 : index
              %get3A_539 = tpu.vector_load %arg19[%get3A_537, %get3A_538] {strides = array<i32>} : memref<3x128xf32, #tpu.memory_space<vmem>>, vector<16xf32>,
              %add3A_540 = arith.addf %add3A_535, %get3A_539 : vector<16xf32>
              %max3A_541 = arith.constant 0.000000e+00 : f32
              %max3A_542 = vector.broadcast %max3A_541 : f32 to vector<16xf32>
              %max3A_543 = arith.maximumf %add3A_540, %max3A_542 : vector<16xf32>
              %swap3A_544 = arith.constant 176 : index
              %swap3A_545 = tpu.vector_load %arg18[%swap3A_544] {strides = array<i32>} : memref<384xf32, #tpu.memory_space<vmem>>, vector<16xf32>,
              tpu.vector_store %arg18[%swap3A_544], %max3A_543 {add = true, strides = array<i32>} : memref<384xf32, #tpu.memory_space<vmem>>, vector<16xf32>,
              %get3A_546 = arith.index_cast %add3A_120 : i32 to index
              %get3A_547 = arith.constant 320 : index
              %get3A_548 = tpu.vector_load %arg12[%get3A_546, %get3A_547] {strides = array<i32>} : memref<64x512xf32, #tpu.memory_space<vmem>>, vector<16xf32>,
              %get3A_549 = arith.index_cast %add3A_195 : i32 to index
              %get3A_550 = arith.constant 320 : index
              %get3A_551 = tpu.vector_load %arg14[%get3A_549, %get3A_550] {strides = array<i32>} : memref<64x768xf32, #tpu.memory_space<vmem>>, vector<16xf32>,
              %add3A_552 = arith.addf %get3A_548, %get3A_551 : vector<16xf32>
              %add3A_553 = arith.addi %select_n3A, %while3A_456 : i32
              %get3A_554 = arith.index_cast %add3A_553 : i32 to index
              %get3A_555 = arith.constant 448 : index
              %get3A_556 = tpu.vector_load %arg14[%get3A_554, %get3A_555] {strides = array<i32>} : memref<64x768xf32, #tpu.memory_space<vmem>>, vector<16xf32>,
              %add3A_557 = arith.addf %add3A_552, %get3A_556 : vector<16xf32>
              %get3A_558 = arith.constant 1 : i32
              %get3A_559 = arith.index_cast %get3A_558 : i32 to index
              %get3A_560 = arith.constant 64 : index
              %get3A_561 = tpu.vector_load %arg19[%get3A_559, %get3A_560] {strides = array<i32>} : memref<3x128xf32, #tpu.memory_space<vmem>>, vector<16xf32>,
              %add3A_562 = arith.addf %add3A_557, %get3A_561 : vector<16xf32>
              %max3A_563 = arith.constant 0.000000e+00 : f32
              %max3A_564 = vector.broadcast %max3A_563 : f32 to vector<16xf32>
              %max3A_565 = arith.maximumf %add3A_562, %max3A_564 : vector<16xf32>
              %swap3A_566 = arith.constant 192 : index
              %swap3A_567 = tpu.vector_load %arg18[%swap3A_566] {strides = array<i32>} : memref<384xf32, #tpu.memory_space<vmem>>, vector<16xf32>,
              tpu.vector_store %arg18[%swap3A_566], %max3A_565 {add = true, strides = array<i32>} : memref<384xf32, #tpu.memory_space<vmem>>, vector<16xf32>,
              %get3A_568 = arith.index_cast %add3A_120 : i32 to index
              %get3A_569 = arith.constant 336 : index
              %get3A_570 = tpu.vector_load %arg12[%get3A_568, %get3A_569] {strides = array<i32>} : memref<64x512xf32, #tpu.memory_space<vmem>>, vector<16xf32>,
              %get3A_571 = arith.index_cast %add3A_195 : i32 to index
              %get3A_572 = arith.constant 336 : index
              %get3A_573 = tpu.vector_load %arg14[%get3A_571, %get3A_572] {strides = array<i32>} : memref<64x768xf32, #tpu.memory_space<vmem>>, vector<16xf32>,
              %add3A_574 = arith.addf %get3A_570, %get3A_573 : vector<16xf32>
              %add3A_575 = arith.addi %select_n3A, %while3A_456 : i32
              %get3A_576 = arith.index_cast %add3A_575 : i32 to index
              %get3A_577 = arith.constant 464 : index
              %get3A_578 = tpu.vector_load %arg14[%get3A_576, %get3A_577] {strides = array<i32>} : memref<64x768xf32, #tpu.memory_space<vmem>>, vector<16xf32>,
              %add3A_579 = arith.addf %add3A_574, %get3A_578 : vector<16xf32>
              %get3A_580 = arith.constant 1 : i32
              %get3A_581 = arith.index_cast %get3A_580 : i32 to index
              %get3A_582 = arith.constant 80 : index
              %get3A_583 = tpu.vector_load %arg19[%get3A_581, %get3A_582] {strides = array<i32>} : memref<3x128xf32, #tpu.memory_space<vmem>>, vector<16xf32>,
              %add3A_584 = arith.addf %add3A_579, %get3A_583 : vector<16xf32>
              %max3A_585 = arith.constant 0.000000e+00 : f32
              %max3A_586 = vector.broadcast %max3A_585 : f32 to vector<16xf32>
              %max3A_587 = arith.maximumf %add3A_584, %max3A_586 : vector<16xf32>
              %swap3A_588 = arith.constant 208 : index
              %swap3A_589 = tpu.vector_load %arg18[%swap3A_588] {strides = array<i32>} : memref<384xf32, #tpu.memory_space<vmem>>, vector<16xf32>,
              tpu.vector_store %arg18[%swap3A_588], %max3A_587 {add = true, strides = array<i32>} : memref<384xf32, #tpu.memory_space<vmem>>, vector<16xf32>,
              %get3A_590 = arith.index_cast %add3A_120 : i32 to index
              %get3A_591 = arith.constant 352 : index
              %get3A_592 = tpu.vector_load %arg12[%get3A_590, %get3A_591] {strides = array<i32>} : memref<64x512xf32, #tpu.memory_space<vmem>>, vector<16xf32>,
              %get3A_593 = arith.index_cast %add3A_195 : i32 to index
              %get3A_594 = arith.constant 352 : index
              %get3A_595 = tpu.vector_load %arg14[%get3A_593, %get3A_594] {strides = array<i32>} : memref<64x768xf32, #tpu.memory_space<vmem>>, vector<16xf32>,
              %add3A_596 = arith.addf %get3A_592, %get3A_595 : vector<16xf32>
              %add3A_597 = arith.addi %select_n3A, %while3A_456 : i32
              %get3A_598 = arith.index_cast %add3A_597 : i32 to index
              %get3A_599 = arith.constant 480 : index
              %get3A_600 = tpu.vector_load %arg14[%get3A_598, %get3A_599] {strides = array<i32>} : memref<64x768xf32, #tpu.memory_space<vmem>>, vector<16xf32>,
              %add3A_601 = arith.addf %add3A_596, %get3A_600 : vector<16xf32>
              %get3A_602 = arith.constant 1 : i32
              %get3A_603 = arith.index_cast %get3A_602 : i32 to index
              %get3A_604 = arith.constant 96 : index
              %get3A_605 = tpu.vector_load %arg19[%get3A_603, %get3A_604] {strides = array<i32>} : memref<3x128xf32, #tpu.memory_space<vmem>>, vector<16xf32>,
              %add3A_606 = arith.addf %add3A_601, %get3A_605 : vector<16xf32>
              %max3A_607 = arith.constant 0.000000e+00 : f32
              %max3A_608 = vector.broadcast %max3A_607 : f32 to vector<16xf32>
              %max3A_609 = arith.maximumf %add3A_606, %max3A_608 : vector<16xf32>
              %swap3A_610 = arith.constant 224 : index
              %swap3A_611 = tpu.vector_load %arg18[%swap3A_610] {strides = array<i32>} : memref<384xf32, #tpu.memory_space<vmem>>, vector<16xf32>,
              tpu.vector_store %arg18[%swap3A_610], %max3A_609 {add = true, strides = array<i32>} : memref<384xf32, #tpu.memory_space<vmem>>, vector<16xf32>,
              %get3A_612 = arith.index_cast %add3A_120 : i32 to index
              %get3A_613 = arith.constant 368 : index
              %get3A_614 = tpu.vector_load %arg12[%get3A_612, %get3A_613] {strides = array<i32>} : memref<64x512xf32, #tpu.memory_space<vmem>>, vector<16xf32>,
              %get3A_615 = arith.index_cast %add3A_195 : i32 to index
              %get3A_616 = arith.constant 368 : index
              %get3A_617 = tpu.vector_load %arg14[%get3A_615, %get3A_616] {strides = array<i32>} : memref<64x768xf32, #tpu.memory_space<vmem>>, vector<16xf32>,
              %add3A_618 = arith.addf %get3A_614, %get3A_617 : vector<16xf32>
              %add3A_619 = arith.addi %select_n3A, %while3A_456 : i32
              %get3A_620 = arith.index_cast %add3A_619 : i32 to index
              %get3A_621 = arith.constant 496 : index
              %get3A_622 = tpu.vector_load %arg14[%get3A_620, %get3A_621] {strides = array<i32>} : memref<64x768xf32, #tpu.memory_space<vmem>>, vector<16xf32>,
              %add3A_623 = arith.addf %add3A_618, %get3A_622 : vector<16xf32>
              %get3A_624 = arith.constant 1 : i32
              %get3A_625 = arith.index_cast %get3A_624 : i32 to index
              %get3A_626 = arith.constant 112 : index
              %get3A_627 = tpu.vector_load %arg19[%get3A_625, %get3A_626] {strides = array<i32>} : memref<3x128xf32, #tpu.memory_space<vmem>>, vector<16xf32>,
              %add3A_628 = arith.addf %add3A_623, %get3A_627 : vector<16xf32>
              %max3A_629 = arith.constant 0.000000e+00 : f32
              %max3A_630 = vector.broadcast %max3A_629 : f32 to vector<16xf32>
              %max3A_631 = arith.maximumf %add3A_628, %max3A_630 : vector<16xf32>
              %swap3A_632 = arith.constant 240 : index
              %swap3A_633 = tpu.vector_load %arg18[%swap3A_632] {strides = array<i32>} : memref<384xf32, #tpu.memory_space<vmem>>, vector<16xf32>,
              tpu.vector_store %arg18[%swap3A_632], %max3A_631 {add = true, strides = array<i32>} : memref<384xf32, #tpu.memory_space<vmem>>, vector<16xf32>,
              %while3A_634 = arith.constant 0 : i32
              scf.yield %while3A_634 : i32
            }
            %while3A_455 = arith.constant 0 : i32
            scf.yield %while3A_455 : i32
          }
          %while3A_155 = arith.constant 1 : i32
          %while3A_156 = scf.for %while3A_182 = %while3A_152 to %while3A_148 step %while3A_155 iter_args(%while3A_183 = %while3A_154) -> (i32)  : i32 {
            %get3A_184 = arith.index_cast %add3A_120 : i32 to index
            %get3A_185 = arith.index_cast %while3A_182 : i32 to index
            %get3A_186 = tpu.vector_load %arg10[%get3A_184, %get3A_185] {strides = array<i32>} : memref<64x128xi32, #tpu.memory_space<vmem>>, vector<16xi32>,
            %slice3A_187 = vector.extract_strided_slice %get3A_186 {offsets = [0], sizes = [1], strides = [1]} : vector<16xi32> to vector<1xi32>
            %squeeze3A_188 = vector.extract %slice3A_187[0] : i32 from vector<1xi32>
            %get3A_189 = arith.index_cast %add3A_120 : i32 to index
            %get3A_190 = arith.index_cast %while3A_182 : i32 to index
            %get3A_191 = tpu.vector_load %arg11[%get3A_189, %get3A_190] {strides = array<i32>} : memref<64x128xf32, #tpu.memory_space<vmem>>, vector<16xf32>,
            %slice3A_192 = vector.extract_strided_slice %get3A_191 {offsets = [0], sizes = [1], strides = [1]} : vector<16xf32> to vector<1xf32>
            %squeeze3A_193 = vector.extract %slice3A_192[0] : f32 from vector<1xf32>
            %lt3A_194 = arith.cmpi slt, %add3A_121, %squeeze3A_188 : i32
            %add3A_195 = arith.addi %select_n3A, %while3A_182 : i32
            %get3A_196 = arith.index_cast %add3A_120 : i32 to index
            %get3A_197 = arith.constant 0 : index
            %get3A_198 = tpu.vector_load %arg12[%get3A_196, %get3A_197] {strides = array<i32>} : memref<64x512xf32, #tpu.memory_space<vmem>>, vector<16xf32>,
            %get3A_199 = arith.index_cast %add3A_120 : i32 to index
            %get3A_200 = arith.constant 128 : index
            %get3A_201 = tpu.vector_load %arg12[%get3A_199, %get3A_200] {strides = array<i32>} : memref<64x512xf32, #tpu.memory_space<vmem>>, vector<16xf32>,
            %get3A_202 = arith.index_cast %add3A_195 : i32 to index
            %get3A_203 = arith.constant 0 : index
            %get3A_204 = tpu.vector_load %arg14[%get3A_202, %get3A_203] {strides = array<i32>} : memref<64x768xf32, #tpu.memory_space<vmem>>, vector<16xf32>,
            %get3A_205 = arith.index_cast %add3A_195 : i32 to index
            %get3A_206 = arith.constant 128 : index
            %get3A_207 = tpu.vector_load %arg14[%get3A_205, %get3A_206] {strides = array<i32>} : memref<64x768xf32, #tpu.memory_space<vmem>>, vector<16xf32>,
            %add3A_208 = arith.addf %get3A_198, %get3A_207 : vector<16xf32>
            %add3A_209 = arith.addf %get3A_204, %get3A_201 : vector<16xf32>
            %select_n3A_210 = arith.select %lt3A_194, %add3A_208, %add3A_209 : vector<16xf32>
            %get3A_211 = arith.constant 0 : i32
            %get3A_212 = arith.index_cast %get3A_211 : i32 to index
            %get3A_213 = arith.constant 0 : index
            %get3A_214 = tpu.vector_load %arg19[%get3A_212, %get3A_213] {strides = array<i32>} : memref<3x128xf32, #tpu.memory_space<vmem>>, vector<16xf32>,
            %add3A_215 = arith.addf %select_n3A_210, %get3A_214 : vector<16xf32>
            %max3A = arith.constant 0.000000e+00 : f32
            %max3A_216 = vector.broadcast %max3A : f32 to vector<16xf32>
            %max3A_217 = arith.maximumf %add3A_215, %max3A_216 : vector<16xf32>
            %mul3A_218 = vector.broadcast %squeeze3A_193 : f32 to vector<16xf32>
            %mul3A_219 = arith.mulf %max3A_217, %mul3A_218 : vector<16xf32>
            %swap3A_220 = arith.index_cast %add3A_120 : i32 to index
            %swap3A_221 = arith.constant 0 : index
            %swap3A_222 = tpu.vector_load %arg17[%swap3A_220, %swap3A_221] {strides = array<i32>} : memref<64x128xf32, #tpu.memory_space<vmem>>, vector<16xf32>,
            tpu.vector_store %arg17[%swap3A_220, %swap3A_221], %mul3A_219 {add = true, strides = array<i32>} : memref<64x128xf32, #tpu.memory_space<vmem>>, vector<16xf32>,
            %convert_element_type3A_223 = arith.extui %lt3A_194 : i1 to i32
            %cond3A_224 = arith.constant 0 : i32
            %cond3A_225 = arith.cmpi ne, %convert_element_type3A_223, %cond3A_224 : i32
            scf.if %cond3A_225 {
              %swap3A_456 = arith.constant 0 : index
              %swap3A_457 = tpu.vector_load %arg18[%swap3A_456] {strides = array<i32>} : memref<384xf32, #tpu.memory_space<vmem>>, vector<16xf32>,
              tpu.vector_store %arg18[%swap3A_456], %mul3A_219 {add = true, strides = array<i32>} : memref<384xf32, #tpu.memory_space<vmem>>, vector<16xf32>,
            } else {
            }
            %get3A_226 = arith.index_cast %add3A_120 : i32 to index
            %get3A_227 = arith.constant 16 : index
            %get3A_228 = tpu.vector_load %arg12[%get3A_226, %get3A_227] {strides = array<i32>} : memref<64x512xf32, #tpu.memory_space<vmem>>, vector<16xf32>,
            %get3A_229 = arith.index_cast %add3A_120 : i32 to index
            %get3A_230 = arith.constant 144 : index
            %get3A_231 = tpu.vector_load %arg12[%get3A_229, %get3A_230] {strides = array<i32>} : memref<64x512xf32, #tpu.memory_space<vmem>>, vector<16xf32>,
            %get3A_232 = arith.index_cast %add3A_195 : i32 to index
            %get3A_233 = arith.constant 16 : index
            %get3A_234 = tpu.vector_load %arg14[%get3A_232, %get3A_233] {strides = array<i32>} : memref<64x768xf32, #tpu.memory_space<vmem>>, vector<16xf32>,
            %get3A_235 = arith.index_cast %add3A_195 : i32 to index
            %get3A_236 = arith.constant 144 : index
            %get3A_237 = tpu.vector_load %arg14[%get3A_235, %get3A_236] {strides = array<i32>} : memref<64x768xf32, #tpu.memory_space<vmem>>, vector<16xf32>,
            %add3A_238 = arith.addf %get3A_228, %get3A_237 : vector<16xf32>
            %add3A_239 = arith.addf %get3A_234, %get3A_231 : vector<16xf32>
            %select_n3A_240 = arith.select %lt3A_194, %add3A_238, %add3A_239 : vector<16xf32>
            %get3A_241 = arith.constant 0 : i32
            %get3A_242 = arith.index_cast %get3A_241 : i32 to index
            %get3A_243 = arith.constant 16 : index
            %get3A_244 = tpu.vector_load %arg19[%get3A_242, %get3A_243] {strides = array<i32>} : memref<3x128xf32, #tpu.memory_space<vmem>>, vector<16xf32>,
            %add3A_245 = arith.addf %select_n3A_240, %get3A_244 : vector<16xf32>
            %max3A_246 = arith.constant 0.000000e+00 : f32
            %max3A_247 = vector.broadcast %max3A_246 : f32 to vector<16xf32>
            %max3A_248 = arith.maximumf %add3A_245, %max3A_247 : vector<16xf32>
            %mul3A_249 = vector.broadcast %squeeze3A_193 : f32 to vector<16xf32>
            %mul3A_250 = arith.mulf %max3A_248, %mul3A_249 : vector<16xf32>
            %swap3A_251 = arith.index_cast %add3A_120 : i32 to index
            %swap3A_252 = arith.constant 16 : index
            %swap3A_253 = tpu.vector_load %arg17[%swap3A_251, %swap3A_252] {strides = array<i32>} : memref<64x128xf32, #tpu.memory_space<vmem>>, vector<16xf32>,
            tpu.vector_store %arg17[%swap3A_251, %swap3A_252], %mul3A_250 {add = true, strides = array<i32>} : memref<64x128xf32, #tpu.memory_space<vmem>>, vector<16xf32>,
            %convert_element_type3A_254 = arith.extui %lt3A_194 : i1 to i32
            %cond3A_255 = arith.constant 0 : i32
            %cond3A_256 = arith.cmpi ne, %convert_element_type3A_254, %cond3A_255 : i32
            scf.if %cond3A_256 {
              %swap3A_456 = arith.constant 16 : index
              %swap3A_457 = tpu.vector_load %arg18[%swap3A_456] {strides = array<i32>} : memref<384xf32, #tpu.memory_space<vmem>>, vector<16xf32>,
              tpu.vector_store %arg18[%swap3A_456], %mul3A_250 {add = true, strides = array<i32>} : memref<384xf32, #tpu.memory_space<vmem>>, vector<16xf32>,
            } else {
            }
            %get3A_257 = arith.index_cast %add3A_120 : i32 to index
            %get3A_258 = arith.constant 32 : index
            %get3A_259 = tpu.vector_load %arg12[%get3A_257, %get3A_258] {strides = array<i32>} : memref<64x512xf32, #tpu.memory_space<vmem>>, vector<16xf32>,
            %get3A_260 = arith.index_cast %add3A_120 : i32 to index
            %get3A_261 = arith.constant 160 : index
            %get3A_262 = tpu.vector_load %arg12[%get3A_260, %get3A_261] {strides = array<i32>} : memref<64x512xf32, #tpu.memory_space<vmem>>, vector<16xf32>,
            %get3A_263 = arith.index_cast %add3A_195 : i32 to index
            %get3A_264 = arith.constant 32 : index
            %get3A_265 = tpu.vector_load %arg14[%get3A_263, %get3A_264] {strides = array<i32>} : memref<64x768xf32, #tpu.memory_space<vmem>>, vector<16xf32>,
            %get3A_266 = arith.index_cast %add3A_195 : i32 to index
            %get3A_267 = arith.constant 160 : index
            %get3A_268 = tpu.vector_load %arg14[%get3A_266, %get3A_267] {strides = array<i32>} : memref<64x768xf32, #tpu.memory_space<vmem>>, vector<16xf32>,
            %add3A_269 = arith.addf %get3A_259, %get3A_268 : vector<16xf32>
            %add3A_270 = arith.addf %get3A_265, %get3A_262 : vector<16xf32>
            %select_n3A_271 = arith.select %lt3A_194, %add3A_269, %add3A_270 : vector<16xf32>
            %get3A_272 = arith.constant 0 : i32
            %get3A_273 = arith.index_cast %get3A_272 : i32 to index
            %get3A_274 = arith.constant 32 : index
            %get3A_275 = tpu.vector_load %arg19[%get3A_273, %get3A_274] {strides = array<i32>} : memref<3x128xf32, #tpu.memory_space<vmem>>, vector<16xf32>,
            %add3A_276 = arith.addf %select_n3A_271, %get3A_275 : vector<16xf32>
            %max3A_277 = arith.constant 0.000000e+00 : f32
            %max3A_278 = vector.broadcast %max3A_277 : f32 to vector<16xf32>
            %max3A_279 = arith.maximumf %add3A_276, %max3A_278 : vector<16xf32>
            %mul3A_280 = vector.broadcast %squeeze3A_193 : f32 to vector<16xf32>
            %mul3A_281 = arith.mulf %max3A_279, %mul3A_280 : vector<16xf32>
            %swap3A_282 = arith.index_cast %add3A_120 : i32 to index
            %swap3A_283 = arith.constant 32 : index
            %swap3A_284 = tpu.vector_load %arg17[%swap3A_282, %swap3A_283] {strides = array<i32>} : memref<64x128xf32, #tpu.memory_space<vmem>>, vector<16xf32>,
            tpu.vector_store %arg17[%swap3A_282, %swap3A_283], %mul3A_281 {add = true, strides = array<i32>} : memref<64x128xf32, #tpu.memory_space<vmem>>, vector<16xf32>,
            %convert_element_type3A_285 = arith.extui %lt3A_194 : i1 to i32
            %cond3A_286 = arith.constant 0 : i32
            %cond3A_287 = arith.cmpi ne, %convert_element_type3A_285, %cond3A_286 : i32
            scf.if %cond3A_287 {
              %swap3A_456 = arith.constant 32 : index
              %swap3A_457 = tpu.vector_load %arg18[%swap3A_456] {strides = array<i32>} : memref<384xf32, #tpu.memory_space<vmem>>, vector<16xf32>,
              tpu.vector_store %arg18[%swap3A_456], %mul3A_281 {add = true, strides = array<i32>} : memref<384xf32, #tpu.memory_space<vmem>>, vector<16xf32>,
            } else {
            }
            %get3A_288 = arith.index_cast %add3A_120 : i32 to index
            %get3A_289 = arith.constant 48 : index
            %get3A_290 = tpu.vector_load %arg12[%get3A_288, %get3A_289] {strides = array<i32>} : memref<64x512xf32, #tpu.memory_space<vmem>>, vector<16xf32>,
            %get3A_291 = arith.index_cast %add3A_120 : i32 to index
            %get3A_292 = arith.constant 176 : index
            %get3A_293 = tpu.vector_load %arg12[%get3A_291, %get3A_292] {strides = array<i32>} : memref<64x512xf32, #tpu.memory_space<vmem>>, vector<16xf32>,
            %get3A_294 = arith.index_cast %add3A_195 : i32 to index
            %get3A_295 = arith.constant 48 : index
            %get3A_296 = tpu.vector_load %arg14[%get3A_294, %get3A_295] {strides = array<i32>} : memref<64x768xf32, #tpu.memory_space<vmem>>, vector<16xf32>,
            %get3A_297 = arith.index_cast %add3A_195 : i32 to index
            %get3A_298 = arith.constant 176 : index
            %get3A_299 = tpu.vector_load %arg14[%get3A_297, %get3A_298] {strides = array<i32>} : memref<64x768xf32, #tpu.memory_space<vmem>>, vector<16xf32>,
            %add3A_300 = arith.addf %get3A_290, %get3A_299 : vector<16xf32>
            %add3A_301 = arith.addf %get3A_296, %get3A_293 : vector<16xf32>
            %select_n3A_302 = arith.select %lt3A_194, %add3A_300, %add3A_301 : vector<16xf32>
            %get3A_303 = arith.constant 0 : i32
            %get3A_304 = arith.index_cast %get3A_303 : i32 to index
            %get3A_305 = arith.constant 48 : index
            %get3A_306 = tpu.vector_load %arg19[%get3A_304, %get3A_305] {strides = array<i32>} : memref<3x128xf32, #tpu.memory_space<vmem>>, vector<16xf32>,
            %add3A_307 = arith.addf %select_n3A_302, %get3A_306 : vector<16xf32>
            %max3A_308 = arith.constant 0.000000e+00 : f32
            %max3A_309 = vector.broadcast %max3A_308 : f32 to vector<16xf32>
            %max3A_310 = arith.maximumf %add3A_307, %max3A_309 : vector<16xf32>
            %mul3A_311 = vector.broadcast %squeeze3A_193 : f32 to vector<16xf32>
            %mul3A_312 = arith.mulf %max3A_310, %mul3A_311 : vector<16xf32>
            %swap3A_313 = arith.index_cast %add3A_120 : i32 to index
            %swap3A_314 = arith.constant 48 : index
            %swap3A_315 = tpu.vector_load %arg17[%swap3A_313, %swap3A_314] {strides = array<i32>} : memref<64x128xf32, #tpu.memory_space<vmem>>, vector<16xf32>,
            tpu.vector_store %arg17[%swap3A_313, %swap3A_314], %mul3A_312 {add = true, strides = array<i32>} : memref<64x128xf32, #tpu.memory_space<vmem>>, vector<16xf32>,
            %convert_element_type3A_316 = arith.extui %lt3A_194 : i1 to i32
            %cond3A_317 = arith.constant 0 : i32
            %cond3A_318 = arith.cmpi ne, %convert_element_type3A_316, %cond3A_317 : i32
            scf.if %cond3A_318 {
              %swap3A_456 = arith.constant 48 : index
              %swap3A_457 = tpu.vector_load %arg18[%swap3A_456] {strides = array<i32>} : memref<384xf32, #tpu.memory_space<vmem>>, vector<16xf32>,
              tpu.vector_store %arg18[%swap3A_456], %mul3A_312 {add = true, strides = array<i32>} : memref<384xf32, #tpu.memory_space<vmem>>, vector<16xf32>,
            } else {
            }
            %get3A_319 = arith.index_cast %add3A_120 : i32 to index
            %get3A_320 = arith.constant 64 : index
            %get3A_321 = tpu.vector_load %arg12[%get3A_319, %get3A_320] {strides = array<i32>} : memref<64x512xf32, #tpu.memory_space<vmem>>, vector<16xf32>,
            %get3A_322 = arith.index_cast %add3A_120 : i32 to index
            %get3A_323 = arith.constant 192 : index
            %get3A_324 = tpu.vector_load %arg12[%get3A_322, %get3A_323] {strides = array<i32>} : memref<64x512xf32, #tpu.memory_space<vmem>>, vector<16xf32>,
            %get3A_325 = arith.index_cast %add3A_195 : i32 to index
            %get3A_326 = arith.constant 64 : index
            %get3A_327 = tpu.vector_load %arg14[%get3A_325, %get3A_326] {strides = array<i32>} : memref<64x768xf32, #tpu.memory_space<vmem>>, vector<16xf32>,
            %get3A_328 = arith.index_cast %add3A_195 : i32 to index
            %get3A_329 = arith.constant 192 : index
            %get3A_330 = tpu.vector_load %arg14[%get3A_328, %get3A_329] {strides = array<i32>} : memref<64x768xf32, #tpu.memory_space<vmem>>, vector<16xf32>,
            %add3A_331 = arith.addf %get3A_321, %get3A_330 : vector<16xf32>
            %add3A_332 = arith.addf %get3A_327, %get3A_324 : vector<16xf32>
            %select_n3A_333 = arith.select %lt3A_194, %add3A_331, %add3A_332 : vector<16xf32>
            %get3A_334 = arith.constant 0 : i32
            %get3A_335 = arith.index_cast %get3A_334 : i32 to index
            %get3A_336 = arith.constant 64 : index
            %get3A_337 = tpu.vector_load %arg19[%get3A_335, %get3A_336] {strides = array<i32>} : memref<3x128xf32, #tpu.memory_space<vmem>>, vector<16xf32>,
            %add3A_338 = arith.addf %select_n3A_333, %get3A_337 : vector<16xf32>
            %max3A_339 = arith.constant 0.000000e+00 : f32
            %max3A_340 = vector.broadcast %max3A_339 : f32 to vector<16xf32>
            %max3A_341 = arith.maximumf %add3A_338, %max3A_340 : vector<16xf32>
            %mul3A_342 = vector.broadcast %squeeze3A_193 : f32 to vector<16xf32>
            %mul3A_343 = arith.mulf %max3A_341, %mul3A_342 : vector<16xf32>
            %swap3A_344 = arith.index_cast %add3A_120 : i32 to index
            %swap3A_345 = arith.constant 64 : index
            %swap3A_346 = tpu.vector_load %arg17[%swap3A_344, %swap3A_345] {strides = array<i32>} : memref<64x128xf32, #tpu.memory_space<vmem>>, vector<16xf32>,
            tpu.vector_store %arg17[%swap3A_344, %swap3A_345], %mul3A_343 {add = true, strides = array<i32>} : memref<64x128xf32, #tpu.memory_space<vmem>>, vector<16xf32>,
            %convert_element_type3A_347 = arith.extui %lt3A_194 : i1 to i32
            %cond3A_348 = arith.constant 0 : i32
            %cond3A_349 = arith.cmpi ne, %convert_element_type3A_347, %cond3A_348 : i32
            scf.if %cond3A_349 {
              %swap3A_456 = arith.constant 64 : index
              %swap3A_457 = tpu.vector_load %arg18[%swap3A_456] {strides = array<i32>} : memref<384xf32, #tpu.memory_space<vmem>>, vector<16xf32>,
              tpu.vector_store %arg18[%swap3A_456], %mul3A_343 {add = true, strides = array<i32>} : memref<384xf32, #tpu.memory_space<vmem>>, vector<16xf32>,
            } else {
            }
            %get3A_350 = arith.index_cast %add3A_120 : i32 to index
            %get3A_351 = arith.constant 80 : index
            %get3A_352 = tpu.vector_load %arg12[%get3A_350, %get3A_351] {strides = array<i32>} : memref<64x512xf32, #tpu.memory_space<vmem>>, vector<16xf32>,
            %get3A_353 = arith.index_cast %add3A_120 : i32 to index
            %get3A_354 = arith.constant 208 : index
            %get3A_355 = tpu.vector_load %arg12[%get3A_353, %get3A_354] {strides = array<i32>} : memref<64x512xf32, #tpu.memory_space<vmem>>, vector<16xf32>,
            %get3A_356 = arith.index_cast %add3A_195 : i32 to index
            %get3A_357 = arith.constant 80 : index
            %get3A_358 = tpu.vector_load %arg14[%get3A_356, %get3A_357] {strides = array<i32>} : memref<64x768xf32, #tpu.memory_space<vmem>>, vector<16xf32>,
            %get3A_359 = arith.index_cast %add3A_195 : i32 to index
            %get3A_360 = arith.constant 208 : index
            %get3A_361 = tpu.vector_load %arg14[%get3A_359, %get3A_360] {strides = array<i32>} : memref<64x768xf32, #tpu.memory_space<vmem>>, vector<16xf32>,
            %add3A_362 = arith.addf %get3A_352, %get3A_361 : vector<16xf32>
            %add3A_363 = arith.addf %get3A_358, %get3A_355 : vector<16xf32>
            %select_n3A_364 = arith.select %lt3A_194, %add3A_362, %add3A_363 : vector<16xf32>
            %get3A_365 = arith.constant 0 : i32
            %get3A_366 = arith.index_cast %get3A_365 : i32 to index
            %get3A_367 = arith.constant 80 : index
            %get3A_368 = tpu.vector_load %arg19[%get3A_366, %get3A_367] {strides = array<i32>} : memref<3x128xf32, #tpu.memory_space<vmem>>, vector<16xf32>,
            %add3A_369 = arith.addf %select_n3A_364, %get3A_368 : vector<16xf32>
            %max3A_370 = arith.constant 0.000000e+00 : f32
            %max3A_371 = vector.broadcast %max3A_370 : f32 to vector<16xf32>
            %max3A_372 = arith.maximumf %add3A_369, %max3A_371 : vector<16xf32>
            %mul3A_373 = vector.broadcast %squeeze3A_193 : f32 to vector<16xf32>
            %mul3A_374 = arith.mulf %max3A_372, %mul3A_373 : vector<16xf32>
            %swap3A_375 = arith.index_cast %add3A_120 : i32 to index
            %swap3A_376 = arith.constant 80 : index
            %swap3A_377 = tpu.vector_load %arg17[%swap3A_375, %swap3A_376] {strides = array<i32>} : memref<64x128xf32, #tpu.memory_space<vmem>>, vector<16xf32>,
            tpu.vector_store %arg17[%swap3A_375, %swap3A_376], %mul3A_374 {add = true, strides = array<i32>} : memref<64x128xf32, #tpu.memory_space<vmem>>, vector<16xf32>,
            %convert_element_type3A_378 = arith.extui %lt3A_194 : i1 to i32
            %cond3A_379 = arith.constant 0 : i32
            %cond3A_380 = arith.cmpi ne, %convert_element_type3A_378, %cond3A_379 : i32
            scf.if %cond3A_380 {
              %swap3A_456 = arith.constant 80 : index
              %swap3A_457 = tpu.vector_load %arg18[%swap3A_456] {strides = array<i32>} : memref<384xf32, #tpu.memory_space<vmem>>, vector<16xf32>,
              tpu.vector_store %arg18[%swap3A_456], %mul3A_374 {add = true, strides = array<i32>} : memref<384xf32, #tpu.memory_space<vmem>>, vector<16xf32>,
            } else {
            }
            %get3A_381 = arith.index_cast %add3A_120 : i32 to index
            %get3A_382 = arith.constant 96 : index
            %get3A_383 = tpu.vector_load %arg12[%get3A_381, %get3A_382] {strides = array<i32>} : memref<64x512xf32, #tpu.memory_space<vmem>>, vector<16xf32>,
            %get3A_384 = arith.index_cast %add3A_120 : i32 to index
            %get3A_385 = arith.constant 224 : index
            %get3A_386 = tpu.vector_load %arg12[%get3A_384, %get3A_385] {strides = array<i32>} : memref<64x512xf32, #tpu.memory_space<vmem>>, vector<16xf32>,
            %get3A_387 = arith.index_cast %add3A_195 : i32 to index
            %get3A_388 = arith.constant 96 : index
            %get3A_389 = tpu.vector_load %arg14[%get3A_387, %get3A_388] {strides = array<i32>} : memref<64x768xf32, #tpu.memory_space<vmem>>, vector<16xf32>,
            %get3A_390 = arith.index_cast %add3A_195 : i32 to index
            %get3A_391 = arith.constant 224 : index
            %get3A_392 = tpu.vector_load %arg14[%get3A_390, %get3A_391] {strides = array<i32>} : memref<64x768xf32, #tpu.memory_space<vmem>>, vector<16xf32>,
            %add3A_393 = arith.addf %get3A_383, %get3A_392 : vector<16xf32>
            %add3A_394 = arith.addf %get3A_389, %get3A_386 : vector<16xf32>
            %select_n3A_395 = arith.select %lt3A_194, %add3A_393, %add3A_394 : vector<16xf32>
            %get3A_396 = arith.constant 0 : i32
            %get3A_397 = arith.index_cast %get3A_396 : i32 to index
            %get3A_398 = arith.constant 96 : index
            %get3A_399 = tpu.vector_load %arg19[%get3A_397, %get3A_398] {strides = array<i32>} : memref<3x128xf32, #tpu.memory_space<vmem>>, vector<16xf32>,
            %add3A_400 = arith.addf %select_n3A_395, %get3A_399 : vector<16xf32>
            %max3A_401 = arith.constant 0.000000e+00 : f32
            %max3A_402 = vector.broadcast %max3A_401 : f32 to vector<16xf32>
            %max3A_403 = arith.maximumf %add3A_400, %max3A_402 : vector<16xf32>
            %mul3A_404 = vector.broadcast %squeeze3A_193 : f32 to vector<16xf32>
            %mul3A_405 = arith.mulf %max3A_403, %mul3A_404 : vector<16xf32>
            %swap3A_406 = arith.index_cast %add3A_120 : i32 to index
            %swap3A_407 = arith.constant 96 : index
            %swap3A_408 = tpu.vector_load %arg17[%swap3A_406, %swap3A_407] {strides = array<i32>} : memref<64x128xf32, #tpu.memory_space<vmem>>, vector<16xf32>,
            tpu.vector_store %arg17[%swap3A_406, %swap3A_407], %mul3A_405 {add = true, strides = array<i32>} : memref<64x128xf32, #tpu.memory_space<vmem>>, vector<16xf32>,
            %convert_element_type3A_409 = arith.extui %lt3A_194 : i1 to i32
            %cond3A_410 = arith.constant 0 : i32
            %cond3A_411 = arith.cmpi ne, %convert_element_type3A_409, %cond3A_410 : i32
            scf.if %cond3A_411 {
              %swap3A_456 = arith.constant 96 : index
              %swap3A_457 = tpu.vector_load %arg18[%swap3A_456] {strides = array<i32>} : memref<384xf32, #tpu.memory_space<vmem>>, vector<16xf32>,
              tpu.vector_store %arg18[%swap3A_456], %mul3A_405 {add = true, strides = array<i32>} : memref<384xf32, #tpu.memory_space<vmem>>, vector<16xf32>,
            } else {
            }
            %get3A_412 = arith.index_cast %add3A_120 : i32 to index
            %get3A_413 = arith.constant 112 : index
            %get3A_414 = tpu.vector_load %arg12[%get3A_412, %get3A_413] {strides = array<i32>} : memref<64x512xf32, #tpu.memory_space<vmem>>, vector<16xf32>,
            %get3A_415 = arith.index_cast %add3A_120 : i32 to index
            %get3A_416 = arith.constant 240 : index
            %get3A_417 = tpu.vector_load %arg12[%get3A_415, %get3A_416] {strides = array<i32>} : memref<64x512xf32, #tpu.memory_space<vmem>>, vector<16xf32>,
            %get3A_418 = arith.index_cast %add3A_195 : i32 to index
            %get3A_419 = arith.constant 112 : index
            %get3A_420 = tpu.vector_load %arg14[%get3A_418, %get3A_419] {strides = array<i32>} : memref<64x768xf32, #tpu.memory_space<vmem>>, vector<16xf32>,
            %get3A_421 = arith.index_cast %add3A_195 : i32 to index
            %get3A_422 = arith.constant 240 : index
            %get3A_423 = tpu.vector_load %arg14[%get3A_421, %get3A_422] {strides = array<i32>} : memref<64x768xf32, #tpu.memory_space<vmem>>, vector<16xf32>,
            %add3A_424 = arith.addf %get3A_414, %get3A_423 : vector<16xf32>
            %add3A_425 = arith.addf %get3A_420, %get3A_417 : vector<16xf32>
            %select_n3A_426 = arith.select %lt3A_194, %add3A_424, %add3A_425 : vector<16xf32>
            %get3A_427 = arith.constant 0 : i32
            %get3A_428 = arith.index_cast %get3A_427 : i32 to index
            %get3A_429 = arith.constant 112 : index
            %get3A_430 = tpu.vector_load %arg19[%get3A_428, %get3A_429] {strides = array<i32>} : memref<3x128xf32, #tpu.memory_space<vmem>>, vector<16xf32>,
            %add3A_431 = arith.addf %select_n3A_426, %get3A_430 : vector<16xf32>
            %max3A_432 = arith.constant 0.000000e+00 : f32
            %max3A_433 = vector.broadcast %max3A_432 : f32 to vector<16xf32>
            %max3A_434 = arith.maximumf %add3A_431, %max3A_433 : vector<16xf32>
            %mul3A_435 = vector.broadcast %squeeze3A_193 : f32 to vector<16xf32>
            %mul3A_436 = arith.mulf %max3A_434, %mul3A_435 : vector<16xf32>
            %swap3A_437 = arith.index_cast %add3A_120 : i32 to index
            %swap3A_438 = arith.constant 112 : index
            %swap3A_439 = tpu.vector_load %arg17[%swap3A_437, %swap3A_438] {strides = array<i32>} : memref<64x128xf32, #tpu.memory_space<vmem>>, vector<16xf32>,
            tpu.vector_store %arg17[%swap3A_437, %swap3A_438], %mul3A_436 {add = true, strides = array<i32>} : memref<64x128xf32, #tpu.memory_space<vmem>>, vector<16xf32>,
            %convert_element_type3A_440 = arith.extui %lt3A_194 : i1 to i32
            %cond3A_441 = arith.constant 0 : i32
            %cond3A_442 = arith.cmpi ne, %convert_element_type3A_440, %cond3A_441 : i32
            scf.if %cond3A_442 {
              %swap3A_456 = arith.constant 112 : index
              %swap3A_457 = tpu.vector_load %arg18[%swap3A_456] {strides = array<i32>} : memref<384xf32, #tpu.memory_space<vmem>>, vector<16xf32>,
              tpu.vector_store %arg18[%swap3A_456], %mul3A_436 {add = true, strides = array<i32>} : memref<384xf32, #tpu.memory_space<vmem>>, vector<16xf32>,
            } else {
            }
            %while3A_443 = arith.constant 0 : i32
            %while3A_444 = arith.constant 0 : i32
            %while3A_445 = arith.subi %while3A_182, %while3A_443 : i32
            %while3A_446 = arith.addi %while3A_443, %while3A_445 : i32
            %while3A_447 = arith.constant 1 : i32
            %while3A_448 = arith.divsi %while3A_445, %while3A_447 : i32
            %while3A_449 = arith.muli %while3A_448, %while3A_447 : i32
            %while3A_450 = arith.addi %while3A_443, %while3A_449 : i32
            %while3A_451 = arith.constant 1 : i32
            %while3A_452 = scf.for %while3A_456 = %while3A_443 to %while3A_450 step %while3A_451 iter_args(%while3A_457 = %while3A_444) -> (i32)  : i32 {
              %get3A_458 = arith.index_cast %add3A_120 : i32 to index
              %get3A_459 = arith.constant 256 : index
              %get3A_460 = tpu.vector_load %arg12[%get3A_458, %get3A_459] {strides = array<i32>} : memref<64x512xf32, #tpu.memory_space<vmem>>, vector<16xf32>,
              %get3A_461 = arith.index_cast %add3A_195 : i32 to index
              %get3A_462 = arith.constant 256 : index
              %get3A_463 = tpu.vector_load %arg14[%get3A_461, %get3A_462] {strides = array<i32>} : memref<64x768xf32, #tpu.memory_space<vmem>>, vector<16xf32>,
              %add3A_464 = arith.addf %get3A_460, %get3A_463 : vector<16xf32>
              %add3A_465 = arith.addi %select_n3A, %while3A_456 : i32
              %get3A_466 = arith.index_cast %add3A_465 : i32 to index
              %get3A_467 = arith.constant 384 : index
              %get3A_468 = tpu.vector_load %arg14[%get3A_466, %get3A_467] {strides = array<i32>} : memref<64x768xf32, #tpu.memory_space<vmem>>, vector<16xf32>,
              %add3A_469 = arith.addf %add3A_464, %get3A_468 : vector<16xf32>
              %get3A_470 = arith.constant 1 : i32
              %get3A_471 = arith.index_cast %get3A_470 : i32 to index
              %get3A_472 = arith.constant 0 : index
              %get3A_473 = tpu.vector_load %arg19[%get3A_471, %get3A_472] {strides = array<i32>} : memref<3x128xf32, #tpu.memory_space<vmem>>, vector<16xf32>,
              %add3A_474 = arith.addf %add3A_469, %get3A_473 : vector<16xf32>
              %max3A_475 = arith.constant 0.000000e+00 : f32
              %max3A_476 = vector.broadcast %max3A_475 : f32 to vector<16xf32>
              %max3A_477 = arith.maximumf %add3A_474, %max3A_476 : vector<16xf32>
              %swap3A_478 = arith.constant 128 : index
              %swap3A_479 = tpu.vector_load %arg18[%swap3A_478] {strides = array<i32>} : memref<384xf32, #tpu.memory_space<vmem>>, vector<16xf32>,
              tpu.vector_store %arg18[%swap3A_478], %max3A_477 {add = true, strides = array<i32>} : memref<384xf32, #tpu.memory_space<vmem>>, vector<16xf32>,
              %get3A_480 = arith.index_cast %add3A_120 : i32 to index
              %get3A_481 = arith.constant 272 : index
              %get3A_482 = tpu.vector_load %arg12[%get3A_480, %get3A_481] {strides = array<i32>} : memref<64x512xf32, #tpu.memory_space<vmem>>, vector<16xf32>,
              %get3A_483 = arith.index_cast %add3A_195 : i32 to index
              %get3A_484 = arith.constant 272 : index
              %get3A_485 = tpu.vector_load %arg14[%get3A_483, %get3A_484] {strides = array<i32>} : memref<64x768xf32, #tpu.memory_space<vmem>>, vector<16xf32>,
              %add3A_486 = arith.addf %get3A_482, %get3A_485 : vector<16xf32>
              %add3A_487 = arith.addi %select_n3A, %while3A_456 : i32
              %get3A_488 = arith.index_cast %add3A_487 : i32 to index
              %get3A_489 = arith.constant 400 : index
              %get3A_490 = tpu.vector_load %arg14[%get3A_488, %get3A_489] {strides = array<i32>} : memref<64x768xf32, #tpu.memory_space<vmem>>, vector<16xf32>,
              %add3A_491 = arith.addf %add3A_486, %get3A_490 : vector<16xf32>
              %get3A_492 = arith.constant 1 : i32
              %get3A_493 = arith.index_cast %get3A_492 : i32 to index
              %get3A_494 = arith.constant 16 : index
              %get3A_495 = tpu.vector_load %arg19[%get3A_493, %get3A_494] {strides = array<i32>} : memref<3x128xf32, #tpu.memory_space<vmem>>, vector<16xf32>,
              %add3A_496 = arith.addf %add3A_491, %get3A_495 : vector<16xf32>
              %max3A_497 = arith.constant 0.000000e+00 : f32
              %max3A_498 = vector.broadcast %max3A_497 : f32 to vector<16xf32>
              %max3A_499 = arith.maximumf %add3A_496, %max3A_498 : vector<16xf32>
              %swap3A_500 = arith.constant 144 : index
              %swap3A_501 = tpu.vector_load %arg18[%swap3A_500] {strides = array<i32>} : memref<384xf32, #tpu.memory_space<vmem>>, vector<16xf32>,
              tpu.vector_store %arg18[%swap3A_500], %max3A_499 {add = true, strides = array<i32>} : memref<384xf32, #tpu.memory_space<vmem>>, vector<16xf32>,
              %get3A_502 = arith.index_cast %add3A_120 : i32 to index
              %get3A_503 = arith.constant 288 : index
              %get3A_504 = tpu.vector_load %arg12[%get3A_502, %get3A_503] {strides = array<i32>} : memref<64x512xf32, #tpu.memory_space<vmem>>, vector<16xf32>,
              %get3A_505 = arith.index_cast %add3A_195 : i32 to index
              %get3A_506 = arith.constant 288 : index
              %get3A_507 = tpu.vector_load %arg14[%get3A_505, %get3A_506] {strides = array<i32>} : memref<64x768xf32, #tpu.memory_space<vmem>>, vector<16xf32>,
              %add3A_508 = arith.addf %get3A_504, %get3A_507 : vector<16xf32>
              %add3A_509 = arith.addi %select_n3A, %while3A_456 : i32
              %get3A_510 = arith.index_cast %add3A_509 : i32 to index
              %get3A_511 = arith.constant 416 : index
              %get3A_512 = tpu.vector_load %arg14[%get3A_510, %get3A_511] {strides = array<i32>} : memref<64x768xf32, #tpu.memory_space<vmem>>, vector<16xf32>,
              %add3A_513 = arith.addf %add3A_508, %get3A_512 : vector<16xf32>
              %get3A_514 = arith.constant 1 : i32
              %get3A_515 = arith.index_cast %get3A_514 : i32 to index
              %get3A_516 = arith.constant 32 : index
              %get3A_517 = tpu.vector_load %arg19[%get3A_515, %get3A_516] {strides = array<i32>} : memref<3x128xf32, #tpu.memory_space<vmem>>, vector<16xf32>,
              %add3A_518 = arith.addf %add3A_513, %get3A_517 : vector<16xf32>
              %max3A_519 = arith.constant 0.000000e+00 : f32
              %max3A_520 = vector.broadcast %max3A_519 : f32 to vector<16xf32>
              %max3A_521 = arith.maximumf %add3A_518, %max3A_520 : vector<16xf32>
              %swap3A_522 = arith.constant 160 : index
              %swap3A_523 = tpu.vector_load %arg18[%swap3A_522] {strides = array<i32>} : memref<384xf32, #tpu.memory_space<vmem>>, vector<16xf32>,
              tpu.vector_store %arg18[%swap3A_522], %max3A_521 {add = true, strides = array<i32>} : memref<384xf32, #tpu.memory_space<vmem>>, vector<16xf32>,
              %get3A_524 = arith.index_cast %add3A_120 : i32 to index
              %get3A_525 = arith.constant 304 : index
              %get3A_526 = tpu.vector_load %arg12[%get3A_524, %get3A_525] {strides = array<i32>} : memref<64x512xf32, #tpu.memory_space<vmem>>, vector<16xf32>,
              %get3A_527 = arith.index_cast %add3A_195 : i32 to index
              %get3A_528 = arith.constant 304 : index
              %get3A_529 = tpu.vector_load %arg14[%get3A_527, %get3A_528] {strides = array<i32>} : memref<64x768xf32, #tpu.memory_space<vmem>>, vector<16xf32>,
              %add3A_530 = arith.addf %get3A_526, %get3A_529 : vector<16xf32>
              %add3A_531 = arith.addi %select_n3A, %while3A_456 : i32
              %get3A_532 = arith.index_cast %add3A_531 : i32 to index
              %get3A_533 = arith.constant 432 : index
              %get3A_534 = tpu.vector_load %arg14[%get3A_532, %get3A_533] {strides = array<i32>} : memref<64x768xf32, #tpu.memory_space<vmem>>, vector<16xf32>,
              %add3A_535 = arith.addf %add3A_530, %get3A_534 : vector<16xf32>
              %get3A_536 = arith.constant 1 : i32
              %get3A_537 = arith.index_cast %get3A_536 : i32 to index
              %get3A_538 = arith.constant 48 : index
              %get3A_539 = tpu.vector_load %arg19[%get3A_537, %get3A_538] {strides = array<i32>} : memref<3x128xf32, #tpu.memory_space<vmem>>, vector<16xf32>,
              %add3A_540 = arith.addf %add3A_535, %get3A_539 : vector<16xf32>
              %max3A_541 = arith.constant 0.000000e+00 : f32
              %max3A_542 = vector.broadcast %max3A_541 : f32 to vector<16xf32>
              %max3A_543 = arith.maximumf %add3A_540, %max3A_542 : vector<16xf32>
              %swap3A_544 = arith.constant 176 : index
              %swap3A_545 = tpu.vector_load %arg18[%swap3A_544] {strides = array<i32>} : memref<384xf32, #tpu.memory_space<vmem>>, vector<16xf32>,
              tpu.vector_store %arg18[%swap3A_544], %max3A_543 {add = true, strides = array<i32>} : memref<384xf32, #tpu.memory_space<vmem>>, vector<16xf32>,
              %get3A_546 = arith.index_cast %add3A_120 : i32 to index
              %get3A_547 = arith.constant 320 : index
              %get3A_548 = tpu.vector_load %arg12[%get3A_546, %get3A_547] {strides = array<i32>} : memref<64x512xf32, #tpu.memory_space<vmem>>, vector<16xf32>,
              %get3A_549 = arith.index_cast %add3A_195 : i32 to index
              %get3A_550 = arith.constant 320 : index
              %get3A_551 = tpu.vector_load %arg14[%get3A_549, %get3A_550] {strides = array<i32>} : memref<64x768xf32, #tpu.memory_space<vmem>>, vector<16xf32>,
              %add3A_552 = arith.addf %get3A_548, %get3A_551 : vector<16xf32>
              %add3A_553 = arith.addi %select_n3A, %while3A_456 : i32
              %get3A_554 = arith.index_cast %add3A_553 : i32 to index
              %get3A_555 = arith.constant 448 : index
              %get3A_556 = tpu.vector_load %arg14[%get3A_554, %get3A_555] {strides = array<i32>} : memref<64x768xf32, #tpu.memory_space<vmem>>, vector<16xf32>,
              %add3A_557 = arith.addf %add3A_552, %get3A_556 : vector<16xf32>
              %get3A_558 = arith.constant 1 : i32
              %get3A_559 = arith.index_cast %get3A_558 : i32 to index
              %get3A_560 = arith.constant 64 : index
              %get3A_561 = tpu.vector_load %arg19[%get3A_559, %get3A_560] {strides = array<i32>} : memref<3x128xf32, #tpu.memory_space<vmem>>, vector<16xf32>,
              %add3A_562 = arith.addf %add3A_557, %get3A_561 : vector<16xf32>
              %max3A_563 = arith.constant 0.000000e+00 : f32
              %max3A_564 = vector.broadcast %max3A_563 : f32 to vector<16xf32>
              %max3A_565 = arith.maximumf %add3A_562, %max3A_564 : vector<16xf32>
              %swap3A_566 = arith.constant 192 : index
              %swap3A_567 = tpu.vector_load %arg18[%swap3A_566] {strides = array<i32>} : memref<384xf32, #tpu.memory_space<vmem>>, vector<16xf32>,
              tpu.vector_store %arg18[%swap3A_566], %max3A_565 {add = true, strides = array<i32>} : memref<384xf32, #tpu.memory_space<vmem>>, vector<16xf32>,
              %get3A_568 = arith.index_cast %add3A_120 : i32 to index
              %get3A_569 = arith.constant 336 : index
              %get3A_570 = tpu.vector_load %arg12[%get3A_568, %get3A_569] {strides = array<i32>} : memref<64x512xf32, #tpu.memory_space<vmem>>, vector<16xf32>,
              %get3A_571 = arith.index_cast %add3A_195 : i32 to index
              %get3A_572 = arith.constant 336 : index
              %get3A_573 = tpu.vector_load %arg14[%get3A_571, %get3A_572] {strides = array<i32>} : memref<64x768xf32, #tpu.memory_space<vmem>>, vector<16xf32>,
              %add3A_574 = arith.addf %get3A_570, %get3A_573 : vector<16xf32>
              %add3A_575 = arith.addi %select_n3A, %while3A_456 : i32
              %get3A_576 = arith.index_cast %add3A_575 : i32 to index
              %get3A_577 = arith.constant 464 : index
              %get3A_578 = tpu.vector_load %arg14[%get3A_576, %get3A_577] {strides = array<i32>} : memref<64x768xf32, #tpu.memory_space<vmem>>, vector<16xf32>,
              %add3A_579 = arith.addf %add3A_574, %get3A_578 : vector<16xf32>
              %get3A_580 = arith.constant 1 : i32
              %get3A_581 = arith.index_cast %get3A_580 : i32 to index
              %get3A_582 = arith.constant 80 : index
              %get3A_583 = tpu.vector_load %arg19[%get3A_581, %get3A_582] {strides = array<i32>} : memref<3x128xf32, #tpu.memory_space<vmem>>, vector<16xf32>,
              %add3A_584 = arith.addf %add3A_579, %get3A_583 : vector<16xf32>
              %max3A_585 = arith.constant 0.000000e+00 : f32
              %max3A_586 = vector.broadcast %max3A_585 : f32 to vector<16xf32>
              %max3A_587 = arith.maximumf %add3A_584, %max3A_586 : vector<16xf32>
              %swap3A_588 = arith.constant 208 : index
              %swap3A_589 = tpu.vector_load %arg18[%swap3A_588] {strides = array<i32>} : memref<384xf32, #tpu.memory_space<vmem>>, vector<16xf32>,
              tpu.vector_store %arg18[%swap3A_588], %max3A_587 {add = true, strides = array<i32>} : memref<384xf32, #tpu.memory_space<vmem>>, vector<16xf32>,
              %get3A_590 = arith.index_cast %add3A_120 : i32 to index
              %get3A_591 = arith.constant 352 : index
              %get3A_592 = tpu.vector_load %arg12[%get3A_590, %get3A_591] {strides = array<i32>} : memref<64x512xf32, #tpu.memory_space<vmem>>, vector<16xf32>,
              %get3A_593 = arith.index_cast %add3A_195 : i32 to index
              %get3A_594 = arith.constant 352 : index
              %get3A_595 = tpu.vector_load %arg14[%get3A_593, %get3A_594] {strides = array<i32>} : memref<64x768xf32, #tpu.memory_space<vmem>>, vector<16xf32>,
              %add3A_596 = arith.addf %get3A_592, %get3A_595 : vector<16xf32>
              %add3A_597 = arith.addi %select_n3A, %while3A_456 : i32
              %get3A_598 = arith.index_cast %add3A_597 : i32 to index
              %get3A_599 = arith.constant 480 : index
              %get3A_600 = tpu.vector_load %arg14[%get3A_598, %get3A_599] {strides = array<i32>} : memref<64x768xf32, #tpu.memory_space<vmem>>, vector<16xf32>,
              %add3A_601 = arith.addf %add3A_596, %get3A_600 : vector<16xf32>
              %get3A_602 = arith.constant 1 : i32
              %get3A_603 = arith.index_cast %get3A_602 : i32 to index
              %get3A_604 = arith.constant 96 : index
              %get3A_605 = tpu.vector_load %arg19[%get3A_603, %get3A_604] {strides = array<i32>} : memref<3x128xf32, #tpu.memory_space<vmem>>, vector<16xf32>,
              %add3A_606 = arith.addf %add3A_601, %get3A_605 : vector<16xf32>
              %max3A_607 = arith.constant 0.000000e+00 : f32
              %max3A_608 = vector.broadcast %max3A_607 : f32 to vector<16xf32>
              %max3A_609 = arith.maximumf %add3A_606, %max3A_608 : vector<16xf32>
              %swap3A_610 = arith.constant 224 : index
              %swap3A_611 = tpu.vector_load %arg18[%swap3A_610] {strides = array<i32>} : memref<384xf32, #tpu.memory_space<vmem>>, vector<16xf32>,
              tpu.vector_store %arg18[%swap3A_610], %max3A_609 {add = true, strides = array<i32>} : memref<384xf32, #tpu.memory_space<vmem>>, vector<16xf32>,
              %get3A_612 = arith.index_cast %add3A_120 : i32 to index
              %get3A_613 = arith.constant 368 : index
              %get3A_614 = tpu.vector_load %arg12[%get3A_612, %get3A_613] {strides = array<i32>} : memref<64x512xf32, #tpu.memory_space<vmem>>, vector<16xf32>,
              %get3A_615 = arith.index_cast %add3A_195 : i32 to index
              %get3A_616 = arith.constant 368 : index
              %get3A_617 = tpu.vector_load %arg14[%get3A_615, %get3A_616] {strides = array<i32>} : memref<64x768xf32, #tpu.memory_space<vmem>>, vector<16xf32>,
              %add3A_618 = arith.addf %get3A_614, %get3A_617 : vector<16xf32>
              %add3A_619 = arith.addi %select_n3A, %while3A_456 : i32
              %get3A_620 = arith.index_cast %add3A_619 : i32 to index
              %get3A_621 = arith.constant 496 : index
              %get3A_622 = tpu.vector_load %arg14[%get3A_620, %get3A_621] {strides = array<i32>} : memref<64x768xf32, #tpu.memory_space<vmem>>, vector<16xf32>,
              %add3A_623 = arith.addf %add3A_618, %get3A_622 : vector<16xf32>
              %get3A_624 = arith.constant 1 : i32
              %get3A_625 = arith.index_cast %get3A_624 : i32 to index
              %get3A_626 = arith.constant 112 : index
              %get3A_627 = tpu.vector_load %arg19[%get3A_625, %get3A_626] {strides = array<i32>} : memref<3x128xf32, #tpu.memory_space<vmem>>, vector<16xf32>,
              %add3A_628 = arith.addf %add3A_623, %get3A_627 : vector<16xf32>
              %max3A_629 = arith.constant 0.000000e+00 : f32
              %max3A_630 = vector.broadcast %max3A_629 : f32 to vector<16xf32>
              %max3A_631 = arith.maximumf %add3A_628, %max3A_630 : vector<16xf32>
              %swap3A_632 = arith.constant 240 : index
              %swap3A_633 = tpu.vector_load %arg18[%swap3A_632] {strides = array<i32>} : memref<384xf32, #tpu.memory_space<vmem>>, vector<16xf32>,
              tpu.vector_store %arg18[%swap3A_632], %max3A_631 {add = true, strides = array<i32>} : memref<384xf32, #tpu.memory_space<vmem>>, vector<16xf32>,
              %while3A_634 = arith.constant 0 : i32
              scf.yield %while3A_634 : i32
            }
            %while3A_453 = arith.constant 1 : i32
            %while3A_454 = scf.for %while3A_456 = %while3A_450 to %while3A_446 step %while3A_453 iter_args(%while3A_457 = %while3A_452) -> (i32)  : i32 {
              %get3A_458 = arith.index_cast %add3A_120 : i32 to index
              %get3A_459 = arith.constant 256 : index
              %get3A_460 = tpu.vector_load %arg12[%get3A_458, %get3A_459] {strides = array<i32>} : memref<64x512xf32, #tpu.memory_space<vmem>>, vector<16xf32>,
              %get3A_461 = arith.index_cast %add3A_195 : i32 to index
              %get3A_462 = arith.constant 256 : index
              %get3A_463 = tpu.vector_load %arg14[%get3A_461, %get3A_462] {strides = array<i32>} : memref<64x768xf32, #tpu.memory_space<vmem>>, vector<16xf32>,
              %add3A_464 = arith.addf %get3A_460, %get3A_463 : vector<16xf32>
              %add3A_465 = arith.addi %select_n3A, %while3A_456 : i32
              %get3A_466 = arith.index_cast %add3A_465 : i32 to index
              %get3A_467 = arith.constant 384 : index
              %get3A_468 = tpu.vector_load %arg14[%get3A_466, %get3A_467] {strides = array<i32>} : memref<64x768xf32, #tpu.memory_space<vmem>>, vector<16xf32>,
              %add3A_469 = arith.addf %add3A_464, %get3A_468 : vector<16xf32>
              %get3A_470 = arith.constant 1 : i32
              %get3A_471 = arith.index_cast %get3A_470 : i32 to index
              %get3A_472 = arith.constant 0 : index
              %get3A_473 = tpu.vector_load %arg19[%get3A_471, %get3A_472] {strides = array<i32>} : memref<3x128xf32, #tpu.memory_space<vmem>>, vector<16xf32>,
              %add3A_474 = arith.addf %add3A_469, %get3A_473 : vector<16xf32>
              %max3A_475 = arith.constant 0.000000e+00 : f32
              %max3A_476 = vector.broadcast %max3A_475 : f32 to vector<16xf32>
              %max3A_477 = arith.maximumf %add3A_474, %max3A_476 : vector<16xf32>
              %swap3A_478 = arith.constant 128 : index
              %swap3A_479 = tpu.vector_load %arg18[%swap3A_478] {strides = array<i32>} : memref<384xf32, #tpu.memory_space<vmem>>, vector<16xf32>,
              tpu.vector_store %arg18[%swap3A_478], %max3A_477 {add = true, strides = array<i32>} : memref<384xf32, #tpu.memory_space<vmem>>, vector<16xf32>,
              %get3A_480 = arith.index_cast %add3A_120 : i32 to index
              %get3A_481 = arith.constant 272 : index
              %get3A_482 = tpu.vector_load %arg12[%get3A_480, %get3A_481] {strides = array<i32>} : memref<64x512xf32, #tpu.memory_space<vmem>>, vector<16xf32>,
              %get3A_483 = arith.index_cast %add3A_195 : i32 to index
              %get3A_484 = arith.constant 272 : index
              %get3A_485 = tpu.vector_load %arg14[%get3A_483, %get3A_484] {strides = array<i32>} : memref<64x768xf32, #tpu.memory_space<vmem>>, vector<16xf32>,
              %add3A_486 = arith.addf %get3A_482, %get3A_485 : vector<16xf32>
              %add3A_487 = arith.addi %select_n3A, %while3A_456 : i32
              %get3A_488 = arith.index_cast %add3A_487 : i32 to index
              %get3A_489 = arith.constant 400 : index
              %get3A_490 = tpu.vector_load %arg14[%get3A_488, %get3A_489] {strides = array<i32>} : memref<64x768xf32, #tpu.memory_space<vmem>>, vector<16xf32>,
              %add3A_491 = arith.addf %add3A_486, %get3A_490 : vector<16xf32>
              %get3A_492 = arith.constant 1 : i32
              %get3A_493 = arith.index_cast %get3A_492 : i32 to index
              %get3A_494 = arith.constant 16 : index
              %get3A_495 = tpu.vector_load %arg19[%get3A_493, %get3A_494] {strides = array<i32>} : memref<3x128xf32, #tpu.memory_space<vmem>>, vector<16xf32>,
              %add3A_496 = arith.addf %add3A_491, %get3A_495 : vector<16xf32>
              %max3A_497 = arith.constant 0.000000e+00 : f32
              %max3A_498 = vector.broadcast %max3A_497 : f32 to vector<16xf32>
              %max3A_499 = arith.maximumf %add3A_496, %max3A_498 : vector<16xf32>
              %swap3A_500 = arith.constant 144 : index
              %swap3A_501 = tpu.vector_load %arg18[%swap3A_500] {strides = array<i32>} : memref<384xf32, #tpu.memory_space<vmem>>, vector<16xf32>,
              tpu.vector_store %arg18[%swap3A_500], %max3A_499 {add = true, strides = array<i32>} : memref<384xf32, #tpu.memory_space<vmem>>, vector<16xf32>,
              %get3A_502 = arith.index_cast %add3A_120 : i32 to index
              %get3A_503 = arith.constant 288 : index
              %get3A_504 = tpu.vector_load %arg12[%get3A_502, %get3A_503] {strides = array<i32>} : memref<64x512xf32, #tpu.memory_space<vmem>>, vector<16xf32>,
              %get3A_505 = arith.index_cast %add3A_195 : i32 to index
              %get3A_506 = arith.constant 288 : index
              %get3A_507 = tpu.vector_load %arg14[%get3A_505, %get3A_506] {strides = array<i32>} : memref<64x768xf32, #tpu.memory_space<vmem>>, vector<16xf32>,
              %add3A_508 = arith.addf %get3A_504, %get3A_507 : vector<16xf32>
              %add3A_509 = arith.addi %select_n3A, %while3A_456 : i32
              %get3A_510 = arith.index_cast %add3A_509 : i32 to index
              %get3A_511 = arith.constant 416 : index
              %get3A_512 = tpu.vector_load %arg14[%get3A_510, %get3A_511] {strides = array<i32>} : memref<64x768xf32, #tpu.memory_space<vmem>>, vector<16xf32>,
              %add3A_513 = arith.addf %add3A_508, %get3A_512 : vector<16xf32>
              %get3A_514 = arith.constant 1 : i32
              %get3A_515 = arith.index_cast %get3A_514 : i32 to index
              %get3A_516 = arith.constant 32 : index
              %get3A_517 = tpu.vector_load %arg19[%get3A_515, %get3A_516] {strides = array<i32>} : memref<3x128xf32, #tpu.memory_space<vmem>>, vector<16xf32>,
              %add3A_518 = arith.addf %add3A_513, %get3A_517 : vector<16xf32>
              %max3A_519 = arith.constant 0.000000e+00 : f32
              %max3A_520 = vector.broadcast %max3A_519 : f32 to vector<16xf32>
              %max3A_521 = arith.maximumf %add3A_518, %max3A_520 : vector<16xf32>
              %swap3A_522 = arith.constant 160 : index
              %swap3A_523 = tpu.vector_load %arg18[%swap3A_522] {strides = array<i32>} : memref<384xf32, #tpu.memory_space<vmem>>, vector<16xf32>,
              tpu.vector_store %arg18[%swap3A_522], %max3A_521 {add = true, strides = array<i32>} : memref<384xf32, #tpu.memory_space<vmem>>, vector<16xf32>,
              %get3A_524 = arith.index_cast %add3A_120 : i32 to index
              %get3A_525 = arith.constant 304 : index
              %get3A_526 = tpu.vector_load %arg12[%get3A_524, %get3A_525] {strides = array<i32>} : memref<64x512xf32, #tpu.memory_space<vmem>>, vector<16xf32>,
              %get3A_527 = arith.index_cast %add3A_195 : i32 to index
              %get3A_528 = arith.constant 304 : index
              %get3A_529 = tpu.vector_load %arg14[%get3A_527, %get3A_528] {strides = array<i32>} : memref<64x768xf32, #tpu.memory_space<vmem>>, vector<16xf32>,
              %add3A_530 = arith.addf %get3A_526, %get3A_529 : vector<16xf32>
              %add3A_531 = arith.addi %select_n3A, %while3A_456 : i32
              %get3A_532 = arith.index_cast %add3A_531 : i32 to index
              %get3A_533 = arith.constant 432 : index
              %get3A_534 = tpu.vector_load %arg14[%get3A_532, %get3A_533] {strides = array<i32>} : memref<64x768xf32, #tpu.memory_space<vmem>>, vector<16xf32>,
              %add3A_535 = arith.addf %add3A_530, %get3A_534 : vector<16xf32>
              %get3A_536 = arith.constant 1 : i32
              %get3A_537 = arith.index_cast %get3A_536 : i32 to index
              %get3A_538 = arith.constant 48 : index
              %get3A_539 = tpu.vector_load %arg19[%get3A_537, %get3A_538] {strides = array<i32>} : memref<3x128xf32, #tpu.memory_space<vmem>>, vector<16xf32>,
              %add3A_540 = arith.addf %add3A_535, %get3A_539 : vector<16xf32>
              %max3A_541 = arith.constant 0.000000e+00 : f32
              %max3A_542 = vector.broadcast %max3A_541 : f32 to vector<16xf32>
              %max3A_543 = arith.maximumf %add3A_540, %max3A_542 : vector<16xf32>
              %swap3A_544 = arith.constant 176 : index
              %swap3A_545 = tpu.vector_load %arg18[%swap3A_544] {strides = array<i32>} : memref<384xf32, #tpu.memory_space<vmem>>, vector<16xf32>,
              tpu.vector_store %arg18[%swap3A_544], %max3A_543 {add = true, strides = array<i32>} : memref<384xf32, #tpu.memory_space<vmem>>, vector<16xf32>,
              %get3A_546 = arith.index_cast %add3A_120 : i32 to index
              %get3A_547 = arith.constant 320 : index
              %get3A_548 = tpu.vector_load %arg12[%get3A_546, %get3A_547] {strides = array<i32>} : memref<64x512xf32, #tpu.memory_space<vmem>>, vector<16xf32>,
              %get3A_549 = arith.index_cast %add3A_195 : i32 to index
              %get3A_550 = arith.constant 320 : index
              %get3A_551 = tpu.vector_load %arg14[%get3A_549, %get3A_550] {strides = array<i32>} : memref<64x768xf32, #tpu.memory_space<vmem>>, vector<16xf32>,
              %add3A_552 = arith.addf %get3A_548, %get3A_551 : vector<16xf32>
              %add3A_553 = arith.addi %select_n3A, %while3A_456 : i32
              %get3A_554 = arith.index_cast %add3A_553 : i32 to index
              %get3A_555 = arith.constant 448 : index
              %get3A_556 = tpu.vector_load %arg14[%get3A_554, %get3A_555] {strides = array<i32>} : memref<64x768xf32, #tpu.memory_space<vmem>>, vector<16xf32>,
              %add3A_557 = arith.addf %add3A_552, %get3A_556 : vector<16xf32>
              %get3A_558 = arith.constant 1 : i32
              %get3A_559 = arith.index_cast %get3A_558 : i32 to index
              %get3A_560 = arith.constant 64 : index
              %get3A_561 = tpu.vector_load %arg19[%get3A_559, %get3A_560] {strides = array<i32>} : memref<3x128xf32, #tpu.memory_space<vmem>>, vector<16xf32>,
              %add3A_562 = arith.addf %add3A_557, %get3A_561 : vector<16xf32>
              %max3A_563 = arith.constant 0.000000e+00 : f32
              %max3A_564 = vector.broadcast %max3A_563 : f32 to vector<16xf32>
              %max3A_565 = arith.maximumf %add3A_562, %max3A_564 : vector<16xf32>
              %swap3A_566 = arith.constant 192 : index
              %swap3A_567 = tpu.vector_load %arg18[%swap3A_566] {strides = array<i32>} : memref<384xf32, #tpu.memory_space<vmem>>, vector<16xf32>,
              tpu.vector_store %arg18[%swap3A_566], %max3A_565 {add = true, strides = array<i32>} : memref<384xf32, #tpu.memory_space<vmem>>, vector<16xf32>,
              %get3A_568 = arith.index_cast %add3A_120 : i32 to index
              %get3A_569 = arith.constant 336 : index
              %get3A_570 = tpu.vector_load %arg12[%get3A_568, %get3A_569] {strides = array<i32>} : memref<64x512xf32, #tpu.memory_space<vmem>>, vector<16xf32>,
              %get3A_571 = arith.index_cast %add3A_195 : i32 to index
              %get3A_572 = arith.constant 336 : index
              %get3A_573 = tpu.vector_load %arg14[%get3A_571, %get3A_572] {strides = array<i32>} : memref<64x768xf32, #tpu.memory_space<vmem>>, vector<16xf32>,
              %add3A_574 = arith.addf %get3A_570, %get3A_573 : vector<16xf32>
              %add3A_575 = arith.addi %select_n3A, %while3A_456 : i32
              %get3A_576 = arith.index_cast %add3A_575 : i32 to index
              %get3A_577 = arith.constant 464 : index
              %get3A_578 = tpu.vector_load %arg14[%get3A_576, %get3A_577] {strides = array<i32>} : memref<64x768xf32, #tpu.memory_space<vmem>>, vector<16xf32>,
              %add3A_579 = arith.addf %add3A_574, %get3A_578 : vector<16xf32>
              %get3A_580 = arith.constant 1 : i32
              %get3A_581 = arith.index_cast %get3A_580 : i32 to index
              %get3A_582 = arith.constant 80 : index
              %get3A_583 = tpu.vector_load %arg19[%get3A_581, %get3A_582] {strides = array<i32>} : memref<3x128xf32, #tpu.memory_space<vmem>>, vector<16xf32>,
              %add3A_584 = arith.addf %add3A_579, %get3A_583 : vector<16xf32>
              %max3A_585 = arith.constant 0.000000e+00 : f32
              %max3A_586 = vector.broadcast %max3A_585 : f32 to vector<16xf32>
              %max3A_587 = arith.maximumf %add3A_584, %max3A_586 : vector<16xf32>
              %swap3A_588 = arith.constant 208 : index
              %swap3A_589 = tpu.vector_load %arg18[%swap3A_588] {strides = array<i32>} : memref<384xf32, #tpu.memory_space<vmem>>, vector<16xf32>,
              tpu.vector_store %arg18[%swap3A_588], %max3A_587 {add = true, strides = array<i32>} : memref<384xf32, #tpu.memory_space<vmem>>, vector<16xf32>,
              %get3A_590 = arith.index_cast %add3A_120 : i32 to index
              %get3A_591 = arith.constant 352 : index
              %get3A_592 = tpu.vector_load %arg12[%get3A_590, %get3A_591] {strides = array<i32>} : memref<64x512xf32, #tpu.memory_space<vmem>>, vector<16xf32>,
              %get3A_593 = arith.index_cast %add3A_195 : i32 to index
              %get3A_594 = arith.constant 352 : index
              %get3A_595 = tpu.vector_load %arg14[%get3A_593, %get3A_594] {strides = array<i32>} : memref<64x768xf32, #tpu.memory_space<vmem>>, vector<16xf32>,
              %add3A_596 = arith.addf %get3A_592, %get3A_595 : vector<16xf32>
              %add3A_597 = arith.addi %select_n3A, %while3A_456 : i32
              %get3A_598 = arith.index_cast %add3A_597 : i32 to index
              %get3A_599 = arith.constant 480 : index
              %get3A_600 = tpu.vector_load %arg14[%get3A_598, %get3A_599] {strides = array<i32>} : memref<64x768xf32, #tpu.memory_space<vmem>>, vector<16xf32>,
              %add3A_601 = arith.addf %add3A_596, %get3A_600 : vector<16xf32>
              %get3A_602 = arith.constant 1 : i32
              %get3A_603 = arith.index_cast %get3A_602 : i32 to index
              %get3A_604 = arith.constant 96 : index
              %get3A_605 = tpu.vector_load %arg19[%get3A_603, %get3A_604] {strides = array<i32>} : memref<3x128xf32, #tpu.memory_space<vmem>>, vector<16xf32>,
              %add3A_606 = arith.addf %add3A_601, %get3A_605 : vector<16xf32>
              %max3A_607 = arith.constant 0.000000e+00 : f32
              %max3A_608 = vector.broadcast %max3A_607 : f32 to vector<16xf32>
              %max3A_609 = arith.maximumf %add3A_606, %max3A_608 : vector<16xf32>
              %swap3A_610 = arith.constant 224 : index
              %swap3A_611 = tpu.vector_load %arg18[%swap3A_610] {strides = array<i32>} : memref<384xf32, #tpu.memory_space<vmem>>, vector<16xf32>,
              tpu.vector_store %arg18[%swap3A_610], %max3A_609 {add = true, strides = array<i32>} : memref<384xf32, #tpu.memory_space<vmem>>, vector<16xf32>,
              %get3A_612 = arith.index_cast %add3A_120 : i32 to index
              %get3A_613 = arith.constant 368 : index
              %get3A_614 = tpu.vector_load %arg12[%get3A_612, %get3A_613] {strides = array<i32>} : memref<64x512xf32, #tpu.memory_space<vmem>>, vector<16xf32>,
              %get3A_615 = arith.index_cast %add3A_195 : i32 to index
              %get3A_616 = arith.constant 368 : index
              %get3A_617 = tpu.vector_load %arg14[%get3A_615, %get3A_616] {strides = array<i32>} : memref<64x768xf32, #tpu.memory_space<vmem>>, vector<16xf32>,
              %add3A_618 = arith.addf %get3A_614, %get3A_617 : vector<16xf32>
              %add3A_619 = arith.addi %select_n3A, %while3A_456 : i32
              %get3A_620 = arith.index_cast %add3A_619 : i32 to index
              %get3A_621 = arith.constant 496 : index
              %get3A_622 = tpu.vector_load %arg14[%get3A_620, %get3A_621] {strides = array<i32>} : memref<64x768xf32, #tpu.memory_space<vmem>>, vector<16xf32>,
              %add3A_623 = arith.addf %add3A_618, %get3A_622 : vector<16xf32>
              %get3A_624 = arith.constant 1 : i32
              %get3A_625 = arith.index_cast %get3A_624 : i32 to index
              %get3A_626 = arith.constant 112 : index
              %get3A_627 = tpu.vector_load %arg19[%get3A_625, %get3A_626] {strides = array<i32>} : memref<3x128xf32, #tpu.memory_space<vmem>>, vector<16xf32>,
              %add3A_628 = arith.addf %add3A_623, %get3A_627 : vector<16xf32>
              %max3A_629 = arith.constant 0.000000e+00 : f32
              %max3A_630 = vector.broadcast %max3A_629 : f32 to vector<16xf32>
              %max3A_631 = arith.maximumf %add3A_628, %max3A_630 : vector<16xf32>
              %swap3A_632 = arith.constant 240 : index
              %swap3A_633 = tpu.vector_load %arg18[%swap3A_632] {strides = array<i32>} : memref<384xf32, #tpu.memory_space<vmem>>, vector<16xf32>,
              tpu.vector_store %arg18[%swap3A_632], %max3A_631 {add = true, strides = array<i32>} : memref<384xf32, #tpu.memory_space<vmem>>, vector<16xf32>,
              %while3A_634 = arith.constant 0 : i32
              scf.yield %while3A_634 : i32
            }
            %while3A_455 = arith.constant 0 : i32
            scf.yield %while3A_455 : i32
          }
          %min3A = arith.constant 4 : i32
          %min3A_157 = arith.minsi %while3A_144, %min3A : i32
          %while3A_158 = arith.constant 0 : i32
          %while3A_159 = arith.constant 0 : i32
          %while3A_160 = arith.subi %min3A_157, %while3A_158 : i32
          %while3A_161 = arith.addi %while3A_158, %while3A_160 : i32
          %while3A_162 = arith.constant 1 : i32
          %while3A_163 = arith.divsi %while3A_160, %while3A_162 : i32
          %while3A_164 = arith.muli %while3A_163, %while3A_162 : i32
          %while3A_165 = arith.addi %while3A_158, %while3A_164 : i32
          %while3A_166 = arith.constant 1 : i32
          %while3A_167 = scf.for %while3A_182 = %while3A_158 to %while3A_165 step %while3A_166 iter_args(%while3A_183 = %while3A_159) -> (i32)  : i32 {
            %dma_wait3A_184 = arith.constant 0 : i32
            %dma_wait3A_185 = arith.constant 0 : i32
            %dma_wait3A_186 = tpu.memref_slice %arg16[%dma_wait3A_184, %dma_wait3A_185] : memref<56x128xf32, #tpu.memory_space<vmem>> -> memref<8x128xf32, #tpu.memory_space<vmem>>
            %dma_wait3A_187 = arith.constant 0 : i32
            %dma_wait3A_188 = tpu.memref_slice %arg15[%select_n3A, %dma_wait3A_187] : memref<64x128xi32, #tpu.memory_space<vmem>> -> memref<1x8xi32, #tpu.memory_space<vmem>>
            %dma_wait3A_189 = tpu.memref_squeeze %dma_wait3A_188 : memref<1x8xi32, #tpu.memory_space<vmem>> -> memref<8xi32, #tpu.memory_space<vmem>>
            %dma_wait3A_190 = arith.constant 0 : i32
            %dma_wait3A_191 = arith.constant 0 : i32
            %dma_wait3A_192 = tpu.memref_slice %arg6[%dma_wait3A_190, %dma_wait3A_191] : memref<2048x128xf32, #tpu.memory_space<hbm>> -> memref<2048x128xf32, #tpu.memory_space<hbm>>
            tpu.wait_indirect_dma semaphore(%arg22 : memref<!tpu.dma_semaphore, #tpu.memory_space<semaphore_mem>>) src(%dma_wait3A_192 : memref<2048x128xf32, #tpu.memory_space<hbm>>) dst(%dma_wait3A_186 : memref<8x128xf32, #tpu.memory_space<vmem>>)
            %while3A_193 = arith.constant 0 : i32
            scf.yield %while3A_193 : i32
          }
          %while3A_168 = arith.constant 1 : i32
          %while3A_169 = scf.for %while3A_182 = %while3A_165 to %while3A_161 step %while3A_168 iter_args(%while3A_183 = %while3A_167) -> (i32)  : i32 {
            %dma_wait3A_184 = arith.constant 0 : i32
            %dma_wait3A_185 = arith.constant 0 : i32
            %dma_wait3A_186 = tpu.memref_slice %arg16[%dma_wait3A_184, %dma_wait3A_185] : memref<56x128xf32, #tpu.memory_space<vmem>> -> memref<8x128xf32, #tpu.memory_space<vmem>>
            %dma_wait3A_187 = arith.constant 0 : i32
            %dma_wait3A_188 = tpu.memref_slice %arg15[%select_n3A, %dma_wait3A_187] : memref<64x128xi32, #tpu.memory_space<vmem>> -> memref<1x8xi32, #tpu.memory_space<vmem>>
            %dma_wait3A_189 = tpu.memref_squeeze %dma_wait3A_188 : memref<1x8xi32, #tpu.memory_space<vmem>> -> memref<8xi32, #tpu.memory_space<vmem>>
            %dma_wait3A_190 = arith.constant 0 : i32
            %dma_wait3A_191 = arith.constant 0 : i32
            %dma_wait3A_192 = tpu.memref_slice %arg6[%dma_wait3A_190, %dma_wait3A_191] : memref<2048x128xf32, #tpu.memory_space<hbm>> -> memref<2048x128xf32, #tpu.memory_space<hbm>>
            tpu.wait_indirect_dma semaphore(%arg22 : memref<!tpu.dma_semaphore, #tpu.memory_space<semaphore_mem>>) src(%dma_wait3A_192 : memref<2048x128xf32, #tpu.memory_space<hbm>>) dst(%dma_wait3A_186 : memref<8x128xf32, #tpu.memory_space<vmem>>)
            %while3A_193 = arith.constant 0 : i32
            scf.yield %while3A_193 : i32
          }
          %while3A_170 = arith.constant 0 : i32
          %while3A_171 = arith.constant 0 : i32
          %while3A_172 = arith.subi %squeeze3A, %while3A_170 : i32
          %while3A_173 = arith.addi %while3A_170, %while3A_172 : i32
          %while3A_174 = arith.constant 1 : i32
          %while3A_175 = arith.divsi %while3A_172, %while3A_174 : i32
          %while3A_176 = arith.muli %while3A_175, %while3A_174 : i32
          %while3A_177 = arith.addi %while3A_170, %while3A_176 : i32
          %while3A_178 = arith.constant 1 : i32
          %while3A_179 = scf.for %while3A_182 = %while3A_170 to %while3A_177 step %while3A_178 iter_args(%while3A_183 = %while3A_171) -> (i32)  : i32 {
            %get3A_184 = arith.index_cast %add3A_120 : i32 to index
            %get3A_185 = arith.index_cast %while3A_182 : i32 to index
            %get3A_186 = tpu.vector_load %arg10[%get3A_184, %get3A_185] {strides = array<i32>} : memref<64x128xi32, #tpu.memory_space<vmem>>, vector<16xi32>,
            %slice3A_187 = vector.extract_strided_slice %get3A_186 {offsets = [0], sizes = [1], strides = [1]} : vector<16xi32> to vector<1xi32>
            %squeeze3A_188 = vector.extract %slice3A_187[0] : i32 from vector<1xi32>
            %lt3A_189 = arith.cmpi slt, %add3A_121, %squeeze3A_188 : i32
            %add3A_190 = arith.addi %select_n3A, %while3A_182 : i32
            %convert_element_type3A_191 = arith.extui %lt3A_189 : i1 to i32
            %cond3A_192 = arith.constant 0 : i32
            %cond3A_193 = arith.cmpi ne, %convert_element_type3A_191, %cond3A_192 : i32
            scf.if %cond3A_193 {
              %jit3A_198 = arith.constant 4 : i32
              %eq3A = arith.constant 0 : i32
              %eq3A_199 = arith.cmpi eq, %jit3A_198, %eq3A : i32
              %jit3A_200 = arith.constant 1 : i32
              %select_n3A_201 = arith.select %eq3A_199, %jit3A_200, %jit3A_198 : i32
              %rem3A = arith.remsi %while3A_183, %select_n3A_201 : i32
              %ne3A = arith.constant 0 : i32
              %ne3A_202 = arith.cmpi ne, %rem3A, %ne3A : i32
              %lt3A_203 = arith.constant 0 : i32
              %lt3A_204 = arith.cmpi slt, %rem3A, %lt3A_203 : i32
              %lt3A_205 = arith.constant 0 : i32
              %lt3A_206 = arith.cmpi slt, %select_n3A_201, %lt3A_205 : i32
              %ne3A_207 = arith.xori %lt3A_204, %lt3A_206 : i1
              %and3A = arith.andi %ne3A_207, %ne3A_202 : i1
              %add3A_208 = arith.addi %rem3A, %select_n3A_201 : i32
              %select_n3A_209 = arith.select %and3A, %add3A_208, %rem3A : i32
              %ge3A = arith.constant 4 : i32
              %ge3A_210 = arith.cmpi sge, %while3A_183, %ge3A : i32
              %convert_element_type3A_211 = arith.extui %ge3A_210 : i1 to i32
              %cond3A_212 = arith.constant 0 : i32
              %cond3A_213 = arith.cmpi ne, %convert_element_type3A_211, %cond3A_212 : i32
              scf.if %cond3A_213 {
                %mul3A_363 = arith.constant 8 : i32
                %mul3A_364 = arith.muli %select_n3A_209, %mul3A_363 : i32
                %dma_start3A_365 = arith.constant 0 : i32
                %dma_start3A_366 = tpu.memref_slice %arg16[%mul3A_364, %dma_start3A_365] : memref<56x128xf32, #tpu.memory_space<vmem>> -> memref<8x128xf32, #tpu.memory_space<vmem>>
                %dma_start3A_367 = arith.constant 0 : i32
                %dma_start3A_368 = tpu.memref_slice %arg15[%add3A_190, %dma_start3A_367] : memref<64x128xi32, #tpu.memory_space<vmem>> -> memref<1x8xi32, #tpu.memory_space<vmem>>
                %dma_start3A_369 = tpu.memref_squeeze %dma_start3A_368 : memref<1x8xi32, #tpu.memory_space<vmem>> -> memref<8xi32, #tpu.memory_space<vmem>>
                %dma_start3A_370 = arith.constant 0 : i32
                %dma_start3A_371 = arith.constant 0 : i32
                %dma_start3A_372 = tpu.memref_slice %arg6[%dma_start3A_370, %dma_start3A_371] : memref<2048x128xf32, #tpu.memory_space<hbm>> -> memref<2048x128xf32, #tpu.memory_space<hbm>>
                tpu.enqueue_indirect_dma source(%dma_start3A_372 : memref<2048x128xf32, #tpu.memory_space<hbm>>) target(%dma_start3A_366 : memref<8x128xf32, #tpu.memory_space<vmem>>) offsets(%dma_start3A_369 : memref<8xi32, #tpu.memory_space<vmem>>) semaphore(%arg22 : memref<!tpu.dma_semaphore, #tpu.memory_space<semaphore_mem>>)
                %mul3A_373 = arith.constant 8 : i32
                %mul3A_374 = arith.muli %select_n3A_209, %mul3A_373 : i32
                %dma_wait3A_375 = arith.constant 0 : i32
                %dma_wait3A_376 = tpu.memref_slice %arg16[%mul3A_374, %dma_wait3A_375] : memref<56x128xf32, #tpu.memory_space<vmem>> -> memref<8x128xf32, #tpu.memory_space<vmem>>
                %dma_wait3A_377 = arith.constant 0 : i32
                %dma_wait3A_378 = tpu.memref_slice %arg15[%add3A_190, %dma_wait3A_377] : memref<64x128xi32, #tpu.memory_space<vmem>> -> memref<1x8xi32, #tpu.memory_space<vmem>>
                %dma_wait3A_379 = tpu.memref_squeeze %dma_wait3A_378 : memref<1x8xi32, #tpu.memory_space<vmem>> -> memref<8xi32, #tpu.memory_space<vmem>>
                %dma_wait3A_380 = arith.constant 0 : i32
                %dma_wait3A_381 = arith.constant 0 : i32
                %dma_wait3A_382 = tpu.memref_slice %arg6[%dma_wait3A_380, %dma_wait3A_381] : memref<2048x128xf32, #tpu.memory_space<hbm>> -> memref<2048x128xf32, #tpu.memory_space<hbm>>
                tpu.wait_indirect_dma semaphore(%arg22 : memref<!tpu.dma_semaphore, #tpu.memory_space<semaphore_mem>>) src(%dma_wait3A_382 : memref<2048x128xf32, #tpu.memory_space<hbm>>) dst(%dma_wait3A_376 : memref<8x128xf32, #tpu.memory_space<vmem>>)
              } else {
              }
              %get3A_214 = arith.index_cast %add3A_190 : i32 to index
              %get3A_215 = arith.constant 32 : index
              %get3A_216 = tpu.vector_load %arg15[%get3A_214, %get3A_215] {strides = array<i32>} : memref<64x128xi32, #tpu.memory_space<vmem>>, vector<16xi32>,
              %slice3A_217 = vector.extract_strided_slice %get3A_216 {offsets = [0], sizes = [1], strides = [1]} : vector<16xi32> to vector<1xi32>
              %squeeze3A_218 = vector.extract %slice3A_217[0] : i32 from vector<1xi32>
              %gt3A_219 = arith.constant 8 : i32
              %gt3A_220 = arith.cmpi sgt, %squeeze3A_218, %gt3A_219 : i32
              %convert_element_type3A_221 = arith.extui %gt3A_220 : i1 to i32
              %cond3A_222 = arith.constant 0 : i32
              %cond3A_223 = arith.cmpi ne, %convert_element_type3A_221, %cond3A_222 : i32
              scf.if %cond3A_223 {
                %dma_start3A_363 = arith.constant 32 : i32
                %dma_start3A_364 = arith.constant 0 : i32
                %dma_start3A_365 = tpu.memref_slice %arg16[%dma_start3A_363, %dma_start3A_364] : memref<56x128xf32, #tpu.memory_space<vmem>> -> memref<24x128xf32, #tpu.memory_space<vmem>>
                %dma_start3A_366 = arith.constant 8 : i32
                %dma_start3A_367 = tpu.memref_slice %arg15[%add3A_190, %dma_start3A_366] : memref<64x128xi32, #tpu.memory_space<vmem>> -> memref<1x24xi32, #tpu.memory_space<vmem>>
                %dma_start3A_368 = tpu.memref_squeeze %dma_start3A_367 : memref<1x24xi32, #tpu.memory_space<vmem>> -> memref<24xi32, #tpu.memory_space<vmem>>
                %dma_start3A_369 = arith.constant 0 : i32
                %dma_start3A_370 = arith.constant 0 : i32
                %dma_start3A_371 = tpu.memref_slice %arg6[%dma_start3A_369, %dma_start3A_370] : memref<2048x128xf32, #tpu.memory_space<hbm>> -> memref<2048x128xf32, #tpu.memory_space<hbm>>
                tpu.enqueue_indirect_dma source(%dma_start3A_371 : memref<2048x128xf32, #tpu.memory_space<hbm>>) target(%dma_start3A_365 : memref<24x128xf32, #tpu.memory_space<vmem>>) offsets(%dma_start3A_368 : memref<24xi32, #tpu.memory_space<vmem>>) semaphore(%arg20 : memref<!tpu.dma_semaphore, #tpu.memory_space<semaphore_mem>>)
                %dma_wait3A_372 = arith.constant 32 : i32
                %dma_wait3A_373 = arith.constant 0 : i32
                %dma_wait3A_374 = tpu.memref_slice %arg16[%dma_wait3A_372, %dma_wait3A_373] : memref<56x128xf32, #tpu.memory_space<vmem>> -> memref<24x128xf32, #tpu.memory_space<vmem>>
                %dma_wait3A_375 = arith.constant 8 : i32
                %dma_wait3A_376 = tpu.memref_slice %arg15[%add3A_190, %dma_wait3A_375] : memref<64x128xi32, #tpu.memory_space<vmem>> -> memref<1x24xi32, #tpu.memory_space<vmem>>
                %dma_wait3A_377 = tpu.memref_squeeze %dma_wait3A_376 : memref<1x24xi32, #tpu.memory_space<vmem>> -> memref<24xi32, #tpu.memory_space<vmem>>
                %dma_wait3A_378 = arith.constant 0 : i32
                %dma_wait3A_379 = arith.constant 0 : i32
                %dma_wait3A_380 = tpu.memref_slice %arg6[%dma_wait3A_378, %dma_wait3A_379] : memref<2048x128xf32, #tpu.memory_space<hbm>> -> memref<2048x128xf32, #tpu.memory_space<hbm>>
                tpu.wait_indirect_dma semaphore(%arg20 : memref<!tpu.dma_semaphore, #tpu.memory_space<semaphore_mem>>) src(%dma_wait3A_380 : memref<2048x128xf32, #tpu.memory_space<hbm>>) dst(%dma_wait3A_374 : memref<24x128xf32, #tpu.memory_space<vmem>>)
              } else {
              }
              %get3A_224 = arith.index_cast %add3A_120 : i32 to index
              %get3A_225 = arith.constant 384 : index
              %get3A_226 = tpu.vector_load %arg12[%get3A_224, %get3A_225] {strides = array<i32>} : memref<64x512xf32, #tpu.memory_space<vmem>>, vector<16xf32>,
              %get3A_227 = arith.index_cast %add3A_190 : i32 to index
              %get3A_228 = arith.constant 640 : index
              %get3A_229 = tpu.vector_load %arg14[%get3A_227, %get3A_228] {strides = array<i32>} : memref<64x768xf32, #tpu.memory_space<vmem>>, vector<16xf32>,
              %add3A_230 = arith.addf %get3A_226, %get3A_229 : vector<16xf32>
              %get3A_231 = arith.constant 2 : i32
              %get3A_232 = arith.index_cast %get3A_231 : i32 to index
              %get3A_233 = arith.constant 0 : index
              %get3A_234 = tpu.vector_load %arg19[%get3A_232, %get3A_233] {strides = array<i32>} : memref<3x128xf32, #tpu.memory_space<vmem>>, vector<16xf32>,
              %add3A_235 = arith.addf %add3A_230, %get3A_234 : vector<16xf32>
              %get3A_236 = arith.index_cast %add3A_120 : i32 to index
              %get3A_237 = arith.constant 400 : index
              %get3A_238 = tpu.vector_load %arg12[%get3A_236, %get3A_237] {strides = array<i32>} : memref<64x512xf32, #tpu.memory_space<vmem>>, vector<16xf32>,
              %get3A_239 = arith.index_cast %add3A_190 : i32 to index
              %get3A_240 = arith.constant 656 : index
              %get3A_241 = tpu.vector_load %arg14[%get3A_239, %get3A_240] {strides = array<i32>} : memref<64x768xf32, #tpu.memory_space<vmem>>, vector<16xf32>,
              %add3A_242 = arith.addf %get3A_238, %get3A_241 : vector<16xf32>
              %get3A_243 = arith.constant 2 : i32
              %get3A_244 = arith.index_cast %get3A_243 : i32 to index
              %get3A_245 = arith.constant 16 : index
              %get3A_246 = tpu.vector_load %arg19[%get3A_244, %get3A_245] {strides = array<i32>} : memref<3x128xf32, #tpu.memory_space<vmem>>, vector<16xf32>,
              %add3A_247 = arith.addf %add3A_242, %get3A_246 : vector<16xf32>
              %get3A_248 = arith.index_cast %add3A_120 : i32 to index
              %get3A_249 = arith.constant 416 : index
              %get3A_250 = tpu.vector_load %arg12[%get3A_248, %get3A_249] {strides = array<i32>} : memref<64x512xf32, #tpu.memory_space<vmem>>, vector<16xf32>,
              %get3A_251 = arith.index_cast %add3A_190 : i32 to index
              %get3A_252 = arith.constant 672 : index
              %get3A_253 = tpu.vector_load %arg14[%get3A_251, %get3A_252] {strides = array<i32>} : memref<64x768xf32, #tpu.memory_space<vmem>>, vector<16xf32>,
              %add3A_254 = arith.addf %get3A_250, %get3A_253 : vector<16xf32>
              %get3A_255 = arith.constant 2 : i32
              %get3A_256 = arith.index_cast %get3A_255 : i32 to index
              %get3A_257 = arith.constant 32 : index
              %get3A_258 = tpu.vector_load %arg19[%get3A_256, %get3A_257] {strides = array<i32>} : memref<3x128xf32, #tpu.memory_space<vmem>>, vector<16xf32>,
              %add3A_259 = arith.addf %add3A_254, %get3A_258 : vector<16xf32>
              %get3A_260 = arith.index_cast %add3A_120 : i32 to index
              %get3A_261 = arith.constant 432 : index
              %get3A_262 = tpu.vector_load %arg12[%get3A_260, %get3A_261] {strides = array<i32>} : memref<64x512xf32, #tpu.memory_space<vmem>>, vector<16xf32>,
              %get3A_263 = arith.index_cast %add3A_190 : i32 to index
              %get3A_264 = arith.constant 688 : index
              %get3A_265 = tpu.vector_load %arg14[%get3A_263, %get3A_264] {strides = array<i32>} : memref<64x768xf32, #tpu.memory_space<vmem>>, vector<16xf32>,
              %add3A_266 = arith.addf %get3A_262, %get3A_265 : vector<16xf32>
              %get3A_267 = arith.constant 2 : i32
              %get3A_268 = arith.index_cast %get3A_267 : i32 to index
              %get3A_269 = arith.constant 48 : index
              %get3A_270 = tpu.vector_load %arg19[%get3A_268, %get3A_269] {strides = array<i32>} : memref<3x128xf32, #tpu.memory_space<vmem>>, vector<16xf32>,
              %add3A_271 = arith.addf %add3A_266, %get3A_270 : vector<16xf32>
              %get3A_272 = arith.index_cast %add3A_120 : i32 to index
              %get3A_273 = arith.constant 448 : index
              %get3A_274 = tpu.vector_load %arg12[%get3A_272, %get3A_273] {strides = array<i32>} : memref<64x512xf32, #tpu.memory_space<vmem>>, vector<16xf32>,
              %get3A_275 = arith.index_cast %add3A_190 : i32 to index
              %get3A_276 = arith.constant 704 : index
              %get3A_277 = tpu.vector_load %arg14[%get3A_275, %get3A_276] {strides = array<i32>} : memref<64x768xf32, #tpu.memory_space<vmem>>, vector<16xf32>,
              %add3A_278 = arith.addf %get3A_274, %get3A_277 : vector<16xf32>
              %get3A_279 = arith.constant 2 : i32
              %get3A_280 = arith.index_cast %get3A_279 : i32 to index
              %get3A_281 = arith.constant 64 : index
              %get3A_282 = tpu.vector_load %arg19[%get3A_280, %get3A_281] {strides = array<i32>} : memref<3x128xf32, #tpu.memory_space<vmem>>, vector<16xf32>,
              %add3A_283 = arith.addf %add3A_278, %get3A_282 : vector<16xf32>
              %get3A_284 = arith.index_cast %add3A_120 : i32 to index
              %get3A_285 = arith.constant 464 : index
              %get3A_286 = tpu.vector_load %arg12[%get3A_284, %get3A_285] {strides = array<i32>} : memref<64x512xf32, #tpu.memory_space<vmem>>, vector<16xf32>,
              %get3A_287 = arith.index_cast %add3A_190 : i32 to index
              %get3A_288 = arith.constant 720 : index
              %get3A_289 = tpu.vector_load %arg14[%get3A_287, %get3A_288] {strides = array<i32>} : memref<64x768xf32, #tpu.memory_space<vmem>>, vector<16xf32>,
              %add3A_290 = arith.addf %get3A_286, %get3A_289 : vector<16xf32>
              %get3A_291 = arith.constant 2 : i32
              %get3A_292 = arith.index_cast %get3A_291 : i32 to index
              %get3A_293 = arith.constant 80 : index
              %get3A_294 = tpu.vector_load %arg19[%get3A_292, %get3A_293] {strides = array<i32>} : memref<3x128xf32, #tpu.memory_space<vmem>>, vector<16xf32>,
              %add3A_295 = arith.addf %add3A_290, %get3A_294 : vector<16xf32>
              %get3A_296 = arith.index_cast %add3A_120 : i32 to index
              %get3A_297 = arith.constant 480 : index
              %get3A_298 = tpu.vector_load %arg12[%get3A_296, %get3A_297] {strides = array<i32>} : memref<64x512xf32, #tpu.memory_space<vmem>>, vector<16xf32>,
              %get3A_299 = arith.index_cast %add3A_190 : i32 to index
              %get3A_300 = arith.constant 736 : index
              %get3A_301 = tpu.vector_load %arg14[%get3A_299, %get3A_300] {strides = array<i32>} : memref<64x768xf32, #tpu.memory_space<vmem>>, vector<16xf32>,
              %add3A_302 = arith.addf %get3A_298, %get3A_301 : vector<16xf32>
              %get3A_303 = arith.constant 2 : i32
              %get3A_304 = arith.index_cast %get3A_303 : i32 to index
              %get3A_305 = arith.constant 96 : index
              %get3A_306 = tpu.vector_load %arg19[%get3A_304, %get3A_305] {strides = array<i32>} : memref<3x128xf32, #tpu.memory_space<vmem>>, vector<16xf32>,
              %add3A_307 = arith.addf %add3A_302, %get3A_306 : vector<16xf32>
              %get3A_308 = arith.index_cast %add3A_120 : i32 to index
              %get3A_309 = arith.constant 496 : index
              %get3A_310 = tpu.vector_load %arg12[%get3A_308, %get3A_309] {strides = array<i32>} : memref<64x512xf32, #tpu.memory_space<vmem>>, vector<16xf32>,
              %get3A_311 = arith.index_cast %add3A_190 : i32 to index
              %get3A_312 = arith.constant 752 : index
              %get3A_313 = tpu.vector_load %arg14[%get3A_311, %get3A_312] {strides = array<i32>} : memref<64x768xf32, #tpu.memory_space<vmem>>, vector<16xf32>,
              %add3A_314 = arith.addf %get3A_310, %get3A_313 : vector<16xf32>
              %get3A_315 = arith.constant 2 : i32
              %get3A_316 = arith.index_cast %get3A_315 : i32 to index
              %get3A_317 = arith.constant 112 : index
              %get3A_318 = tpu.vector_load %arg19[%get3A_316, %get3A_317] {strides = array<i32>} : memref<3x128xf32, #tpu.memory_space<vmem>>, vector<16xf32>,
              %add3A_319 = arith.addf %add3A_314, %get3A_318 : vector<16xf32>
              %broadcast_in_dim3A_320 = arith.constant 0.000000e+00 : f32
              %broadcast_in_dim3A_321 = vector.broadcast %broadcast_in_dim3A_320 : f32 to vector<16xf32>
              %broadcast_in_dim3A_322 = arith.constant 0.000000e+00 : f32
              %broadcast_in_dim3A_323 = vector.broadcast %broadcast_in_dim3A_322 : f32 to vector<16xf32>
              %broadcast_in_dim3A_324 = arith.constant 0.000000e+00 : f32
              %broadcast_in_dim3A_325 = vector.broadcast %broadcast_in_dim3A_324 : f32 to vector<16xf32>
              %broadcast_in_dim3A_326 = arith.constant 0.000000e+00 : f32
              %broadcast_in_dim3A_327 = vector.broadcast %broadcast_in_dim3A_326 : f32 to vector<16xf32>
              %broadcast_in_dim3A_328 = arith.constant 0.000000e+00 : f32
              %broadcast_in_dim3A_329 = vector.broadcast %broadcast_in_dim3A_328 : f32 to vector<16xf32>
              %broadcast_in_dim3A_330 = arith.constant 0.000000e+00 : f32
              %broadcast_in_dim3A_331 = vector.broadcast %broadcast_in_dim3A_330 : f32 to vector<16xf32>
              %broadcast_in_dim3A_332 = arith.constant 0.000000e+00 : f32
              %broadcast_in_dim3A_333 = vector.broadcast %broadcast_in_dim3A_332 : f32 to vector<16xf32>
              %broadcast_in_dim3A_334 = arith.constant 0.000000e+00 : f32
              %broadcast_in_dim3A_335 = vector.broadcast %broadcast_in_dim3A_334 : f32 to vector<16xf32>
              %while3A_336 = arith.constant 0 : i32
              %while3A_337 = arith.subi %squeeze3A, %while3A_336 : i32
              %while3A_338 = arith.addi %while3A_336, %while3A_337 : i32
              %while3A_339 = arith.constant 1 : i32
              %while3A_340 = arith.divsi %while3A_337, %while3A_339 : i32
              %while3A_341 = arith.muli %while3A_340, %while3A_339 : i32
              %while3A_342 = arith.addi %while3A_336, %while3A_341 : i32
              %while3A_343 = arith.constant 1 : i32
              %while3A_344:8 = scf.for %while3A_363 = %while3A_336 to %while3A_342 step %while3A_343 iter_args(%while3A_364 = %broadcast_in_dim3A_321, %while3A_365 = %broadcast_in_dim3A_323, %while3A_366 = %broadcast_in_dim3A_325, %while3A_367 = %broadcast_in_dim3A_327, %while3A_368 = %broadcast_in_dim3A_329, %while3A_369 = %broadcast_in_dim3A_331, %while3A_370 = %broadcast_in_dim3A_333, %while3A_371 = %broadcast_in_dim3A_335) -> (vector<16xf32>, vector<16xf32>, vector<16xf32>, vector<16xf32>, vector<16xf32>, vector<16xf32>, vector<16xf32>, vector<16xf32>)  : i32 {
                %ne3A_372 = arith.cmpi ne, %while3A_363, %while3A_182 : i32
                %convert_element_type3A_373 = arith.extui %ne3A_372 : i1 to i32
                %cond3A_374 = arith.constant 0 : i32
                %cond3A_375 = arith.cmpi ne, %convert_element_type3A_373, %cond3A_374 : i32
                %cond3A_376:8 = scf.if %cond3A_375 -> (vector<16xf32>, vector<16xf32>, vector<16xf32>, vector<16xf32>, vector<16xf32>, vector<16xf32>, vector<16xf32>, vector<16xf32>) {
                  %add3A_377 = arith.addi %select_n3A, %while3A_363 : i32
                  %get3A_378 = arith.index_cast %add3A_377 : i32 to index
                  %get3A_379 = arith.constant 512 : index
                  %get3A_380 = tpu.vector_load %arg14[%get3A_378, %get3A_379] {strides = array<i32>} : memref<64x768xf32, #tpu.memory_space<vmem>>, vector<16xf32>,
                  %add3A_381 = arith.addf %add3A_235, %get3A_380 : vector<16xf32>
                  %add3A_382 = arith.addi %select_n3A, %while3A_363 : i32
                  %get3A_383 = arith.index_cast %add3A_382 : i32 to index
                  %get3A_384 = arith.constant 528 : index
                  %get3A_385 = tpu.vector_load %arg14[%get3A_383, %get3A_384] {strides = array<i32>} : memref<64x768xf32, #tpu.memory_space<vmem>>, vector<16xf32>,
                  %add3A_386 = arith.addf %add3A_247, %get3A_385 : vector<16xf32>
                  %add3A_387 = arith.addi %select_n3A, %while3A_363 : i32
                  %get3A_388 = arith.index_cast %add3A_387 : i32 to index
                  %get3A_389 = arith.constant 544 : index
                  %get3A_390 = tpu.vector_load %arg14[%get3A_388, %get3A_389] {strides = array<i32>} : memref<64x768xf32, #tpu.memory_space<vmem>>, vector<16xf32>,
                  %add3A_391 = arith.addf %add3A_259, %get3A_390 : vector<16xf32>
                  %add3A_392 = arith.addi %select_n3A, %while3A_363 : i32
                  %get3A_393 = arith.index_cast %add3A_392 : i32 to index
                  %get3A_394 = arith.constant 560 : index
                  %get3A_395 = tpu.vector_load %arg14[%get3A_393, %get3A_394] {strides = array<i32>} : memref<64x768xf32, #tpu.memory_space<vmem>>, vector<16xf32>,
                  %add3A_396 = arith.addf %add3A_271, %get3A_395 : vector<16xf32>
                  %add3A_397 = arith.addi %select_n3A, %while3A_363 : i32
                  %get3A_398 = arith.index_cast %add3A_397 : i32 to index
                  %get3A_399 = arith.constant 576 : index
                  %get3A_400 = tpu.vector_load %arg14[%get3A_398, %get3A_399] {strides = array<i32>} : memref<64x768xf32, #tpu.memory_space<vmem>>, vector<16xf32>,
                  %add3A_401 = arith.addf %add3A_283, %get3A_400 : vector<16xf32>
                  %add3A_402 = arith.addi %select_n3A, %while3A_363 : i32
                  %get3A_403 = arith.index_cast %add3A_402 : i32 to index
                  %get3A_404 = arith.constant 592 : index
                  %get3A_405 = tpu.vector_load %arg14[%get3A_403, %get3A_404] {strides = array<i32>} : memref<64x768xf32, #tpu.memory_space<vmem>>, vector<16xf32>,
                  %add3A_406 = arith.addf %add3A_295, %get3A_405 : vector<16xf32>
                  %add3A_407 = arith.addi %select_n3A, %while3A_363 : i32
                  %get3A_408 = arith.index_cast %add3A_407 : i32 to index
                  %get3A_409 = arith.constant 608 : index
                  %get3A_410 = tpu.vector_load %arg14[%get3A_408, %get3A_409] {strides = array<i32>} : memref<64x768xf32, #tpu.memory_space<vmem>>, vector<16xf32>,
                  %add3A_411 = arith.addf %add3A_307, %get3A_410 : vector<16xf32>
                  %add3A_412 = arith.addi %select_n3A, %while3A_363 : i32
                  %get3A_413 = arith.index_cast %add3A_412 : i32 to index
                  %get3A_414 = arith.constant 624 : index
                  %get3A_415 = tpu.vector_load %arg14[%get3A_413, %get3A_414] {strides = array<i32>} : memref<64x768xf32, #tpu.memory_space<vmem>>, vector<16xf32>,
                  %add3A_416 = arith.addf %add3A_319, %get3A_415 : vector<16xf32>
                  %while3A_417 = arith.constant 0 : i32
                  %while3A_418 = arith.subi %squeeze3A_218, %while3A_417 : i32
                  %while3A_419 = arith.addi %while3A_417, %while3A_418 : i32
                  %while3A_420 = arith.constant 1 : i32
                  %while3A_421 = arith.divsi %while3A_418, %while3A_420 : i32
                  %while3A_422 = arith.muli %while3A_421, %while3A_420 : i32
                  %while3A_423 = arith.addi %while3A_417, %while3A_422 : i32
                  %while3A_424 = arith.constant 1 : i32
                  %while3A_425:8 = scf.for %while3A_428 = %while3A_417 to %while3A_423 step %while3A_424 iter_args(%while3A_429 = %while3A_364, %while3A_430 = %while3A_365, %while3A_431 = %while3A_366, %while3A_432 = %while3A_367, %while3A_433 = %while3A_368, %while3A_434 = %while3A_369, %while3A_435 = %while3A_370, %while3A_436 = %while3A_371) -> (vector<16xf32>, vector<16xf32>, vector<16xf32>, vector<16xf32>, vector<16xf32>, vector<16xf32>, vector<16xf32>, vector<16xf32>)  : i32 {
                    %get3A_437 = arith.index_cast %add3A_190 : i32 to index
                    %get3A_438 = arith.index_cast %while3A_428 : i32 to index
                    %get3A_439 = tpu.vector_load %arg15[%get3A_437, %get3A_438] {strides = array<i32>} : memref<64x128xi32, #tpu.memory_space<vmem>>, vector<16xi32>,
                    %slice3A_440 = vector.extract_strided_slice %get3A_439 {offsets = [0], sizes = [1], strides = [1]} : vector<16xi32> to vector<1xi32>
                    %squeeze3A_441 = vector.extract %slice3A_440[0] : i32 from vector<1xi32>
                    %ne3A_442 = arith.cmpi ne, %squeeze3A_441, %add3A_121 : i32
                    %lt3A_443 = arith.constant 8 : i32
                    %lt3A_444 = arith.cmpi slt, %while3A_428, %lt3A_443 : i32
                    %mul3A_445 = arith.constant 8 : i32
                    %mul3A_446 = arith.muli %select_n3A_209, %mul3A_445 : i32
                    %add3A_447 = arith.addi %mul3A_446, %while3A_428 : i32
                    %add3A_448 = arith.constant 24 : i32
                    %add3A_449 = arith.addi %add3A_448, %while3A_428 : i32
                    %select_n3A_450 = arith.select %lt3A_444, %add3A_447, %add3A_449 : i32
                    %get3A_451 = arith.index_cast %select_n3A_450 : i32 to index
                    %get3A_452 = arith.constant 0 : index
                    %get3A_453 = tpu.vector_load %arg16[%get3A_451, %get3A_452] {strides = array<i32>} : memref<56x128xf32, #tpu.memory_space<vmem>>, vector<16xf32>,
                    %add3A_454 = arith.addf %add3A_381, %get3A_453 : vector<16xf32>
                    %max3A = arith.constant 0.000000e+00 : f32
                    %max3A_455 = vector.broadcast %max3A : f32 to vector<16xf32>
                    %max3A_456 = arith.maximumf %add3A_454, %max3A_455 : vector<16xf32>
                    %add3A_457 = arith.addf %while3A_429, %max3A_456 : vector<16xf32>
                    %select_n3A_458 = arith.select %ne3A_442, %add3A_457, %while3A_429 : vector<16xf32>
                    %get3A_459 = arith.index_cast %select_n3A_450 : i32 to index
                    %get3A_460 = arith.constant 16 : index
                    %get3A_461 = tpu.vector_load %arg16[%get3A_459, %get3A_460] {strides = array<i32>} : memref<56x128xf32, #tpu.memory_space<vmem>>, vector<16xf32>,
                    %add3A_462 = arith.addf %add3A_386, %get3A_461 : vector<16xf32>
                    %max3A_463 = arith.constant 0.000000e+00 : f32
                    %max3A_464 = vector.broadcast %max3A_463 : f32 to vector<16xf32>
                    %max3A_465 = arith.maximumf %add3A_462, %max3A_464 : vector<16xf32>
                    %add3A_466 = arith.addf %while3A_430, %max3A_465 : vector<16xf32>
                    %select_n3A_467 = arith.select %ne3A_442, %add3A_466, %while3A_430 : vector<16xf32>
                    %get3A_468 = arith.index_cast %select_n3A_450 : i32 to index
                    %get3A_469 = arith.constant 32 : index
                    %get3A_470 = tpu.vector_load %arg16[%get3A_468, %get3A_469] {strides = array<i32>} : memref<56x128xf32, #tpu.memory_space<vmem>>, vector<16xf32>,
                    %add3A_471 = arith.addf %add3A_391, %get3A_470 : vector<16xf32>
                    %max3A_472 = arith.constant 0.000000e+00 : f32
                    %max3A_473 = vector.broadcast %max3A_472 : f32 to vector<16xf32>
                    %max3A_474 = arith.maximumf %add3A_471, %max3A_473 : vector<16xf32>
                    %add3A_475 = arith.addf %while3A_431, %max3A_474 : vector<16xf32>
                    %select_n3A_476 = arith.select %ne3A_442, %add3A_475, %while3A_431 : vector<16xf32>
                    %get3A_477 = arith.index_cast %select_n3A_450 : i32 to index
                    %get3A_478 = arith.constant 48 : index
                    %get3A_479 = tpu.vector_load %arg16[%get3A_477, %get3A_478] {strides = array<i32>} : memref<56x128xf32, #tpu.memory_space<vmem>>, vector<16xf32>,
                    %add3A_480 = arith.addf %add3A_396, %get3A_479 : vector<16xf32>
                    %max3A_481 = arith.constant 0.000000e+00 : f32
                    %max3A_482 = vector.broadcast %max3A_481 : f32 to vector<16xf32>
                    %max3A_483 = arith.maximumf %add3A_480, %max3A_482 : vector<16xf32>
                    %add3A_484 = arith.addf %while3A_432, %max3A_483 : vector<16xf32>
                    %select_n3A_485 = arith.select %ne3A_442, %add3A_484, %while3A_432 : vector<16xf32>
                    %get3A_486 = arith.index_cast %select_n3A_450 : i32 to index
                    %get3A_487 = arith.constant 64 : index
                    %get3A_488 = tpu.vector_load %arg16[%get3A_486, %get3A_487] {strides = array<i32>} : memref<56x128xf32, #tpu.memory_space<vmem>>, vector<16xf32>,
                    %add3A_489 = arith.addf %add3A_401, %get3A_488 : vector<16xf32>
                    %max3A_490 = arith.constant 0.000000e+00 : f32
                    %max3A_491 = vector.broadcast %max3A_490 : f32 to vector<16xf32>
                    %max3A_492 = arith.maximumf %add3A_489, %max3A_491 : vector<16xf32>
                    %add3A_493 = arith.addf %while3A_433, %max3A_492 : vector<16xf32>
                    %select_n3A_494 = arith.select %ne3A_442, %add3A_493, %while3A_433 : vector<16xf32>
                    %get3A_495 = arith.index_cast %select_n3A_450 : i32 to index
                    %get3A_496 = arith.constant 80 : index
                    %get3A_497 = tpu.vector_load %arg16[%get3A_495, %get3A_496] {strides = array<i32>} : memref<56x128xf32, #tpu.memory_space<vmem>>, vector<16xf32>,
                    %add3A_498 = arith.addf %add3A_406, %get3A_497 : vector<16xf32>
                    %max3A_499 = arith.constant 0.000000e+00 : f32
                    %max3A_500 = vector.broadcast %max3A_499 : f32 to vector<16xf32>
                    %max3A_501 = arith.maximumf %add3A_498, %max3A_500 : vector<16xf32>
                    %add3A_502 = arith.addf %while3A_434, %max3A_501 : vector<16xf32>
                    %select_n3A_503 = arith.select %ne3A_442, %add3A_502, %while3A_434 : vector<16xf32>
                    %get3A_504 = arith.index_cast %select_n3A_450 : i32 to index
                    %get3A_505 = arith.constant 96 : index
                    %get3A_506 = tpu.vector_load %arg16[%get3A_504, %get3A_505] {strides = array<i32>} : memref<56x128xf32, #tpu.memory_space<vmem>>, vector<16xf32>,
                    %add3A_507 = arith.addf %add3A_411, %get3A_506 : vector<16xf32>
                    %max3A_508 = arith.constant 0.000000e+00 : f32
                    %max3A_509 = vector.broadcast %max3A_508 : f32 to vector<16xf32>
                    %max3A_510 = arith.maximumf %add3A_507, %max3A_509 : vector<16xf32>
                    %add3A_511 = arith.addf %while3A_435, %max3A_510 : vector<16xf32>
                    %select_n3A_512 = arith.select %ne3A_442, %add3A_511, %while3A_435 : vector<16xf32>
                    %get3A_513 = arith.index_cast %select_n3A_450 : i32 to index
                    %get3A_514 = arith.constant 112 : index
                    %get3A_515 = tpu.vector_load %arg16[%get3A_513, %get3A_514] {strides = array<i32>} : memref<56x128xf32, #tpu.memory_space<vmem>>, vector<16xf32>,
                    %add3A_516 = arith.addf %add3A_416, %get3A_515 : vector<16xf32>
                    %max3A_517 = arith.constant 0.000000e+00 : f32
                    %max3A_518 = vector.broadcast %max3A_517 : f32 to vector<16xf32>
                    %max3A_519 = arith.maximumf %add3A_516, %max3A_518 : vector<16xf32>
                    %add3A_520 = arith.addf %while3A_436, %max3A_519 : vector<16xf32>
                    %select_n3A_521 = arith.select %ne3A_442, %add3A_520, %while3A_436 : vector<16xf32>
                    scf.yield %select_n3A_458, %select_n3A_467, %select_n3A_476, %select_n3A_485, %select_n3A_494, %select_n3A_503, %select_n3A_512, %select_n3A_521 : vector<16xf32>, vector<16xf32>, vector<16xf32>, vector<16xf32>, vector<16xf32>, vector<16xf32>, vector<16xf32>, vector<16xf32>
                  }
                  %while3A_426 = arith.constant 1 : i32
                  %while3A_427:8 = scf.for %while3A_428 = %while3A_423 to %while3A_419 step %while3A_426 iter_args(%while3A_429 = %while3A_425#0, %while3A_430 = %while3A_425#1, %while3A_431 = %while3A_425#2, %while3A_432 = %while3A_425#3, %while3A_433 = %while3A_425#4, %while3A_434 = %while3A_425#5, %while3A_435 = %while3A_425#6, %while3A_436 = %while3A_425#7) -> (vector<16xf32>, vector<16xf32>, vector<16xf32>, vector<16xf32>, vector<16xf32>, vector<16xf32>, vector<16xf32>, vector<16xf32>)  : i32 {
                    %get3A_437 = arith.index_cast %add3A_190 : i32 to index
                    %get3A_438 = arith.index_cast %while3A_428 : i32 to index
                    %get3A_439 = tpu.vector_load %arg15[%get3A_437, %get3A_438] {strides = array<i32>} : memref<64x128xi32, #tpu.memory_space<vmem>>, vector<16xi32>,
                    %slice3A_440 = vector.extract_strided_slice %get3A_439 {offsets = [0], sizes = [1], strides = [1]} : vector<16xi32> to vector<1xi32>
                    %squeeze3A_441 = vector.extract %slice3A_440[0] : i32 from vector<1xi32>
                    %ne3A_442 = arith.cmpi ne, %squeeze3A_441, %add3A_121 : i32
                    %lt3A_443 = arith.constant 8 : i32
                    %lt3A_444 = arith.cmpi slt, %while3A_428, %lt3A_443 : i32
                    %mul3A_445 = arith.constant 8 : i32
                    %mul3A_446 = arith.muli %select_n3A_209, %mul3A_445 : i32
                    %add3A_447 = arith.addi %mul3A_446, %while3A_428 : i32
                    %add3A_448 = arith.constant 24 : i32
                    %add3A_449 = arith.addi %add3A_448, %while3A_428 : i32
                    %select_n3A_450 = arith.select %lt3A_444, %add3A_447, %add3A_449 : i32
                    %get3A_451 = arith.index_cast %select_n3A_450 : i32 to index
                    %get3A_452 = arith.constant 0 : index
                    %get3A_453 = tpu.vector_load %arg16[%get3A_451, %get3A_452] {strides = array<i32>} : memref<56x128xf32, #tpu.memory_space<vmem>>, vector<16xf32>,
                    %add3A_454 = arith.addf %add3A_381, %get3A_453 : vector<16xf32>
                    %max3A = arith.constant 0.000000e+00 : f32
                    %max3A_455 = vector.broadcast %max3A : f32 to vector<16xf32>
                    %max3A_456 = arith.maximumf %add3A_454, %max3A_455 : vector<16xf32>
                    %add3A_457 = arith.addf %while3A_429, %max3A_456 : vector<16xf32>
                    %select_n3A_458 = arith.select %ne3A_442, %add3A_457, %while3A_429 : vector<16xf32>
                    %get3A_459 = arith.index_cast %select_n3A_450 : i32 to index
                    %get3A_460 = arith.constant 16 : index
                    %get3A_461 = tpu.vector_load %arg16[%get3A_459, %get3A_460] {strides = array<i32>} : memref<56x128xf32, #tpu.memory_space<vmem>>, vector<16xf32>,
                    %add3A_462 = arith.addf %add3A_386, %get3A_461 : vector<16xf32>
                    %max3A_463 = arith.constant 0.000000e+00 : f32
                    %max3A_464 = vector.broadcast %max3A_463 : f32 to vector<16xf32>
                    %max3A_465 = arith.maximumf %add3A_462, %max3A_464 : vector<16xf32>
                    %add3A_466 = arith.addf %while3A_430, %max3A_465 : vector<16xf32>
                    %select_n3A_467 = arith.select %ne3A_442, %add3A_466, %while3A_430 : vector<16xf32>
                    %get3A_468 = arith.index_cast %select_n3A_450 : i32 to index
                    %get3A_469 = arith.constant 32 : index
                    %get3A_470 = tpu.vector_load %arg16[%get3A_468, %get3A_469] {strides = array<i32>} : memref<56x128xf32, #tpu.memory_space<vmem>>, vector<16xf32>,
                    %add3A_471 = arith.addf %add3A_391, %get3A_470 : vector<16xf32>
                    %max3A_472 = arith.constant 0.000000e+00 : f32
                    %max3A_473 = vector.broadcast %max3A_472 : f32 to vector<16xf32>
                    %max3A_474 = arith.maximumf %add3A_471, %max3A_473 : vector<16xf32>
                    %add3A_475 = arith.addf %while3A_431, %max3A_474 : vector<16xf32>
                    %select_n3A_476 = arith.select %ne3A_442, %add3A_475, %while3A_431 : vector<16xf32>
                    %get3A_477 = arith.index_cast %select_n3A_450 : i32 to index
                    %get3A_478 = arith.constant 48 : index
                    %get3A_479 = tpu.vector_load %arg16[%get3A_477, %get3A_478] {strides = array<i32>} : memref<56x128xf32, #tpu.memory_space<vmem>>, vector<16xf32>,
                    %add3A_480 = arith.addf %add3A_396, %get3A_479 : vector<16xf32>
                    %max3A_481 = arith.constant 0.000000e+00 : f32
                    %max3A_482 = vector.broadcast %max3A_481 : f32 to vector<16xf32>
                    %max3A_483 = arith.maximumf %add3A_480, %max3A_482 : vector<16xf32>
                    %add3A_484 = arith.addf %while3A_432, %max3A_483 : vector<16xf32>
                    %select_n3A_485 = arith.select %ne3A_442, %add3A_484, %while3A_432 : vector<16xf32>
                    %get3A_486 = arith.index_cast %select_n3A_450 : i32 to index
                    %get3A_487 = arith.constant 64 : index
                    %get3A_488 = tpu.vector_load %arg16[%get3A_486, %get3A_487] {strides = array<i32>} : memref<56x128xf32, #tpu.memory_space<vmem>>, vector<16xf32>,
                    %add3A_489 = arith.addf %add3A_401, %get3A_488 : vector<16xf32>
                    %max3A_490 = arith.constant 0.000000e+00 : f32
                    %max3A_491 = vector.broadcast %max3A_490 : f32 to vector<16xf32>
                    %max3A_492 = arith.maximumf %add3A_489, %max3A_491 : vector<16xf32>
                    %add3A_493 = arith.addf %while3A_433, %max3A_492 : vector<16xf32>
                    %select_n3A_494 = arith.select %ne3A_442, %add3A_493, %while3A_433 : vector<16xf32>
                    %get3A_495 = arith.index_cast %select_n3A_450 : i32 to index
                    %get3A_496 = arith.constant 80 : index
                    %get3A_497 = tpu.vector_load %arg16[%get3A_495, %get3A_496] {strides = array<i32>} : memref<56x128xf32, #tpu.memory_space<vmem>>, vector<16xf32>,
                    %add3A_498 = arith.addf %add3A_406, %get3A_497 : vector<16xf32>
                    %max3A_499 = arith.constant 0.000000e+00 : f32
                    %max3A_500 = vector.broadcast %max3A_499 : f32 to vector<16xf32>
                    %max3A_501 = arith.maximumf %add3A_498, %max3A_500 : vector<16xf32>
                    %add3A_502 = arith.addf %while3A_434, %max3A_501 : vector<16xf32>
                    %select_n3A_503 = arith.select %ne3A_442, %add3A_502, %while3A_434 : vector<16xf32>
                    %get3A_504 = arith.index_cast %select_n3A_450 : i32 to index
                    %get3A_505 = arith.constant 96 : index
                    %get3A_506 = tpu.vector_load %arg16[%get3A_504, %get3A_505] {strides = array<i32>} : memref<56x128xf32, #tpu.memory_space<vmem>>, vector<16xf32>,
                    %add3A_507 = arith.addf %add3A_411, %get3A_506 : vector<16xf32>
                    %max3A_508 = arith.constant 0.000000e+00 : f32
                    %max3A_509 = vector.broadcast %max3A_508 : f32 to vector<16xf32>
                    %max3A_510 = arith.maximumf %add3A_507, %max3A_509 : vector<16xf32>
                    %add3A_511 = arith.addf %while3A_435, %max3A_510 : vector<16xf32>
                    %select_n3A_512 = arith.select %ne3A_442, %add3A_511, %while3A_435 : vector<16xf32>
                    %get3A_513 = arith.index_cast %select_n3A_450 : i32 to index
                    %get3A_514 = arith.constant 112 : index
                    %get3A_515 = tpu.vector_load %arg16[%get3A_513, %get3A_514] {strides = array<i32>} : memref<56x128xf32, #tpu.memory_space<vmem>>, vector<16xf32>,
                    %add3A_516 = arith.addf %add3A_416, %get3A_515 : vector<16xf32>
                    %max3A_517 = arith.constant 0.000000e+00 : f32
                    %max3A_518 = vector.broadcast %max3A_517 : f32 to vector<16xf32>
                    %max3A_519 = arith.maximumf %add3A_516, %max3A_518 : vector<16xf32>
                    %add3A_520 = arith.addf %while3A_436, %max3A_519 : vector<16xf32>
                    %select_n3A_521 = arith.select %ne3A_442, %add3A_520, %while3A_436 : vector<16xf32>
                    scf.yield %select_n3A_458, %select_n3A_467, %select_n3A_476, %select_n3A_485, %select_n3A_494, %select_n3A_503, %select_n3A_512, %select_n3A_521 : vector<16xf32>, vector<16xf32>, vector<16xf32>, vector<16xf32>, vector<16xf32>, vector<16xf32>, vector<16xf32>, vector<16xf32>
                  }
                  scf.yield %while3A_427#0, %while3A_427#1, %while3A_427#2, %while3A_427#3, %while3A_427#4, %while3A_427#5, %while3A_427#6, %while3A_427#7 : vector<16xf32>, vector<16xf32>, vector<16xf32>, vector<16xf32>, vector<16xf32>, vector<16xf32>, vector<16xf32>, vector<16xf32>
                } else {
                  scf.yield %while3A_364, %while3A_365, %while3A_366, %while3A_367, %while3A_368, %while3A_369, %while3A_370, %while3A_371 : vector<16xf32>, vector<16xf32>, vector<16xf32>, vector<16xf32>, vector<16xf32>, vector<16xf32>, vector<16xf32>, vector<16xf32>
                }
                scf.yield %cond3A_376#0, %cond3A_376#1, %cond3A_376#2, %cond3A_376#3, %cond3A_376#4, %cond3A_376#5, %cond3A_376#6, %cond3A_376#7 : vector<16xf32>, vector<16xf32>, vector<16xf32>, vector<16xf32>, vector<16xf32>, vector<16xf32>, vector<16xf32>, vector<16xf32>
              }
              %while3A_345 = arith.constant 1 : i32
              %while3A_346:8 = scf.for %while3A_363 = %while3A_342 to %while3A_338 step %while3A_345 iter_args(%while3A_364 = %while3A_344#0, %while3A_365 = %while3A_344#1, %while3A_366 = %while3A_344#2, %while3A_367 = %while3A_344#3, %while3A_368 = %while3A_344#4, %while3A_369 = %while3A_344#5, %while3A_370 = %while3A_344#6, %while3A_371 = %while3A_344#7) -> (vector<16xf32>, vector<16xf32>, vector<16xf32>, vector<16xf32>, vector<16xf32>, vector<16xf32>, vector<16xf32>, vector<16xf32>)  : i32 {
                %ne3A_372 = arith.cmpi ne, %while3A_363, %while3A_182 : i32
                %convert_element_type3A_373 = arith.extui %ne3A_372 : i1 to i32
                %cond3A_374 = arith.constant 0 : i32
                %cond3A_375 = arith.cmpi ne, %convert_element_type3A_373, %cond3A_374 : i32
                %cond3A_376:8 = scf.if %cond3A_375 -> (vector<16xf32>, vector<16xf32>, vector<16xf32>, vector<16xf32>, vector<16xf32>, vector<16xf32>, vector<16xf32>, vector<16xf32>) {
                  %add3A_377 = arith.addi %select_n3A, %while3A_363 : i32
                  %get3A_378 = arith.index_cast %add3A_377 : i32 to index
                  %get3A_379 = arith.constant 512 : index
                  %get3A_380 = tpu.vector_load %arg14[%get3A_378, %get3A_379] {strides = array<i32>} : memref<64x768xf32, #tpu.memory_space<vmem>>, vector<16xf32>,
                  %add3A_381 = arith.addf %add3A_235, %get3A_380 : vector<16xf32>
                  %add3A_382 = arith.addi %select_n3A, %while3A_363 : i32
                  %get3A_383 = arith.index_cast %add3A_382 : i32 to index
                  %get3A_384 = arith.constant 528 : index
                  %get3A_385 = tpu.vector_load %arg14[%get3A_383, %get3A_384] {strides = array<i32>} : memref<64x768xf32, #tpu.memory_space<vmem>>, vector<16xf32>,
                  %add3A_386 = arith.addf %add3A_247, %get3A_385 : vector<16xf32>
                  %add3A_387 = arith.addi %select_n3A, %while3A_363 : i32
                  %get3A_388 = arith.index_cast %add3A_387 : i32 to index
                  %get3A_389 = arith.constant 544 : index
                  %get3A_390 = tpu.vector_load %arg14[%get3A_388, %get3A_389] {strides = array<i32>} : memref<64x768xf32, #tpu.memory_space<vmem>>, vector<16xf32>,
                  %add3A_391 = arith.addf %add3A_259, %get3A_390 : vector<16xf32>
                  %add3A_392 = arith.addi %select_n3A, %while3A_363 : i32
                  %get3A_393 = arith.index_cast %add3A_392 : i32 to index
                  %get3A_394 = arith.constant 560 : index
                  %get3A_395 = tpu.vector_load %arg14[%get3A_393, %get3A_394] {strides = array<i32>} : memref<64x768xf32, #tpu.memory_space<vmem>>, vector<16xf32>,
                  %add3A_396 = arith.addf %add3A_271, %get3A_395 : vector<16xf32>
                  %add3A_397 = arith.addi %select_n3A, %while3A_363 : i32
                  %get3A_398 = arith.index_cast %add3A_397 : i32 to index
                  %get3A_399 = arith.constant 576 : index
                  %get3A_400 = tpu.vector_load %arg14[%get3A_398, %get3A_399] {strides = array<i32>} : memref<64x768xf32, #tpu.memory_space<vmem>>, vector<16xf32>,
                  %add3A_401 = arith.addf %add3A_283, %get3A_400 : vector<16xf32>
                  %add3A_402 = arith.addi %select_n3A, %while3A_363 : i32
                  %get3A_403 = arith.index_cast %add3A_402 : i32 to index
                  %get3A_404 = arith.constant 592 : index
                  %get3A_405 = tpu.vector_load %arg14[%get3A_403, %get3A_404] {strides = array<i32>} : memref<64x768xf32, #tpu.memory_space<vmem>>, vector<16xf32>,
                  %add3A_406 = arith.addf %add3A_295, %get3A_405 : vector<16xf32>
                  %add3A_407 = arith.addi %select_n3A, %while3A_363 : i32
                  %get3A_408 = arith.index_cast %add3A_407 : i32 to index
                  %get3A_409 = arith.constant 608 : index
                  %get3A_410 = tpu.vector_load %arg14[%get3A_408, %get3A_409] {strides = array<i32>} : memref<64x768xf32, #tpu.memory_space<vmem>>, vector<16xf32>,
                  %add3A_411 = arith.addf %add3A_307, %get3A_410 : vector<16xf32>
                  %add3A_412 = arith.addi %select_n3A, %while3A_363 : i32
                  %get3A_413 = arith.index_cast %add3A_412 : i32 to index
                  %get3A_414 = arith.constant 624 : index
                  %get3A_415 = tpu.vector_load %arg14[%get3A_413, %get3A_414] {strides = array<i32>} : memref<64x768xf32, #tpu.memory_space<vmem>>, vector<16xf32>,
                  %add3A_416 = arith.addf %add3A_319, %get3A_415 : vector<16xf32>
                  %while3A_417 = arith.constant 0 : i32
                  %while3A_418 = arith.subi %squeeze3A_218, %while3A_417 : i32
                  %while3A_419 = arith.addi %while3A_417, %while3A_418 : i32
                  %while3A_420 = arith.constant 1 : i32
                  %while3A_421 = arith.divsi %while3A_418, %while3A_420 : i32
                  %while3A_422 = arith.muli %while3A_421, %while3A_420 : i32
                  %while3A_423 = arith.addi %while3A_417, %while3A_422 : i32
                  %while3A_424 = arith.constant 1 : i32
                  %while3A_425:8 = scf.for %while3A_428 = %while3A_417 to %while3A_423 step %while3A_424 iter_args(%while3A_429 = %while3A_364, %while3A_430 = %while3A_365, %while3A_431 = %while3A_366, %while3A_432 = %while3A_367, %while3A_433 = %while3A_368, %while3A_434 = %while3A_369, %while3A_435 = %while3A_370, %while3A_436 = %while3A_371) -> (vector<16xf32>, vector<16xf32>, vector<16xf32>, vector<16xf32>, vector<16xf32>, vector<16xf32>, vector<16xf32>, vector<16xf32>)  : i32 {
                    %get3A_437 = arith.index_cast %add3A_190 : i32 to index
                    %get3A_438 = arith.index_cast %while3A_428 : i32 to index
                    %get3A_439 = tpu.vector_load %arg15[%get3A_437, %get3A_438] {strides = array<i32>} : memref<64x128xi32, #tpu.memory_space<vmem>>, vector<16xi32>,
                    %slice3A_440 = vector.extract_strided_slice %get3A_439 {offsets = [0], sizes = [1], strides = [1]} : vector<16xi32> to vector<1xi32>
                    %squeeze3A_441 = vector.extract %slice3A_440[0] : i32 from vector<1xi32>
                    %ne3A_442 = arith.cmpi ne, %squeeze3A_441, %add3A_121 : i32
                    %lt3A_443 = arith.constant 8 : i32
                    %lt3A_444 = arith.cmpi slt, %while3A_428, %lt3A_443 : i32
                    %mul3A_445 = arith.constant 8 : i32
                    %mul3A_446 = arith.muli %select_n3A_209, %mul3A_445 : i32
                    %add3A_447 = arith.addi %mul3A_446, %while3A_428 : i32
                    %add3A_448 = arith.constant 24 : i32
                    %add3A_449 = arith.addi %add3A_448, %while3A_428 : i32
                    %select_n3A_450 = arith.select %lt3A_444, %add3A_447, %add3A_449 : i32
                    %get3A_451 = arith.index_cast %select_n3A_450 : i32 to index
                    %get3A_452 = arith.constant 0 : index
                    %get3A_453 = tpu.vector_load %arg16[%get3A_451, %get3A_452] {strides = array<i32>} : memref<56x128xf32, #tpu.memory_space<vmem>>, vector<16xf32>,
                    %add3A_454 = arith.addf %add3A_381, %get3A_453 : vector<16xf32>
                    %max3A = arith.constant 0.000000e+00 : f32
                    %max3A_455 = vector.broadcast %max3A : f32 to vector<16xf32>
                    %max3A_456 = arith.maximumf %add3A_454, %max3A_455 : vector<16xf32>
                    %add3A_457 = arith.addf %while3A_429, %max3A_456 : vector<16xf32>
                    %select_n3A_458 = arith.select %ne3A_442, %add3A_457, %while3A_429 : vector<16xf32>
                    %get3A_459 = arith.index_cast %select_n3A_450 : i32 to index
                    %get3A_460 = arith.constant 16 : index
                    %get3A_461 = tpu.vector_load %arg16[%get3A_459, %get3A_460] {strides = array<i32>} : memref<56x128xf32, #tpu.memory_space<vmem>>, vector<16xf32>,
                    %add3A_462 = arith.addf %add3A_386, %get3A_461 : vector<16xf32>
                    %max3A_463 = arith.constant 0.000000e+00 : f32
                    %max3A_464 = vector.broadcast %max3A_463 : f32 to vector<16xf32>
                    %max3A_465 = arith.maximumf %add3A_462, %max3A_464 : vector<16xf32>
                    %add3A_466 = arith.addf %while3A_430, %max3A_465 : vector<16xf32>
                    %select_n3A_467 = arith.select %ne3A_442, %add3A_466, %while3A_430 : vector<16xf32>
                    %get3A_468 = arith.index_cast %select_n3A_450 : i32 to index
                    %get3A_469 = arith.constant 32 : index
                    %get3A_470 = tpu.vector_load %arg16[%get3A_468, %get3A_469] {strides = array<i32>} : memref<56x128xf32, #tpu.memory_space<vmem>>, vector<16xf32>,
                    %add3A_471 = arith.addf %add3A_391, %get3A_470 : vector<16xf32>
                    %max3A_472 = arith.constant 0.000000e+00 : f32
                    %max3A_473 = vector.broadcast %max3A_472 : f32 to vector<16xf32>
                    %max3A_474 = arith.maximumf %add3A_471, %max3A_473 : vector<16xf32>
                    %add3A_475 = arith.addf %while3A_431, %max3A_474 : vector<16xf32>
                    %select_n3A_476 = arith.select %ne3A_442, %add3A_475, %while3A_431 : vector<16xf32>
                    %get3A_477 = arith.index_cast %select_n3A_450 : i32 to index
                    %get3A_478 = arith.constant 48 : index
                    %get3A_479 = tpu.vector_load %arg16[%get3A_477, %get3A_478] {strides = array<i32>} : memref<56x128xf32, #tpu.memory_space<vmem>>, vector<16xf32>,
                    %add3A_480 = arith.addf %add3A_396, %get3A_479 : vector<16xf32>
                    %max3A_481 = arith.constant 0.000000e+00 : f32
                    %max3A_482 = vector.broadcast %max3A_481 : f32 to vector<16xf32>
                    %max3A_483 = arith.maximumf %add3A_480, %max3A_482 : vector<16xf32>
                    %add3A_484 = arith.addf %while3A_432, %max3A_483 : vector<16xf32>
                    %select_n3A_485 = arith.select %ne3A_442, %add3A_484, %while3A_432 : vector<16xf32>
                    %get3A_486 = arith.index_cast %select_n3A_450 : i32 to index
                    %get3A_487 = arith.constant 64 : index
                    %get3A_488 = tpu.vector_load %arg16[%get3A_486, %get3A_487] {strides = array<i32>} : memref<56x128xf32, #tpu.memory_space<vmem>>, vector<16xf32>,
                    %add3A_489 = arith.addf %add3A_401, %get3A_488 : vector<16xf32>
                    %max3A_490 = arith.constant 0.000000e+00 : f32
                    %max3A_491 = vector.broadcast %max3A_490 : f32 to vector<16xf32>
                    %max3A_492 = arith.maximumf %add3A_489, %max3A_491 : vector<16xf32>
                    %add3A_493 = arith.addf %while3A_433, %max3A_492 : vector<16xf32>
                    %select_n3A_494 = arith.select %ne3A_442, %add3A_493, %while3A_433 : vector<16xf32>
                    %get3A_495 = arith.index_cast %select_n3A_450 : i32 to index
                    %get3A_496 = arith.constant 80 : index
                    %get3A_497 = tpu.vector_load %arg16[%get3A_495, %get3A_496] {strides = array<i32>} : memref<56x128xf32, #tpu.memory_space<vmem>>, vector<16xf32>,
                    %add3A_498 = arith.addf %add3A_406, %get3A_497 : vector<16xf32>
                    %max3A_499 = arith.constant 0.000000e+00 : f32
                    %max3A_500 = vector.broadcast %max3A_499 : f32 to vector<16xf32>
                    %max3A_501 = arith.maximumf %add3A_498, %max3A_500 : vector<16xf32>
                    %add3A_502 = arith.addf %while3A_434, %max3A_501 : vector<16xf32>
                    %select_n3A_503 = arith.select %ne3A_442, %add3A_502, %while3A_434 : vector<16xf32>
                    %get3A_504 = arith.index_cast %select_n3A_450 : i32 to index
                    %get3A_505 = arith.constant 96 : index
                    %get3A_506 = tpu.vector_load %arg16[%get3A_504, %get3A_505] {strides = array<i32>} : memref<56x128xf32, #tpu.memory_space<vmem>>, vector<16xf32>,
                    %add3A_507 = arith.addf %add3A_411, %get3A_506 : vector<16xf32>
                    %max3A_508 = arith.constant 0.000000e+00 : f32
                    %max3A_509 = vector.broadcast %max3A_508 : f32 to vector<16xf32>
                    %max3A_510 = arith.maximumf %add3A_507, %max3A_509 : vector<16xf32>
                    %add3A_511 = arith.addf %while3A_435, %max3A_510 : vector<16xf32>
                    %select_n3A_512 = arith.select %ne3A_442, %add3A_511, %while3A_435 : vector<16xf32>
                    %get3A_513 = arith.index_cast %select_n3A_450 : i32 to index
                    %get3A_514 = arith.constant 112 : index
                    %get3A_515 = tpu.vector_load %arg16[%get3A_513, %get3A_514] {strides = array<i32>} : memref<56x128xf32, #tpu.memory_space<vmem>>, vector<16xf32>,
                    %add3A_516 = arith.addf %add3A_416, %get3A_515 : vector<16xf32>
                    %max3A_517 = arith.constant 0.000000e+00 : f32
                    %max3A_518 = vector.broadcast %max3A_517 : f32 to vector<16xf32>
                    %max3A_519 = arith.maximumf %add3A_516, %max3A_518 : vector<16xf32>
                    %add3A_520 = arith.addf %while3A_436, %max3A_519 : vector<16xf32>
                    %select_n3A_521 = arith.select %ne3A_442, %add3A_520, %while3A_436 : vector<16xf32>
                    scf.yield %select_n3A_458, %select_n3A_467, %select_n3A_476, %select_n3A_485, %select_n3A_494, %select_n3A_503, %select_n3A_512, %select_n3A_521 : vector<16xf32>, vector<16xf32>, vector<16xf32>, vector<16xf32>, vector<16xf32>, vector<16xf32>, vector<16xf32>, vector<16xf32>
                  }
                  %while3A_426 = arith.constant 1 : i32
                  %while3A_427:8 = scf.for %while3A_428 = %while3A_423 to %while3A_419 step %while3A_426 iter_args(%while3A_429 = %while3A_425#0, %while3A_430 = %while3A_425#1, %while3A_431 = %while3A_425#2, %while3A_432 = %while3A_425#3, %while3A_433 = %while3A_425#4, %while3A_434 = %while3A_425#5, %while3A_435 = %while3A_425#6, %while3A_436 = %while3A_425#7) -> (vector<16xf32>, vector<16xf32>, vector<16xf32>, vector<16xf32>, vector<16xf32>, vector<16xf32>, vector<16xf32>, vector<16xf32>)  : i32 {
                    %get3A_437 = arith.index_cast %add3A_190 : i32 to index
                    %get3A_438 = arith.index_cast %while3A_428 : i32 to index
                    %get3A_439 = tpu.vector_load %arg15[%get3A_437, %get3A_438] {strides = array<i32>} : memref<64x128xi32, #tpu.memory_space<vmem>>, vector<16xi32>,
                    %slice3A_440 = vector.extract_strided_slice %get3A_439 {offsets = [0], sizes = [1], strides = [1]} : vector<16xi32> to vector<1xi32>
                    %squeeze3A_441 = vector.extract %slice3A_440[0] : i32 from vector<1xi32>
                    %ne3A_442 = arith.cmpi ne, %squeeze3A_441, %add3A_121 : i32
                    %lt3A_443 = arith.constant 8 : i32
                    %lt3A_444 = arith.cmpi slt, %while3A_428, %lt3A_443 : i32
                    %mul3A_445 = arith.constant 8 : i32
                    %mul3A_446 = arith.muli %select_n3A_209, %mul3A_445 : i32
                    %add3A_447 = arith.addi %mul3A_446, %while3A_428 : i32
                    %add3A_448 = arith.constant 24 : i32
                    %add3A_449 = arith.addi %add3A_448, %while3A_428 : i32
                    %select_n3A_450 = arith.select %lt3A_444, %add3A_447, %add3A_449 : i32
                    %get3A_451 = arith.index_cast %select_n3A_450 : i32 to index
                    %get3A_452 = arith.constant 0 : index
                    %get3A_453 = tpu.vector_load %arg16[%get3A_451, %get3A_452] {strides = array<i32>} : memref<56x128xf32, #tpu.memory_space<vmem>>, vector<16xf32>,
                    %add3A_454 = arith.addf %add3A_381, %get3A_453 : vector<16xf32>
                    %max3A = arith.constant 0.000000e+00 : f32
                    %max3A_455 = vector.broadcast %max3A : f32 to vector<16xf32>
                    %max3A_456 = arith.maximumf %add3A_454, %max3A_455 : vector<16xf32>
                    %add3A_457 = arith.addf %while3A_429, %max3A_456 : vector<16xf32>
                    %select_n3A_458 = arith.select %ne3A_442, %add3A_457, %while3A_429 : vector<16xf32>
                    %get3A_459 = arith.index_cast %select_n3A_450 : i32 to index
                    %get3A_460 = arith.constant 16 : index
                    %get3A_461 = tpu.vector_load %arg16[%get3A_459, %get3A_460] {strides = array<i32>} : memref<56x128xf32, #tpu.memory_space<vmem>>, vector<16xf32>,
                    %add3A_462 = arith.addf %add3A_386, %get3A_461 : vector<16xf32>
                    %max3A_463 = arith.constant 0.000000e+00 : f32
                    %max3A_464 = vector.broadcast %max3A_463 : f32 to vector<16xf32>
                    %max3A_465 = arith.maximumf %add3A_462, %max3A_464 : vector<16xf32>
                    %add3A_466 = arith.addf %while3A_430, %max3A_465 : vector<16xf32>
                    %select_n3A_467 = arith.select %ne3A_442, %add3A_466, %while3A_430 : vector<16xf32>
                    %get3A_468 = arith.index_cast %select_n3A_450 : i32 to index
                    %get3A_469 = arith.constant 32 : index
                    %get3A_470 = tpu.vector_load %arg16[%get3A_468, %get3A_469] {strides = array<i32>} : memref<56x128xf32, #tpu.memory_space<vmem>>, vector<16xf32>,
                    %add3A_471 = arith.addf %add3A_391, %get3A_470 : vector<16xf32>
                    %max3A_472 = arith.constant 0.000000e+00 : f32
                    %max3A_473 = vector.broadcast %max3A_472 : f32 to vector<16xf32>
                    %max3A_474 = arith.maximumf %add3A_471, %max3A_473 : vector<16xf32>
                    %add3A_475 = arith.addf %while3A_431, %max3A_474 : vector<16xf32>
                    %select_n3A_476 = arith.select %ne3A_442, %add3A_475, %while3A_431 : vector<16xf32>
                    %get3A_477 = arith.index_cast %select_n3A_450 : i32 to index
                    %get3A_478 = arith.constant 48 : index
                    %get3A_479 = tpu.vector_load %arg16[%get3A_477, %get3A_478] {strides = array<i32>} : memref<56x128xf32, #tpu.memory_space<vmem>>, vector<16xf32>,
                    %add3A_480 = arith.addf %add3A_396, %get3A_479 : vector<16xf32>
                    %max3A_481 = arith.constant 0.000000e+00 : f32
                    %max3A_482 = vector.broadcast %max3A_481 : f32 to vector<16xf32>
                    %max3A_483 = arith.maximumf %add3A_480, %max3A_482 : vector<16xf32>
                    %add3A_484 = arith.addf %while3A_432, %max3A_483 : vector<16xf32>
                    %select_n3A_485 = arith.select %ne3A_442, %add3A_484, %while3A_432 : vector<16xf32>
                    %get3A_486 = arith.index_cast %select_n3A_450 : i32 to index
                    %get3A_487 = arith.constant 64 : index
                    %get3A_488 = tpu.vector_load %arg16[%get3A_486, %get3A_487] {strides = array<i32>} : memref<56x128xf32, #tpu.memory_space<vmem>>, vector<16xf32>,
                    %add3A_489 = arith.addf %add3A_401, %get3A_488 : vector<16xf32>
                    %max3A_490 = arith.constant 0.000000e+00 : f32
                    %max3A_491 = vector.broadcast %max3A_490 : f32 to vector<16xf32>
                    %max3A_492 = arith.maximumf %add3A_489, %max3A_491 : vector<16xf32>
                    %add3A_493 = arith.addf %while3A_433, %max3A_492 : vector<16xf32>
                    %select_n3A_494 = arith.select %ne3A_442, %add3A_493, %while3A_433 : vector<16xf32>
                    %get3A_495 = arith.index_cast %select_n3A_450 : i32 to index
                    %get3A_496 = arith.constant 80 : index
                    %get3A_497 = tpu.vector_load %arg16[%get3A_495, %get3A_496] {strides = array<i32>} : memref<56x128xf32, #tpu.memory_space<vmem>>, vector<16xf32>,
                    %add3A_498 = arith.addf %add3A_406, %get3A_497 : vector<16xf32>
                    %max3A_499 = arith.constant 0.000000e+00 : f32
                    %max3A_500 = vector.broadcast %max3A_499 : f32 to vector<16xf32>
                    %max3A_501 = arith.maximumf %add3A_498, %max3A_500 : vector<16xf32>
                    %add3A_502 = arith.addf %while3A_434, %max3A_501 : vector<16xf32>
                    %select_n3A_503 = arith.select %ne3A_442, %add3A_502, %while3A_434 : vector<16xf32>
                    %get3A_504 = arith.index_cast %select_n3A_450 : i32 to index
                    %get3A_505 = arith.constant 96 : index
                    %get3A_506 = tpu.vector_load %arg16[%get3A_504, %get3A_505] {strides = array<i32>} : memref<56x128xf32, #tpu.memory_space<vmem>>, vector<16xf32>,
                    %add3A_507 = arith.addf %add3A_411, %get3A_506 : vector<16xf32>
                    %max3A_508 = arith.constant 0.000000e+00 : f32
                    %max3A_509 = vector.broadcast %max3A_508 : f32 to vector<16xf32>
                    %max3A_510 = arith.maximumf %add3A_507, %max3A_509 : vector<16xf32>
                    %add3A_511 = arith.addf %while3A_435, %max3A_510 : vector<16xf32>
                    %select_n3A_512 = arith.select %ne3A_442, %add3A_511, %while3A_435 : vector<16xf32>
                    %get3A_513 = arith.index_cast %select_n3A_450 : i32 to index
                    %get3A_514 = arith.constant 112 : index
                    %get3A_515 = tpu.vector_load %arg16[%get3A_513, %get3A_514] {strides = array<i32>} : memref<56x128xf32, #tpu.memory_space<vmem>>, vector<16xf32>,
                    %add3A_516 = arith.addf %add3A_416, %get3A_515 : vector<16xf32>
                    %max3A_517 = arith.constant 0.000000e+00 : f32
                    %max3A_518 = vector.broadcast %max3A_517 : f32 to vector<16xf32>
                    %max3A_519 = arith.maximumf %add3A_516, %max3A_518 : vector<16xf32>
                    %add3A_520 = arith.addf %while3A_436, %max3A_519 : vector<16xf32>
                    %select_n3A_521 = arith.select %ne3A_442, %add3A_520, %while3A_436 : vector<16xf32>
                    scf.yield %select_n3A_458, %select_n3A_467, %select_n3A_476, %select_n3A_485, %select_n3A_494, %select_n3A_503, %select_n3A_512, %select_n3A_521 : vector<16xf32>, vector<16xf32>, vector<16xf32>, vector<16xf32>, vector<16xf32>, vector<16xf32>, vector<16xf32>, vector<16xf32>
                  }
                  scf.yield %while3A_427#0, %while3A_427#1, %while3A_427#2, %while3A_427#3, %while3A_427#4, %while3A_427#5, %while3A_427#6, %while3A_427#7 : vector<16xf32>, vector<16xf32>, vector<16xf32>, vector<16xf32>, vector<16xf32>, vector<16xf32>, vector<16xf32>, vector<16xf32>
                } else {
                  scf.yield %while3A_364, %while3A_365, %while3A_366, %while3A_367, %while3A_368, %while3A_369, %while3A_370, %while3A_371 : vector<16xf32>, vector<16xf32>, vector<16xf32>, vector<16xf32>, vector<16xf32>, vector<16xf32>, vector<16xf32>, vector<16xf32>
                }
                scf.yield %cond3A_376#0, %cond3A_376#1, %cond3A_376#2, %cond3A_376#3, %cond3A_376#4, %cond3A_376#5, %cond3A_376#6, %cond3A_376#7 : vector<16xf32>, vector<16xf32>, vector<16xf32>, vector<16xf32>, vector<16xf32>, vector<16xf32>, vector<16xf32>, vector<16xf32>
              }
              %swap3A_347 = arith.constant 256 : index
              %swap3A_348 = tpu.vector_load %arg18[%swap3A_347] {strides = array<i32>} : memref<384xf32, #tpu.memory_space<vmem>>, vector<16xf32>,
              tpu.vector_store %arg18[%swap3A_347], %while3A_346#0 {add = true, strides = array<i32>} : memref<384xf32, #tpu.memory_space<vmem>>, vector<16xf32>,
              %swap3A_349 = arith.constant 272 : index
              %swap3A_350 = tpu.vector_load %arg18[%swap3A_349] {strides = array<i32>} : memref<384xf32, #tpu.memory_space<vmem>>, vector<16xf32>,
              tpu.vector_store %arg18[%swap3A_349], %while3A_346#1 {add = true, strides = array<i32>} : memref<384xf32, #tpu.memory_space<vmem>>, vector<16xf32>,
              %swap3A_351 = arith.constant 288 : index
              %swap3A_352 = tpu.vector_load %arg18[%swap3A_351] {strides = array<i32>} : memref<384xf32, #tpu.memory_space<vmem>>, vector<16xf32>,
              tpu.vector_store %arg18[%swap3A_351], %while3A_346#2 {add = true, strides = array<i32>} : memref<384xf32, #tpu.memory_space<vmem>>, vector<16xf32>,
              %swap3A_353 = arith.constant 304 : index
              %swap3A_354 = tpu.vector_load %arg18[%swap3A_353] {strides = array<i32>} : memref<384xf32, #tpu.memory_space<vmem>>, vector<16xf32>,
              tpu.vector_store %arg18[%swap3A_353], %while3A_346#3 {add = true, strides = array<i32>} : memref<384xf32, #tpu.memory_space<vmem>>, vector<16xf32>,
              %swap3A_355 = arith.constant 320 : index
              %swap3A_356 = tpu.vector_load %arg18[%swap3A_355] {strides = array<i32>} : memref<384xf32, #tpu.memory_space<vmem>>, vector<16xf32>,
              tpu.vector_store %arg18[%swap3A_355], %while3A_346#4 {add = true, strides = array<i32>} : memref<384xf32, #tpu.memory_space<vmem>>, vector<16xf32>,
              %swap3A_357 = arith.constant 336 : index
              %swap3A_358 = tpu.vector_load %arg18[%swap3A_357] {strides = array<i32>} : memref<384xf32, #tpu.memory_space<vmem>>, vector<16xf32>,
              tpu.vector_store %arg18[%swap3A_357], %while3A_346#5 {add = true, strides = array<i32>} : memref<384xf32, #tpu.memory_space<vmem>>, vector<16xf32>,
              %swap3A_359 = arith.constant 352 : index
              %swap3A_360 = tpu.vector_load %arg18[%swap3A_359] {strides = array<i32>} : memref<384xf32, #tpu.memory_space<vmem>>, vector<16xf32>,
              tpu.vector_store %arg18[%swap3A_359], %while3A_346#6 {add = true, strides = array<i32>} : memref<384xf32, #tpu.memory_space<vmem>>, vector<16xf32>,
              %swap3A_361 = arith.constant 368 : index
              %swap3A_362 = tpu.vector_load %arg18[%swap3A_361] {strides = array<i32>} : memref<384xf32, #tpu.memory_space<vmem>>, vector<16xf32>,
              tpu.vector_store %arg18[%swap3A_361], %while3A_346#7 {add = true, strides = array<i32>} : memref<384xf32, #tpu.memory_space<vmem>>, vector<16xf32>,
            } else {
            }
            %jit3A_194 = arith.constant 1 : i32
            %jit3A_195 = arith.constant 0 : i32
            %select_n3A_196 = arith.select %lt3A_189, %jit3A_194, %jit3A_195 : i32
            %add3A_197 = arith.addi %while3A_183, %select_n3A_196 : i32
            scf.yield %add3A_197 : i32
          }
          %while3A_180 = arith.constant 1 : i32
          %while3A_181 = scf.for %while3A_182 = %while3A_177 to %while3A_173 step %while3A_180 iter_args(%while3A_183 = %while3A_179) -> (i32)  : i32 {
            %get3A_184 = arith.index_cast %add3A_120 : i32 to index
            %get3A_185 = arith.index_cast %while3A_182 : i32 to index
            %get3A_186 = tpu.vector_load %arg10[%get3A_184, %get3A_185] {strides = array<i32>} : memref<64x128xi32, #tpu.memory_space<vmem>>, vector<16xi32>,
            %slice3A_187 = vector.extract_strided_slice %get3A_186 {offsets = [0], sizes = [1], strides = [1]} : vector<16xi32> to vector<1xi32>
            %squeeze3A_188 = vector.extract %slice3A_187[0] : i32 from vector<1xi32>
            %lt3A_189 = arith.cmpi slt, %add3A_121, %squeeze3A_188 : i32
            %add3A_190 = arith.addi %select_n3A, %while3A_182 : i32
            %convert_element_type3A_191 = arith.extui %lt3A_189 : i1 to i32
            %cond3A_192 = arith.constant 0 : i32
            %cond3A_193 = arith.cmpi ne, %convert_element_type3A_191, %cond3A_192 : i32
            scf.if %cond3A_193 {
              %jit3A_198 = arith.constant 4 : i32
              %eq3A = arith.constant 0 : i32
              %eq3A_199 = arith.cmpi eq, %jit3A_198, %eq3A : i32
              %jit3A_200 = arith.constant 1 : i32
              %select_n3A_201 = arith.select %eq3A_199, %jit3A_200, %jit3A_198 : i32
              %rem3A = arith.remsi %while3A_183, %select_n3A_201 : i32
              %ne3A = arith.constant 0 : i32
              %ne3A_202 = arith.cmpi ne, %rem3A, %ne3A : i32
              %lt3A_203 = arith.constant 0 : i32
              %lt3A_204 = arith.cmpi slt, %rem3A, %lt3A_203 : i32
              %lt3A_205 = arith.constant 0 : i32
              %lt3A_206 = arith.cmpi slt, %select_n3A_201, %lt3A_205 : i32
              %ne3A_207 = arith.xori %lt3A_204, %lt3A_206 : i1
              %and3A = arith.andi %ne3A_207, %ne3A_202 : i1
              %add3A_208 = arith.addi %rem3A, %select_n3A_201 : i32
              %select_n3A_209 = arith.select %and3A, %add3A_208, %rem3A : i32
              %ge3A = arith.constant 4 : i32
              %ge3A_210 = arith.cmpi sge, %while3A_183, %ge3A : i32
              %convert_element_type3A_211 = arith.extui %ge3A_210 : i1 to i32
              %cond3A_212 = arith.constant 0 : i32
              %cond3A_213 = arith.cmpi ne, %convert_element_type3A_211, %cond3A_212 : i32
              scf.if %cond3A_213 {
                %mul3A_363 = arith.constant 8 : i32
                %mul3A_364 = arith.muli %select_n3A_209, %mul3A_363 : i32
                %dma_start3A_365 = arith.constant 0 : i32
                %dma_start3A_366 = tpu.memref_slice %arg16[%mul3A_364, %dma_start3A_365] : memref<56x128xf32, #tpu.memory_space<vmem>> -> memref<8x128xf32, #tpu.memory_space<vmem>>
                %dma_start3A_367 = arith.constant 0 : i32
                %dma_start3A_368 = tpu.memref_slice %arg15[%add3A_190, %dma_start3A_367] : memref<64x128xi32, #tpu.memory_space<vmem>> -> memref<1x8xi32, #tpu.memory_space<vmem>>
                %dma_start3A_369 = tpu.memref_squeeze %dma_start3A_368 : memref<1x8xi32, #tpu.memory_space<vmem>> -> memref<8xi32, #tpu.memory_space<vmem>>
                %dma_start3A_370 = arith.constant 0 : i32
                %dma_start3A_371 = arith.constant 0 : i32
                %dma_start3A_372 = tpu.memref_slice %arg6[%dma_start3A_370, %dma_start3A_371] : memref<2048x128xf32, #tpu.memory_space<hbm>> -> memref<2048x128xf32, #tpu.memory_space<hbm>>
                tpu.enqueue_indirect_dma source(%dma_start3A_372 : memref<2048x128xf32, #tpu.memory_space<hbm>>) target(%dma_start3A_366 : memref<8x128xf32, #tpu.memory_space<vmem>>) offsets(%dma_start3A_369 : memref<8xi32, #tpu.memory_space<vmem>>) semaphore(%arg22 : memref<!tpu.dma_semaphore, #tpu.memory_space<semaphore_mem>>)
                %mul3A_373 = arith.constant 8 : i32
                %mul3A_374 = arith.muli %select_n3A_209, %mul3A_373 : i32
                %dma_wait3A_375 = arith.constant 0 : i32
                %dma_wait3A_376 = tpu.memref_slice %arg16[%mul3A_374, %dma_wait3A_375] : memref<56x128xf32, #tpu.memory_space<vmem>> -> memref<8x128xf32, #tpu.memory_space<vmem>>
                %dma_wait3A_377 = arith.constant 0 : i32
                %dma_wait3A_378 = tpu.memref_slice %arg15[%add3A_190, %dma_wait3A_377] : memref<64x128xi32, #tpu.memory_space<vmem>> -> memref<1x8xi32, #tpu.memory_space<vmem>>
                %dma_wait3A_379 = tpu.memref_squeeze %dma_wait3A_378 : memref<1x8xi32, #tpu.memory_space<vmem>> -> memref<8xi32, #tpu.memory_space<vmem>>
                %dma_wait3A_380 = arith.constant 0 : i32
                %dma_wait3A_381 = arith.constant 0 : i32
                %dma_wait3A_382 = tpu.memref_slice %arg6[%dma_wait3A_380, %dma_wait3A_381] : memref<2048x128xf32, #tpu.memory_space<hbm>> -> memref<2048x128xf32, #tpu.memory_space<hbm>>
                tpu.wait_indirect_dma semaphore(%arg22 : memref<!tpu.dma_semaphore, #tpu.memory_space<semaphore_mem>>) src(%dma_wait3A_382 : memref<2048x128xf32, #tpu.memory_space<hbm>>) dst(%dma_wait3A_376 : memref<8x128xf32, #tpu.memory_space<vmem>>)
              } else {
              }
              %get3A_214 = arith.index_cast %add3A_190 : i32 to index
              %get3A_215 = arith.constant 32 : index
              %get3A_216 = tpu.vector_load %arg15[%get3A_214, %get3A_215] {strides = array<i32>} : memref<64x128xi32, #tpu.memory_space<vmem>>, vector<16xi32>,
              %slice3A_217 = vector.extract_strided_slice %get3A_216 {offsets = [0], sizes = [1], strides = [1]} : vector<16xi32> to vector<1xi32>
              %squeeze3A_218 = vector.extract %slice3A_217[0] : i32 from vector<1xi32>
              %gt3A_219 = arith.constant 8 : i32
              %gt3A_220 = arith.cmpi sgt, %squeeze3A_218, %gt3A_219 : i32
              %convert_element_type3A_221 = arith.extui %gt3A_220 : i1 to i32
              %cond3A_222 = arith.constant 0 : i32
              %cond3A_223 = arith.cmpi ne, %convert_element_type3A_221, %cond3A_222 : i32
              scf.if %cond3A_223 {
                %dma_start3A_363 = arith.constant 32 : i32
                %dma_start3A_364 = arith.constant 0 : i32
                %dma_start3A_365 = tpu.memref_slice %arg16[%dma_start3A_363, %dma_start3A_364] : memref<56x128xf32, #tpu.memory_space<vmem>> -> memref<24x128xf32, #tpu.memory_space<vmem>>
                %dma_start3A_366 = arith.constant 8 : i32
                %dma_start3A_367 = tpu.memref_slice %arg15[%add3A_190, %dma_start3A_366] : memref<64x128xi32, #tpu.memory_space<vmem>> -> memref<1x24xi32, #tpu.memory_space<vmem>>
                %dma_start3A_368 = tpu.memref_squeeze %dma_start3A_367 : memref<1x24xi32, #tpu.memory_space<vmem>> -> memref<24xi32, #tpu.memory_space<vmem>>
                %dma_start3A_369 = arith.constant 0 : i32
                %dma_start3A_370 = arith.constant 0 : i32
                %dma_start3A_371 = tpu.memref_slice %arg6[%dma_start3A_369, %dma_start3A_370] : memref<2048x128xf32, #tpu.memory_space<hbm>> -> memref<2048x128xf32, #tpu.memory_space<hbm>>
                tpu.enqueue_indirect_dma source(%dma_start3A_371 : memref<2048x128xf32, #tpu.memory_space<hbm>>) target(%dma_start3A_365 : memref<24x128xf32, #tpu.memory_space<vmem>>) offsets(%dma_start3A_368 : memref<24xi32, #tpu.memory_space<vmem>>) semaphore(%arg20 : memref<!tpu.dma_semaphore, #tpu.memory_space<semaphore_mem>>)
                %dma_wait3A_372 = arith.constant 32 : i32
                %dma_wait3A_373 = arith.constant 0 : i32
                %dma_wait3A_374 = tpu.memref_slice %arg16[%dma_wait3A_372, %dma_wait3A_373] : memref<56x128xf32, #tpu.memory_space<vmem>> -> memref<24x128xf32, #tpu.memory_space<vmem>>
                %dma_wait3A_375 = arith.constant 8 : i32
                %dma_wait3A_376 = tpu.memref_slice %arg15[%add3A_190, %dma_wait3A_375] : memref<64x128xi32, #tpu.memory_space<vmem>> -> memref<1x24xi32, #tpu.memory_space<vmem>>
                %dma_wait3A_377 = tpu.memref_squeeze %dma_wait3A_376 : memref<1x24xi32, #tpu.memory_space<vmem>> -> memref<24xi32, #tpu.memory_space<vmem>>
                %dma_wait3A_378 = arith.constant 0 : i32
                %dma_wait3A_379 = arith.constant 0 : i32
                %dma_wait3A_380 = tpu.memref_slice %arg6[%dma_wait3A_378, %dma_wait3A_379] : memref<2048x128xf32, #tpu.memory_space<hbm>> -> memref<2048x128xf32, #tpu.memory_space<hbm>>
                tpu.wait_indirect_dma semaphore(%arg20 : memref<!tpu.dma_semaphore, #tpu.memory_space<semaphore_mem>>) src(%dma_wait3A_380 : memref<2048x128xf32, #tpu.memory_space<hbm>>) dst(%dma_wait3A_374 : memref<24x128xf32, #tpu.memory_space<vmem>>)
              } else {
              }
              %get3A_224 = arith.index_cast %add3A_120 : i32 to index
              %get3A_225 = arith.constant 384 : index
              %get3A_226 = tpu.vector_load %arg12[%get3A_224, %get3A_225] {strides = array<i32>} : memref<64x512xf32, #tpu.memory_space<vmem>>, vector<16xf32>,
              %get3A_227 = arith.index_cast %add3A_190 : i32 to index
              %get3A_228 = arith.constant 640 : index
              %get3A_229 = tpu.vector_load %arg14[%get3A_227, %get3A_228] {strides = array<i32>} : memref<64x768xf32, #tpu.memory_space<vmem>>, vector<16xf32>,
              %add3A_230 = arith.addf %get3A_226, %get3A_229 : vector<16xf32>
              %get3A_231 = arith.constant 2 : i32
              %get3A_232 = arith.index_cast %get3A_231 : i32 to index
              %get3A_233 = arith.constant 0 : index
              %get3A_234 = tpu.vector_load %arg19[%get3A_232, %get3A_233] {strides = array<i32>} : memref<3x128xf32, #tpu.memory_space<vmem>>, vector<16xf32>,
              %add3A_235 = arith.addf %add3A_230, %get3A_234 : vector<16xf32>
              %get3A_236 = arith.index_cast %add3A_120 : i32 to index
              %get3A_237 = arith.constant 400 : index
              %get3A_238 = tpu.vector_load %arg12[%get3A_236, %get3A_237] {strides = array<i32>} : memref<64x512xf32, #tpu.memory_space<vmem>>, vector<16xf32>,
              %get3A_239 = arith.index_cast %add3A_190 : i32 to index
              %get3A_240 = arith.constant 656 : index
              %get3A_241 = tpu.vector_load %arg14[%get3A_239, %get3A_240] {strides = array<i32>} : memref<64x768xf32, #tpu.memory_space<vmem>>, vector<16xf32>,
              %add3A_242 = arith.addf %get3A_238, %get3A_241 : vector<16xf32>
              %get3A_243 = arith.constant 2 : i32
              %get3A_244 = arith.index_cast %get3A_243 : i32 to index
              %get3A_245 = arith.constant 16 : index
              %get3A_246 = tpu.vector_load %arg19[%get3A_244, %get3A_245] {strides = array<i32>} : memref<3x128xf32, #tpu.memory_space<vmem>>, vector<16xf32>,
              %add3A_247 = arith.addf %add3A_242, %get3A_246 : vector<16xf32>
              %get3A_248 = arith.index_cast %add3A_120 : i32 to index
              %get3A_249 = arith.constant 416 : index
              %get3A_250 = tpu.vector_load %arg12[%get3A_248, %get3A_249] {strides = array<i32>} : memref<64x512xf32, #tpu.memory_space<vmem>>, vector<16xf32>,
              %get3A_251 = arith.index_cast %add3A_190 : i32 to index
              %get3A_252 = arith.constant 672 : index
              %get3A_253 = tpu.vector_load %arg14[%get3A_251, %get3A_252] {strides = array<i32>} : memref<64x768xf32, #tpu.memory_space<vmem>>, vector<16xf32>,
              %add3A_254 = arith.addf %get3A_250, %get3A_253 : vector<16xf32>
              %get3A_255 = arith.constant 2 : i32
              %get3A_256 = arith.index_cast %get3A_255 : i32 to index
              %get3A_257 = arith.constant 32 : index
              %get3A_258 = tpu.vector_load %arg19[%get3A_256, %get3A_257] {strides = array<i32>} : memref<3x128xf32, #tpu.memory_space<vmem>>, vector<16xf32>,
              %add3A_259 = arith.addf %add3A_254, %get3A_258 : vector<16xf32>
              %get3A_260 = arith.index_cast %add3A_120 : i32 to index
              %get3A_261 = arith.constant 432 : index
              %get3A_262 = tpu.vector_load %arg12[%get3A_260, %get3A_261] {strides = array<i32>} : memref<64x512xf32, #tpu.memory_space<vmem>>, vector<16xf32>,
              %get3A_263 = arith.index_cast %add3A_190 : i32 to index
              %get3A_264 = arith.constant 688 : index
              %get3A_265 = tpu.vector_load %arg14[%get3A_263, %get3A_264] {strides = array<i32>} : memref<64x768xf32, #tpu.memory_space<vmem>>, vector<16xf32>,
              %add3A_266 = arith.addf %get3A_262, %get3A_265 : vector<16xf32>
              %get3A_267 = arith.constant 2 : i32
              %get3A_268 = arith.index_cast %get3A_267 : i32 to index
              %get3A_269 = arith.constant 48 : index
              %get3A_270 = tpu.vector_load %arg19[%get3A_268, %get3A_269] {strides = array<i32>} : memref<3x128xf32, #tpu.memory_space<vmem>>, vector<16xf32>,
              %add3A_271 = arith.addf %add3A_266, %get3A_270 : vector<16xf32>
              %get3A_272 = arith.index_cast %add3A_120 : i32 to index
              %get3A_273 = arith.constant 448 : index
              %get3A_274 = tpu.vector_load %arg12[%get3A_272, %get3A_273] {strides = array<i32>} : memref<64x512xf32, #tpu.memory_space<vmem>>, vector<16xf32>,
              %get3A_275 = arith.index_cast %add3A_190 : i32 to index
              %get3A_276 = arith.constant 704 : index
              %get3A_277 = tpu.vector_load %arg14[%get3A_275, %get3A_276] {strides = array<i32>} : memref<64x768xf32, #tpu.memory_space<vmem>>, vector<16xf32>,
              %add3A_278 = arith.addf %get3A_274, %get3A_277 : vector<16xf32>
              %get3A_279 = arith.constant 2 : i32
              %get3A_280 = arith.index_cast %get3A_279 : i32 to index
              %get3A_281 = arith.constant 64 : index
              %get3A_282 = tpu.vector_load %arg19[%get3A_280, %get3A_281] {strides = array<i32>} : memref<3x128xf32, #tpu.memory_space<vmem>>, vector<16xf32>,
              %add3A_283 = arith.addf %add3A_278, %get3A_282 : vector<16xf32>
              %get3A_284 = arith.index_cast %add3A_120 : i32 to index
              %get3A_285 = arith.constant 464 : index
              %get3A_286 = tpu.vector_load %arg12[%get3A_284, %get3A_285] {strides = array<i32>} : memref<64x512xf32, #tpu.memory_space<vmem>>, vector<16xf32>,
              %get3A_287 = arith.index_cast %add3A_190 : i32 to index
              %get3A_288 = arith.constant 720 : index
              %get3A_289 = tpu.vector_load %arg14[%get3A_287, %get3A_288] {strides = array<i32>} : memref<64x768xf32, #tpu.memory_space<vmem>>, vector<16xf32>,
              %add3A_290 = arith.addf %get3A_286, %get3A_289 : vector<16xf32>
              %get3A_291 = arith.constant 2 : i32
              %get3A_292 = arith.index_cast %get3A_291 : i32 to index
              %get3A_293 = arith.constant 80 : index
              %get3A_294 = tpu.vector_load %arg19[%get3A_292, %get3A_293] {strides = array<i32>} : memref<3x128xf32, #tpu.memory_space<vmem>>, vector<16xf32>,
              %add3A_295 = arith.addf %add3A_290, %get3A_294 : vector<16xf32>
              %get3A_296 = arith.index_cast %add3A_120 : i32 to index
              %get3A_297 = arith.constant 480 : index
              %get3A_298 = tpu.vector_load %arg12[%get3A_296, %get3A_297] {strides = array<i32>} : memref<64x512xf32, #tpu.memory_space<vmem>>, vector<16xf32>,
              %get3A_299 = arith.index_cast %add3A_190 : i32 to index
              %get3A_300 = arith.constant 736 : index
              %get3A_301 = tpu.vector_load %arg14[%get3A_299, %get3A_300] {strides = array<i32>} : memref<64x768xf32, #tpu.memory_space<vmem>>, vector<16xf32>,
              %add3A_302 = arith.addf %get3A_298, %get3A_301 : vector<16xf32>
              %get3A_303 = arith.constant 2 : i32
              %get3A_304 = arith.index_cast %get3A_303 : i32 to index
              %get3A_305 = arith.constant 96 : index
              %get3A_306 = tpu.vector_load %arg19[%get3A_304, %get3A_305] {strides = array<i32>} : memref<3x128xf32, #tpu.memory_space<vmem>>, vector<16xf32>,
              %add3A_307 = arith.addf %add3A_302, %get3A_306 : vector<16xf32>
              %get3A_308 = arith.index_cast %add3A_120 : i32 to index
              %get3A_309 = arith.constant 496 : index
              %get3A_310 = tpu.vector_load %arg12[%get3A_308, %get3A_309] {strides = array<i32>} : memref<64x512xf32, #tpu.memory_space<vmem>>, vector<16xf32>,
              %get3A_311 = arith.index_cast %add3A_190 : i32 to index
              %get3A_312 = arith.constant 752 : index
              %get3A_313 = tpu.vector_load %arg14[%get3A_311, %get3A_312] {strides = array<i32>} : memref<64x768xf32, #tpu.memory_space<vmem>>, vector<16xf32>,
              %add3A_314 = arith.addf %get3A_310, %get3A_313 : vector<16xf32>
              %get3A_315 = arith.constant 2 : i32
              %get3A_316 = arith.index_cast %get3A_315 : i32 to index
              %get3A_317 = arith.constant 112 : index
              %get3A_318 = tpu.vector_load %arg19[%get3A_316, %get3A_317] {strides = array<i32>} : memref<3x128xf32, #tpu.memory_space<vmem>>, vector<16xf32>,
              %add3A_319 = arith.addf %add3A_314, %get3A_318 : vector<16xf32>
              %broadcast_in_dim3A_320 = arith.constant 0.000000e+00 : f32
              %broadcast_in_dim3A_321 = vector.broadcast %broadcast_in_dim3A_320 : f32 to vector<16xf32>
              %broadcast_in_dim3A_322 = arith.constant 0.000000e+00 : f32
              %broadcast_in_dim3A_323 = vector.broadcast %broadcast_in_dim3A_322 : f32 to vector<16xf32>
              %broadcast_in_dim3A_324 = arith.constant 0.000000e+00 : f32
              %broadcast_in_dim3A_325 = vector.broadcast %broadcast_in_dim3A_324 : f32 to vector<16xf32>
              %broadcast_in_dim3A_326 = arith.constant 0.000000e+00 : f32
              %broadcast_in_dim3A_327 = vector.broadcast %broadcast_in_dim3A_326 : f32 to vector<16xf32>
              %broadcast_in_dim3A_328 = arith.constant 0.000000e+00 : f32
              %broadcast_in_dim3A_329 = vector.broadcast %broadcast_in_dim3A_328 : f32 to vector<16xf32>
              %broadcast_in_dim3A_330 = arith.constant 0.000000e+00 : f32
              %broadcast_in_dim3A_331 = vector.broadcast %broadcast_in_dim3A_330 : f32 to vector<16xf32>
              %broadcast_in_dim3A_332 = arith.constant 0.000000e+00 : f32
              %broadcast_in_dim3A_333 = vector.broadcast %broadcast_in_dim3A_332 : f32 to vector<16xf32>
              %broadcast_in_dim3A_334 = arith.constant 0.000000e+00 : f32
              %broadcast_in_dim3A_335 = vector.broadcast %broadcast_in_dim3A_334 : f32 to vector<16xf32>
              %while3A_336 = arith.constant 0 : i32
              %while3A_337 = arith.subi %squeeze3A, %while3A_336 : i32
              %while3A_338 = arith.addi %while3A_336, %while3A_337 : i32
              %while3A_339 = arith.constant 1 : i32
              %while3A_340 = arith.divsi %while3A_337, %while3A_339 : i32
              %while3A_341 = arith.muli %while3A_340, %while3A_339 : i32
              %while3A_342 = arith.addi %while3A_336, %while3A_341 : i32
              %while3A_343 = arith.constant 1 : i32
              %while3A_344:8 = scf.for %while3A_363 = %while3A_336 to %while3A_342 step %while3A_343 iter_args(%while3A_364 = %broadcast_in_dim3A_321, %while3A_365 = %broadcast_in_dim3A_323, %while3A_366 = %broadcast_in_dim3A_325, %while3A_367 = %broadcast_in_dim3A_327, %while3A_368 = %broadcast_in_dim3A_329, %while3A_369 = %broadcast_in_dim3A_331, %while3A_370 = %broadcast_in_dim3A_333, %while3A_371 = %broadcast_in_dim3A_335) -> (vector<16xf32>, vector<16xf32>, vector<16xf32>, vector<16xf32>, vector<16xf32>, vector<16xf32>, vector<16xf32>, vector<16xf32>)  : i32 {
                %ne3A_372 = arith.cmpi ne, %while3A_363, %while3A_182 : i32
                %convert_element_type3A_373 = arith.extui %ne3A_372 : i1 to i32
                %cond3A_374 = arith.constant 0 : i32
                %cond3A_375 = arith.cmpi ne, %convert_element_type3A_373, %cond3A_374 : i32
                %cond3A_376:8 = scf.if %cond3A_375 -> (vector<16xf32>, vector<16xf32>, vector<16xf32>, vector<16xf32>, vector<16xf32>, vector<16xf32>, vector<16xf32>, vector<16xf32>) {
                  %add3A_377 = arith.addi %select_n3A, %while3A_363 : i32
                  %get3A_378 = arith.index_cast %add3A_377 : i32 to index
                  %get3A_379 = arith.constant 512 : index
                  %get3A_380 = tpu.vector_load %arg14[%get3A_378, %get3A_379] {strides = array<i32>} : memref<64x768xf32, #tpu.memory_space<vmem>>, vector<16xf32>,
                  %add3A_381 = arith.addf %add3A_235, %get3A_380 : vector<16xf32>
                  %add3A_382 = arith.addi %select_n3A, %while3A_363 : i32
                  %get3A_383 = arith.index_cast %add3A_382 : i32 to index
                  %get3A_384 = arith.constant 528 : index
                  %get3A_385 = tpu.vector_load %arg14[%get3A_383, %get3A_384] {strides = array<i32>} : memref<64x768xf32, #tpu.memory_space<vmem>>, vector<16xf32>,
                  %add3A_386 = arith.addf %add3A_247, %get3A_385 : vector<16xf32>
                  %add3A_387 = arith.addi %select_n3A, %while3A_363 : i32
                  %get3A_388 = arith.index_cast %add3A_387 : i32 to index
                  %get3A_389 = arith.constant 544 : index
                  %get3A_390 = tpu.vector_load %arg14[%get3A_388, %get3A_389] {strides = array<i32>} : memref<64x768xf32, #tpu.memory_space<vmem>>, vector<16xf32>,
                  %add3A_391 = arith.addf %add3A_259, %get3A_390 : vector<16xf32>
                  %add3A_392 = arith.addi %select_n3A, %while3A_363 : i32
                  %get3A_393 = arith.index_cast %add3A_392 : i32 to index
                  %get3A_394 = arith.constant 560 : index
                  %get3A_395 = tpu.vector_load %arg14[%get3A_393, %get3A_394] {strides = array<i32>} : memref<64x768xf32, #tpu.memory_space<vmem>>, vector<16xf32>,
                  %add3A_396 = arith.addf %add3A_271, %get3A_395 : vector<16xf32>
                  %add3A_397 = arith.addi %select_n3A, %while3A_363 : i32
                  %get3A_398 = arith.index_cast %add3A_397 : i32 to index
                  %get3A_399 = arith.constant 576 : index
                  %get3A_400 = tpu.vector_load %arg14[%get3A_398, %get3A_399] {strides = array<i32>} : memref<64x768xf32, #tpu.memory_space<vmem>>, vector<16xf32>,
                  %add3A_401 = arith.addf %add3A_283, %get3A_400 : vector<16xf32>
                  %add3A_402 = arith.addi %select_n3A, %while3A_363 : i32
                  %get3A_403 = arith.index_cast %add3A_402 : i32 to index
                  %get3A_404 = arith.constant 592 : index
                  %get3A_405 = tpu.vector_load %arg14[%get3A_403, %get3A_404] {strides = array<i32>} : memref<64x768xf32, #tpu.memory_space<vmem>>, vector<16xf32>,
                  %add3A_406 = arith.addf %add3A_295, %get3A_405 : vector<16xf32>
                  %add3A_407 = arith.addi %select_n3A, %while3A_363 : i32
                  %get3A_408 = arith.index_cast %add3A_407 : i32 to index
                  %get3A_409 = arith.constant 608 : index
                  %get3A_410 = tpu.vector_load %arg14[%get3A_408, %get3A_409] {strides = array<i32>} : memref<64x768xf32, #tpu.memory_space<vmem>>, vector<16xf32>,
                  %add3A_411 = arith.addf %add3A_307, %get3A_410 : vector<16xf32>
                  %add3A_412 = arith.addi %select_n3A, %while3A_363 : i32
                  %get3A_413 = arith.index_cast %add3A_412 : i32 to index
                  %get3A_414 = arith.constant 624 : index
                  %get3A_415 = tpu.vector_load %arg14[%get3A_413, %get3A_414] {strides = array<i32>} : memref<64x768xf32, #tpu.memory_space<vmem>>, vector<16xf32>,
                  %add3A_416 = arith.addf %add3A_319, %get3A_415 : vector<16xf32>
                  %while3A_417 = arith.constant 0 : i32
                  %while3A_418 = arith.subi %squeeze3A_218, %while3A_417 : i32
                  %while3A_419 = arith.addi %while3A_417, %while3A_418 : i32
                  %while3A_420 = arith.constant 1 : i32
                  %while3A_421 = arith.divsi %while3A_418, %while3A_420 : i32
                  %while3A_422 = arith.muli %while3A_421, %while3A_420 : i32
                  %while3A_423 = arith.addi %while3A_417, %while3A_422 : i32
                  %while3A_424 = arith.constant 1 : i32
                  %while3A_425:8 = scf.for %while3A_428 = %while3A_417 to %while3A_423 step %while3A_424 iter_args(%while3A_429 = %while3A_364, %while3A_430 = %while3A_365, %while3A_431 = %while3A_366, %while3A_432 = %while3A_367, %while3A_433 = %while3A_368, %while3A_434 = %while3A_369, %while3A_435 = %while3A_370, %while3A_436 = %while3A_371) -> (vector<16xf32>, vector<16xf32>, vector<16xf32>, vector<16xf32>, vector<16xf32>, vector<16xf32>, vector<16xf32>, vector<16xf32>)  : i32 {
                    %get3A_437 = arith.index_cast %add3A_190 : i32 to index
                    %get3A_438 = arith.index_cast %while3A_428 : i32 to index
                    %get3A_439 = tpu.vector_load %arg15[%get3A_437, %get3A_438] {strides = array<i32>} : memref<64x128xi32, #tpu.memory_space<vmem>>, vector<16xi32>,
                    %slice3A_440 = vector.extract_strided_slice %get3A_439 {offsets = [0], sizes = [1], strides = [1]} : vector<16xi32> to vector<1xi32>
                    %squeeze3A_441 = vector.extract %slice3A_440[0] : i32 from vector<1xi32>
                    %ne3A_442 = arith.cmpi ne, %squeeze3A_441, %add3A_121 : i32
                    %lt3A_443 = arith.constant 8 : i32
                    %lt3A_444 = arith.cmpi slt, %while3A_428, %lt3A_443 : i32
                    %mul3A_445 = arith.constant 8 : i32
                    %mul3A_446 = arith.muli %select_n3A_209, %mul3A_445 : i32
                    %add3A_447 = arith.addi %mul3A_446, %while3A_428 : i32
                    %add3A_448 = arith.constant 24 : i32
                    %add3A_449 = arith.addi %add3A_448, %while3A_428 : i32
                    %select_n3A_450 = arith.select %lt3A_444, %add3A_447, %add3A_449 : i32
                    %get3A_451 = arith.index_cast %select_n3A_450 : i32 to index
                    %get3A_452 = arith.constant 0 : index
                    %get3A_453 = tpu.vector_load %arg16[%get3A_451, %get3A_452] {strides = array<i32>} : memref<56x128xf32, #tpu.memory_space<vmem>>, vector<16xf32>,
                    %add3A_454 = arith.addf %add3A_381, %get3A_453 : vector<16xf32>
                    %max3A = arith.constant 0.000000e+00 : f32
                    %max3A_455 = vector.broadcast %max3A : f32 to vector<16xf32>
                    %max3A_456 = arith.maximumf %add3A_454, %max3A_455 : vector<16xf32>
                    %add3A_457 = arith.addf %while3A_429, %max3A_456 : vector<16xf32>
                    %select_n3A_458 = arith.select %ne3A_442, %add3A_457, %while3A_429 : vector<16xf32>
                    %get3A_459 = arith.index_cast %select_n3A_450 : i32 to index
                    %get3A_460 = arith.constant 16 : index
                    %get3A_461 = tpu.vector_load %arg16[%get3A_459, %get3A_460] {strides = array<i32>} : memref<56x128xf32, #tpu.memory_space<vmem>>, vector<16xf32>,
                    %add3A_462 = arith.addf %add3A_386, %get3A_461 : vector<16xf32>
                    %max3A_463 = arith.constant 0.000000e+00 : f32
                    %max3A_464 = vector.broadcast %max3A_463 : f32 to vector<16xf32>
                    %max3A_465 = arith.maximumf %add3A_462, %max3A_464 : vector<16xf32>
                    %add3A_466 = arith.addf %while3A_430, %max3A_465 : vector<16xf32>
                    %select_n3A_467 = arith.select %ne3A_442, %add3A_466, %while3A_430 : vector<16xf32>
                    %get3A_468 = arith.index_cast %select_n3A_450 : i32 to index
                    %get3A_469 = arith.constant 32 : index
                    %get3A_470 = tpu.vector_load %arg16[%get3A_468, %get3A_469] {strides = array<i32>} : memref<56x128xf32, #tpu.memory_space<vmem>>, vector<16xf32>,
                    %add3A_471 = arith.addf %add3A_391, %get3A_470 : vector<16xf32>
                    %max3A_472 = arith.constant 0.000000e+00 : f32
                    %max3A_473 = vector.broadcast %max3A_472 : f32 to vector<16xf32>
                    %max3A_474 = arith.maximumf %add3A_471, %max3A_473 : vector<16xf32>
                    %add3A_475 = arith.addf %while3A_431, %max3A_474 : vector<16xf32>
                    %select_n3A_476 = arith.select %ne3A_442, %add3A_475, %while3A_431 : vector<16xf32>
                    %get3A_477 = arith.index_cast %select_n3A_450 : i32 to index
                    %get3A_478 = arith.constant 48 : index
                    %get3A_479 = tpu.vector_load %arg16[%get3A_477, %get3A_478] {strides = array<i32>} : memref<56x128xf32, #tpu.memory_space<vmem>>, vector<16xf32>,
                    %add3A_480 = arith.addf %add3A_396, %get3A_479 : vector<16xf32>
                    %max3A_481 = arith.constant 0.000000e+00 : f32
                    %max3A_482 = vector.broadcast %max3A_481 : f32 to vector<16xf32>
                    %max3A_483 = arith.maximumf %add3A_480, %max3A_482 : vector<16xf32>
                    %add3A_484 = arith.addf %while3A_432, %max3A_483 : vector<16xf32>
                    %select_n3A_485 = arith.select %ne3A_442, %add3A_484, %while3A_432 : vector<16xf32>
                    %get3A_486 = arith.index_cast %select_n3A_450 : i32 to index
                    %get3A_487 = arith.constant 64 : index
                    %get3A_488 = tpu.vector_load %arg16[%get3A_486, %get3A_487] {strides = array<i32>} : memref<56x128xf32, #tpu.memory_space<vmem>>, vector<16xf32>,
                    %add3A_489 = arith.addf %add3A_401, %get3A_488 : vector<16xf32>
                    %max3A_490 = arith.constant 0.000000e+00 : f32
                    %max3A_491 = vector.broadcast %max3A_490 : f32 to vector<16xf32>
                    %max3A_492 = arith.maximumf %add3A_489, %max3A_491 : vector<16xf32>
                    %add3A_493 = arith.addf %while3A_433, %max3A_492 : vector<16xf32>
                    %select_n3A_494 = arith.select %ne3A_442, %add3A_493, %while3A_433 : vector<16xf32>
                    %get3A_495 = arith.index_cast %select_n3A_450 : i32 to index
                    %get3A_496 = arith.constant 80 : index
                    %get3A_497 = tpu.vector_load %arg16[%get3A_495, %get3A_496] {strides = array<i32>} : memref<56x128xf32, #tpu.memory_space<vmem>>, vector<16xf32>,
                    %add3A_498 = arith.addf %add3A_406, %get3A_497 : vector<16xf32>
                    %max3A_499 = arith.constant 0.000000e+00 : f32
                    %max3A_500 = vector.broadcast %max3A_499 : f32 to vector<16xf32>
                    %max3A_501 = arith.maximumf %add3A_498, %max3A_500 : vector<16xf32>
                    %add3A_502 = arith.addf %while3A_434, %max3A_501 : vector<16xf32>
                    %select_n3A_503 = arith.select %ne3A_442, %add3A_502, %while3A_434 : vector<16xf32>
                    %get3A_504 = arith.index_cast %select_n3A_450 : i32 to index
                    %get3A_505 = arith.constant 96 : index
                    %get3A_506 = tpu.vector_load %arg16[%get3A_504, %get3A_505] {strides = array<i32>} : memref<56x128xf32, #tpu.memory_space<vmem>>, vector<16xf32>,
                    %add3A_507 = arith.addf %add3A_411, %get3A_506 : vector<16xf32>
                    %max3A_508 = arith.constant 0.000000e+00 : f32
                    %max3A_509 = vector.broadcast %max3A_508 : f32 to vector<16xf32>
                    %max3A_510 = arith.maximumf %add3A_507, %max3A_509 : vector<16xf32>
                    %add3A_511 = arith.addf %while3A_435, %max3A_510 : vector<16xf32>
                    %select_n3A_512 = arith.select %ne3A_442, %add3A_511, %while3A_435 : vector<16xf32>
                    %get3A_513 = arith.index_cast %select_n3A_450 : i32 to index
                    %get3A_514 = arith.constant 112 : index
                    %get3A_515 = tpu.vector_load %arg16[%get3A_513, %get3A_514] {strides = array<i32>} : memref<56x128xf32, #tpu.memory_space<vmem>>, vector<16xf32>,
                    %add3A_516 = arith.addf %add3A_416, %get3A_515 : vector<16xf32>
                    %max3A_517 = arith.constant 0.000000e+00 : f32
                    %max3A_518 = vector.broadcast %max3A_517 : f32 to vector<16xf32>
                    %max3A_519 = arith.maximumf %add3A_516, %max3A_518 : vector<16xf32>
                    %add3A_520 = arith.addf %while3A_436, %max3A_519 : vector<16xf32>
                    %select_n3A_521 = arith.select %ne3A_442, %add3A_520, %while3A_436 : vector<16xf32>
                    scf.yield %select_n3A_458, %select_n3A_467, %select_n3A_476, %select_n3A_485, %select_n3A_494, %select_n3A_503, %select_n3A_512, %select_n3A_521 : vector<16xf32>, vector<16xf32>, vector<16xf32>, vector<16xf32>, vector<16xf32>, vector<16xf32>, vector<16xf32>, vector<16xf32>
                  }
                  %while3A_426 = arith.constant 1 : i32
                  %while3A_427:8 = scf.for %while3A_428 = %while3A_423 to %while3A_419 step %while3A_426 iter_args(%while3A_429 = %while3A_425#0, %while3A_430 = %while3A_425#1, %while3A_431 = %while3A_425#2, %while3A_432 = %while3A_425#3, %while3A_433 = %while3A_425#4, %while3A_434 = %while3A_425#5, %while3A_435 = %while3A_425#6, %while3A_436 = %while3A_425#7) -> (vector<16xf32>, vector<16xf32>, vector<16xf32>, vector<16xf32>, vector<16xf32>, vector<16xf32>, vector<16xf32>, vector<16xf32>)  : i32 {
                    %get3A_437 = arith.index_cast %add3A_190 : i32 to index
                    %get3A_438 = arith.index_cast %while3A_428 : i32 to index
                    %get3A_439 = tpu.vector_load %arg15[%get3A_437, %get3A_438] {strides = array<i32>} : memref<64x128xi32, #tpu.memory_space<vmem>>, vector<16xi32>,
                    %slice3A_440 = vector.extract_strided_slice %get3A_439 {offsets = [0], sizes = [1], strides = [1]} : vector<16xi32> to vector<1xi32>
                    %squeeze3A_441 = vector.extract %slice3A_440[0] : i32 from vector<1xi32>
                    %ne3A_442 = arith.cmpi ne, %squeeze3A_441, %add3A_121 : i32
                    %lt3A_443 = arith.constant 8 : i32
                    %lt3A_444 = arith.cmpi slt, %while3A_428, %lt3A_443 : i32
                    %mul3A_445 = arith.constant 8 : i32
                    %mul3A_446 = arith.muli %select_n3A_209, %mul3A_445 : i32
                    %add3A_447 = arith.addi %mul3A_446, %while3A_428 : i32
                    %add3A_448 = arith.constant 24 : i32
                    %add3A_449 = arith.addi %add3A_448, %while3A_428 : i32
                    %select_n3A_450 = arith.select %lt3A_444, %add3A_447, %add3A_449 : i32
                    %get3A_451 = arith.index_cast %select_n3A_450 : i32 to index
                    %get3A_452 = arith.constant 0 : index
                    %get3A_453 = tpu.vector_load %arg16[%get3A_451, %get3A_452] {strides = array<i32>} : memref<56x128xf32, #tpu.memory_space<vmem>>, vector<16xf32>,
                    %add3A_454 = arith.addf %add3A_381, %get3A_453 : vector<16xf32>
                    %max3A = arith.constant 0.000000e+00 : f32
                    %max3A_455 = vector.broadcast %max3A : f32 to vector<16xf32>
                    %max3A_456 = arith.maximumf %add3A_454, %max3A_455 : vector<16xf32>
                    %add3A_457 = arith.addf %while3A_429, %max3A_456 : vector<16xf32>
                    %select_n3A_458 = arith.select %ne3A_442, %add3A_457, %while3A_429 : vector<16xf32>
                    %get3A_459 = arith.index_cast %select_n3A_450 : i32 to index
                    %get3A_460 = arith.constant 16 : index
                    %get3A_461 = tpu.vector_load %arg16[%get3A_459, %get3A_460] {strides = array<i32>} : memref<56x128xf32, #tpu.memory_space<vmem>>, vector<16xf32>,
                    %add3A_462 = arith.addf %add3A_386, %get3A_461 : vector<16xf32>
                    %max3A_463 = arith.constant 0.000000e+00 : f32
                    %max3A_464 = vector.broadcast %max3A_463 : f32 to vector<16xf32>
                    %max3A_465 = arith.maximumf %add3A_462, %max3A_464 : vector<16xf32>
                    %add3A_466 = arith.addf %while3A_430, %max3A_465 : vector<16xf32>
                    %select_n3A_467 = arith.select %ne3A_442, %add3A_466, %while3A_430 : vector<16xf32>
                    %get3A_468 = arith.index_cast %select_n3A_450 : i32 to index
                    %get3A_469 = arith.constant 32 : index
                    %get3A_470 = tpu.vector_load %arg16[%get3A_468, %get3A_469] {strides = array<i32>} : memref<56x128xf32, #tpu.memory_space<vmem>>, vector<16xf32>,
                    %add3A_471 = arith.addf %add3A_391, %get3A_470 : vector<16xf32>
                    %max3A_472 = arith.constant 0.000000e+00 : f32
                    %max3A_473 = vector.broadcast %max3A_472 : f32 to vector<16xf32>
                    %max3A_474 = arith.maximumf %add3A_471, %max3A_473 : vector<16xf32>
                    %add3A_475 = arith.addf %while3A_431, %max3A_474 : vector<16xf32>
                    %select_n3A_476 = arith.select %ne3A_442, %add3A_475, %while3A_431 : vector<16xf32>
                    %get3A_477 = arith.index_cast %select_n3A_450 : i32 to index
                    %get3A_478 = arith.constant 48 : index
                    %get3A_479 = tpu.vector_load %arg16[%get3A_477, %get3A_478] {strides = array<i32>} : memref<56x128xf32, #tpu.memory_space<vmem>>, vector<16xf32>,
                    %add3A_480 = arith.addf %add3A_396, %get3A_479 : vector<16xf32>
                    %max3A_481 = arith.constant 0.000000e+00 : f32
                    %max3A_482 = vector.broadcast %max3A_481 : f32 to vector<16xf32>
                    %max3A_483 = arith.maximumf %add3A_480, %max3A_482 : vector<16xf32>
                    %add3A_484 = arith.addf %while3A_432, %max3A_483 : vector<16xf32>
                    %select_n3A_485 = arith.select %ne3A_442, %add3A_484, %while3A_432 : vector<16xf32>
                    %get3A_486 = arith.index_cast %select_n3A_450 : i32 to index
                    %get3A_487 = arith.constant 64 : index
                    %get3A_488 = tpu.vector_load %arg16[%get3A_486, %get3A_487] {strides = array<i32>} : memref<56x128xf32, #tpu.memory_space<vmem>>, vector<16xf32>,
                    %add3A_489 = arith.addf %add3A_401, %get3A_488 : vector<16xf32>
                    %max3A_490 = arith.constant 0.000000e+00 : f32
                    %max3A_491 = vector.broadcast %max3A_490 : f32 to vector<16xf32>
                    %max3A_492 = arith.maximumf %add3A_489, %max3A_491 : vector<16xf32>
                    %add3A_493 = arith.addf %while3A_433, %max3A_492 : vector<16xf32>
                    %select_n3A_494 = arith.select %ne3A_442, %add3A_493, %while3A_433 : vector<16xf32>
                    %get3A_495 = arith.index_cast %select_n3A_450 : i32 to index
                    %get3A_496 = arith.constant 80 : index
                    %get3A_497 = tpu.vector_load %arg16[%get3A_495, %get3A_496] {strides = array<i32>} : memref<56x128xf32, #tpu.memory_space<vmem>>, vector<16xf32>,
                    %add3A_498 = arith.addf %add3A_406, %get3A_497 : vector<16xf32>
                    %max3A_499 = arith.constant 0.000000e+00 : f32
                    %max3A_500 = vector.broadcast %max3A_499 : f32 to vector<16xf32>
                    %max3A_501 = arith.maximumf %add3A_498, %max3A_500 : vector<16xf32>
                    %add3A_502 = arith.addf %while3A_434, %max3A_501 : vector<16xf32>
                    %select_n3A_503 = arith.select %ne3A_442, %add3A_502, %while3A_434 : vector<16xf32>
                    %get3A_504 = arith.index_cast %select_n3A_450 : i32 to index
                    %get3A_505 = arith.constant 96 : index
                    %get3A_506 = tpu.vector_load %arg16[%get3A_504, %get3A_505] {strides = array<i32>} : memref<56x128xf32, #tpu.memory_space<vmem>>, vector<16xf32>,
                    %add3A_507 = arith.addf %add3A_411, %get3A_506 : vector<16xf32>
                    %max3A_508 = arith.constant 0.000000e+00 : f32
                    %max3A_509 = vector.broadcast %max3A_508 : f32 to vector<16xf32>
                    %max3A_510 = arith.maximumf %add3A_507, %max3A_509 : vector<16xf32>
                    %add3A_511 = arith.addf %while3A_435, %max3A_510 : vector<16xf32>
                    %select_n3A_512 = arith.select %ne3A_442, %add3A_511, %while3A_435 : vector<16xf32>
                    %get3A_513 = arith.index_cast %select_n3A_450 : i32 to index
                    %get3A_514 = arith.constant 112 : index
                    %get3A_515 = tpu.vector_load %arg16[%get3A_513, %get3A_514] {strides = array<i32>} : memref<56x128xf32, #tpu.memory_space<vmem>>, vector<16xf32>,
                    %add3A_516 = arith.addf %add3A_416, %get3A_515 : vector<16xf32>
                    %max3A_517 = arith.constant 0.000000e+00 : f32
                    %max3A_518 = vector.broadcast %max3A_517 : f32 to vector<16xf32>
                    %max3A_519 = arith.maximumf %add3A_516, %max3A_518 : vector<16xf32>
                    %add3A_520 = arith.addf %while3A_436, %max3A_519 : vector<16xf32>
                    %select_n3A_521 = arith.select %ne3A_442, %add3A_520, %while3A_436 : vector<16xf32>
                    scf.yield %select_n3A_458, %select_n3A_467, %select_n3A_476, %select_n3A_485, %select_n3A_494, %select_n3A_503, %select_n3A_512, %select_n3A_521 : vector<16xf32>, vector<16xf32>, vector<16xf32>, vector<16xf32>, vector<16xf32>, vector<16xf32>, vector<16xf32>, vector<16xf32>
                  }
                  scf.yield %while3A_427#0, %while3A_427#1, %while3A_427#2, %while3A_427#3, %while3A_427#4, %while3A_427#5, %while3A_427#6, %while3A_427#7 : vector<16xf32>, vector<16xf32>, vector<16xf32>, vector<16xf32>, vector<16xf32>, vector<16xf32>, vector<16xf32>, vector<16xf32>
                } else {
                  scf.yield %while3A_364, %while3A_365, %while3A_366, %while3A_367, %while3A_368, %while3A_369, %while3A_370, %while3A_371 : vector<16xf32>, vector<16xf32>, vector<16xf32>, vector<16xf32>, vector<16xf32>, vector<16xf32>, vector<16xf32>, vector<16xf32>
                }
                scf.yield %cond3A_376#0, %cond3A_376#1, %cond3A_376#2, %cond3A_376#3, %cond3A_376#4, %cond3A_376#5, %cond3A_376#6, %cond3A_376#7 : vector<16xf32>, vector<16xf32>, vector<16xf32>, vector<16xf32>, vector<16xf32>, vector<16xf32>, vector<16xf32>, vector<16xf32>
              }
              %while3A_345 = arith.constant 1 : i32
              %while3A_346:8 = scf.for %while3A_363 = %while3A_342 to %while3A_338 step %while3A_345 iter_args(%while3A_364 = %while3A_344#0, %while3A_365 = %while3A_344#1, %while3A_366 = %while3A_344#2, %while3A_367 = %while3A_344#3, %while3A_368 = %while3A_344#4, %while3A_369 = %while3A_344#5, %while3A_370 = %while3A_344#6, %while3A_371 = %while3A_344#7) -> (vector<16xf32>, vector<16xf32>, vector<16xf32>, vector<16xf32>, vector<16xf32>, vector<16xf32>, vector<16xf32>, vector<16xf32>)  : i32 {
                %ne3A_372 = arith.cmpi ne, %while3A_363, %while3A_182 : i32
                %convert_element_type3A_373 = arith.extui %ne3A_372 : i1 to i32
                %cond3A_374 = arith.constant 0 : i32
                %cond3A_375 = arith.cmpi ne, %convert_element_type3A_373, %cond3A_374 : i32
                %cond3A_376:8 = scf.if %cond3A_375 -> (vector<16xf32>, vector<16xf32>, vector<16xf32>, vector<16xf32>, vector<16xf32>, vector<16xf32>, vector<16xf32>, vector<16xf32>) {
                  %add3A_377 = arith.addi %select_n3A, %while3A_363 : i32
                  %get3A_378 = arith.index_cast %add3A_377 : i32 to index
                  %get3A_379 = arith.constant 512 : index
                  %get3A_380 = tpu.vector_load %arg14[%get3A_378, %get3A_379] {strides = array<i32>} : memref<64x768xf32, #tpu.memory_space<vmem>>, vector<16xf32>,
                  %add3A_381 = arith.addf %add3A_235, %get3A_380 : vector<16xf32>
                  %add3A_382 = arith.addi %select_n3A, %while3A_363 : i32
                  %get3A_383 = arith.index_cast %add3A_382 : i32 to index
                  %get3A_384 = arith.constant 528 : index
                  %get3A_385 = tpu.vector_load %arg14[%get3A_383, %get3A_384] {strides = array<i32>} : memref<64x768xf32, #tpu.memory_space<vmem>>, vector<16xf32>,
                  %add3A_386 = arith.addf %add3A_247, %get3A_385 : vector<16xf32>
                  %add3A_387 = arith.addi %select_n3A, %while3A_363 : i32
                  %get3A_388 = arith.index_cast %add3A_387 : i32 to index
                  %get3A_389 = arith.constant 544 : index
                  %get3A_390 = tpu.vector_load %arg14[%get3A_388, %get3A_389] {strides = array<i32>} : memref<64x768xf32, #tpu.memory_space<vmem>>, vector<16xf32>,
                  %add3A_391 = arith.addf %add3A_259, %get3A_390 : vector<16xf32>
                  %add3A_392 = arith.addi %select_n3A, %while3A_363 : i32
                  %get3A_393 = arith.index_cast %add3A_392 : i32 to index
                  %get3A_394 = arith.constant 560 : index
                  %get3A_395 = tpu.vector_load %arg14[%get3A_393, %get3A_394] {strides = array<i32>} : memref<64x768xf32, #tpu.memory_space<vmem>>, vector<16xf32>,
                  %add3A_396 = arith.addf %add3A_271, %get3A_395 : vector<16xf32>
                  %add3A_397 = arith.addi %select_n3A, %while3A_363 : i32
                  %get3A_398 = arith.index_cast %add3A_397 : i32 to index
                  %get3A_399 = arith.constant 576 : index
                  %get3A_400 = tpu.vector_load %arg14[%get3A_398, %get3A_399] {strides = array<i32>} : memref<64x768xf32, #tpu.memory_space<vmem>>, vector<16xf32>,
                  %add3A_401 = arith.addf %add3A_283, %get3A_400 : vector<16xf32>
                  %add3A_402 = arith.addi %select_n3A, %while3A_363 : i32
                  %get3A_403 = arith.index_cast %add3A_402 : i32 to index
                  %get3A_404 = arith.constant 592 : index
                  %get3A_405 = tpu.vector_load %arg14[%get3A_403, %get3A_404] {strides = array<i32>} : memref<64x768xf32, #tpu.memory_space<vmem>>, vector<16xf32>,
                  %add3A_406 = arith.addf %add3A_295, %get3A_405 : vector<16xf32>
                  %add3A_407 = arith.addi %select_n3A, %while3A_363 : i32
                  %get3A_408 = arith.index_cast %add3A_407 : i32 to index
                  %get3A_409 = arith.constant 608 : index
                  %get3A_410 = tpu.vector_load %arg14[%get3A_408, %get3A_409] {strides = array<i32>} : memref<64x768xf32, #tpu.memory_space<vmem>>, vector<16xf32>,
                  %add3A_411 = arith.addf %add3A_307, %get3A_410 : vector<16xf32>
                  %add3A_412 = arith.addi %select_n3A, %while3A_363 : i32
                  %get3A_413 = arith.index_cast %add3A_412 : i32 to index
                  %get3A_414 = arith.constant 624 : index
                  %get3A_415 = tpu.vector_load %arg14[%get3A_413, %get3A_414] {strides = array<i32>} : memref<64x768xf32, #tpu.memory_space<vmem>>, vector<16xf32>,
                  %add3A_416 = arith.addf %add3A_319, %get3A_415 : vector<16xf32>
                  %while3A_417 = arith.constant 0 : i32
                  %while3A_418 = arith.subi %squeeze3A_218, %while3A_417 : i32
                  %while3A_419 = arith.addi %while3A_417, %while3A_418 : i32
                  %while3A_420 = arith.constant 1 : i32
                  %while3A_421 = arith.divsi %while3A_418, %while3A_420 : i32
                  %while3A_422 = arith.muli %while3A_421, %while3A_420 : i32
                  %while3A_423 = arith.addi %while3A_417, %while3A_422 : i32
                  %while3A_424 = arith.constant 1 : i32
                  %while3A_425:8 = scf.for %while3A_428 = %while3A_417 to %while3A_423 step %while3A_424 iter_args(%while3A_429 = %while3A_364, %while3A_430 = %while3A_365, %while3A_431 = %while3A_366, %while3A_432 = %while3A_367, %while3A_433 = %while3A_368, %while3A_434 = %while3A_369, %while3A_435 = %while3A_370, %while3A_436 = %while3A_371) -> (vector<16xf32>, vector<16xf32>, vector<16xf32>, vector<16xf32>, vector<16xf32>, vector<16xf32>, vector<16xf32>, vector<16xf32>)  : i32 {
                    %get3A_437 = arith.index_cast %add3A_190 : i32 to index
                    %get3A_438 = arith.index_cast %while3A_428 : i32 to index
                    %get3A_439 = tpu.vector_load %arg15[%get3A_437, %get3A_438] {strides = array<i32>} : memref<64x128xi32, #tpu.memory_space<vmem>>, vector<16xi32>,
                    %slice3A_440 = vector.extract_strided_slice %get3A_439 {offsets = [0], sizes = [1], strides = [1]} : vector<16xi32> to vector<1xi32>
                    %squeeze3A_441 = vector.extract %slice3A_440[0] : i32 from vector<1xi32>
                    %ne3A_442 = arith.cmpi ne, %squeeze3A_441, %add3A_121 : i32
                    %lt3A_443 = arith.constant 8 : i32
                    %lt3A_444 = arith.cmpi slt, %while3A_428, %lt3A_443 : i32
                    %mul3A_445 = arith.constant 8 : i32
                    %mul3A_446 = arith.muli %select_n3A_209, %mul3A_445 : i32
                    %add3A_447 = arith.addi %mul3A_446, %while3A_428 : i32
                    %add3A_448 = arith.constant 24 : i32
                    %add3A_449 = arith.addi %add3A_448, %while3A_428 : i32
                    %select_n3A_450 = arith.select %lt3A_444, %add3A_447, %add3A_449 : i32
                    %get3A_451 = arith.index_cast %select_n3A_450 : i32 to index
                    %get3A_452 = arith.constant 0 : index
                    %get3A_453 = tpu.vector_load %arg16[%get3A_451, %get3A_452] {strides = array<i32>} : memref<56x128xf32, #tpu.memory_space<vmem>>, vector<16xf32>,
                    %add3A_454 = arith.addf %add3A_381, %get3A_453 : vector<16xf32>
                    %max3A = arith.constant 0.000000e+00 : f32
                    %max3A_455 = vector.broadcast %max3A : f32 to vector<16xf32>
                    %max3A_456 = arith.maximumf %add3A_454, %max3A_455 : vector<16xf32>
                    %add3A_457 = arith.addf %while3A_429, %max3A_456 : vector<16xf32>
                    %select_n3A_458 = arith.select %ne3A_442, %add3A_457, %while3A_429 : vector<16xf32>
                    %get3A_459 = arith.index_cast %select_n3A_450 : i32 to index
                    %get3A_460 = arith.constant 16 : index
                    %get3A_461 = tpu.vector_load %arg16[%get3A_459, %get3A_460] {strides = array<i32>} : memref<56x128xf32, #tpu.memory_space<vmem>>, vector<16xf32>,
                    %add3A_462 = arith.addf %add3A_386, %get3A_461 : vector<16xf32>
                    %max3A_463 = arith.constant 0.000000e+00 : f32
                    %max3A_464 = vector.broadcast %max3A_463 : f32 to vector<16xf32>
                    %max3A_465 = arith.maximumf %add3A_462, %max3A_464 : vector<16xf32>
                    %add3A_466 = arith.addf %while3A_430, %max3A_465 : vector<16xf32>
                    %select_n3A_467 = arith.select %ne3A_442, %add3A_466, %while3A_430 : vector<16xf32>
                    %get3A_468 = arith.index_cast %select_n3A_450 : i32 to index
                    %get3A_469 = arith.constant 32 : index
                    %get3A_470 = tpu.vector_load %arg16[%get3A_468, %get3A_469] {strides = array<i32>} : memref<56x128xf32, #tpu.memory_space<vmem>>, vector<16xf32>,
                    %add3A_471 = arith.addf %add3A_391, %get3A_470 : vector<16xf32>
                    %max3A_472 = arith.constant 0.000000e+00 : f32
                    %max3A_473 = vector.broadcast %max3A_472 : f32 to vector<16xf32>
                    %max3A_474 = arith.maximumf %add3A_471, %max3A_473 : vector<16xf32>
                    %add3A_475 = arith.addf %while3A_431, %max3A_474 : vector<16xf32>
                    %select_n3A_476 = arith.select %ne3A_442, %add3A_475, %while3A_431 : vector<16xf32>
                    %get3A_477 = arith.index_cast %select_n3A_450 : i32 to index
                    %get3A_478 = arith.constant 48 : index
                    %get3A_479 = tpu.vector_load %arg16[%get3A_477, %get3A_478] {strides = array<i32>} : memref<56x128xf32, #tpu.memory_space<vmem>>, vector<16xf32>,
                    %add3A_480 = arith.addf %add3A_396, %get3A_479 : vector<16xf32>
                    %max3A_481 = arith.constant 0.000000e+00 : f32
                    %max3A_482 = vector.broadcast %max3A_481 : f32 to vector<16xf32>
                    %max3A_483 = arith.maximumf %add3A_480, %max3A_482 : vector<16xf32>
                    %add3A_484 = arith.addf %while3A_432, %max3A_483 : vector<16xf32>
                    %select_n3A_485 = arith.select %ne3A_442, %add3A_484, %while3A_432 : vector<16xf32>
                    %get3A_486 = arith.index_cast %select_n3A_450 : i32 to index
                    %get3A_487 = arith.constant 64 : index
                    %get3A_488 = tpu.vector_load %arg16[%get3A_486, %get3A_487] {strides = array<i32>} : memref<56x128xf32, #tpu.memory_space<vmem>>, vector<16xf32>,
                    %add3A_489 = arith.addf %add3A_401, %get3A_488 : vector<16xf32>
                    %max3A_490 = arith.constant 0.000000e+00 : f32
                    %max3A_491 = vector.broadcast %max3A_490 : f32 to vector<16xf32>
                    %max3A_492 = arith.maximumf %add3A_489, %max3A_491 : vector<16xf32>
                    %add3A_493 = arith.addf %while3A_433, %max3A_492 : vector<16xf32>
                    %select_n3A_494 = arith.select %ne3A_442, %add3A_493, %while3A_433 : vector<16xf32>
                    %get3A_495 = arith.index_cast %select_n3A_450 : i32 to index
                    %get3A_496 = arith.constant 80 : index
                    %get3A_497 = tpu.vector_load %arg16[%get3A_495, %get3A_496] {strides = array<i32>} : memref<56x128xf32, #tpu.memory_space<vmem>>, vector<16xf32>,
                    %add3A_498 = arith.addf %add3A_406, %get3A_497 : vector<16xf32>
                    %max3A_499 = arith.constant 0.000000e+00 : f32
                    %max3A_500 = vector.broadcast %max3A_499 : f32 to vector<16xf32>
                    %max3A_501 = arith.maximumf %add3A_498, %max3A_500 : vector<16xf32>
                    %add3A_502 = arith.addf %while3A_434, %max3A_501 : vector<16xf32>
                    %select_n3A_503 = arith.select %ne3A_442, %add3A_502, %while3A_434 : vector<16xf32>
                    %get3A_504 = arith.index_cast %select_n3A_450 : i32 to index
                    %get3A_505 = arith.constant 96 : index
                    %get3A_506 = tpu.vector_load %arg16[%get3A_504, %get3A_505] {strides = array<i32>} : memref<56x128xf32, #tpu.memory_space<vmem>>, vector<16xf32>,
                    %add3A_507 = arith.addf %add3A_411, %get3A_506 : vector<16xf32>
                    %max3A_508 = arith.constant 0.000000e+00 : f32
                    %max3A_509 = vector.broadcast %max3A_508 : f32 to vector<16xf32>
                    %max3A_510 = arith.maximumf %add3A_507, %max3A_509 : vector<16xf32>
                    %add3A_511 = arith.addf %while3A_435, %max3A_510 : vector<16xf32>
                    %select_n3A_512 = arith.select %ne3A_442, %add3A_511, %while3A_435 : vector<16xf32>
                    %get3A_513 = arith.index_cast %select_n3A_450 : i32 to index
                    %get3A_514 = arith.constant 112 : index
                    %get3A_515 = tpu.vector_load %arg16[%get3A_513, %get3A_514] {strides = array<i32>} : memref<56x128xf32, #tpu.memory_space<vmem>>, vector<16xf32>,
                    %add3A_516 = arith.addf %add3A_416, %get3A_515 : vector<16xf32>
                    %max3A_517 = arith.constant 0.000000e+00 : f32
                    %max3A_518 = vector.broadcast %max3A_517 : f32 to vector<16xf32>
                    %max3A_519 = arith.maximumf %add3A_516, %max3A_518 : vector<16xf32>
                    %add3A_520 = arith.addf %while3A_436, %max3A_519 : vector<16xf32>
                    %select_n3A_521 = arith.select %ne3A_442, %add3A_520, %while3A_436 : vector<16xf32>
                    scf.yield %select_n3A_458, %select_n3A_467, %select_n3A_476, %select_n3A_485, %select_n3A_494, %select_n3A_503, %select_n3A_512, %select_n3A_521 : vector<16xf32>, vector<16xf32>, vector<16xf32>, vector<16xf32>, vector<16xf32>, vector<16xf32>, vector<16xf32>, vector<16xf32>
                  }
                  %while3A_426 = arith.constant 1 : i32
                  %while3A_427:8 = scf.for %while3A_428 = %while3A_423 to %while3A_419 step %while3A_426 iter_args(%while3A_429 = %while3A_425#0, %while3A_430 = %while3A_425#1, %while3A_431 = %while3A_425#2, %while3A_432 = %while3A_425#3, %while3A_433 = %while3A_425#4, %while3A_434 = %while3A_425#5, %while3A_435 = %while3A_425#6, %while3A_436 = %while3A_425#7) -> (vector<16xf32>, vector<16xf32>, vector<16xf32>, vector<16xf32>, vector<16xf32>, vector<16xf32>, vector<16xf32>, vector<16xf32>)  : i32 {
                    %get3A_437 = arith.index_cast %add3A_190 : i32 to index
                    %get3A_438 = arith.index_cast %while3A_428 : i32 to index
                    %get3A_439 = tpu.vector_load %arg15[%get3A_437, %get3A_438] {strides = array<i32>} : memref<64x128xi32, #tpu.memory_space<vmem>>, vector<16xi32>,
                    %slice3A_440 = vector.extract_strided_slice %get3A_439 {offsets = [0], sizes = [1], strides = [1]} : vector<16xi32> to vector<1xi32>
                    %squeeze3A_441 = vector.extract %slice3A_440[0] : i32 from vector<1xi32>
                    %ne3A_442 = arith.cmpi ne, %squeeze3A_441, %add3A_121 : i32
                    %lt3A_443 = arith.constant 8 : i32
                    %lt3A_444 = arith.cmpi slt, %while3A_428, %lt3A_443 : i32
                    %mul3A_445 = arith.constant 8 : i32
                    %mul3A_446 = arith.muli %select_n3A_209, %mul3A_445 : i32
                    %add3A_447 = arith.addi %mul3A_446, %while3A_428 : i32
                    %add3A_448 = arith.constant 24 : i32
                    %add3A_449 = arith.addi %add3A_448, %while3A_428 : i32
                    %select_n3A_450 = arith.select %lt3A_444, %add3A_447, %add3A_449 : i32
                    %get3A_451 = arith.index_cast %select_n3A_450 : i32 to index
                    %get3A_452 = arith.constant 0 : index
                    %get3A_453 = tpu.vector_load %arg16[%get3A_451, %get3A_452] {strides = array<i32>} : memref<56x128xf32, #tpu.memory_space<vmem>>, vector<16xf32>,
                    %add3A_454 = arith.addf %add3A_381, %get3A_453 : vector<16xf32>
                    %max3A = arith.constant 0.000000e+00 : f32
                    %max3A_455 = vector.broadcast %max3A : f32 to vector<16xf32>
                    %max3A_456 = arith.maximumf %add3A_454, %max3A_455 : vector<16xf32>
                    %add3A_457 = arith.addf %while3A_429, %max3A_456 : vector<16xf32>
                    %select_n3A_458 = arith.select %ne3A_442, %add3A_457, %while3A_429 : vector<16xf32>
                    %get3A_459 = arith.index_cast %select_n3A_450 : i32 to index
                    %get3A_460 = arith.constant 16 : index
                    %get3A_461 = tpu.vector_load %arg16[%get3A_459, %get3A_460] {strides = array<i32>} : memref<56x128xf32, #tpu.memory_space<vmem>>, vector<16xf32>,
                    %add3A_462 = arith.addf %add3A_386, %get3A_461 : vector<16xf32>
                    %max3A_463 = arith.constant 0.000000e+00 : f32
                    %max3A_464 = vector.broadcast %max3A_463 : f32 to vector<16xf32>
                    %max3A_465 = arith.maximumf %add3A_462, %max3A_464 : vector<16xf32>
                    %add3A_466 = arith.addf %while3A_430, %max3A_465 : vector<16xf32>
                    %select_n3A_467 = arith.select %ne3A_442, %add3A_466, %while3A_430 : vector<16xf32>
                    %get3A_468 = arith.index_cast %select_n3A_450 : i32 to index
                    %get3A_469 = arith.constant 32 : index
                    %get3A_470 = tpu.vector_load %arg16[%get3A_468, %get3A_469] {strides = array<i32>} : memref<56x128xf32, #tpu.memory_space<vmem>>, vector<16xf32>,
                    %add3A_471 = arith.addf %add3A_391, %get3A_470 : vector<16xf32>
                    %max3A_472 = arith.constant 0.000000e+00 : f32
                    %max3A_473 = vector.broadcast %max3A_472 : f32 to vector<16xf32>
                    %max3A_474 = arith.maximumf %add3A_471, %max3A_473 : vector<16xf32>
                    %add3A_475 = arith.addf %while3A_431, %max3A_474 : vector<16xf32>
                    %select_n3A_476 = arith.select %ne3A_442, %add3A_475, %while3A_431 : vector<16xf32>
                    %get3A_477 = arith.index_cast %select_n3A_450 : i32 to index
                    %get3A_478 = arith.constant 48 : index
                    %get3A_479 = tpu.vector_load %arg16[%get3A_477, %get3A_478] {strides = array<i32>} : memref<56x128xf32, #tpu.memory_space<vmem>>, vector<16xf32>,
                    %add3A_480 = arith.addf %add3A_396, %get3A_479 : vector<16xf32>
                    %max3A_481 = arith.constant 0.000000e+00 : f32
                    %max3A_482 = vector.broadcast %max3A_481 : f32 to vector<16xf32>
                    %max3A_483 = arith.maximumf %add3A_480, %max3A_482 : vector<16xf32>
                    %add3A_484 = arith.addf %while3A_432, %max3A_483 : vector<16xf32>
                    %select_n3A_485 = arith.select %ne3A_442, %add3A_484, %while3A_432 : vector<16xf32>
                    %get3A_486 = arith.index_cast %select_n3A_450 : i32 to index
                    %get3A_487 = arith.constant 64 : index
                    %get3A_488 = tpu.vector_load %arg16[%get3A_486, %get3A_487] {strides = array<i32>} : memref<56x128xf32, #tpu.memory_space<vmem>>, vector<16xf32>,
                    %add3A_489 = arith.addf %add3A_401, %get3A_488 : vector<16xf32>
                    %max3A_490 = arith.constant 0.000000e+00 : f32
                    %max3A_491 = vector.broadcast %max3A_490 : f32 to vector<16xf32>
                    %max3A_492 = arith.maximumf %add3A_489, %max3A_491 : vector<16xf32>
                    %add3A_493 = arith.addf %while3A_433, %max3A_492 : vector<16xf32>
                    %select_n3A_494 = arith.select %ne3A_442, %add3A_493, %while3A_433 : vector<16xf32>
                    %get3A_495 = arith.index_cast %select_n3A_450 : i32 to index
                    %get3A_496 = arith.constant 80 : index
                    %get3A_497 = tpu.vector_load %arg16[%get3A_495, %get3A_496] {strides = array<i32>} : memref<56x128xf32, #tpu.memory_space<vmem>>, vector<16xf32>,
                    %add3A_498 = arith.addf %add3A_406, %get3A_497 : vector<16xf32>
                    %max3A_499 = arith.constant 0.000000e+00 : f32
                    %max3A_500 = vector.broadcast %max3A_499 : f32 to vector<16xf32>
                    %max3A_501 = arith.maximumf %add3A_498, %max3A_500 : vector<16xf32>
                    %add3A_502 = arith.addf %while3A_434, %max3A_501 : vector<16xf32>
                    %select_n3A_503 = arith.select %ne3A_442, %add3A_502, %while3A_434 : vector<16xf32>
                    %get3A_504 = arith.index_cast %select_n3A_450 : i32 to index
                    %get3A_505 = arith.constant 96 : index
                    %get3A_506 = tpu.vector_load %arg16[%get3A_504, %get3A_505] {strides = array<i32>} : memref<56x128xf32, #tpu.memory_space<vmem>>, vector<16xf32>,
                    %add3A_507 = arith.addf %add3A_411, %get3A_506 : vector<16xf32>
                    %max3A_508 = arith.constant 0.000000e+00 : f32
                    %max3A_509 = vector.broadcast %max3A_508 : f32 to vector<16xf32>
                    %max3A_510 = arith.maximumf %add3A_507, %max3A_509 : vector<16xf32>
                    %add3A_511 = arith.addf %while3A_435, %max3A_510 : vector<16xf32>
                    %select_n3A_512 = arith.select %ne3A_442, %add3A_511, %while3A_435 : vector<16xf32>
                    %get3A_513 = arith.index_cast %select_n3A_450 : i32 to index
                    %get3A_514 = arith.constant 112 : index
                    %get3A_515 = tpu.vector_load %arg16[%get3A_513, %get3A_514] {strides = array<i32>} : memref<56x128xf32, #tpu.memory_space<vmem>>, vector<16xf32>,
                    %add3A_516 = arith.addf %add3A_416, %get3A_515 : vector<16xf32>
                    %max3A_517 = arith.constant 0.000000e+00 : f32
                    %max3A_518 = vector.broadcast %max3A_517 : f32 to vector<16xf32>
                    %max3A_519 = arith.maximumf %add3A_516, %max3A_518 : vector<16xf32>
                    %add3A_520 = arith.addf %while3A_436, %max3A_519 : vector<16xf32>
                    %select_n3A_521 = arith.select %ne3A_442, %add3A_520, %while3A_436 : vector<16xf32>
                    scf.yield %select_n3A_458, %select_n3A_467, %select_n3A_476, %select_n3A_485, %select_n3A_494, %select_n3A_503, %select_n3A_512, %select_n3A_521 : vector<16xf32>, vector<16xf32>, vector<16xf32>, vector<16xf32>, vector<16xf32>, vector<16xf32>, vector<16xf32>, vector<16xf32>
                  }
                  scf.yield %while3A_427#0, %while3A_427#1, %while3A_427#2, %while3A_427#3, %while3A_427#4, %while3A_427#5, %while3A_427#6, %while3A_427#7 : vector<16xf32>, vector<16xf32>, vector<16xf32>, vector<16xf32>, vector<16xf32>, vector<16xf32>, vector<16xf32>, vector<16xf32>
                } else {
                  scf.yield %while3A_364, %while3A_365, %while3A_366, %while3A_367, %while3A_368, %while3A_369, %while3A_370, %while3A_371 : vector<16xf32>, vector<16xf32>, vector<16xf32>, vector<16xf32>, vector<16xf32>, vector<16xf32>, vector<16xf32>, vector<16xf32>
                }
                scf.yield %cond3A_376#0, %cond3A_376#1, %cond3A_376#2, %cond3A_376#3, %cond3A_376#4, %cond3A_376#5, %cond3A_376#6, %cond3A_376#7 : vector<16xf32>, vector<16xf32>, vector<16xf32>, vector<16xf32>, vector<16xf32>, vector<16xf32>, vector<16xf32>, vector<16xf32>
              }
              %swap3A_347 = arith.constant 256 : index
              %swap3A_348 = tpu.vector_load %arg18[%swap3A_347] {strides = array<i32>} : memref<384xf32, #tpu.memory_space<vmem>>, vector<16xf32>,
              tpu.vector_store %arg18[%swap3A_347], %while3A_346#0 {add = true, strides = array<i32>} : memref<384xf32, #tpu.memory_space<vmem>>, vector<16xf32>,
              %swap3A_349 = arith.constant 272 : index
              %swap3A_350 = tpu.vector_load %arg18[%swap3A_349] {strides = array<i32>} : memref<384xf32, #tpu.memory_space<vmem>>, vector<16xf32>,
              tpu.vector_store %arg18[%swap3A_349], %while3A_346#1 {add = true, strides = array<i32>} : memref<384xf32, #tpu.memory_space<vmem>>, vector<16xf32>,
              %swap3A_351 = arith.constant 288 : index
              %swap3A_352 = tpu.vector_load %arg18[%swap3A_351] {strides = array<i32>} : memref<384xf32, #tpu.memory_space<vmem>>, vector<16xf32>,
              tpu.vector_store %arg18[%swap3A_351], %while3A_346#2 {add = true, strides = array<i32>} : memref<384xf32, #tpu.memory_space<vmem>>, vector<16xf32>,
              %swap3A_353 = arith.constant 304 : index
              %swap3A_354 = tpu.vector_load %arg18[%swap3A_353] {strides = array<i32>} : memref<384xf32, #tpu.memory_space<vmem>>, vector<16xf32>,
              tpu.vector_store %arg18[%swap3A_353], %while3A_346#3 {add = true, strides = array<i32>} : memref<384xf32, #tpu.memory_space<vmem>>, vector<16xf32>,
              %swap3A_355 = arith.constant 320 : index
              %swap3A_356 = tpu.vector_load %arg18[%swap3A_355] {strides = array<i32>} : memref<384xf32, #tpu.memory_space<vmem>>, vector<16xf32>,
              tpu.vector_store %arg18[%swap3A_355], %while3A_346#4 {add = true, strides = array<i32>} : memref<384xf32, #tpu.memory_space<vmem>>, vector<16xf32>,
              %swap3A_357 = arith.constant 336 : index
              %swap3A_358 = tpu.vector_load %arg18[%swap3A_357] {strides = array<i32>} : memref<384xf32, #tpu.memory_space<vmem>>, vector<16xf32>,
              tpu.vector_store %arg18[%swap3A_357], %while3A_346#5 {add = true, strides = array<i32>} : memref<384xf32, #tpu.memory_space<vmem>>, vector<16xf32>,
              %swap3A_359 = arith.constant 352 : index
              %swap3A_360 = tpu.vector_load %arg18[%swap3A_359] {strides = array<i32>} : memref<384xf32, #tpu.memory_space<vmem>>, vector<16xf32>,
              tpu.vector_store %arg18[%swap3A_359], %while3A_346#6 {add = true, strides = array<i32>} : memref<384xf32, #tpu.memory_space<vmem>>, vector<16xf32>,
              %swap3A_361 = arith.constant 368 : index
              %swap3A_362 = tpu.vector_load %arg18[%swap3A_361] {strides = array<i32>} : memref<384xf32, #tpu.memory_space<vmem>>, vector<16xf32>,
              tpu.vector_store %arg18[%swap3A_361], %while3A_346#7 {add = true, strides = array<i32>} : memref<384xf32, #tpu.memory_space<vmem>>, vector<16xf32>,
            } else {
            }
            %jit3A_194 = arith.constant 1 : i32
            %jit3A_195 = arith.constant 0 : i32
            %select_n3A_196 = arith.select %lt3A_189, %jit3A_194, %jit3A_195 : i32
            %add3A_197 = arith.addi %while3A_183, %select_n3A_196 : i32
            scf.yield %add3A_197 : i32
          }
        } else {
        }
        %scan3A_133 = arith.constant 0 : i32
        scf.yield %scan3A_133 : i32
      }
      %scan3A_114 = arith.constant 4 : i32
      %scan3A_115 = arith.constant 0 : i32
      scf.yield %scan3A_115 : i32
    }
    %scan3A_72 = arith.constant 16 : i32
    "tpu.region"() ({
      %run_scoped3A = tpu.sem_alloc : memref<!tpu.dma_semaphore, #tpu.memory_space<semaphore_mem>>
      %dma_start3A = arith.constant 0 : i32
      %dma_start3A_76 = tpu.memref_slice %arg8[%mul3A_2, %dma_start3A] : memref<2048x128xf32, #tpu.memory_space<hbm>> -> memref<64x128xf32, #tpu.memory_space<hbm>>
      %dma_start3A_77 = arith.constant 0 : i32
      %dma_start3A_78 = tpu.memref_slice %arg8[%mul3A_2, %dma_start3A_77] : memref<2048x128xf32, #tpu.memory_space<hbm>> -> memref<64x128xf32, #tpu.memory_space<hbm>>
      tpu.enqueue_dma source(%arg17 : memref<64x128xf32, #tpu.memory_space<vmem>>) target(%dma_start3A_78 : memref<64x128xf32, #tpu.memory_space<hbm>>) target_semaphore(%run_scoped3A : memref<!tpu.dma_semaphore, #tpu.memory_space<semaphore_mem>>)
      %dma_wait3A = arith.constant 0 : i32
      %dma_wait3A_79 = tpu.memref_slice %arg8[%mul3A_2, %dma_wait3A] : memref<2048x128xf32, #tpu.memory_space<hbm>> -> memref<64x128xf32, #tpu.memory_space<hbm>>
      %dma_wait3A_80 = arith.constant 0 : i32
      %dma_wait3A_81 = tpu.memref_slice %arg8[%mul3A_2, %dma_wait3A_80] : memref<2048x128xf32, #tpu.memory_space<hbm>> -> memref<64x128xf32, #tpu.memory_space<hbm>>
      tpu.wait_dma2 semaphore(%run_scoped3A : memref<!tpu.dma_semaphore, #tpu.memory_space<semaphore_mem>>) src(%arg17 : memref<64x128xf32, #tpu.memory_space<vmem>>) dst(%dma_wait3A_81 : memref<64x128xf32, #tpu.memory_space<hbm>>)
      tpu.yield
    }) : () -> ()
    %mul3A_73 = arith.constant 2 : i32
    %mul3A_74 = arith.muli %arg1, %mul3A_73 : i32
    %add3A_75 = arith.addi %mul3A_74, %arg0 : i32
    "tpu.region"() ({
      %run_scoped3A = tpu.sem_alloc : memref<!tpu.dma_semaphore, #tpu.memory_space<semaphore_mem>>
      %dma_start3A = arith.constant 0 : i32
      %dma_start3A_76 = tpu.memref_slice %arg9[%add3A_75, %dma_start3A] : memref<32x384xf32, #tpu.memory_space<hbm>> -> memref<1x384xf32, #tpu.memory_space<hbm>>
      %dma_start3A_77 = tpu.memref_squeeze %dma_start3A_76 : memref<1x384xf32, #tpu.memory_space<hbm>> -> memref<384xf32, #tpu.memory_space<hbm>>
      %dma_start3A_78 = arith.constant 0 : i32
      %dma_start3A_79 = tpu.memref_slice %arg9[%add3A_75, %dma_start3A_78] : memref<32x384xf32, #tpu.memory_space<hbm>> -> memref<1x384xf32, #tpu.memory_space<hbm>>
      %dma_start3A_80 = tpu.memref_squeeze %dma_start3A_79 : memref<1x384xf32, #tpu.memory_space<hbm>> -> memref<384xf32, #tpu.memory_space<hbm>>
      tpu.enqueue_dma source(%arg18 : memref<384xf32, #tpu.memory_space<vmem>>) target(%dma_start3A_80 : memref<384xf32, #tpu.memory_space<hbm>>) target_semaphore(%run_scoped3A : memref<!tpu.dma_semaphore, #tpu.memory_space<semaphore_mem>>)
      %dma_wait3A = arith.constant 0 : i32
      %dma_wait3A_81 = tpu.memref_slice %arg9[%add3A_75, %dma_wait3A] : memref<32x384xf32, #tpu.memory_space<hbm>> -> memref<1x384xf32, #tpu.memory_space<hbm>>
      %dma_wait3A_82 = tpu.memref_squeeze %dma_wait3A_81 : memref<1x384xf32, #tpu.memory_space<hbm>> -> memref<384xf32, #tpu.memory_space<hbm>>
      %dma_wait3A_83 = arith.constant 0 : i32
      %dma_wait3A_84 = tpu.memref_slice %arg9[%add3A_75, %dma_wait3A_83] : memref<32x384xf32, #tpu.memory_space<hbm>> -> memref<1x384xf32, #tpu.memory_space<hbm>>
      %dma_wait3A_85 = tpu.memref_squeeze %dma_wait3A_84 : memref<1x384xf32, #tpu.memory_space<hbm>> -> memref<384xf32, #tpu.memory_space<hbm>>
      tpu.wait_dma2 semaphore(%run_scoped3A : memref<!tpu.dma_semaphore, #tpu.memory_space<semaphore_mem>>) src(%arg18 : memref<384xf32, #tpu.memory_space<vmem>>) dst(%dma_wait3A_85 : memref<384xf32, #tpu.memory_space<hbm>>)
      tpu.yield
    }) : () -> ()
    return
  }
}

module attributes {stable_mosaic.version = 14 : i64} {
  func.func @_tc_adjf_body(%arg0: i32, %arg1: i32, %arg2: memref<128x128xf32, #tpu.memory_space<vmem>>, %arg3: memref<128x128xf32, #tpu.memory_space<vmem>>, %arg4: memref<128x128xf32, #tpu.memory_space<vmem>>) attributes {dimension_semantics = [#tpu.dimension_semantics<arbitrary>, #tpu.dimension_semantics<arbitrary>], iteration_bounds = array<i64: 16, 16>, scalar_prefetch = 0 : i64, scratch_operands = 0 : i64, tpu.core_type = #tpu.core_type<tc>, window_params = [{transform_indices = @transform_0, window_bounds = array<i64: 128, 128>}, {transform_indices = @transform_1, window_bounds = array<i64: 128, 128>}, {transform_indices = @transform_2, window_bounds = array<i64: 128, 128>}]} {
    %get3A = arith.constant 0 : index
    %get3A_0 = arith.constant 0 : index
    %get3A_1 = vector.load %arg2[%get3A, %get3A_0] : memref<128x128xf32, #tpu.memory_space<vmem>>, vector<128x128xf32>
    %get3A_2 = arith.constant 0 : index
    %get3A_3 = arith.constant 0 : index
    %get3A_4 = vector.load %arg3[%get3A_2, %get3A_3] : memref<128x128xf32, #tpu.memory_space<vmem>>, vector<128x128xf32>
    %transpose3A = tpu.transpose %get3A_4, [1, 0] : vector<128x128xf32> -> vector<128x128xf32>
    %add3A = arith.addf %get3A_1, %transpose3A : vector<128x128xf32>
    %swap3A = arith.constant 0 : index
    %swap3A_5 = arith.constant 0 : index
    %swap3A_6 = vector.load %arg4[%swap3A, %swap3A_5] : memref<128x128xf32, #tpu.memory_space<vmem>>, vector<128x128xf32>
    tpu.vector_store %arg4[%swap3A, %swap3A_5], %add3A {strides = array<i32>} : memref<128x128xf32, #tpu.memory_space<vmem>>, vector<128x128xf32>,
    return
  }
  func.func @transform_0(%arg0: i32, %arg1: i32) -> (i32, i32) {
    %c0_i32 = arith.constant 0 : i32
    return %arg0, %arg1 : i32, i32
  }
  func.func @transform_1(%arg0: i32, %arg1: i32) -> (i32, i32) {
    %c0_i32 = arith.constant 0 : i32
    return %arg1, %arg0 : i32, i32
  }
  func.func @transform_2(%arg0: i32, %arg1: i32) -> (i32, i32) {
    %c0_i32 = arith.constant 0 : i32
    return %arg0, %arg1 : i32, i32
  }
}

module attributes {stable_mosaic.version = 14 : i64} {
  func.func @_tc_proj_body(%arg0: memref<2048x1xi32, #tpu.memory_space<vmem>>, %arg1: memref<32x128xf32, #tpu.memory_space<vmem>>, %arg2: memref<128x1152xf32, #tpu.memory_space<vmem>>, %arg3: memref<2048x128xf32, #tpu.memory_space<vmem>>, %arg4: memref<2048x768xf32, #tpu.memory_space<vmem>>, %arg5: memref<2048x512xf32, #tpu.memory_space<vmem>>, %arg6: memref<2048x128xf32, #tpu.memory_space<vmem>>) attributes {dimension_semantics = [], scalar_prefetch = 0 : i64, scratch_operands = 0 : i64, tpu.core_type = #tpu.core_type<tc>} {
    %get3A = arith.constant 0 : index
    %get3A_0 = arith.constant 0 : index
    %get3A_1 = vector.load %arg0[%get3A, %get3A_0] : memref<2048x1xi32, #tpu.memory_space<vmem>>, vector<2048x1xi32>
    %iota3A = tpu.iota {dimensions = array<i32: 1>} : vector<2048x32xi32>
    %eq3A = vector.broadcast %get3A_1 : vector<2048x1xi32> to vector<2048x32xi32>
    %eq3A_2 = arith.cmpi eq, %eq3A, %iota3A : vector<2048x32xi32>
    %convert_element_type3A = arith.extui %eq3A_2 : vector<2048x32xi1> to vector<2048x32xi32>
    %convert_element_type3A_3 = arith.sitofp %convert_element_type3A : vector<2048x32xi32> to vector<2048x32xf32>
    %get3A_4 = arith.constant 0 : index
    %get3A_5 = arith.constant 0 : index
    %get3A_6 = vector.load %arg1[%get3A_4, %get3A_5] : memref<32x128xf32, #tpu.memory_space<vmem>>, vector<32x128xf32>
    %dot_general3A = arith.constant dense<0.000000e+00> : vector<2048x128xf32>
    %dot_general3A_7 = tpu.matmul %convert_element_type3A_3, %get3A_6, %dot_general3A {dimension_numbers = #tpu.dot_dimension_numbers<[1], [0], [0], [1], [0, 0, 1, 1], [], []>, transpose_lhs_hint = false} : vector<2048x32xf32>, vector<32x128xf32>, vector<2048x128xf32> -> vector<2048x128xf32>
    %swap3A = arith.constant 0 : index
    %swap3A_8 = arith.constant 0 : index
    %swap3A_9 = vector.load %arg3[%swap3A, %swap3A_8] : memref<2048x128xf32, #tpu.memory_space<vmem>>, vector<2048x128xf32>
    tpu.vector_store %arg3[%swap3A, %swap3A_8], %dot_general3A_7 {strides = array<i32>} : memref<2048x128xf32, #tpu.memory_space<vmem>>, vector<2048x128xf32>,
    %get3A_10 = arith.constant 0 : index
    %get3A_11 = arith.constant 0 : index
    %get3A_12 = vector.load %arg2[%get3A_10, %get3A_11] : memref<128x1152xf32, #tpu.memory_space<vmem>>, vector<128x1152xf32>
    %dot_general3A_13 = arith.constant dense<0.000000e+00> : vector<2048x1152xf32>
    %dot_general3A_14 = tpu.matmul %dot_general3A_7, %get3A_12, %dot_general3A_13 {dimension_numbers = #tpu.dot_dimension_numbers<[1], [0], [0], [1], [0, 0, 1, 1], [], []>, transpose_lhs_hint = false} : vector<2048x128xf32>, vector<128x1152xf32>, vector<2048x1152xf32> -> vector<2048x1152xf32>
    %slice3A = vector.extract_strided_slice %dot_general3A_14 {offsets = [0, 0], sizes = [2048, 384], strides = [1, 1]} : vector<2048x1152xf32> to vector<2048x384xf32>
    %slice3A_15 = vector.extract_strided_slice %dot_general3A_14 {offsets = [0, 512], sizes = [2048, 128], strides = [1, 1]} : vector<2048x1152xf32> to vector<2048x128xf32>
    %slice3A_16 = vector.extract_strided_slice %dot_general3A_14 {offsets = [0, 640], sizes = [2048, 128], strides = [1, 1]} : vector<2048x1152xf32> to vector<2048x128xf32>
    %slice3A_17 = vector.extract_strided_slice %dot_general3A_14 {offsets = [0, 896], sizes = [2048, 128], strides = [1, 1]} : vector<2048x1152xf32> to vector<2048x128xf32>
    %concatenate3A = tpu.concatenate %slice3A, %slice3A_15, %slice3A_16, %slice3A_17 in 1 : vector<2048x384xf32>, vector<2048x128xf32>, vector<2048x128xf32>, vector<2048x128xf32> -> vector<2048x768xf32>
    %swap3A_18 = arith.constant 0 : index
    %swap3A_19 = arith.constant 0 : index
    %swap3A_20 = vector.load %arg4[%swap3A_18, %swap3A_19] : memref<2048x768xf32, #tpu.memory_space<vmem>>, vector<2048x768xf32>
    tpu.vector_store %arg4[%swap3A_18, %swap3A_19], %concatenate3A {strides = array<i32>} : memref<2048x768xf32, #tpu.memory_space<vmem>>, vector<2048x768xf32>,
    %slice3A_21 = vector.extract_strided_slice %dot_general3A_14 {offsets = [0, 0], sizes = [2048, 256], strides = [1, 1]} : vector<2048x1152xf32> to vector<2048x256xf32>
    %slice3A_22 = vector.extract_strided_slice %dot_general3A_14 {offsets = [0, 384], sizes = [2048, 128], strides = [1, 1]} : vector<2048x1152xf32> to vector<2048x128xf32>
    %slice3A_23 = vector.extract_strided_slice %dot_general3A_14 {offsets = [0, 768], sizes = [2048, 128], strides = [1, 1]} : vector<2048x1152xf32> to vector<2048x128xf32>
    %concatenate3A_24 = tpu.concatenate %slice3A_21, %slice3A_22, %slice3A_23 in 1 : vector<2048x256xf32>, vector<2048x128xf32>, vector<2048x128xf32> -> vector<2048x512xf32>
    %swap3A_25 = arith.constant 0 : index
    %swap3A_26 = arith.constant 0 : index
    %swap3A_27 = vector.load %arg5[%swap3A_25, %swap3A_26] : memref<2048x512xf32, #tpu.memory_space<vmem>>, vector<2048x512xf32>
    tpu.vector_store %arg5[%swap3A_25, %swap3A_26], %concatenate3A_24 {strides = array<i32>} : memref<2048x512xf32, #tpu.memory_space<vmem>>, vector<2048x512xf32>,
    %slice3A_28 = vector.extract_strided_slice %dot_general3A_14 {offsets = [0, 1024], sizes = [2048, 128], strides = [1, 1]} : vector<2048x1152xf32> to vector<2048x128xf32>
    %swap3A_29 = arith.constant 0 : index
    %swap3A_30 = arith.constant 0 : index
    %swap3A_31 = vector.load %arg6[%swap3A_29, %swap3A_30] : memref<2048x128xf32, #tpu.memory_space<vmem>>, vector<2048x128xf32>
    tpu.vector_store %arg6[%swap3A_29, %swap3A_30], %slice3A_28 {strides = array<i32>} : memref<2048x128xf32, #tpu.memory_space<vmem>>, vector<2048x128xf32>,
    return
  }
}

module attributes {stable_mosaic.version = 14 : i64} {
  func.func @_tc_final_body(%arg0: memref<2048x128xf32, #tpu.memory_space<vmem>>, %arg1: memref<2048x128xf32, #tpu.memory_space<vmem>>, %arg2: memref<32x384xf32, #tpu.memory_space<vmem>>, %arg3: memref<256x128xf32, #tpu.memory_space<vmem>>, %arg4: memref<1x128xf32, #tpu.memory_space<vmem>>, %arg5: memref<512x128xf32, #tpu.memory_space<vmem>>, %arg6: memref<1x128xf32, #tpu.memory_space<vmem>>, %arg7: memref<2048x128xf32, #tpu.memory_space<vmem>>) attributes {dimension_semantics = [], scalar_prefetch = 0 : i64, scratch_operands = 0 : i64, tpu.core_type = #tpu.core_type<tc>} {
    %get3A = arith.constant 0 : index
    %get3A_0 = arith.constant 0 : index
    %get3A_1 = vector.load %arg0[%get3A, %get3A_0] : memref<2048x128xf32, #tpu.memory_space<vmem>>, vector<2048x128xf32>
    %get3A_2 = arith.constant 0 : index
    %get3A_3 = arith.constant 0 : index
    %get3A_4 = vector.load %arg3[%get3A_2, %get3A_3] : memref<256x128xf32, #tpu.memory_space<vmem>>, vector<128x128xf32>
    %dot_general3A = arith.constant dense<0.000000e+00> : vector<2048x128xf32>
    %dot_general3A_5 = tpu.matmul %get3A_1, %get3A_4, %dot_general3A {dimension_numbers = #tpu.dot_dimension_numbers<[1], [0], [0], [1], [0, 0, 1, 1], [], []>, transpose_lhs_hint = false} : vector<2048x128xf32>, vector<128x128xf32>, vector<2048x128xf32> -> vector<2048x128xf32>
    %get3A_6 = arith.constant 0 : index
    %get3A_7 = arith.constant 0 : index
    %get3A_8 = vector.load %arg1[%get3A_6, %get3A_7] : memref<2048x128xf32, #tpu.memory_space<vmem>>, vector<2048x128xf32>
    %get3A_9 = arith.constant 128 : index
    %get3A_10 = arith.constant 0 : index
    %get3A_11 = vector.load %arg3[%get3A_9, %get3A_10] : memref<256x128xf32, #tpu.memory_space<vmem>>, vector<128x128xf32>
    %dot_general3A_12 = arith.constant dense<0.000000e+00> : vector<2048x128xf32>
    %dot_general3A_13 = tpu.matmul %get3A_8, %get3A_11, %dot_general3A_12 {dimension_numbers = #tpu.dot_dimension_numbers<[1], [0], [0], [1], [0, 0, 1, 1], [], []>, transpose_lhs_hint = false} : vector<2048x128xf32>, vector<128x128xf32>, vector<2048x128xf32> -> vector<2048x128xf32>
    %add3A = arith.addf %dot_general3A_5, %dot_general3A_13 : vector<2048x128xf32>
    %get3A_14 = arith.constant 0 : index
    %get3A_15 = arith.constant 0 : index
    %get3A_16 = vector.load %arg4[%get3A_14, %get3A_15] : memref<1x128xf32, #tpu.memory_space<vmem>>, vector<1x128xf32>
    %add3A_17 = vector.broadcast %get3A_16 : vector<1x128xf32> to vector<2048x128xf32>
    %add3A_18 = arith.addf %add3A, %add3A_17 : vector<2048x128xf32>
    %max3A = arith.constant 0.000000e+00 : f32
    %max3A_19 = vector.broadcast %max3A : f32 to vector<2048x128xf32>
    %max3A_20 = arith.maximumf %add3A_18, %max3A_19 : vector<2048x128xf32>
    %get3A_21 = arith.constant 0 : index
    %get3A_22 = arith.constant 0 : index
    %get3A_23 = vector.load %arg2[%get3A_21, %get3A_22] : memref<32x384xf32, #tpu.memory_space<vmem>>, vector<32x384xf32>
    %reduce_sum3A = arith.constant dense<0.000000e+00> : vector<384xf32>
    %reduce_sum3A_24 = vector.multi_reduction <add>, %get3A_23, %reduce_sum3A [0] : vector<32x384xf32> to vector<384xf32>
    %broadcast_in_dim3A = vector.shape_cast %reduce_sum3A_24 : vector<384xf32> to vector<1x384xf32>
    %reduce_sum3A_25 = arith.constant dense<0.000000e+00> : vector<128xf32>
    %reduce_sum3A_26 = vector.multi_reduction <add>, %max3A_20, %reduce_sum3A_25 [0] : vector<2048x128xf32> to vector<128xf32>
    %broadcast_in_dim3A_27 = vector.shape_cast %reduce_sum3A_26 : vector<128xf32> to vector<1x128xf32>
    %concatenate3A = tpu.concatenate %broadcast_in_dim3A, %broadcast_in_dim3A_27 in 1 : vector<1x384xf32>, vector<1x128xf32> -> vector<1x512xf32>
    %get3A_28 = arith.constant 0 : index
    %get3A_29 = arith.constant 0 : index
    %get3A_30 = vector.load %arg5[%get3A_28, %get3A_29] : memref<512x128xf32, #tpu.memory_space<vmem>>, vector<512x128xf32>
    %dot_general3A_31 = arith.constant dense<0.000000e+00> : vector<1x128xf32>
    %dot_general3A_32 = tpu.matmul %concatenate3A, %get3A_30, %dot_general3A_31 {dimension_numbers = #tpu.dot_dimension_numbers<[1], [0], [0], [1], [0, 0, 1, 1], [], []>, transpose_lhs_hint = false} : vector<1x512xf32>, vector<512x128xf32>, vector<1x128xf32> -> vector<1x128xf32>
    %get3A_33 = arith.constant 0 : index
    %get3A_34 = arith.constant 0 : index
    %get3A_35 = vector.load %arg6[%get3A_33, %get3A_34] : memref<1x128xf32, #tpu.memory_space<vmem>>, vector<1x128xf32>
    %add3A_36 = arith.addf %dot_general3A_32, %get3A_35 : vector<1x128xf32>
    %max3A_37 = arith.constant 0.000000e+00 : f32
    %max3A_38 = vector.broadcast %max3A_37 : f32 to vector<1x128xf32>
    %max3A_39 = arith.maximumf %add3A_36, %max3A_38 : vector<1x128xf32>
    %add3A_40 = vector.broadcast %max3A_39 : vector<1x128xf32> to vector<2048x128xf32>
    %add3A_41 = arith.addf %max3A_20, %add3A_40 : vector<2048x128xf32>
    %swap3A = arith.constant 0 : index
    %swap3A_42 = arith.constant 0 : index
    %swap3A_43 = vector.load %arg7[%swap3A, %swap3A_42] : memref<2048x128xf32, #tpu.memory_space<vmem>>, vector<2048x128xf32>
    tpu.vector_store %arg7[%swap3A, %swap3A_42], %add3A_41 {strides = array<i32>} : memref<2048x128xf32, #tpu.memory_space<vmem>>, vector<2048x128xf32>,
    return
  }
}

</mosaic_0001>

<sc_bundles>
// kernel: kernel.10.cloned.1.call-start
scs
__scs_entry_jumppad:
0x0: {  	(pc) =	sbr.rel $0x88, $3  }
0x1: {  	(tag) =	ssettag $0x0;
	lr =	simm.s32 $0x1  }
0x2: {  	[smem:$0x3F94] =	sst lr;
	_ =	strace $0xD0000000  }
0x3: {  	_ = 	snop  }
0x4: {  	_ = 	snop  }
0x5: {  	_ = 	snop  }
0x6: {  	_ = 	snop  }
0x7: {  	_ = 	snop  }
__scs_overlays_trampoline_lowered:
0x8: {  	[smem:$0x3FA3] =	sst s0  }
0x9: {  	[smem:$0x3FA4] =	sst s1  }
0xa: {  	[smem:$0x3FA5] =	sst s2  }
0xb: {  	[smem:$0x3FA6] =	sst s3  }
0xc: {  	[smem:$0x3FA7] =	sst s4  }
0xd: {  	[smem:$0x3FA8] =	sst s5  }
0xe: {  	[smem:$0x3FA9] =	sst s6  }
0xf: {  	[smem:$0x3FAA] =	sst s7  }
0x10: {  	[smem:$0x3FAB] =	sst s8  }
0x11: {  	[smem:$0x3FAC] =	sst s9;
	s0 =	simm.s32 @!p0 $0x0  }
0x12: {  	s1 =	sld [smem:$0x3F92];
	s0 =	simm.s32 @p0 $0x1  }
0x13: {  	[smem:$0x3FAD] =	sst s0;
	s0 =	simm.s32 @!p1 $0x0  }
0x14: {  	s2 =	sld [smem:$0x3F91];
	s0 =	simm.s32 @p1 $0x1  }
0x15: {  	[smem:$0x3FAE] =	sst s0;
	s0 =	simm.s32 @!p2 $0x0  }
0x16: {  	s3 =	sld [smem:$0x3FDB];
	s0 =	simm.s32 @p2 $0x1  }
0x17: {  	s4 =	simm.s32 $0x1BF5;
	[smem:$0x3FB0] =	sst s0  }
0x18: {  	s0 =	sld [smem:$0x3F93];
	_ =	swait.ge [sflag:s4], $0x0  }
0x19: {  	s7 =	sld [smem:$0x3F94]  }
0x1a: {  	s8 =	sadd.s32 $0xFFFFE003, lr  }
0x1b: {  	s9 =	sadd.s32 $0xFFFFFEF7, lr;
	s5 =	simm.s32 $0xFFFFFFFF;
	p2 =	slt.u32 s8, $0xFFFFF086  }
0x1c: {  	p1 =	slt.u32 s9, $0xF7A;
	s5 =	simm.s32 @!p2 $0x0  }
0x1d: {  	s5 =	simm.s32 @p1 $0x1;
	p0 =	seq.s32 s7, s2  }
0x1e: {  	s7 =	smul.u32 @!p0 $0xF7A, s2;
	p2 =	seq.s32 @!p0 s5, $0x0  }
0x1f: {  	s9 =	smul.u32 $0xF7A, s1;
	s8 =	simm.s32 @!p0 $0x1BF5;
	p2 =	por !p2, p0  }
0x20: {  	[sflag:s8] =	ssyncset.s32 @!p0 $0xFFFFF086;
	s6 =	sadd.s32 @!p0 s3, s7;
	s7 =	simm.s32 @!p0 $0x108  }
0x21: {  	s3 =	sadd.s32 s3, s9;
	s6 =	sadd.s32 @!p0 $0x88, s6;
	s7 =	simm.s32 @p2 $0x1082  }
0x22: {  	[simem:s7], [sflag:s8] =	dma.local @!p0 [hbm:s6], $0xF7A  }
0x23: {  	s9 =	sor.u32 $0xD0000000, s2;
	s6 =	simm.s32 $0x108;
	_ =	swait.ge @!p0 [sflag:s8], $0x0  }
0x24: {  	s3 =	sadd.s32 $0x88, s3;
	s6 =	simm.s32 @!p1 $0x1082;
	[sflag:s4] =	ssyncset.s32 $0xFFFFF086  }
0x25: {  	[simem:s6], [sflag:s4] =	dma.local [hbm:s3], $0xF7A  }
0x26: {  	[smem:$0x3F94] =	sst s1;
	(tag) =	ssettag s2;
	_ =	strace s9  }
0x27: {  	s1 =	sld [smem:$0x3FA4]  }
0x28: {  	s2 =	sld [smem:$0x3FA5]  }
0x29: {  	s4 =	sld [smem:$0x3FA7]  }
0x2a: {  	p0 =	seq.s32 s5, $0x0;
	s5 =	sld [smem:$0x3FA8]  }
0x2b: {  	s6 =	sld [smem:$0x3FA9]  }
0x2c: {  	s7 =	sld [smem:$0x3FAA]  }
0x2d: {  	s3 =	simm.s32 $0x108;
	s8 =	sld [smem:$0x3FAB]  }
0x2e: {  	s3 =	simm.s32 @!p0 $0x1082;
	s9 =	sld [smem:$0x3FAC]  }
0x2f: {  	lr =	sadd.s32 s0, s3;
	s0 =	sld [smem:$0x3FA3]  }
0x30: {  	s3 =	sld [smem:$0x3FA6]  }
0x31: {  	[smem:$0x3FAF] =	sst s10  }
0x32: {  	s10 =	sld [smem:$0x3FAD];
	_ =	sdelay $0x3  }
0x33: {  	p0 =	seq.s32 s10, $0x1;
	s10 =	sld [smem:$0x3FAF];
	_ =	sdelay $0x3  }
0x34: {  	[smem:$0x3FAF] =	sst s10  }
0x35: {  	s10 =	sld [smem:$0x3FAE];
	_ =	sdelay $0x3  }
0x36: {  	p1 =	seq.s32 s10, $0x1;
	s10 =	sld [smem:$0x3FAF];
	_ =	sdelay $0x3  }
0x37: {  	[smem:$0x3FAF] =	sst s10  }
0x38: {  	s10 =	sld [smem:$0x3FB0]  }
0x39: {  	_ = 	snop;
	(pc) =	sbr.ind lr, $3  }
0x3a: {  	_ = 	snop  }
0x3b: {  	_ = 	snop  }
0x3c: {  	p2 =	seq.s32 s10, $0x1;
	s10 =	sld [smem:$0x3FAF]  }
0x3d: {  	_ =	shalt  }
0x3e: {  	_ =	shalt  }
0x3f: {  	_ =	shalt  }
0x40: {  	_ =	shalt  }
0x41: {  	_ =	shalt  }
0x42: {  	_ =	shalt  }
0x43: {  	_ =	shalt  }
0x44: {  	_ =	shalt  }
0x45: {  	_ =	shalt  }
0x46: {  	_ =	shalt  }
0x47: {  	_ =	shalt  }
0x48: {  	_ =	shalt  }
0x49: {  	_ =	shalt  }
0x4a: {  	_ =	shalt  }
0x4b: {  	_ =	shalt  }
0x4c: {  	_ =	shalt  }
0x4d: {  	_ =	shalt  }
0x4e: {  	_ =	shalt  }
0x4f: {  	_ =	shalt  }
0x50: {  	_ =	shalt  }
0x51: {  	_ =	shalt  }
0x52: {  	_ =	shalt  }
0x53: {  	_ =	shalt  }
0x54: {  	_ =	shalt  }
0x55: {  	_ =	shalt  }
0x56: {  	_ =	shalt  }
0x57: {  	_ =	shalt  }
0x58: {  	_ =	shalt  }
0x59: {  	_ =	shalt  }
0x5a: {  	_ =	shalt  }
0x5b: {  	_ =	shalt  }
0x5c: {  	_ =	shalt  }
0x5d: {  	_ =	shalt  }
0x5e: {  	_ =	shalt  }
0x5f: {  	_ =	shalt  }
0x60: {  	_ =	shalt  }
0x61: {  	_ =	shalt  }
0x62: {  	_ =	shalt  }
0x63: {  	_ =	shalt  }
0x64: {  	_ =	shalt  }
0x65: {  	_ =	shalt  }
0x66: {  	_ =	shalt  }
0x67: {  	_ =	shalt  }
0x68: {  	_ =	shalt  }
0x69: {  	_ =	shalt  }
0x6a: {  	_ =	shalt  }
0x6b: {  	_ =	shalt  }
0x6c: {  	_ =	shalt  }
0x6d: {  	_ =	shalt  }
0x6e: {  	_ =	shalt  }
0x6f: {  	_ =	shalt  }
0x70: {  	_ =	shalt  }
0x71: {  	_ =	shalt  }
0x72: {  	_ =	shalt  }
0x73: {  	_ =	shalt  }
0x74: {  	_ =	shalt  }
0x75: {  	_ =	shalt  }
0x76: {  	_ =	shalt  }
0x77: {  	_ =	shalt  }
0x78: {  	_ =	shalt  }
0x79: {  	_ =	shalt  }
0x7a: {  	_ =	shalt  }
0x7b: {  	_ =	shalt  }
0x7c: {  	_ =	shalt  }
0x7d: {  	_ =	shalt  }
0x7e: {  	_ =	shalt  }
0x7f: {  	_ =	shalt  }
0x80: {  	_ =	shalt  }
0x81: {  	_ =	shalt  }
0x82: {  	_ =	shalt  }
0x83: {  	_ =	shalt  }
0x84: {  	_ =	shalt  }
0x85: {  	_ =	shalt  }
0x86: {  	_ =	shalt  }
0x87: {  	_ =	shalt  }
.Lfunc_end0:
.L_simem_size_0:
called_computation.1_lowered:
.L_overlay_start_0:
0x88: {  	s2 =	sld [smem:$0x3FD9]  }
0x89: {  	s3 =	sld [smem:$0x3FFE];
	_ =	sdelay $0x1  }
0x8a: {  	s1 =	srdreg.scid  }
0x8b: {  	s0 =	sand.u32 $0x1, s1  }
0x8c: {  	s17 =	sshll.u32 s0, $0xA;
	s2 =	sadd.s32 s3, s2  }
0x8d: {  	s2 =	sadd.s32 s2, s17  }
0x8e: {  	[smem:$0x3FBB] =	sst s2  }
0x8f: {  	_ = 	snop  }
0x90: {  	s2 =	sld [smem:$0x3FD0];
	(tm) =	ssettm $0x1  }
0x91: {  	s18 =	sld [smem:$0x3FFB];
	_ =	sdelay $0x3  }
0x92: {  	_ =	strace s18  }
0x93: {  	s3 =	sld [smem:$0x3FFC];
	_ =	sdelay $0x3  }
0x94: {  	_ =	strace s3  }
0x95: {  	s3 =	sld [smem:$0x3FFD];
	_ =	sdelay $0x3  }
0x96: {  	_ =	strace s3  }
0x97: {  	_ =	strace $0x8FFFFFFF  }
0x98: {  	s19 =	sld [smem:$0x3FDB];
	_ =	sdelay $0x1  }
0x99: {  	s4 =	simm.s32 $_scs_section_size  }
0x9a: {  	s5 =	simm.s32 $_size__tile_overlayer_lowered;
	s6 =	simm.s32 $_tile_overlayer_lowered  }
0x9b: {  	s22 =	simm.s32 $0x1BFF;
	s21 =	sshll.u32 s6, $0x1;
	s3 =	sadd.s32 s4, s19  }
0x9c: {  	s7 =	simm.s32 $0x0;
	s20 =	sshll.u32 s5, $0x1;
	s5 =	sadd.s32 s21, s3  }
0x9d: {  	[timem:s7], [sflag:s22] =	dma.local [hbm:s5], s20  }
0x9e: {  	_ =	swait.ge [sflag:s22], s20  }
0x9f: {  	s4 =	ssub.s32 $0x0, s20;
	[sflag:s22] =	ssyncset.done $0x0  }
0xa0: {  	[sflag:s22] =	ssyncadd.s32 s4;
	_ =	sdelay $0x1  }
0xa1: {  	s23 =	simm.s32 $0x1B8B  }
0xa2: {  	_ =	swait.ge [sflag:s23], $0x1  }
0xa3: {  	[sflag:s23] =	ssyncset.done $0x0  }
0xa4: {  	s25 =	simm.s32 $0x1B8E;
	s24 =	sld [smem:$0x3FFE];
	[sflag:s23] =	ssyncadd.s32 $0xFFFFFFFF  }
0xa5: {  	s26 =	simm.s32 $execute0_lowered;
	[smem:$0x3FD2] =	sst s25  }
0xa6: {  	s5 =	sshll.u32 s26, $0x1;
	_ =	strace $0x80000049;
	[dreg:$0x1] =	wrdreg $0xFFFFFFFF  }
0xa7: {  	s28 =	simm.s32 $_size_execute0_lowered;
	s3 =	sadd.s32 s3, s5;
	[dreg:$0x0] =	wrdreg $0x0  }
0xa8: {  	s5 =	sshll.u32 s28, $0x1;
	[dreg:$0x2] =	wrdreg s3  }
0xa9: {  	[dreg:$0x3] =	wrdreg s5  }
0xaa: {  	[dreg:$0x4] =	wrdreg $0xC0  }
0xab: {  	_ =	task [dreg:s7], $0x5FFFF  }
0xac: {  	[dreg:$0x1] =	wrdreg $0xFFFFFFFF  }
0xad: {  	[dreg:$0x0] =	wrdreg $0x60  }
0xae: {  	[dreg:$0x2] =	wrdreg s24  }
0xaf: {  	[dreg:$0x3] =	wrdreg s2  }
0xb0: {  	[dreg:$0x4] =	wrdreg $0x9  }
0xb1: {  	_ =	task.clear_ibuf [dreg:s7], $0x5FFFF;
	_ =	strace $0x90000049  }
0xb2: {  	s29 =	simm.s32 $0x9;
	_ =	strace $0x8000004B  }
0xb3: {  	_ =	swait.ge [sflag:s29], $0x1  }
0xb4: {  	[sflag:s29] =	ssyncadd.s32 $0xFFFFFFFF  }
0xb5: {  	_ =	strace $0x9000004B  }
0xb6: {  	_ =	sfence  }
0xb7: {  	s30 =	sld [smem:$0x0];
	_ =	sdelay $0x2  }
0xb8: {  	s31 =	sshll.u32 s1, $0xD;
	s1 =	sshrl.u32 s1, $0x2  }
0xb9: {  	s3 =	sand.u32 $0x4000, s31;
	s1 =	sadd.s32 s1, s30  }
0xba: {  	s0 =	sor.u32 s3, s0;
	s1 =	sshll.u32 s1, $0x11  }
0xbb: {  	s0 =	sor.u32 s1, s0  }
0xbc: {  	s0 =	sadd.s32 $0x8F2B, s0  }
0xbd: {  	[sflag:s0] =	ssyncadd.remote.s32 $0x1  }
0xbe: {  	_ =	sfence.sel $0xFFFF  }
0xbf: {  	[dreg:$0x0] =	wrdreg $0xFFFFFFFF;
	(pc) =	sbr.abs _section_cstart, $3  }
0xc0: {  	[dreg:$0x1] =	wrdreg $0xFFFFFFFF  }
0xc1: {  	_ =	task.clear_ibuf [dreg:s7], $0x2FFFF;
	_ =	strace $0x9FFFFFFF  }
0xc2: {  	(tm) =	ssettm $0x7FFFFFFF  }
0xc3: {  	_ =	shalt  }
tec
execute0_lowered:
.L_overlay_start_1:
0x0: {  	(tag) =	ssettag $0x1  }
0x1: {  	s0 =	rddreg [dreg:$0x0]  }
0x2: {  	s1 =	rddreg [dreg:$0x1]  }
0x3: {  	s11 =	simm.s32 $0x0;
	s2 =	srdreg.scid;
	s4 =	stileid.u32  }
0x4: {  	s17 =	simm.s32 $0x1DFE0;
	s10 =	simm.s32 $0x1DF20;
	s13 =	simm.s32 $0x1DF30  }
0x5: {  	s14 =	simm.s32 $0x1DF40;
	s15 =	simm.s32 $0x1DF50;
	s16 =	simm.s32 $0x1DF60  }
0x6: {  	s20 =	simm.s32 $0x1DF70;
	[smem:$0x7FF] =	sst s11;
	s9 =	sadd.s32 $0x83600, s0  }
0x7: {  	s2 =	sand.u32 $0x1, s2;
	s3 =	sshll.u32 s4, $0x1;
	s5 =	sadd.s32 $0x93600, s0  }
0x8: {  	s7 =	sadd.s32 $0xE3600, s0;
	_ =	strace $0x8000004A;
	[dreg:$0x4] =	wrdreg s5  }
0x9: {  	s4 =	sshrl.u32 s4, $0x2;
	s28 =	sadd.s32 $0x93700, s0;
	[dreg:$0x5] =	wrdreg s7  }
0xa: {  	s3 =	sor.u32 s2, s3;
	s4 =	smul.u32 $0xC00, s4;
	[dreg:$0x3] =	wrdreg s9  }
0xb: {  	s2 =	ssub.s32 $0x2, s2;
	[dreg:$0xa] =	wrdreg s28;
	s21 =	sshll.u32 s3, $0xC  }
0xc: {  	s6 =	sshll.u32 s3, $0x7;
	s22 =	sshll.u32 s3, $0xA;
	s8 =	sshrl.u32 s2, $0x1  }
0xd: {  	s3 =	sshll.u32 s3, $0x6;
	s5 =	sadd.s32 s21, s0;
	s6 =	sand.u32 $0x380, s6  }
0xe: {  	s23 =	sadd.s32 s22, s0;
	s2 =	ssub.s32 s2, s8;
	[dreg:$0x6] =	wrdreg s3  }
0xf: {  	s24 =	sadd.s32 s9, s22;
	s8 =	simm.s32 $0x1DF00;
	s9 =	simm.s32 $0x1DF10  }
0x10: {  	s3 =	simm.s32 $0x0;
	[dreg:$0x7] =	wrdreg s24;
	s25 =	sadd.s32 $0x8B600, s23  }
0x11: {  	s4 =	sor.u32 s4, s6;
	s26 =	sadd.s32 $0xC3600, s5;
	[dreg:$0x8] =	wrdreg s25  }
.Ltmp0:
0x12: {  	s29 =	sadd.s32 $0x3600, s23;
	[dreg:$0x9] =	wrdreg s26;
	(pc) =	sbr.rel .LBB2_1-.Ltmp0, $4  }
0x13: {  	s31 =	smax.u32 s2, $0x1;
	s4 =	sshrl.u32 s4, $0x3;
	[dreg:$0xc] =	wrdreg s29  }
0x14: {  	v3 =	vlaneseq.u32;
	[dreg:$0xe] =	wrdreg s31;
	s4 =	sadd.s32 s4, s0;
	s0 =	sadd.s32 $0x93800, s0  }
0x15: {  	v0 =	vimm.f32 $0.0e+00;
	vm0 =	vmmov $0xffff;
	v2 =	vshrl.u32 v3, $0x3;
	s2 =	simm.s32 $0x4;
	[dreg:$0xb] =	wrdreg s0;
	s30 =	sadd.s32 $0xB600, s4  }
0x16: {  	v1 =	vand.u32 $0x7, v3;
	v3 =	vor.u32 $0x8, v3;
	v2 =	vmul.u32 $0x8, v2;
	s6 =	simm.s32 $0x1DFF0;
	s25 =	simm.s32 $0x3;
	[dreg:$0xd] =	wrdreg s30  }
.LBB2_37:
0x17: {  	s11 =	simm.s32 $0x0;
	s0 =	rddreg [dreg:$0xc];
	s2 =	simm.s32 $0x1BE80  }
0x18: {  	[hbm4b:s0+s11] =	stream.linear.scatter [tilespmem:s2], [sflag:$0x4], $0x2000, $0x38;
	[tilespmem:$0x1E200] =	vst v63  }
0x19: {  	s2 =	simm.s32 $0x4  }
0x1a: {  	_ =	swait.ge [sflag:s2], $0x2000  }
0x1b: {  	s3 =	simm.s32 $0x80;
	s4 =	simm.s32 $0x400;
	[sflag:s2] =	ssyncset.done $0x0  }
0x1c: {  	s5 =	simm.s32 $0x1DE80;
	s29 =	rddreg [dreg:$0xd];
	[sflag:s2] =	ssyncadd.s32 $0xFFFFE000  }
0x1d: {  	[hbm4b:s29+s3] =	stream.strided.scatter [tilespmem:s5], [sflag:$0x4], $0x180, s4, s3, $0x38;
	[tilespmem:$0x1E200] =	vst v63  }
0x1e: {  	_ =	swait.ge [sflag:s2], $0x180  }
0x1f: {  	s30 =	rddreg [dreg:$0xf]  }
0x20: {  	s31 =	rddreg [dreg:$0xe];
	s3 =	sadd.s32 $0x1, s30  }
0x21: {  	p0 =	sne.s32 s3, s31  }
.Ltmp1:
0x22: {  	_ = 	snop;
	(pc) =	sbr.rel @!p0 .LBB2_38-.Ltmp1, $3  }
0x23: {  	_ =	sdelay $0x1  }
0x24: {  	[sflag:s2] =	ssyncset.done $0x0  }
0x25: {  	[sflag:s2] =	ssyncadd.s32 $0xFFFFFE80  }
.LBB2_1:
0x26: {  	[dreg:$0xf] =	wrdreg s3  }
0x27: {  	s0 =	rddreg [dreg:$0x7]  }
0x28: {  	[tilespmem:s11], [sflag:$0x4] =	stream.linear.gather [hbm4b:s0+s11], $0x2000, $0x38;
	[tilespmem:$0x1E200] =	vst v63  }
0x29: {  	_ =	swait.ge [sflag:s2], $0x2000  }
0x2a: {  	[sflag:s2] =	ssyncset.done $0x0  }
0x2b: {  	s26 =	simm.s32 $0x2000;
	s24 =	rddreg [dreg:$0x8];
	[sflag:s2] =	ssyncadd.s32 $0xFFFFE000  }
0x2c: {  	[tilespmem:s26], [sflag:$0x4] =	stream.linear.gather [hbm4b:s24+s11], $0x2000, $0x38;
	[tilespmem:$0x1E200] =	vst v63  }
0x2d: {  	_ =	swait.ge [sflag:s2], $0x2000  }
0x2e: {  	[sflag:s2] =	ssyncset.done $0x0  }
0x2f: {  	s29 =	simm.s32 $0x4000;
	s28 =	rddreg [dreg:$0x9];
	[sflag:s2] =	ssyncadd.s32 $0xFFFFE000  }
0x30: {  	[tilespmem:s29], [sflag:$0x4] =	stream.linear.gather [hbm4b:s28+s11], $0x8000, $0x38;
	[tilespmem:$0x1E200] =	vst v63  }
0x31: {  	_ =	swait.ge [sflag:s2], $0x8000  }
0x32: {  	[sflag:s2] =	ssyncset.done $0x0  }
0x33: {  	s31 =	simm.s32 $0x1E000;
	s30 =	rddreg [dreg:$0x5];
	[sflag:s2] =	ssyncadd.s32 $0xFFFF8000  }
0x34: {  	[tilespmem:s31], [sflag:$0x4] =	stream.linear.gather [hbm4b:s30+s11], $0x180, $0x38;
	[tilespmem:$0x1E200] =	vst v63  }
0x35: {  	_ =	swait.ge [sflag:s2], $0x180  }
0x36: {  	[sflag:s2] =	ssyncset.done $0x0  }
0x37: {  	s3 =	simm.s32 $0x200;
	[sflag:s2] =	ssyncadd.s32 $0xFFFFFE80;
	s2 =	simm.s32 $0x0  }
.LBB2_2:
0x38: {  	p0 =	sne.s32 s3, $0x7E00;
	[tilespmem:s2+$0x1BEF0] =	vst v0  }
0x39: {  	[tilespmem:s2+$0x1BE80] =	vst v0  }
0x3a: {  	[tilespmem:s2+$0x1BE90] =	vst v0  }
.Ltmp2:
0x3b: {  	[tilespmem:s2+$0x1BEA0] =	vst v0;
	(pc) =	sbr.rel @p0 .LBB2_2-.Ltmp2, $4  }
0x3c: {  	[tilespmem:s2+$0x1BEB0] =	vst v0  }
0x3d: {  	[tilespmem:s2+$0x1BEC0] =	vst v0  }
0x3e: {  	[tilespmem:s2+$0x1BED0] =	vst v0  }
0x3f: {  	[tilespmem:s2+$0x1BEE0] =	vst v0;
	s2 =	sshra.s32 s3, $0x2;
	s3 =	sadd.s32 $0x200, s3  }
0x40: {  	[tilespmem:s2+$0x1BEF0] =	vst v0  }
0x41: {  	[tilespmem:s2+$0x1BE80] =	vst v0  }
0x42: {  	[tilespmem:s2+$0x1BE90] =	vst v0  }
0x43: {  	[tilespmem:s2+$0x1BEA0] =	vst v0  }
0x44: {  	[tilespmem:s2+$0x1BEB0] =	vst v0  }
0x45: {  	[tilespmem:s2+$0x1BEC0] =	vst v0  }
0x46: {  	[tilespmem:s2+$0x1BED0] =	vst v0  }
0x47: {  	[tilespmem:s2+$0x1BEE0] =	vst v0  }
0x48: {  	[tilespmem:$0x1DE80] =	vst v0  }
0x49: {  	[tilespmem:$0x1DE90] =	vst v0  }
0x4a: {  	[tilespmem:$0x1DEA0] =	vst v0  }
0x4b: {  	[tilespmem:$0x1DEB0] =	vst v0  }
0x4c: {  	[tilespmem:$0x1DEC0] =	vst v0  }
0x4d: {  	[tilespmem:$0x1DED0] =	vst v0  }
0x4e: {  	[tilespmem:$0x1DEE0] =	vst v0  }
0x4f: {  	[tilespmem:$0x1DEF0] =	vst v0  }
0x50: {  	[tilespmem:$0x1DF00] =	vst v0  }
0x51: {  	[tilespmem:$0x1DF10] =	vst v0  }
0x52: {  	[tilespmem:$0x1DF20] =	vst v0  }
0x53: {  	[tilespmem:$0x1DF30] =	vst v0  }
0x54: {  	[tilespmem:$0x1DF40] =	vst v0  }
0x55: {  	[tilespmem:$0x1DF50] =	vst v0  }
0x56: {  	[tilespmem:$0x1DF60] =	vst v0  }
0x57: {  	[tilespmem:$0x1DF70] =	vst v0  }
0x58: {  	[tilespmem:$0x1DF80] =	vst v0  }
0x59: {  	[tilespmem:$0x1DF90] =	vst v0  }
0x5a: {  	[tilespmem:$0x1DFA0] =	vst v0  }
0x5b: {  	[tilespmem:$0x1DFB0] =	vst v0  }
0x5c: {  	[tilespmem:$0x1DFC0] =	vst v0  }
0x5d: {  	[tilespmem:$0x1DFD0] =	vst v0  }
0x5e: {  	[tilespmem:$0x1DFE0] =	vst v0  }
0x5f: {  	s7 =	simm.s32 $0x0;
	[tilespmem:$0x1DFF0] =	vst v0  }
0x60: {  	v4 =	vld [tilespmem:s7+$0x0];
	_ =	sdelay $0x2  }
0x61: {  	s2 =	simm.s32 $0x20;
	s4 =	simm.s32 $0x0;
	s3 =	simm.s32 $0x0  }
.LBB2_4:
0x62: {  	p0 =	sne.s32 s2, $0x7E0  }
0x63: {  	[tilespmem:s4+$0xC000] =	vst.msk $0xff, v4;
	s3 =	sadd.s32 $0x80, s3;
	s4 =	smov.u32 s2;
	s2 =	sadd.s32 $0x20, s2  }
.Ltmp3:
0x64: {  	v4 =	vld [tilespmem:s3+$0x0];
	(pc) =	sbr.rel @p0 .LBB2_4-.Ltmp3, $2  }
0x65: {  	_ =	sdelay $0x2  }
0x66: {  	s4 =	sshra.s32 s4, $0x2  }
.Ltmp4:
0x67: {  	(pc) =	sbr.rel .LBB2_6-.Ltmp4, $2  }
0x68: {  	_ =	sdelay $0x2  }
0x69: {  	[tilespmem:s4+$0xC000] =	vst.msk $0xff, v4  }
.LBB2_36:
0x6a: {  	s7 =	rddreg [dreg:$0x10]  }
0x6b: {  	s7 =	sadd.s32 $0x1, s7  }
0x6c: {  	p0 =	sne.s32 s7, $0x10  }
.Ltmp5:
0x6d: {  	_ = 	snop;
	(pc) =	sbr.rel @!p0 .LBB2_37-.Ltmp5, $1  }
0x6e: {  	_ =	sdelay $0x3  }
.LBB2_6:
0x6f: {  	s2 =	sshll.u32 s7, $0x5  }
0x70: {  	s2 =	sand.u32 $0x3FFFFFE0, s2  }
0x71: {  	v4 =	vld [tilespmem:s2+$0xC000];
	_ =	sdelay $0x4  }
0x72: {  	v5 =	vshrl.u32 v4, $0x3  }
0x73: {  	v5 =	vmul.u32 $0x30, v5  }
0x74: {  	v4 =	vand.u32 $0x7, v4  }
0x75: {  	v4 =	vor.u32 v4, v5  }
0x76: {  	v5 =	vperm.xlane v4, v1;
	_ =	sdelay $0x1  }
0x77: {  	v5 =	vadd.s32 v2, v5;
	_ =	sdelay $0x3  }
0x78: {  	s22 =	simm.s32 $0x0;
	s0 =	rddreg [dreg:$0x4];
	s3 =	simm.s32 $0xC280;
	v4 =	vperm.xlane v4, v3  }
0x79: {  	[tilespmem:s3], [sflag:$0x1] =	stream.indirect_vreg.gather [hbm4b:s0+s22], $0x80, v5, vm0, $0xb8;
	[tilespmem:$0x1E200] =	vst v63  }
0x7a: {  	s23 =	rddreg [dreg:$0xa];
	s4 =	simm.s32 $0xCA80;
	v4 =	vadd.s32 v2, v4  }
0x7b: {  	[tilespmem:s4], [sflag:$0x1] =	stream.indirect_vreg.gather [hbm4b:s23+s22], $0x80, v5, vm0, $0xb8;
	[tilespmem:$0x1E200] =	vst v63  }
0x7c: {  	s24 =	rddreg [dreg:$0xb];
	s5 =	simm.s32 $0xD280  }
0x7d: {  	[tilespmem:s5], [sflag:$0x1] =	stream.indirect_vreg.gather [hbm4b:s24+s22], $0x80, v5, vm0, $0xb8;
	[tilespmem:$0x1E200] =	vst v63  }
0x7e: {  	s26 =	simm.s32 $0xDA80  }
0x7f: {  	[tilespmem:s26], [sflag:$0x1] =	stream.indirect_vreg.gather [hbm4b:s0+s22], $0x80, v4, vm0, $0xb8;
	[tilespmem:$0x1E200] =	vst v63  }
0x80: {  	s28 =	simm.s32 $0xE280  }
0x81: {  	[tilespmem:s28], [sflag:$0x1] =	stream.indirect_vreg.gather [hbm4b:s23+s22], $0x80, v4, vm0, $0xb8;
	[tilespmem:$0x1E200] =	vst v63  }
0x82: {  	s29 =	simm.s32 $0xEA80  }
0x83: {  	[tilespmem:s29], [sflag:$0x1] =	stream.indirect_vreg.gather [hbm4b:s24+s22], $0x80, v4, vm0, $0xb8;
	[tilespmem:$0x1E200] =	vst v63  }
0x84: {  	v4 =	vld [tilespmem:s2+$0xC010];
	_ =	sdelay $0x4  }
0x85: {  	v5 =	vshrl.u32 v4, $0x3  }
0x86: {  	v5 =	vmul.u32 $0x30, v5  }
0x87: {  	v4 =	vand.u32 $0x7, v4  }
0x88: {  	v4 =	vor.u32 v4, v5  }
0x89: {  	v5 =	vperm.xlane v4, v1;
	_ =	sdelay $0x1  }
0x8a: {  	v5 =	vadd.s32 v2, v5;
	_ =	sdelay $0x3  }
0x8b: {  	s30 =	simm.s32 $0xF280;
	v4 =	vperm.xlane v4, v3  }
0x8c: {  	[tilespmem:s30], [sflag:$0x1] =	stream.indirect_vreg.gather [hbm4b:s0+s22], $0x80, v5, vm0, $0xb8;
	[tilespmem:$0x1E200] =	vst v63  }
0x8d: {  	s31 =	simm.s32 $0xFA80;
	v4 =	vadd.s32 v2, v4  }
0x8e: {  	[tilespmem:s31], [sflag:$0x1] =	stream.indirect_vreg.gather [hbm4b:s23+s22], $0x80, v5, vm0, $0xb8;
	[tilespmem:$0x1E200] =	vst v63  }
0x8f: {  	s11 =	simm.s32 $0x10280  }
0x90: {  	[tilespmem:s11], [sflag:$0x1] =	stream.indirect_vreg.gather [hbm4b:s24+s22], $0x80, v5, vm0, $0xb8;
	[tilespmem:$0x1E200] =	vst v63  }
0x91: {  	s12 =	simm.s32 $0x10A80  }
0x92: {  	[tilespmem:s12], [sflag:$0x1] =	stream.indirect_vreg.gather [hbm4b:s0+s22], $0x80, v4, vm0, $0xb8;
	[tilespmem:$0x1E200] =	vst v63  }
0x93: {  	s18 =	simm.s32 $0x11280  }
0x94: {  	[tilespmem:s18], [sflag:$0x1] =	stream.indirect_vreg.gather [hbm4b:s23+s22], $0x80, v4, vm0, $0xb8;
	[tilespmem:$0x1E200] =	vst v63  }
0x95: {  	s19 =	simm.s32 $0x11A80;
	s21 =	rddreg [dreg:$0x3];
	s26 =	simm.s32 $0x1  }
0x96: {  	[tilespmem:s19], [sflag:$0x1] =	stream.indirect_vreg.gather [hbm4b:s24+s22], $0x80, v4, vm0, $0xb8;
	[tilespmem:$0x1E200] =	vst v63  }
0x97: {  	s2 =	sadd.s32 $0xC000, s2;
	s23 =	simm.s32 $0x20;
	s24 =	simm.s32 $0x18280  }
0x98: {  	[tilespmem:s24], [sflag:$0x2] =	stream.indirect.gather [hbm4b:s21+s23], $0x80, s2, s23, $0xb8;
	[tilespmem:$0x1E200] =	vst v63  }
0x99: {  	_ =	swait.ge [sflag:s26], $0x6000  }
.Ltmp6:
0x9a: {  	s28 =	simm.s32 $0x2;
	[sflag:s26] =	ssyncset.done $0x0;
	(pc) =	sbr.rel .LBB2_7-.Ltmp6, $4  }
0x9b: {  	s29 =	sshll.u32 s7, $0xB;
	s30 =	sshll.u32 s7, $0x2;
	[sflag:s26] =	ssyncadd.s32 $0xFFFFA000  }
0x9c: {  	s2 =	sand.u32 $0x7000, s29;
	_ =	swait.ge [sflag:s28], $0x1000;
	[dreg:$0x10] =	wrdreg s7  }
0x9d: {  	s31 =	sadd.s32 $0x4000, s2;
	[dreg:$0x11] =	wrdreg s30;
	[sflag:s28] =	ssyncset.done $0x0  }
0x9e: {  	[dreg:$0x12] =	wrdreg s31;
	[sflag:s28] =	ssyncadd.s32 $0xFFFFF000  }
.LBB2_35:
0x9f: {  	s22 =	sadd.s32 $0x1, s22  }
0xa0: {  	p0 =	sne.s32 s22, $0x4  }
.Ltmp7:
0xa1: {  	_ = 	snop;
	(pc) =	sbr.rel @!p0 .LBB2_36-.Ltmp7, $1  }
0xa2: {  	_ =	sdelay $0x3  }
.LBB2_7:
0xa3: {  	s0 =	rddreg [dreg:$0x11]  }
0xa4: {  	s3 =	sadd.s32 s0, s22  }
0xa5: {  	s2 =	sshll.u32 s3, $0x7  }
0xa6: {  	v4 =	vld [tilespmem:s2+$0x20];
	_ =	sdelay $0x4  }
0xa7: {  	(v2sf) =	vpush v4, $0x0;
	_ =	sdelay $0xe  }
0xa8: {  	s21 =	spop (v2sf)  }
0xa9: {  	p0 =	slt.s32 s21, $0x9  }
.Ltmp8:
0xaa: {  	_ = 	snop;
	(pc) =	sbr.rel @p0 .LBB2_9-.Ltmp8, $1  }
0xab: {  	_ =	sdelay $0x3  }
0xac: {  	v4 =	vld [tilespmem:s2+$0x0];
	_ =	sdelay $0x4  }
0xad: {  	v5 =	vshrl.u32 v4, $0x3  }
0xae: {  	v5 =	vmul.u32 $0x30, v5  }
0xaf: {  	v4 =	vand.u32 $0x7, v4  }
0xb0: {  	v4 =	vor.u32 v4, v5  }
0xb1: {  	v5 =	vperm.xlane v4, v1;
	_ =	sdelay $0x1  }
0xb2: {  	v5 =	vadd.s32 v2, v5;
	_ =	sdelay $0x3  }
0xb3: {  	s0 =	simm.s32 $0x0;
	s4 =	rddreg [dreg:$0x4];
	s5 =	simm.s32 $0x12280;
	v4 =	vperm.xlane v4, v3  }
0xb4: {  	[tilespmem:s5], [sflag:$0x1] =	stream.indirect_vreg.gather [hbm4b:s4+s0], $0x80, v5, vm0, $0xb8;
	[tilespmem:$0x1E200] =	vst v63  }
0xb5: {  	s24 =	rddreg [dreg:$0xa];
	s7 =	simm.s32 $0x12A80;
	v4 =	vadd.s32 v2, v4  }
0xb6: {  	[tilespmem:s7], [sflag:$0x1] =	stream.indirect_vreg.gather [hbm4b:s24+s0], $0x80, v5, vm0, $0xb8;
	[tilespmem:$0x1E200] =	vst v63  }
0xb7: {  	s26 =	rddreg [dreg:$0xb];
	s11 =	simm.s32 $0x13280  }
0xb8: {  	[tilespmem:s11], [sflag:$0x1] =	stream.indirect_vreg.gather [hbm4b:s26+s0], $0x80, v5, vm0, $0xb8;
	[tilespmem:$0x1E200] =	vst v63  }
0xb9: {  	s28 =	simm.s32 $0x13A80  }
0xba: {  	[tilespmem:s28], [sflag:$0x1] =	stream.indirect_vreg.gather [hbm4b:s4+s0], $0x80, v4, vm0, $0xb8;
	[tilespmem:$0x1E200] =	vst v63  }
0xbb: {  	s29 =	simm.s32 $0x14280  }
0xbc: {  	[tilespmem:s29], [sflag:$0x1] =	stream.indirect_vreg.gather [hbm4b:s24+s0], $0x80, v4, vm0, $0xb8;
	[tilespmem:$0x1E200] =	vst v63  }
0xbd: {  	s30 =	simm.s32 $0x14A80  }
0xbe: {  	[tilespmem:s30], [sflag:$0x1] =	stream.indirect_vreg.gather [hbm4b:s26+s0], $0x80, v4, vm0, $0xb8;
	[tilespmem:$0x1E200] =	vst v63  }
0xbf: {  	v4 =	vld [tilespmem:s2+$0x10];
	_ =	sdelay $0x4  }
0xc0: {  	v5 =	vshrl.u32 v4, $0x3  }
0xc1: {  	v5 =	vmul.u32 $0x30, v5  }
0xc2: {  	v4 =	vand.u32 $0x7, v4  }
0xc3: {  	v4 =	vor.u32 v4, v5  }
0xc4: {  	v5 =	vperm.xlane v4, v1;
	_ =	sdelay $0x1  }
0xc5: {  	v5 =	vadd.s32 v2, v5;
	_ =	sdelay $0x3  }
0xc6: {  	s31 =	simm.s32 $0x15280;
	v4 =	vperm.xlane v4, v3  }
0xc7: {  	[tilespmem:s31], [sflag:$0x1] =	stream.indirect_vreg.gather [hbm4b:s4+s0], $0x80, v5, vm0, $0xb8;
	[tilespmem:$0x1E200] =	vst v63  }
0xc8: {  	s12 =	simm.s32 $0x15A80;
	v4 =	vadd.s32 v2, v4  }
0xc9: {  	[tilespmem:s12], [sflag:$0x1] =	stream.indirect_vreg.gather [hbm4b:s24+s0], $0x80, v5, vm0, $0xb8;
	[tilespmem:$0x1E200] =	vst v63  }
0xca: {  	s18 =	simm.s32 $0x16280  }
0xcb: {  	[tilespmem:s18], [sflag:$0x1] =	stream.indirect_vreg.gather [hbm4b:s26+s0], $0x80, v5, vm0, $0xb8;
	[tilespmem:$0x1E200] =	vst v63  }
0xcc: {  	s19 =	simm.s32 $0x16A80  }
0xcd: {  	[tilespmem:s19], [sflag:$0x1] =	stream.indirect_vreg.gather [hbm4b:s4+s0], $0x80, v4, vm0, $0xb8;
	[tilespmem:$0x1E200] =	vst v63  }
0xce: {  	s23 =	simm.s32 $0x17280  }
0xcf: {  	[tilespmem:s23], [sflag:$0x1] =	stream.indirect_vreg.gather [hbm4b:s24+s0], $0x80, v4, vm0, $0xb8;
	[tilespmem:$0x1E200] =	vst v63  }
0xd0: {  	s28 =	simm.s32 $0x20;
	s24 =	simm.s32 $0x17A80  }
0xd1: {  	[tilespmem:s24], [sflag:$0x1] =	stream.indirect_vreg.gather [hbm4b:s26+s0], $0x80, v4, vm0, $0xb8;
	[tilespmem:$0x1E200] =	vst v63  }
0xd2: {  	s29 =	simm.s32 $0x19280;
	s30 =	simm.s32 $0x1;
	s26 =	rddreg [dreg:$0x3]  }
0xd3: {  	[tilespmem:s29], [sflag:$0x2] =	stream.indirect.gather [hbm4b:s26+s28], $0x80, s2, s28, $0xb8;
	[tilespmem:$0x1E200] =	vst v63  }
0xd4: {  	_ =	swait.ge [sflag:s30], $0x6000  }
.Ltmp9:
0xd5: {  	[sflag:s30] =	ssyncset.done $0x0;
	(pc) =	sbr.rel .LBB2_10-.Ltmp9, $4  }
0xd6: {  	s31 =	simm.s32 $0x2;
	[sflag:s30] =	ssyncadd.s32 $0xFFFFA000  }
0xd7: {  	_ =	swait.ge [sflag:s31], $0x1000  }
0xd8: {  	[sflag:s31] =	ssyncset.done $0x0  }
0xd9: {  	[sflag:s31] =	ssyncadd.s32 $0xFFFFF000  }
.LBB2_9:
0xda: {  	p0 =	slt.s32 s21, $0x1  }
.Ltmp10:
0xdb: {  	_ = 	snop;
	(pc) =	sbr.rel @p0 .LBB2_35-.Ltmp10, $1  }
0xdc: {  	_ =	sdelay $0x3  }
.LBB2_10:
0xdd: {  	s0 =	rddreg [dreg:$0x6]  }
0xde: {  	s7 =	sadd.s32 s0, s3;
	s3 =	simm.s32 $0x0  }
0xdf: {  	s5 =	sand.u32 $0x7FFFFF80, s3  }
0xe0: {  	s11 =	sand.u32 $0x7F, s3;
	s5 =	sadd.s32 s5, s2  }
0xe1: {  	s5 =	sadd.s32 s11, s5  }
0xe2: {  	v4 =	vld [tilespmem:s5+$0x0];
	_ =	sdelay $0x4  }
0xe3: {  	(v2sf) =	vpush v4, $0x0;
	_ =	sdelay $0x8  }
0xe4: {  	p0 =	sgt.s32 s21, $0x8;
	s26 =	sshll.u32 s22, $0x3  }
0xe5: {  	s26 =	simm.s32 @p0 $0x20;
	p0 =	seq.s32 s21, $0x1  }
.Ltmp11:
0xe6: {  	_ = 	snop;
	(pc) =	sbr.rel @p0 .LBB2_12-.Ltmp11, $4  }
0xe7: {  	_ = 	snop  }
0xe8: {  	s4 =	sshll.u32 s26, $0x9  }
0xe9: {  	s19 =	sor.u32 $0x20, s2;
	p1 =	por $0x0, $0x0;
	s31 =	sshra.s32 s4, $0x2  }
0xea: {  	s4 =	sadd.s32 $0x18280, s31;
	s5 =	simm.s32 $0x1;
	s11 =	spop (v2sf)  }
.LBB2_11:
0xeb: {  	s12 =	sand.u32 $0x7F, s5  }
0xec: {  	p0 =	sge.s32 @!p1 s7, s11;
	p2 =	slt.s32 s7, s11;
	s18 =	simm.s32 $0x1  }
0xed: {  	s11 =	sand.u32 $0x7FFFFF80, s5;
	p1 =	por p0, p1;
	s18 =	simm.s32 @!p2 $0x0  }
0xee: {  	s11 =	sadd.s32 s11, s2;
	s23 =	sshll.u32 @!p1 s3, $0xA;
	s3 =	sadd.s32 s18, s3  }
0xef: {  	s5 =	sadd.s32 $0x1, s5;
	s11 =	sadd.s32 s12, s11;
	s12 =	sand.u32 @!p1 $0xC00, s23  }
0xf0: {  	p0 =	seq.s32 s21, s5;
	s18 =	simm.s32 @!p1 $0x8;
	s12 =	sor.u32 @!p1 $0x1A280, s12  }
0xf1: {  	[tilespmem:s12], [sflag:$0x3] =	stream.indirect.gather @!p1 [hbm4b:s1+s18], $0x80, s4, s18, $0xb8;
	[tilespmem:$0x1E200] =	vst v63  }
0xf2: {  	v4 =	vld [tilespmem:s11+$0x0];
	_ =	sdelay $0x4  }
0xf3: {  	(v2sf) =	vpush v4, $0x0;
	_ =	sdelay $0xa  }
.Ltmp12:
0xf4: {  	(pc) =	sbr.rel @!p0 .LBB2_11-.Ltmp12, $2  }
0xf5: {  	_ =	sdelay $0x2  }
0xf6: {  	p1 =	sgt.s32 s3, $0x3;
	s4 =	sadd.s32 $0x80, s4;
	s11 =	spop (v2sf)  }
.LBB2_12:
0xf7: {  	p0 =	sge.s32 @!p1 s7, s11;
	s31 =	sand.u32 $0x380, s2;
	s0 =	rddreg [dreg:$0x12]  }
.Ltmp13:
0xf8: {  	s23 =	simm.s32 $0x0;
	p0 =	por p0, p1;
	(pc) =	sbr.rel .LBB2_13-.Ltmp13, $4  }
0xf9: {  	p1 =	slt.s32 s7, s11;
	s11 =	simm.s32 $0x1;
	s5 =	sshll.u32 @!p0 s3, $0xA  }
0xfa: {  	s18 =	sadd.s32 s31, s0;
	s11 =	simm.s32 @!p1 $0x0;
	s5 =	sand.u32 @!p0 $0xC00, s5  }
0xfb: {  	s12 =	simm.s32 @!p0 $0x8;
	s29 =	sadd.s32 s11, s3;
	s5 =	sor.u32 @!p0 $0x1A280, s5  }
0xfc: {  	[tilespmem:s5], [sflag:$0x3] =	stream.indirect.gather @!p0 [hbm4b:s1+s12], $0x80, s4, s12, $0xb8;
	[tilespmem:$0x1E200] =	vst v63  }
.LBB2_16:
0xfd: {  	v4 =	vadd.f32 v5, v4;
	_ =	sdelay $0x1  }
0xfe: {  	v4 =	vadd.f32 v6, v4;
	_ =	sdelay $0x1  }
0xff: {  	v4 =	vadd.f32 v7, v4;
	_ =	sdelay $0x1  }
0x100: {  	v4 =	vmax.f32 v4, $0.0e+00  }
0x101: {  	[tilespmem:s20+$0x0] =	vst.add.f32.msk $0xffff, v4  }
.LBB2_17:
0x102: {  	s23 =	sadd.s32 $0x1, s23  }
0x103: {  	p0 =	sne.s32 s23, s21  }
.Ltmp14:
0x104: {  	_ = 	snop;
	(pc) =	sbr.rel @!p0 .LBB2_18-.Ltmp14, $1  }
0x105: {  	_ =	sdelay $0x3  }
.LBB2_13:
0x106: {  	s3 =	sand.u32 $0x7FFFFF80, s23  }
0x107: {  	s4 =	sand.u32 $0x7F, s23;
	s3 =	sadd.s32 s2, s3  }
0x108: {  	s5 =	sor.u32 s4, s3  }
0x109: {  	v4 =	vld [tilespmem:s5+$0x0];
	_ =	sdelay $0x4  }
0x10a: {  	(v2sf) =	vpush v4, $0x0;
	_ =	sdelay $0x1  }
0x10b: {  	s24 =	sadd.s32 s26, s23  }
0x10c: {  	s3 =	sshrl.u32 s24, $0x3  }
0x10d: {  	s28 =	smul.u32 $0x6000, s3  }
0x10e: {  	s30 =	sshll.u32 s23, $0x7  }
0x10f: {  	s3 =	sand.u32 $0x380, s30;
	s4 =	sshra.s32 s28, $0x2  }
0x110: {  	v5 =	vld [tilespmem:s18+$0x400];
	s11 =	sor.u32 s3, s4  }
0x111: {  	v6 =	vld [tilespmem:s11+$0xC280]  }
0x112: {  	v7 =	vld [tilespmem:s11+$0xC680]  }
0x113: {  	v4 =	vld [tilespmem:s18+$0x0];
	_ =	sdelay $0x2  }
0x114: {  	v8 =	vld [tilespmem:$0x1E000];
	_ =	sdelay $0x1  }
0x115: {  	v5 =	vadd.f32 v6, v5;
	v4 =	vadd.f32 v7, v4;
	s12 =	spop (v2sf)  }
0x116: {  	v43 =	vld.msk [tilespmem:s5+$0x2000 ss:$0x0], $0xffff;
	p1 =	slt.s32 s7, s12  }
0x117: {  	v4 =	vpsel p1, v4, v5  }
0x118: {  	v4 =	vadd.f32 v4, v8;
	_ =	sdelay $0x1  }
0x119: {  	v4 =	vmax.f32 v4, $0.0e+00  }
0x11a: {  	v4 =	vmul.f32 v4, v43  }
0x11b: {  	p0 =	sge.s32 s7, s12  }
0x11c: {  	s5 =	simm.s32 @!p0 $0x1DE80;
	[tilespmem:s2+$0x1BE80] =	vst.add.f32.msk $0xffff, v4  }
0x11d: {  	[tilespmem:s5+$0x0] =	vst.add.f32.msk @!p0 $0xffff, v4  }
0x11e: {  	v4 =	vld [tilespmem:s18+$0x10]  }
0x11f: {  	s31 =	sadd.s32 $0xC280, s11;
	v5 =	vld [tilespmem:s18+$0x410]  }
0x120: {  	v44 =	vld [tilespmem:s31+$0x10]  }
0x121: {  	v45 =	vld [tilespmem:s31+$0x410];
	_ =	sdelay $0x2  }
0x122: {  	v9 =	vld [tilespmem:$0x1E010];
	_ =	sdelay $0x1  }
0x123: {  	v4 =	vadd.f32 v45, v4;
	v5 =	vadd.f32 v44, v5;
	_ =	sdelay $0x1  }
0x124: {  	v4 =	vpsel p1, v4, v5  }
0x125: {  	v4 =	vadd.f32 v4, v9;
	_ =	sdelay $0x1  }
0x126: {  	v4 =	vmax.f32 v4, $0.0e+00  }
0x127: {  	v4 =	vmul.f32 v4, v43;
	_ =	sdelay $0x1  }
0x128: {  	s11 =	simm.s32 @!p0 $0x1DE90;
	[tilespmem:s2+$0x1BE90] =	vst.add.f32.msk $0xffff, v4  }
0x129: {  	[tilespmem:s11+$0x0] =	vst.add.f32.msk @!p0 $0xffff, v4  }
0x12a: {  	v4 =	vld [tilespmem:s18+$0x20]  }
0x12b: {  	v5 =	vld [tilespmem:s18+$0x420]  }
0x12c: {  	v46 =	vld [tilespmem:s31+$0x20]  }
0x12d: {  	v47 =	vld [tilespmem:s31+$0x420];
	_ =	sdelay $0x2  }
0x12e: {  	v48 =	vld [tilespmem:$0x1E020];
	_ =	sdelay $0x1  }
0x12f: {  	v4 =	vadd.f32 v47, v4;
	v5 =	vadd.f32 v46, v5;
	_ =	sdelay $0x1  }
0x130: {  	v4 =	vpsel p1, v4, v5  }
0x131: {  	v4 =	vadd.f32 v4, v48;
	_ =	sdelay $0x1  }
0x132: {  	v4 =	vmax.f32 v4, $0.0e+00  }
0x133: {  	v4 =	vmul.f32 v4, v43;
	_ =	sdelay $0x1  }
0x134: {  	s11 =	simm.s32 @!p0 $0x1DEA0;
	[tilespmem:s19+$0x1BE80] =	vst.add.f32.msk $0xffff, v4  }
0x135: {  	[tilespmem:s11+$0x0] =	vst.add.f32.msk @!p0 $0xffff, v4  }
0x136: {  	v4 =	vld [tilespmem:s18+$0x30]  }
0x137: {  	v5 =	vld [tilespmem:s18+$0x430]  }
0x138: {  	v49 =	vld [tilespmem:s31+$0x30]  }
0x139: {  	v50 =	vld [tilespmem:s31+$0x430];
	_ =	sdelay $0x2  }
0x13a: {  	v51 =	vld [tilespmem:$0x1E030];
	_ =	sdelay $0x1  }
0x13b: {  	v4 =	vadd.f32 v50, v4;
	v5 =	vadd.f32 v49, v5;
	_ =	sdelay $0x1  }
0x13c: {  	v4 =	vpsel p1, v4, v5  }
0x13d: {  	v4 =	vadd.f32 v4, v51;
	_ =	sdelay $0x1  }
0x13e: {  	v4 =	vmax.f32 v4, $0.0e+00  }
0x13f: {  	v4 =	vmul.f32 v4, v43;
	_ =	sdelay $0x1  }
0x140: {  	s11 =	simm.s32 @!p0 $0x1DEB0;
	[tilespmem:s2+$0x1BEB0] =	vst.add.f32.msk $0xffff, v4  }
0x141: {  	[tilespmem:s11+$0x0] =	vst.add.f32.msk @!p0 $0xffff, v4  }
0x142: {  	v4 =	vld [tilespmem:s18+$0x40]  }
0x143: {  	v5 =	vld [tilespmem:s18+$0x440]  }
0x144: {  	v52 =	vld [tilespmem:s31+$0x40]  }
0x145: {  	v53 =	vld [tilespmem:s31+$0x440];
	_ =	sdelay $0x2  }
0x146: {  	v54 =	vld [tilespmem:$0x1E040];
	_ =	sdelay $0x1  }
0x147: {  	v4 =	vadd.f32 v53, v4;
	v5 =	vadd.f32 v52, v5;
	_ =	sdelay $0x1  }
0x148: {  	v4 =	vpsel p1, v4, v5  }
0x149: {  	v4 =	vadd.f32 v4, v54;
	_ =	sdelay $0x1  }
0x14a: {  	v4 =	vmax.f32 v4, $0.0e+00  }
0x14b: {  	v4 =	vmul.f32 v4, v43;
	_ =	sdelay $0x1  }
0x14c: {  	s11 =	simm.s32 @!p0 $0x1DEC0;
	[tilespmem:s2+$0x1BEC0] =	vst.add.f32.msk $0xffff, v4  }
0x14d: {  	[tilespmem:s11+$0x0] =	vst.add.f32.msk @!p0 $0xffff, v4  }
0x14e: {  	v4 =	vld [tilespmem:s18+$0x50]  }
0x14f: {  	v5 =	vld [tilespmem:s18+$0x450]  }
0x150: {  	v55 =	vld [tilespmem:s31+$0x50]  }
0x151: {  	v56 =	vld [tilespmem:s31+$0x450];
	_ =	sdelay $0x2  }
0x152: {  	v57 =	vld [tilespmem:$0x1E050];
	_ =	sdelay $0x1  }
0x153: {  	v4 =	vadd.f32 v56, v4;
	v5 =	vadd.f32 v55, v5;
	_ =	sdelay $0x1  }
0x154: {  	v4 =	vpsel p1, v4, v5  }
0x155: {  	v4 =	vadd.f32 v4, v57;
	_ =	sdelay $0x1  }
0x156: {  	v4 =	vmax.f32 v4, $0.0e+00  }
0x157: {  	v4 =	vmul.f32 v4, v43;
	_ =	sdelay $0x1  }
0x158: {  	s11 =	simm.s32 @!p0 $0x1DED0;
	[tilespmem:s2+$0x1BED0] =	vst.add.f32.msk $0xffff, v4  }
0x159: {  	[tilespmem:s11+$0x0] =	vst.add.f32.msk @!p0 $0xffff, v4  }
0x15a: {  	v4 =	vld [tilespmem:s18+$0x60]  }
0x15b: {  	v5 =	vld [tilespmem:s18+$0x460]  }
0x15c: {  	v58 =	vld [tilespmem:s31+$0x60]  }
0x15d: {  	v59 =	vld [tilespmem:s31+$0x460];
	_ =	sdelay $0x2  }
0x15e: {  	v60 =	vld [tilespmem:$0x1E060];
	_ =	sdelay $0x1  }
0x15f: {  	v4 =	vadd.f32 v59, v4;
	v5 =	vadd.f32 v58, v5;
	_ =	sdelay $0x1  }
0x160: {  	v4 =	vpsel p1, v4, v5  }
0x161: {  	v4 =	vadd.f32 v4, v60;
	_ =	sdelay $0x1  }
0x162: {  	v4 =	vmax.f32 v4, $0.0e+00  }
0x163: {  	v4 =	vmul.f32 v4, v43;
	_ =	sdelay $0x1  }
0x164: {  	s11 =	simm.s32 @!p0 $0x1DEE0;
	[tilespmem:s2+$0x1BEE0] =	vst.add.f32.msk $0xffff, v4  }
0x165: {  	[tilespmem:s11+$0x0] =	vst.add.f32.msk @!p0 $0xffff, v4  }
0x166: {  	v4 =	vld [tilespmem:s18+$0x70]  }
0x167: {  	v5 =	vld [tilespmem:s18+$0x470]  }
0x168: {  	v61 =	vld [tilespmem:s31+$0x70]  }
0x169: {  	v62 =	vld [tilespmem:s31+$0x470];
	_ =	sdelay $0x2  }
0x16a: {  	v63 =	vld [tilespmem:$0x1E070];
	_ =	sdelay $0x1  }
0x16b: {  	v4 =	vadd.f32 v62, v4;
	v5 =	vadd.f32 v61, v5;
	_ =	sdelay $0x1  }
0x16c: {  	v4 =	vpsel p1, v4, v5  }
0x16d: {  	v4 =	vadd.f32 v4, v63  }
0x16e: {  	p1 =	seq.s32 s23, $0x0  }
.Ltmp15:
0x16f: {  	v4 =	vmax.f32 v4, $0.0e+00;
	(pc) =	sbr.rel @p1 .LBB2_17-.Ltmp15, $3  }
0x170: {  	v4 =	vmul.f32 v4, v43;
	_ =	sdelay $0x1  }
0x171: {  	s5 =	simm.s32 @!p0 $0x1DEF0;
	[tilespmem:s2+$0x1BEF0] =	vst.add.f32.msk $0xffff, v4  }
0x172: {  	[tilespmem:s5+$0x0] =	vst.add.f32.msk @!p0 $0xffff, v4  }
0x173: {  	s5 =	sshrl.u32 s26, $0x3  }
0x174: {  	s31 =	smul.u32 $0x6000, s5  }
0x175: {  	s3 =	sadd.s32 s3, s4;
	v5 =	vld [tilespmem:s18+$0x800];
	s5 =	simm.s32 $0x0  }
0x176: {  	v4 =	vld [tilespmem:s3+$0xCA80];
	s11 =	sand.u32 $0x380, s5;
	s4 =	sshra.s32 s31, $0x2  }
0x177: {  	s4 =	sor.u32 s11, s4  }
0x178: {  	v6 =	vld [tilespmem:s4+$0xCE80];
	_ =	sdelay $0x1  }
0x179: {  	v7 =	vld [tilespmem:$0x1E080]  }
0x17a: {  	v4 =	vadd.f32 v4, v5;
	_ =	sdelay $0x1  }
0x17b: {  	v4 =	vadd.f32 v6, v4;
	_ =	sdelay $0x1  }
0x17c: {  	v4 =	vadd.f32 v7, v4;
	_ =	sdelay $0x1  }
0x17d: {  	v4 =	vmax.f32 v4, $0.0e+00  }
0x17e: {  	[tilespmem:s8+$0x0] =	vst.add.f32.msk $0xffff, v4  }
0x17f: {  	s11 =	sadd.s32 $0xCA80, s3;
	v4 =	vld [tilespmem:s18+$0x810]  }
0x180: {  	v5 =	vld [tilespmem:s11+$0x10];
	_ =	sdelay $0x1  }
0x181: {  	v6 =	vld [tilespmem:s4+$0xCE90];
	_ =	sdelay $0x1  }
0x182: {  	v7 =	vld [tilespmem:$0x1E090]  }
0x183: {  	v4 =	vadd.f32 v5, v4;
	_ =	sdelay $0x1  }
0x184: {  	v4 =	vadd.f32 v6, v4;
	_ =	sdelay $0x1  }
0x185: {  	v4 =	vadd.f32 v7, v4;
	_ =	sdelay $0x1  }
0x186: {  	v4 =	vmax.f32 v4, $0.0e+00  }
0x187: {  	[tilespmem:s9+$0x0] =	vst.add.f32.msk $0xffff, v4  }
0x188: {  	v4 =	vld [tilespmem:s18+$0x820]  }
0x189: {  	v5 =	vld [tilespmem:s11+$0x20];
	_ =	sdelay $0x1  }
0x18a: {  	v6 =	vld [tilespmem:s4+$0xCEA0];
	_ =	sdelay $0x1  }
0x18b: {  	v7 =	vld [tilespmem:$0x1E0A0]  }
0x18c: {  	v4 =	vadd.f32 v5, v4;
	_ =	sdelay $0x1  }
0x18d: {  	v4 =	vadd.f32 v6, v4;
	_ =	sdelay $0x1  }
0x18e: {  	v4 =	vadd.f32 v7, v4;
	_ =	sdelay $0x1  }
0x18f: {  	v4 =	vmax.f32 v4, $0.0e+00  }
0x190: {  	[tilespmem:s10+$0x0] =	vst.add.f32.msk $0xffff, v4  }
0x191: {  	v4 =	vld [tilespmem:s18+$0x830]  }
0x192: {  	v5 =	vld [tilespmem:s11+$0x30];
	_ =	sdelay $0x1  }
0x193: {  	v6 =	vld [tilespmem:s4+$0xCEB0];
	_ =	sdelay $0x1  }
0x194: {  	v7 =	vld [tilespmem:$0x1E0B0]  }
0x195: {  	v4 =	vadd.f32 v5, v4;
	_ =	sdelay $0x1  }
0x196: {  	v4 =	vadd.f32 v6, v4;
	_ =	sdelay $0x1  }
0x197: {  	v4 =	vadd.f32 v7, v4;
	_ =	sdelay $0x1  }
0x198: {  	v4 =	vmax.f32 v4, $0.0e+00  }
0x199: {  	[tilespmem:s13+$0x0] =	vst.add.f32.msk $0xffff, v4  }
0x19a: {  	v4 =	vld [tilespmem:s18+$0x840]  }
0x19b: {  	v5 =	vld [tilespmem:s11+$0x40];
	_ =	sdelay $0x1  }
0x19c: {  	v6 =	vld [tilespmem:s4+$0xCEC0];
	_ =	sdelay $0x1  }
0x19d: {  	v7 =	vld [tilespmem:$0x1E0C0]  }
0x19e: {  	v4 =	vadd.f32 v5, v4;
	_ =	sdelay $0x1  }
0x19f: {  	v4 =	vadd.f32 v6, v4;
	_ =	sdelay $0x1  }
0x1a0: {  	v4 =	vadd.f32 v7, v4;
	_ =	sdelay $0x1  }
0x1a1: {  	v4 =	vmax.f32 v4, $0.0e+00  }
0x1a2: {  	[tilespmem:s14+$0x0] =	vst.add.f32.msk $0xffff, v4  }
0x1a3: {  	v4 =	vld [tilespmem:s18+$0x850]  }
0x1a4: {  	v5 =	vld [tilespmem:s11+$0x50];
	_ =	sdelay $0x1  }
0x1a5: {  	v6 =	vld [tilespmem:s4+$0xCED0];
	_ =	sdelay $0x1  }
0x1a6: {  	v7 =	vld [tilespmem:$0x1E0D0]  }
0x1a7: {  	v4 =	vadd.f32 v5, v4;
	_ =	sdelay $0x1  }
0x1a8: {  	v4 =	vadd.f32 v6, v4;
	_ =	sdelay $0x1  }
0x1a9: {  	v4 =	vadd.f32 v7, v4;
	_ =	sdelay $0x1  }
0x1aa: {  	v4 =	vmax.f32 v4, $0.0e+00  }
0x1ab: {  	[tilespmem:s15+$0x0] =	vst.add.f32.msk $0xffff, v4  }
0x1ac: {  	v4 =	vld [tilespmem:s18+$0x860]  }
0x1ad: {  	v5 =	vld [tilespmem:s11+$0x60];
	_ =	sdelay $0x1  }
0x1ae: {  	v6 =	vld [tilespmem:s4+$0xCEE0];
	_ =	sdelay $0x1  }
0x1af: {  	v7 =	vld [tilespmem:$0x1E0E0]  }
0x1b0: {  	v4 =	vadd.f32 v5, v4;
	_ =	sdelay $0x1  }
0x1b1: {  	v4 =	vadd.f32 v6, v4;
	_ =	sdelay $0x1  }
0x1b2: {  	v4 =	vadd.f32 v7, v4;
	_ =	sdelay $0x1  }
0x1b3: {  	v4 =	vmax.f32 v4, $0.0e+00  }
0x1b4: {  	[tilespmem:s16+$0x0] =	vst.add.f32.msk $0xffff, v4  }
0x1b5: {  	p0 =	sne.s32 s23, $0x1;
	v4 =	vld [tilespmem:s18+$0x870]  }
.Ltmp16:
0x1b6: {  	v5 =	vld [tilespmem:s11+$0x70];
	(pc) =	sbr.rel @!p0 .LBB2_16-.Ltmp16, $3  }
0x1b7: {  	_ = 	snop  }
0x1b8: {  	v6 =	vld [tilespmem:s4+$0xCEF0];
	_ =	sdelay $0x1  }
0x1b9: {  	s12 =	sadd.s32 $0xFFFFFFFF, s23;
	v7 =	vld [tilespmem:$0x1E0F0];
	s4 =	smov.u32 s26  }
.LBB2_15:
0x1ba: {  	p0 =	sne.s32 s12, $0x1;
	s5 =	sadd.s32 $0x80, s5;
	s4 =	sadd.s32 $0x1, s4  }
0x1bb: {  	s12 =	sadd.s32 $0xFFFFFFFF, s12;
	v4 =	vadd.f32 v5, v4;
	_ =	sdelay $0x1  }
0x1bc: {  	v4 =	vadd.f32 v6, v4;
	_ =	sdelay $0x1  }
0x1bd: {  	v4 =	vadd.f32 v7, v4  }
0x1be: {  	s24 =	sshrl.u32 s4, $0x3  }
0x1bf: {  	s24 =	smul.u32 $0x6000, s24;
	v4 =	vmax.f32 v4, $0.0e+00  }
0x1c0: {  	[tilespmem:s20+$0x0] =	vst.add.f32.msk $0xffff, v4  }
0x1c1: {  	s28 =	sand.u32 $0x380, s5;
	s24 =	sshra.s32 s24, $0x2;
	v4 =	vld [tilespmem:s3+$0xCA80]  }
0x1c2: {  	s24 =	sor.u32 s28, s24;
	v5 =	vld [tilespmem:s18+$0x800]  }
0x1c3: {  	v6 =	vld [tilespmem:s24+$0xCE80];
	_ =	sdelay $0x2  }
0x1c4: {  	v7 =	vld [tilespmem:$0x1E080]  }
0x1c5: {  	v4 =	vadd.f32 v4, v5;
	_ =	sdelay $0x1  }
0x1c6: {  	v4 =	vadd.f32 v6, v4;
	_ =	sdelay $0x1  }
0x1c7: {  	v4 =	vadd.f32 v7, v4;
	_ =	sdelay $0x1  }
0x1c8: {  	v4 =	vmax.f32 v4, $0.0e+00  }
0x1c9: {  	[tilespmem:s8+$0x0] =	vst.add.f32.msk $0xffff, v4  }
0x1ca: {  	v4 =	vld [tilespmem:s18+$0x810]  }
0x1cb: {  	v5 =	vld [tilespmem:s11+$0x10];
	_ =	sdelay $0x1  }
0x1cc: {  	v6 =	vld [tilespmem:s24+$0xCE90];
	_ =	sdelay $0x1  }
0x1cd: {  	v7 =	vld [tilespmem:$0x1E090]  }
0x1ce: {  	v4 =	vadd.f32 v5, v4;
	_ =	sdelay $0x1  }
0x1cf: {  	v4 =	vadd.f32 v6, v4;
	_ =	sdelay $0x1  }
0x1d0: {  	v4 =	vadd.f32 v7, v4;
	_ =	sdelay $0x1  }
0x1d1: {  	v4 =	vmax.f32 v4, $0.0e+00  }
0x1d2: {  	[tilespmem:s9+$0x0] =	vst.add.f32.msk $0xffff, v4  }
0x1d3: {  	v4 =	vld [tilespmem:s18+$0x820]  }
0x1d4: {  	v5 =	vld [tilespmem:s11+$0x20];
	_ =	sdelay $0x1  }
0x1d5: {  	v6 =	vld [tilespmem:s24+$0xCEA0];
	_ =	sdelay $0x1  }
0x1d6: {  	v7 =	vld [tilespmem:$0x1E0A0]  }
0x1d7: {  	v4 =	vadd.f32 v5, v4;
	_ =	sdelay $0x1  }
0x1d8: {  	v4 =	vadd.f32 v6, v4;
	_ =	sdelay $0x1  }
0x1d9: {  	v4 =	vadd.f32 v7, v4;
	_ =	sdelay $0x1  }
0x1da: {  	v4 =	vmax.f32 v4, $0.0e+00  }
0x1db: {  	[tilespmem:s10+$0x0] =	vst.add.f32.msk $0xffff, v4  }
0x1dc: {  	v4 =	vld [tilespmem:s18+$0x830]  }
0x1dd: {  	v5 =	vld [tilespmem:s11+$0x30]  }
0x1de: {  	v6 =	vld [tilespmem:s24+$0xCEB0];
	_ =	sdelay $0x2  }
0x1df: {  	v7 =	vld [tilespmem:$0x1E0B0]  }
0x1e0: {  	v4 =	vadd.f32 v5, v4;
	_ =	sdelay $0x1  }
0x1e1: {  	v4 =	vadd.f32 v6, v4;
	_ =	sdelay $0x1  }
0x1e2: {  	v4 =	vadd.f32 v7, v4;
	_ =	sdelay $0x1  }
0x1e3: {  	v4 =	vmax.f32 v4, $0.0e+00  }
0x1e4: {  	[tilespmem:s13+$0x0] =	vst.add.f32.msk $0xffff, v4  }
0x1e5: {  	v4 =	vld [tilespmem:s18+$0x840]  }
0x1e6: {  	v5 =	vld [tilespmem:s11+$0x40];
	_ =	sdelay $0x1  }
0x1e7: {  	v6 =	vld [tilespmem:s24+$0xCEC0];
	_ =	sdelay $0x1  }
0x1e8: {  	v7 =	vld [tilespmem:$0x1E0C0]  }
0x1e9: {  	v4 =	vadd.f32 v5, v4;
	_ =	sdelay $0x1  }
0x1ea: {  	v4 =	vadd.f32 v6, v4;
	_ =	sdelay $0x1  }
0x1eb: {  	v4 =	vadd.f32 v7, v4;
	_ =	sdelay $0x1  }
0x1ec: {  	v4 =	vmax.f32 v4, $0.0e+00  }
0x1ed: {  	[tilespmem:s14+$0x0] =	vst.add.f32.msk $0xffff, v4  }
0x1ee: {  	v4 =	vld [tilespmem:s18+$0x850]  }
0x1ef: {  	v5 =	vld [tilespmem:s11+$0x50]  }
0x1f0: {  	v6 =	vld [tilespmem:s24+$0xCED0]  }
0x1f1: {  	v7 =	vld [tilespmem:$0x1E0D0];
	_ =	sdelay $0x2  }
0x1f2: {  	v4 =	vadd.f32 v5, v4;
	_ =	sdelay $0x1  }
0x1f3: {  	v4 =	vadd.f32 v6, v4;
	_ =	sdelay $0x1  }
0x1f4: {  	v4 =	vadd.f32 v7, v4;
	_ =	sdelay $0x1  }
0x1f5: {  	v4 =	vmax.f32 v4, $0.0e+00  }
0x1f6: {  	[tilespmem:s15+$0x0] =	vst.add.f32.msk $0xffff, v4  }
0x1f7: {  	v4 =	vld [tilespmem:s18+$0x860]  }
0x1f8: {  	v5 =	vld [tilespmem:s11+$0x60]  }
0x1f9: {  	v6 =	vld [tilespmem:s24+$0xCEE0]  }
0x1fa: {  	v7 =	vld [tilespmem:$0x1E0E0];
	_ =	sdelay $0x2  }
0x1fb: {  	v4 =	vadd.f32 v5, v4;
	_ =	sdelay $0x1  }
0x1fc: {  	v4 =	vadd.f32 v6, v4;
	_ =	sdelay $0x1  }
0x1fd: {  	v4 =	vadd.f32 v7, v4;
	_ =	sdelay $0x1  }
0x1fe: {  	v4 =	vmax.f32 v4, $0.0e+00  }
.Ltmp17:
0x1ff: {  	[tilespmem:s16+$0x0] =	vst.add.f32.msk $0xffff, v4;
	(pc) =	sbr.rel @p0 .LBB2_15-.Ltmp17, $4  }
0x200: {  	v4 =	vld [tilespmem:s18+$0x870]  }
0x201: {  	v5 =	vld [tilespmem:s11+$0x70]  }
0x202: {  	v6 =	vld [tilespmem:s24+$0xCEF0]  }
0x203: {  	v7 =	vld [tilespmem:$0x1E0F0]  }
.Ltmp18:
0x204: {  	_ = 	snop;
	(pc) =	sbr.rel .LBB2_16-.Ltmp18, $1  }
0x205: {  	_ =	sdelay $0x3  }
.LBB2_18:
0x206: {  	p0 =	slt.s32 s29, $0x1  }
.Ltmp19:
0x207: {  	_ = 	snop;
	(pc) =	sbr.rel @p0 .LBB2_22-.Ltmp19, $1  }
0x208: {  	_ =	sdelay $0x3  }
0x209: {  	s3 =	smin.u32 s29, $0x4  }
0x20a: {  	p0 =	seq.s32 s3, $0x1  }
.Ltmp20:
0x20b: {  	_ = 	snop;
	(pc) =	sbr.rel @p0 .LBB2_21-.Ltmp20, $3  }
0x20c: {  	_ =	sdelay $0x1  }
0x20d: {  	_ =	swait.ge [sflag:s25], $0x400  }
0x20e: {  	s3 =	sadd.s32 $0xFFFFFFFF, s3;
	[sflag:s25] =	ssyncset.done $0x0  }
.LBB2_20:
0x20f: {  	p0 =	seq.s32 s3, $0x1;
	s3 =	sadd.s32 $0xFFFFFFFF, s3;
	[sflag:s25] =	ssyncadd.s32 $0xFFFFFC00  }
.Ltmp21:
0x210: {  	(pc) =	sbr.rel @!p0 .LBB2_20-.Ltmp21, $3  }
0x211: {  	_ =	sdelay $0x1  }
0x212: {  	_ =	swait.ge [sflag:s25], $0x400  }
0x213: {  	[sflag:s25] =	ssyncset.done $0x0  }
.LBB2_21:
0x214: {  	[sflag:s25] =	ssyncadd.s32 $0xFFFFFC00  }
.LBB2_22:
.Ltmp22:
0x215: {  	(pc) =	sbr.rel .LBB2_23-.Ltmp22, $2  }
0x216: {  	_ =	sdelay $0x2  }
0x217: {  	s19 =	simm.s32 $0x0;
	s23 =	simm.s32 $0x0  }
.LBB2_33:
0x218: {  	s0 =	simm.s32 $0x1DF80  }
0x219: {  	s12 =	simm.s32 $0x1DF90;
	[tilespmem:s0+$0x0] =	vst.add.f32.msk $0xffff, v19  }
0x21a: {  	s28 =	simm.s32 $0x1DFA0;
	[tilespmem:s12+$0x0] =	vst.add.f32.msk $0xffff, v17  }
0x21b: {  	s29 =	simm.s32 $0x1DFB0;
	[tilespmem:s28+$0x0] =	vst.add.f32.msk $0xffff, v18  }
0x21c: {  	s30 =	simm.s32 $0x1DFC0;
	[tilespmem:s29+$0x0] =	vst.add.f32.msk $0xffff, v16  }
0x21d: {  	s31 =	simm.s32 $0x1DFD0;
	[tilespmem:s30+$0x0] =	vst.add.f32.msk $0xffff, v14  }
0x21e: {  	[tilespmem:s31+$0x0] =	vst.add.f32.msk $0xffff, v15  }
0x21f: {  	[tilespmem:s17+$0x0] =	vst.add.f32.msk $0xffff, v13  }
0x220: {  	[tilespmem:s6+$0x0] =	vst.add.f32.msk $0xffff, v12  }
.LBB2_34:
0x221: {  	p0 =	slt.s32 s7, s24;
	s0 =	simm.s32 $0x1;
	s23 =	sadd.s32 $0x1, s23  }
0x222: {  	s0 =	simm.s32 @!p0 $0x0;
	p0 =	sne.s32 s23, s21  }
.Ltmp23:
0x223: {  	_ = 	snop;
	(pc) =	sbr.rel @!p0 .LBB2_35-.Ltmp23, $2  }
0x224: {  	_ =	sdelay $0x2  }
0x225: {  	s19 =	sadd.s32 s0, s19  }
.LBB2_23:
0x226: {  	s3 =	sand.u32 $0x7FFFFF80, s23  }
0x227: {  	s4 =	sand.u32 $0x7F, s23;
	s3 =	sadd.s32 s3, s2  }
0x228: {  	s3 =	sadd.s32 s4, s3  }
0x229: {  	v4 =	vld [tilespmem:s3+$0x0];
	_ =	sdelay $0x4  }
0x22a: {  	(v2sf) =	vpush v4, $0x0;
	_ =	sdelay $0xe  }
0x22b: {  	s24 =	spop (v2sf)  }
0x22c: {  	p0 =	sge.s32 s7, s24  }
.Ltmp24:
0x22d: {  	_ = 	snop;
	(pc) =	sbr.rel @p0 .LBB2_34-.Ltmp24, $1  }
0x22e: {  	_ =	sdelay $0x3  }
0x22f: {  	s11 =	sadd.s32 s26, s23;
	p0 =	sgt.s32 s19, $0x3  }
0x230: {  	s3 =	sand.u32 $0x3, s19;
	s4 =	sshll.u32 @p0 s11, $0x9  }
0x231: {  	s5 =	sshll.u32 @p0 s3, $0xA;
	s12 =	sshra.s32 @p0 s4, $0x2  }
0x232: {  	s28 =	simm.s32 @p0 $0x8;
	s5 =	sor.u32 @p0 $0x1A280, s5;
	s12 =	sadd.s32 @p0 $0x18280, s12  }
0x233: {  	[tilespmem:s5], [sflag:$0x3] =	stream.indirect.gather @p0 [hbm4b:s1+s28], $0x80, s12, s28, $0xb8;
	[tilespmem:$0x1E200] =	vst v63  }
0x234: {  	s5 =	simm.s32 @p0 $0x3  }
0x235: {  	s12 =	sshll.u32 @!p0 s11, $0x9;
	_ =	swait.ge @p0 [sflag:s5], $0x400  }
0x236: {  	s12 =	smov.u32 @p0 s4;
	[sflag:s5] =	ssyncset.done @p0 $0x0  }
0x237: {  	s4 =	sshra.s32 s12, $0x2;
	[sflag:s5] =	ssyncadd.s32 @p0 $0xFFFFFC00  }
0x238: {  	v4 =	vld [tilespmem:s4+$0x182A0];
	_ =	sdelay $0x4  }
0x239: {  	(v2sf) =	vpush v4, $0x0;
	_ =	sdelay $0xe  }
0x23a: {  	s5 =	spop (v2sf)  }
0x23b: {  	p0 =	slt.s32 s5, $0x9  }
0x23c: {  	s12 =	sadd.s32 @!p0 $0x18288, s4;
	s28 =	simm.s32 @!p0 $0x18;
	s29 =	simm.s32 @!p0 $0x1B280  }
0x23d: {  	[tilespmem:s29], [sflag:$0x1] =	stream.indirect.gather @!p0 [hbm4b:s1+s28], $0x80, s12, s28, $0xb8;
	[tilespmem:$0x1E200] =	vst v63  }
0x23e: {  	s11 =	sshrl.u32 s11, $0x3;
	s12 =	simm.s32 @!p0 $0x1  }
0x23f: {  	s11 =	smul.u32 $0x6000, s11;
	_ =	swait.ge @!p0 [sflag:s12], $0xC00  }
0x240: {  	s30 =	sshll.u32 s23, $0x7;
	[sflag:s12] =	ssyncset.done @!p0 $0x0  }
0x241: {  	s31 =	sand.u32 $0x380, s30;
	s11 =	sshra.s32 s11, $0x2;
	[sflag:s12] =	ssyncadd.s32 @!p0 $0xFFFFF400  }
0x242: {  	s11 =	sor.u32 s31, s11;
	v4 =	vld [tilespmem:s18+$0xC00]  }
0x243: {  	v5 =	vld [tilespmem:s11+$0xD680]  }
0x244: {  	v6 =	vld [tilespmem:$0x1E100]  }
0x245: {  	v7 =	vld [tilespmem:s18+$0xC10]  }
0x246: {  	v8 =	vld [tilespmem:s11+$0xD690]  }
0x247: {  	v9 =	vld [tilespmem:$0x1E110]  }
0x248: {  	v10 =	vld [tilespmem:s18+$0xC20]  }
0x249: {  	v11 =	vld [tilespmem:s11+$0xD6A0]  }
0x24a: {  	v12 =	vld [tilespmem:$0x1E120]  }
0x24b: {  	v13 =	vld [tilespmem:s18+$0xC30]  }
0x24c: {  	v14 =	vld [tilespmem:s11+$0xD6B0]  }
0x24d: {  	v15 =	vld [tilespmem:$0x1E130]  }
0x24e: {  	v16 =	vld [tilespmem:s18+$0xC40]  }
0x24f: {  	v17 =	vld [tilespmem:s11+$0xD6C0]  }
0x250: {  	v18 =	vld [tilespmem:$0x1E140]  }
0x251: {  	v22 =	vld [tilespmem:s18+$0xC60]  }
0x252: {  	v23 =	vld [tilespmem:s11+$0xD6E0]  }
0x253: {  	v19 =	vld [tilespmem:s18+$0xC50]  }
0x254: {  	v20 =	vld [tilespmem:s11+$0xD6D0]  }
0x255: {  	v21 =	vld [tilespmem:$0x1E150];
	v4 =	vadd.f32 v5, v4  }
0x256: {  	v24 =	vld [tilespmem:s18+$0xC70];
	v5 =	vadd.f32 v8, v7;
	v7 =	vadd.f32 v11, v10  }
0x257: {  	v10 =	vld [tilespmem:s11+$0xD6F0];
	v8 =	vadd.f32 v14, v13;
	v13 =	vadd.f32 v23, v22  }
0x258: {  	v11 =	vld [tilespmem:$0x1E160];
	v4 =	vadd.f32 v6, v4;
	v6 =	vadd.f32 v12, v7  }
0x259: {  	v12 =	vld [tilespmem:$0x1E170];
	v7 =	vadd.f32 v15, v8;
	v8 =	vadd.f32 v17, v16  }
.Ltmp25:
0x25a: {  	v5 =	vadd.f32 v9, v5;
	v9 =	vadd.f32 v20, v19;
	v15 =	vimm.f32 $0.0e+00;
	(pc) =	sbr.rel .LBB2_25-.Ltmp25, $4  }
0x25b: {  	v16 =	vimm.f32 $0.0e+00;
	v17 =	vimm.f32 $0.0e+00;
	v8 =	vadd.f32 v18, v8  }
0x25c: {  	v19 =	vimm.f32 $0.0e+00;
	v9 =	vadd.f32 v21, v9;
	v14 =	vadd.f32 v10, v24  }
0x25d: {  	v18 =	vimm.f32 $0.0e+00;
	v10 =	vadd.f32 v11, v13;
	v13 =	vimm.f32 $0.0e+00  }
0x25e: {  	s12 =	sshll.u32 s3, $0x3;
	s3 =	simm.s32 $0x0;
	s11 =	sadd.s32 $0x18280, s4;
	v11 =	vadd.f32 v12, v14;
	v12 =	vimm.f32 $0.0e+00;
	v14 =	vimm.f32 $0.0e+00  }
.LBB2_39:
0x25f: {  	v19 =	vpsel p0, v19, v19;
	v17 =	vpsel p0, v17, v17  }
0x260: {  	v18 =	vpsel p0, v18, v18;
	v16 =	vpsel p0, v16, v16;
	v14 =	vpsel p0, v14, v14  }
0x261: {  	v15 =	vpsel p0, v15, v15;
	v13 =	vpsel p0, v13, v13;
	v12 =	vpsel p0, v12, v12  }
.LBB2_32:
0x262: {  	s3 =	sadd.s32 $0x1, s3  }
0x263: {  	p0 =	sne.s32 s3, s21  }
.Ltmp26:
0x264: {  	_ = 	snop;
	(pc) =	sbr.rel @!p0 .LBB2_33-.Ltmp26, $1  }
0x265: {  	_ =	sdelay $0x3  }
.LBB2_25:
0x266: {  	p0 =	seq.s32 s3, s23  }
0x267: {  	p1 =	slt.s32 @!p0 s5, $0x1  }
0x268: {  	p1 =	por p0, p1  }
.Ltmp27:
0x269: {  	_ = 	snop;
	(pc) =	sbr.rel @p1 .LBB2_39-.Ltmp27, $1  }
0x26a: {  	_ =	sdelay $0x3  }
0x26b: {  	s4 =	sadd.s32 @!p0 s26, s3  }
0x26c: {  	s4 =	sshrl.u32 @!p0 s4, $0x3  }
0x26d: {  	s4 =	smul.u32 @!p0 $0x6000, s4  }
0x26e: {  	s28 =	sshll.u32 @!p0 s3, $0x7  }
0x26f: {  	s28 =	sand.u32 @!p0 $0x380, s28;
	s4 =	sshra.s32 @!p0 s4, $0x2  }
0x270: {  	s4 =	sor.u32 @!p0 s28, s4  }
0x271: {  	v20 =	vld @!p0 [tilespmem:s4+$0xD280]  }
0x272: {  	v21 =	vld @!p0 [tilespmem:s4+$0xD290]  }
0x273: {  	v22 =	vld @!p0 [tilespmem:s4+$0xD2A0]  }
0x274: {  	v23 =	vld @!p0 [tilespmem:s4+$0xD2B0]  }
0x275: {  	v24 =	vld @!p0 [tilespmem:s4+$0xD2C0]  }
0x276: {  	v25 =	vld @!p0 [tilespmem:s4+$0xD2D0]  }
0x277: {  	v26 =	vld @!p0 [tilespmem:s4+$0xD2E0]  }
0x278: {  	v29 =	vld @!p0 [tilespmem:s4+$0xD2F0];
	s4 =	simm.s32 @!p0 $0x0  }
0x279: {  	s28 =	sand.u32 $0x7FFFFF80, s4  }
0x27a: {  	s4 =	sand.u32 $0x7F, s4;
	s28 =	sadd.s32 s28, s11  }
0x27b: {  	s4 =	sadd.s32 s4, s28;
	v27 =	vadd.f32 @!p0 v22, v6  }
0x27c: {  	v22 =	vadd.f32 @!p0 v25, v9;
	v25 =	vadd.f32 @!p0 v26, v10;
	v26 =	vld [tilespmem:s4+$0x0];
	_ =	sdelay $0x4  }
0x27d: {  	(v2sf) =	vpush v26, $0x0;
	_ =	sdelay $0x2  }
0x27e: {  	v28 =	vadd.f32 @!p0 v20, v4  }
0x27f: {  	v21 =	vadd.f32 @!p0 v21, v5;
	v23 =	vadd.f32 @!p0 v23, v7  }
0x280: {  	s29 =	smov.u32 s12;
	v20 =	vadd.f32 @!p0 v24, v8;
	v24 =	vadd.f32 @!p0 v29, v11;
	p0 =	por $0x1, $0x1  }
0x281: {  	s29 =	simm.s32 @!p0 $0x18  }
0x282: {  	p1 =	sne.s32 s5, $0x1;
	s31 =	sadd.s32 $0x0, s29  }
.Ltmp28:
0x283: {  	s4 =	sshll.u32 s31, $0x9;
	(pc) =	sbr.rel @!p1 .LBB2_27-.Ltmp28, $4  }
0x284: {  	s4 =	sshra.s32 s4, $0x2  }
0x285: {  	v40 =	vld [tilespmem:s4+$0x1A280]  }
0x286: {  	v37 =	vld [tilespmem:s4+$0x1A2A0]  }
0x287: {  	s28 =	simm.s32 $0x1;
	p0 =	por $0x0, $0x0;
	v26 =	vld [tilespmem:s4+$0x1A2D0]  }
0x288: {  	s29 =	sand.u32 $0x7FFFFF80, s28;
	v31 =	vld [tilespmem:s4+$0x1A2E0]  }
0x289: {  	s28 =	sand.u32 $0x7F, s28;
	v33 =	vld [tilespmem:s4+$0x1A2B0];
	s29 =	sadd.s32 s29, s11  }
0x28a: {  	v29 =	vld [tilespmem:s4+$0x1A2F0];
	s28 =	sadd.s32 s28, s29  }
0x28b: {  	p0 =	por $0x1, $0x1;
	s29 =	smov.u32 s12;
	v34 =	vld [tilespmem:s28+$0x0]  }
0x28c: {  	v35 =	vld [tilespmem:s4+$0x1A290];
	s29 =	simm.s32 @!p0 $0x18  }
0x28d: {  	v36 =	vld [tilespmem:s4+$0x1A2C0];
	v30 =	vadd.f32 v40, v28;
	v32 =	vadd.f32 v37, v27;
	s28 =	sadd.s32 $0x1, s29  }
0x28e: {  	p1 =	sne.s32 s5, $0x2;
	s31 =	sshll.u32 s28, $0x9;
	v31 =	vadd.f32 v31, v25;
	v33 =	vadd.f32 v33, v23  }
.Ltmp29:
0x28f: {  	v30 =	vmax.f32 v30, $0.0e+00;
	v46 =	vadd.f32 v26, v22;
	v29 =	vadd.f32 v29, v24;
	s4 =	sshra.s32 s31, $0x2;
	(pc) =	sbr.rel @!p1 .LBB2_29-.Ltmp29, $4  }
0x290: {  	v40 =	vld [tilespmem:s4+$0x1A280];
	v39 =	vmax.f32 v31, $0.0e+00;
	v31 =	vmax.f32 v33, $0.0e+00;
	(v2sf) =	vpush v34, $0x0  }
0x291: {  	v38 =	vmovc v16;
	v41 =	vmovc v18;
	v30 =	vadd.f32 v30, v19;
	v32 =	vmax.f32 v32, $0.0e+00;
	v44 =	vadd.f32 v35, v21;
	v37 =	vld [tilespmem:s4+$0x1A2A0]  }
0x292: {  	v45 =	vadd.f32 v36, v20;
	v36 =	vmovc v19;
	v35 =	vmovc v12;
	v32 =	vadd.f32 v32, v18;
	v43 =	vmax.f32 v29, $0.0e+00  }
0x293: {  	p0 =	por $0x1, $0x1;
	s28 =	simm.s32 $0x2;
	v26 =	vld [tilespmem:s4+$0x1A2D0];
	v42 =	vadd.f32 v31, v16;
	v34 =	vmovc v13;
	v29 =	vmovc v15;
	v33 =	vmov v14;
	v31 =	vmov v17  }
.LBB2_30:
0x294: {  	s29 =	sand.u32 $0x7FFFFF80, s28;
	p1 =	slt.u32 s28, $0x8;
	s30 =	smov.u32 s28  }
0x295: {  	v40 =	vadd.f32 v40, v28;
	v47 =	vld [tilespmem:s4+$0x1A2F0];
	v44 =	vmax.f32 v44, $0.0e+00;
	v46 =	vmax.f32 v46, $0.0e+00;
	s28 =	sadd.s32 $0x1, s28;
	s31 =	sand.u32 $0x7F, s30;
	s29 =	sadd.s32 s29, s11  }
0x296: {  	v37 =	vadd.f32 v37, v27;
	v48 =	vld [tilespmem:s4+$0x1A2E0];
	v45 =	vmax.f32 v45, $0.0e+00;
	v46 =	vadd.f32 v46, v29;
	s0 =	spop (v2sf);
	s29 =	sadd.s32 s31, s29;
	s31 =	smov.u32 s12  }
0x297: {  	v44 =	vadd.f32 v44, v31;
	v40 =	vmax.f32 v40, $0.0e+00;
	v49 =	vld [tilespmem:s4+$0x1A2B0];
	p2 =	seq.s32 s0, s7;
	v45 =	vadd.f32 v45, v33;
	s31 =	simm.s32 @!p1 $0x18  }
0x298: {  	v39 =	vadd.f32 v39, v34;
	v43 =	vadd.f32 v43, v35;
	p1 =	sne.s32 s5, s28;
	v36 =	vpsel p2, v36, v30;
	v50 =	vld [tilespmem:s29+$0x0];
	s0 =	sadd.s32 s30, s31  }
0x299: {  	v38 =	vpsel p2, v38, v42;
	v30 =	vadd.f32 v40, v36;
	v33 =	vpsel p2, v33, v45;
	s0 =	sshll.u32 s0, $0x9;
	v51 =	vld [tilespmem:s4+$0x1A290]  }
0x29a: {  	v41 =	vpsel p2, v41, v32;
	v34 =	vpsel p2, v34, v39;
	v35 =	vpsel p2, v35, v43;
	v45 =	vld [tilespmem:s4+$0x1A2C0];
	s4 =	sshra.s32 s0, $0x2  }
.Ltmp30:
0x29b: {  	v32 =	vmax.f32 v37, $0.0e+00;
	v31 =	vpsel p2, v31, v44;
	v39 =	vadd.f32 v48, v25;
	v40 =	vld [tilespmem:s4+$0x1A280];
	(pc) =	sbr.rel @p1 .LBB2_30-.Ltmp30, $4  }
0x29c: {  	v29 =	vpsel p2, v29, v46;
	v32 =	vadd.f32 v32, v41;
	v42 =	vadd.f32 v49, v23;
	v37 =	vld [tilespmem:s4+$0x1A2A0]  }
0x29d: {  	v43 =	vadd.f32 v47, v24;
	v39 =	vmax.f32 v39, $0.0e+00;
	(v2sf) =	vpush v50, $0x0  }
0x29e: {  	v46 =	vadd.f32 v26, v22;
	v42 =	vmax.f32 v42, $0.0e+00;
	v44 =	vadd.f32 v51, v21  }
0x29f: {  	v43 =	vmax.f32 v43, $0.0e+00;
	v42 =	vadd.f32 v42, v38;
	v26 =	vld [tilespmem:s4+$0x1A2D0];
	v45 =	vadd.f32 v45, v20  }
.LBB2_31:
0x2a0: {  	s0 =	spop @p0 (v2sf);
	v28 =	vadd.f32 v40, v28;
	v40 =	vmax.f32 @p0 v44, $0.0e+00  }
0x2a1: {  	v44 =	vmax.f32 @p0 v46, $0.0e+00;
	v39 =	vadd.f32 @p0 v39, v34;
	p1 =	seq.s32 @p0 s0, s7;
	v27 =	vadd.f32 v37, v27  }
0x2a2: {  	v59 =	vld [tilespmem:s4+$0x1A2F0];
	v37 =	vmax.f32 @p0 v45, $0.0e+00;
	v44 =	vadd.f32 @p0 v44, v29;
	v40 =	vadd.f32 @p0 v40, v31;
	p1 =	por !p1, !p0  }
0x2a3: {  	v60 =	vld [tilespmem:s4+$0x1A2E0];
	v28 =	vmax.f32 v28, $0.0e+00;
	v37 =	vadd.f32 @p0 v37, v33;
	v30 =	vpsel p1, v30, v36  }
0x2a4: {  	v61 =	vld [tilespmem:s4+$0x1A2B0];
	v38 =	vpsel p1, v42, v38;
	v32 =	vpsel p1, v32, v41;
	v34 =	vpsel p1, v39, v34  }
0x2a5: {  	v62 =	vld [tilespmem:s4+$0x1A290];
	v27 =	vmax.f32 v27, $0.0e+00;
	v31 =	vpsel p1, v40, v31;
	v29 =	vpsel p1, v44, v29  }
0x2a6: {  	v63 =	vld [tilespmem:s4+$0x1A2C0];
	v19 =	vpsel p0, v30, v19;
	v30 =	vadd.f32 @p0 v43, v35;
	v33 =	vpsel p1, v37, v33  }
0x2a7: {  	v18 =	vpsel p0, v32, v18;
	v22 =	vadd.f32 v26, v22;
	v16 =	vpsel p0, v38, v16  }
0x2a8: {  	v15 =	vpsel p0, v29, v15;
	v28 =	vadd.f32 v28, v19;
	v25 =	vadd.f32 v60, v25  }
0x2a9: {  	v17 =	vpsel p0, v31, v17;
	v27 =	vadd.f32 v27, v18;
	v23 =	vadd.f32 v61, v23  }
0x2aa: {  	v13 =	vpsel p0, v34, v13;
	v24 =	vadd.f32 v59, v24;
	v21 =	vadd.f32 v62, v21  }
0x2ab: {  	v20 =	vadd.f32 v63, v20;
	v14 =	vpsel p0, v33, v14;
	v30 =	vpsel p1, v30, v35  }
0x2ac: {  	v22 =	vmax.f32 v22, $0.0e+00;
	v25 =	vmax.f32 v25, $0.0e+00;
	v23 =	vmax.f32 v23, $0.0e+00  }
0x2ad: {  	v24 =	vmax.f32 v24, $0.0e+00;
	v21 =	vmax.f32 v21, $0.0e+00;
	v22 =	vadd.f32 v22, v15  }
.Ltmp31:
0x2ae: {  	v20 =	vmax.f32 v20, $0.0e+00;
	v23 =	vadd.f32 v23, v16;
	v21 =	vadd.f32 v21, v17;
	s31 =	spop (v2sf);
	(pc) =	sbr.rel .LBB2_32-.Ltmp31, $4  }
0x2af: {  	v12 =	vpsel p0, v30, v12;
	v20 =	vadd.f32 v20, v14;
	v25 =	vadd.f32 v25, v13;
	p6 =	seq.s32 s31, s7  }
0x2b0: {  	v24 =	vadd.f32 v24, v12;
	v19 =	vpsel p6, v19, v28;
	v16 =	vpsel p6, v16, v23  }
0x2b1: {  	v14 =	vpsel p6, v14, v20;
	v18 =	vpsel p6, v18, v27;
	v13 =	vpsel p6, v13, v25  }
0x2b2: {  	v12 =	vpsel p6, v12, v24;
	v17 =	vpsel p6, v17, v21;
	v15 =	vpsel p6, v15, v22  }
.LBB2_27:
.Ltmp32:
0x2b3: {  	(pc) =	sbr.rel .LBB2_31-.Ltmp32, $3  }
0x2b4: {  	_ =	sdelay $0x1  }
0x2b5: {  	v29 =	vmov v15;
	v31 =	vmov v17;
	v33 =	vmov v14  }
0x2b6: {  	v36 =	vmovc v19;
	v34 =	vmovc v13;
	v35 =	vmov v12;
	v38 =	vmov v16;
	v41 =	vmov v18  }
.LBB2_29:
.Ltmp33:
0x2b7: {  	(pc) =	sbr.rel .LBB2_31-.Ltmp33, $3  }
0x2b8: {  	_ =	sdelay $0x1  }
0x2b9: {  	v29 =	vmov v15;
	v31 =	vmov v17;
	v33 =	vmov v14  }
0x2ba: {  	v36 =	vmovc v19;
	v34 =	vmovc v13;
	v35 =	vmov v12;
	v38 =	vmov v16;
	v41 =	vmov v18  }
.LBB2_38:
0x2bb: {  	_ =	sfence.sel $0x180000  }
0x2bc: {  	[bflag:$0x0] =	sbarrier.arrive $0xFFFF  }
0x2bd: {  	_ =	strace $0x9000004A  }
0x2be: {  	s0 =	stileid.u32;
	[bflag:$0x2] =	sbarrier.arrive $0xFFFF  }
0x2bf: {  	p0 =	sne.s32 s0, $0x0;
	s0 =	rddreg [dreg:$0x2]  }
0x2c0: {  	s0 =	sadd.s32 @!p0 $0x100000, s0  }
0x2c1: {  	[sflag:s0] =	ssyncadd.tile.s32 @!p0 $0x1;
	_ =	shalt  }
.Lfunc_end2:
_tile_overlayer_lowered:
.L_overlay_start_2:
0x2c2: {  	(tag) =	ssettag $0x2  }
0x2c3: {  	s0 =	rddreg [dreg:$0x0];
	s2 =	stileid.u32  }
0x2c4: {  	s1 =	rddreg [dreg:$0x1];
	p0 =	sne.s32 s2, $0x0  }
0x2c5: {  	s3 =	rddreg [dreg:$0x2];
	[bflag:$0x3] =	sbarrier.arrive $0xFFFF;
	s2 =	simm.s32 @!p0 $0x1C04  }
0x2c6: {  	[timem:s3], [sflag:s2] =	dma.local @!p0 [hbm:s0], s1  }
0x2c7: {  	s0 =	simm.s32 @!p0 $0x4  }
0x2c8: {  	_ =	swait.ge @!p0 [sflag:s0], s1  }
0x2c9: {  	s1 =	ssub.s32 @!p0 $0x0, s1;
	[sflag:s0] =	ssyncset.done @!p0 $0x0  }
0x2ca: {  	[sflag:s0] =	ssyncadd.s32 @!p0 s1  }
0x2cb: {  	[bflag:$0x3] =	sbarrier.arrive $0xFFFF  }
0x2cc: {  	_ =	shalt  }

// kernel: kernel.7.cloned.1.call-start
scs
__scs_entry_jumppad:
0x0: {  	(pc) =	sbr.rel $0x88, $3  }
0x1: {  	(tag) =	ssettag $0x0;
	lr =	simm.s32 $0x1  }
0x2: {  	[smem:$0x3F94] =	sst lr;
	_ =	strace $0xD0000000  }
0x3: {  	_ = 	snop  }
0x4: {  	_ = 	snop  }
0x5: {  	_ = 	snop  }
0x6: {  	_ = 	snop  }
0x7: {  	_ = 	snop  }
__scs_overlays_trampoline_lowered:
0x8: {  	[smem:$0x3FA3] =	sst s0  }
0x9: {  	[smem:$0x3FA4] =	sst s1  }
0xa: {  	[smem:$0x3FA5] =	sst s2  }
0xb: {  	[smem:$0x3FA6] =	sst s3  }
0xc: {  	[smem:$0x3FA7] =	sst s4  }
0xd: {  	[smem:$0x3FA8] =	sst s5  }
0xe: {  	[smem:$0x3FA9] =	sst s6  }
0xf: {  	[smem:$0x3FAA] =	sst s7  }
0x10: {  	[smem:$0x3FAB] =	sst s8  }
0x11: {  	[smem:$0x3FAC] =	sst s9;
	s0 =	simm.s32 @!p0 $0x0  }
0x12: {  	s1 =	sld [smem:$0x3F92];
	s0 =	simm.s32 @p0 $0x1  }
0x13: {  	[smem:$0x3FAD] =	sst s0;
	s0 =	simm.s32 @!p1 $0x0  }
0x14: {  	s2 =	sld [smem:$0x3F91];
	s0 =	simm.s32 @p1 $0x1  }
0x15: {  	[smem:$0x3FAE] =	sst s0;
	s0 =	simm.s32 @!p2 $0x0  }
0x16: {  	s3 =	sld [smem:$0x3FDB];
	s0 =	simm.s32 @p2 $0x1  }
0x17: {  	s4 =	simm.s32 $0x1BF5;
	[smem:$0x3FB0] =	sst s0  }
0x18: {  	s0 =	sld [smem:$0x3F93];
	_ =	swait.ge [sflag:s4], $0x0  }
0x19: {  	s7 =	sld [smem:$0x3F94]  }
0x1a: {  	s8 =	sadd.s32 $0xFFFFE003, lr  }
0x1b: {  	s9 =	sadd.s32 $0xFFFFFEF7, lr;
	s5 =	simm.s32 $0xFFFFFFFF;
	p2 =	slt.u32 s8, $0xFFFFF086  }
0x1c: {  	p1 =	slt.u32 s9, $0xF7A;
	s5 =	simm.s32 @!p2 $0x0  }
0x1d: {  	s5 =	simm.s32 @p1 $0x1;
	p0 =	seq.s32 s7, s2  }
0x1e: {  	s7 =	smul.u32 @!p0 $0xF7A, s2;
	p2 =	seq.s32 @!p0 s5, $0x0  }
0x1f: {  	s9 =	smul.u32 $0xF7A, s1;
	s8 =	simm.s32 @!p0 $0x1BF5;
	p2 =	por !p2, p0  }
0x20: {  	[sflag:s8] =	ssyncset.s32 @!p0 $0xFFFFF086;
	s6 =	sadd.s32 @!p0 s3, s7;
	s7 =	simm.s32 @!p0 $0x108  }
0x21: {  	s3 =	sadd.s32 s3, s9;
	s6 =	sadd.s32 @!p0 $0x88, s6;
	s7 =	simm.s32 @p2 $0x1082  }
0x22: {  	[simem:s7], [sflag:s8] =	dma.local @!p0 [hbm:s6], $0xF7A  }
0x23: {  	s9 =	sor.u32 $0xD0000000, s2;
	s6 =	simm.s32 $0x108;
	_ =	swait.ge @!p0 [sflag:s8], $0x0  }
0x24: {  	s3 =	sadd.s32 $0x88, s3;
	s6 =	simm.s32 @!p1 $0x1082;
	[sflag:s4] =	ssyncset.s32 $0xFFFFF086  }
0x25: {  	[simem:s6], [sflag:s4] =	dma.local [hbm:s3], $0xF7A  }
0x26: {  	[smem:$0x3F94] =	sst s1;
	(tag) =	ssettag s2;
	_ =	strace s9  }
0x27: {  	s1 =	sld [smem:$0x3FA4]  }
0x28: {  	s2 =	sld [smem:$0x3FA5]  }
0x29: {  	s4 =	sld [smem:$0x3FA7]  }
0x2a: {  	p0 =	seq.s32 s5, $0x0;
	s5 =	sld [smem:$0x3FA8]  }
0x2b: {  	s6 =	sld [smem:$0x3FA9]  }
0x2c: {  	s7 =	sld [smem:$0x3FAA]  }
0x2d: {  	s3 =	simm.s32 $0x108;
	s8 =	sld [smem:$0x3FAB]  }
0x2e: {  	s3 =	simm.s32 @!p0 $0x1082;
	s9 =	sld [smem:$0x3FAC]  }
0x2f: {  	lr =	sadd.s32 s0, s3;
	s0 =	sld [smem:$0x3FA3]  }
0x30: {  	s3 =	sld [smem:$0x3FA6]  }
0x31: {  	[smem:$0x3FAF] =	sst s10  }
0x32: {  	s10 =	sld [smem:$0x3FAD];
	_ =	sdelay $0x3  }
0x33: {  	p0 =	seq.s32 s10, $0x1;
	s10 =	sld [smem:$0x3FAF];
	_ =	sdelay $0x3  }
0x34: {  	[smem:$0x3FAF] =	sst s10  }
0x35: {  	s10 =	sld [smem:$0x3FAE];
	_ =	sdelay $0x3  }
0x36: {  	p1 =	seq.s32 s10, $0x1;
	s10 =	sld [smem:$0x3FAF];
	_ =	sdelay $0x3  }
0x37: {  	[smem:$0x3FAF] =	sst s10  }
0x38: {  	s10 =	sld [smem:$0x3FB0]  }
0x39: {  	_ = 	snop;
	(pc) =	sbr.ind lr, $3  }
0x3a: {  	_ = 	snop  }
0x3b: {  	_ = 	snop  }
0x3c: {  	p2 =	seq.s32 s10, $0x1;
	s10 =	sld [smem:$0x3FAF]  }
0x3d: {  	_ =	shalt  }
0x3e: {  	_ =	shalt  }
0x3f: {  	_ =	shalt  }
0x40: {  	_ =	shalt  }
0x41: {  	_ =	shalt  }
0x42: {  	_ =	shalt  }
0x43: {  	_ =	shalt  }
0x44: {  	_ =	shalt  }
0x45: {  	_ =	shalt  }
0x46: {  	_ =	shalt  }
0x47: {  	_ =	shalt  }
0x48: {  	_ =	shalt  }
0x49: {  	_ =	shalt  }
0x4a: {  	_ =	shalt  }
0x4b: {  	_ =	shalt  }
0x4c: {  	_ =	shalt  }
0x4d: {  	_ =	shalt  }
0x4e: {  	_ =	shalt  }
0x4f: {  	_ =	shalt  }
0x50: {  	_ =	shalt  }
0x51: {  	_ =	shalt  }
0x52: {  	_ =	shalt  }
0x53: {  	_ =	shalt  }
0x54: {  	_ =	shalt  }
0x55: {  	_ =	shalt  }
0x56: {  	_ =	shalt  }
0x57: {  	_ =	shalt  }
0x58: {  	_ =	shalt  }
0x59: {  	_ =	shalt  }
0x5a: {  	_ =	shalt  }
0x5b: {  	_ =	shalt  }
0x5c: {  	_ =	shalt  }
0x5d: {  	_ =	shalt  }
0x5e: {  	_ =	shalt  }
0x5f: {  	_ =	shalt  }
0x60: {  	_ =	shalt  }
0x61: {  	_ =	shalt  }
0x62: {  	_ =	shalt  }
0x63: {  	_ =	shalt  }
0x64: {  	_ =	shalt  }
0x65: {  	_ =	shalt  }
0x66: {  	_ =	shalt  }
0x67: {  	_ =	shalt  }
0x68: {  	_ =	shalt  }
0x69: {  	_ =	shalt  }
0x6a: {  	_ =	shalt  }
0x6b: {  	_ =	shalt  }
0x6c: {  	_ =	shalt  }
0x6d: {  	_ =	shalt  }
0x6e: {  	_ =	shalt  }
0x6f: {  	_ =	shalt  }
0x70: {  	_ =	shalt  }
0x71: {  	_ =	shalt  }
0x72: {  	_ =	shalt  }
0x73: {  	_ =	shalt  }
0x74: {  	_ =	shalt  }
0x75: {  	_ =	shalt  }
0x76: {  	_ =	shalt  }
0x77: {  	_ =	shalt  }
0x78: {  	_ =	shalt  }
0x79: {  	_ =	shalt  }
0x7a: {  	_ =	shalt  }
0x7b: {  	_ =	shalt  }
0x7c: {  	_ =	shalt  }
0x7d: {  	_ =	shalt  }
0x7e: {  	_ =	shalt  }
0x7f: {  	_ =	shalt  }
0x80: {  	_ =	shalt  }
0x81: {  	_ =	shalt  }
0x82: {  	_ =	shalt  }
0x83: {  	_ =	shalt  }
0x84: {  	_ =	shalt  }
0x85: {  	_ =	shalt  }
0x86: {  	_ =	shalt  }
0x87: {  	_ =	shalt  }
.Lfunc_end0:
.L_simem_size_0:
called_computation_lowered:
.L_overlay_start_0:
0x88: {  	s2 =	sld [smem:$0x3FD9]  }
0x89: {  	s3 =	sld [smem:$0x3FFE];
	_ =	sdelay $0x1  }
0x8a: {  	s1 =	srdreg.scid  }
0x8b: {  	s0 =	sand.u32 $0x1, s1  }
0x8c: {  	s16 =	sshll.u32 s0, $0xA;
	s2 =	sadd.s32 s3, s2  }
0x8d: {  	s2 =	sadd.s32 s2, s16  }
0x8e: {  	[smem:$0x3FBB] =	sst s2  }
0x8f: {  	_ = 	snop  }
0x90: {  	(tm) =	ssettm $0x1  }
0x91: {  	s17 =	sld [smem:$0x3FFB];
	_ =	sdelay $0x3  }
0x92: {  	_ =	strace s17  }
0x93: {  	s2 =	sld [smem:$0x3FFC];
	_ =	sdelay $0x3  }
0x94: {  	_ =	strace s2  }
0x95: {  	s2 =	sld [smem:$0x3FFD];
	_ =	sdelay $0x3  }
0x96: {  	_ =	strace s2  }
0x97: {  	_ =	strace $0x8FFFFFFF  }
0x98: {  	s18 =	sld [smem:$0x3FDB];
	_ =	sdelay $0x1  }
0x99: {  	s19 =	simm.s32 $_scs_section_size  }
0x9a: {  	s4 =	simm.s32 $_size__tile_overlayer_lowered;
	s5 =	simm.s32 $_tile_overlayer_lowered  }
0x9b: {  	s22 =	simm.s32 $0x1BFF;
	s21 =	sshll.u32 s5, $0x1;
	s2 =	sadd.s32 s19, s18  }
0x9c: {  	s6 =	simm.s32 $0x0;
	s20 =	sshll.u32 s4, $0x1;
	s4 =	sadd.s32 s21, s2  }
0x9d: {  	[timem:s6], [sflag:s22] =	dma.local [hbm:s4], s20  }
0x9e: {  	_ =	swait.ge [sflag:s22], s20  }
0x9f: {  	s3 =	ssub.s32 $0x0, s20;
	[sflag:s22] =	ssyncset.done $0x0  }
0xa0: {  	[sflag:s22] =	ssyncadd.s32 s3;
	_ =	sdelay $0x1  }
0xa1: {  	s23 =	simm.s32 $0x1B8B  }
0xa2: {  	_ =	swait.ge [sflag:s23], $0x1  }
0xa3: {  	[sflag:s23] =	ssyncset.done $0x0  }
0xa4: {  	s25 =	simm.s32 $0x1B8E;
	s24 =	sld [smem:$0x3FFE];
	[sflag:s23] =	ssyncadd.s32 $0xFFFFFFFF  }
0xa5: {  	s26 =	simm.s32 $execute0_lowered;
	[smem:$0x3FD2] =	sst s25  }
0xa6: {  	s4 =	sshll.u32 s26, $0x1;
	_ =	strace $0x80000046;
	[dreg:$0x1] =	wrdreg $0xFFFFFFFF  }
0xa7: {  	s28 =	simm.s32 $_size_execute0_lowered;
	s2 =	sadd.s32 s2, s4;
	[dreg:$0x0] =	wrdreg $0x0  }
0xa8: {  	s4 =	sshll.u32 s28, $0x1;
	[dreg:$0x2] =	wrdreg s2  }
0xa9: {  	[dreg:$0x3] =	wrdreg s4  }
0xaa: {  	[dreg:$0x4] =	wrdreg $0xC0  }
0xab: {  	_ =	task [dreg:s6], $0x5FFFF  }
0xac: {  	[dreg:$0x1] =	wrdreg $0xFFFFFFFF  }
0xad: {  	[dreg:$0x0] =	wrdreg $0x60  }
0xae: {  	[dreg:$0x2] =	wrdreg s24  }
0xaf: {  	[dreg:$0x3] =	wrdreg $0x9  }
0xb0: {  	_ =	task.clear_ibuf [dreg:s6], $0x4FFFF;
	_ =	strace $0x90000046  }
0xb1: {  	s29 =	simm.s32 $0x9;
	_ =	strace $0x80000048  }
0xb2: {  	_ =	swait.ge [sflag:s29], $0x1  }
0xb3: {  	[sflag:s29] =	ssyncadd.s32 $0xFFFFFFFF  }
0xb4: {  	_ =	strace $0x90000048  }
0xb5: {  	_ =	sfence  }
0xb6: {  	s30 =	sld [smem:$0x0];
	_ =	sdelay $0x2  }
0xb7: {  	s31 =	sshll.u32 s1, $0xD;
	s1 =	sshrl.u32 s1, $0x2  }
0xb8: {  	s3 =	sand.u32 $0x4000, s31;
	s1 =	sadd.s32 s1, s30  }
0xb9: {  	s0 =	sor.u32 s3, s0;
	s1 =	sshll.u32 s1, $0x11  }
0xba: {  	s0 =	sor.u32 s1, s0  }
0xbb: {  	s0 =	sadd.s32 $0x8F2B, s0  }
0xbc: {  	[sflag:s0] =	ssyncadd.remote.s32 $0x1  }
0xbd: {  	_ =	sfence.sel $0xFFFF  }
0xbe: {  	[dreg:$0x0] =	wrdreg $0xFFFFFFFF;
	(pc) =	sbr.abs _section_cstart, $3  }
0xbf: {  	[dreg:$0x1] =	wrdreg $0xFFFFFFFF  }
0xc0: {  	_ =	task.clear_ibuf [dreg:s6], $0x2FFFF;
	_ =	strace $0x9FFFFFFF  }
0xc1: {  	(tm) =	ssettm $0x7FFFFFFF  }
tec
execute0_lowered:
.L_overlay_start_1:
0x0: {  	(tag) =	ssettag $0x1  }
0x1: {  	s2 =	rddreg [dreg:$0x0];
	s1 =	simm.s32 $0x0;
	s3 =	srdreg.scid  }
0x2: {  	s9 =	simm.s32 $0x4000;
	s10 =	simm.s32 $0x4400;
	s11 =	simm.s32 $0x0  }
0x3: {  	[smem:$0x7FF] =	sst s1;
	s6 =	sand.u32 $0x1, s3;
	s3 =	sadd.s32 $0x3600, s2  }
0x4: {  	s4 =	sadd.s32 $0x83600, s2;
	s5 =	sadd.s32 $0x8B600, s2;
	s7 =	ssub.s32 $0x2, s6  }
0x5: {  	s2 =	stileid.u32;
	_ =	strace $0x80000047;
	s8 =	sshrl.u32 s7, $0x1  }
0x6: {  	v0 =	vimm.s32 $0x0;
	s31 =	sshll.u32 s2, $0x4;
	s6 =	sshll.u32 s6, $0x3;
	s7 =	ssub.s32 s7, s8  }
0x7: {  	v1 =	vimm.f32 $0.0e+00;
	v2 =	vlaneseq.u32;
	vm0 =	vcmask $0x300;
	s6 =	sor.u32 s6, s31;
	s8 =	simm.s32 $0x1;
	s7 =	smax.u32 s7, $0x1  }
.LBB2_1:
0x8: {  	s12 =	simm.s32 $0x0  }
.LBB2_2:
0x9: {  	s13 =	sadd.s32 s6, s12  }
0xa: {  	s14 =	sshll.u32 s13, $0xB  }
0xb: {  	s15 =	sadd.s32 s3, s14;
	s14 =	simm.s32 $0x0  }
0xc: {  	[tilespmem:s14], [sflag:$0x1] =	stream.linear.gather [hbm4b:s15+s14], $0x4000, $0x38;
	[tilespmem:$0x4800] =	vst v63  }
0xd: {  	_ =	swait.ge [sflag:s8], $0x4000  }
0xe: {  	[sflag:s8] =	ssyncset.done $0x0  }
0xf: {  	s15 =	simm.s32 $0x0;
	[sflag:s8] =	ssyncadd.s32 $0xFFFFC000  }
.LBB2_3:
0x10: {  	s17 =	sshll.u32 s15, $0x8  }
0x11: {  	s19 =	sshllo.u32 s15, $0x1;
	[tilespmem:s17+$0x4000] =	vst v0  }
0x12: {  	s16 =	sshll.u32 s19, $0x7;
	[tilespmem:s17+$0x4400] =	vst v1  }
0x13: {  	[tilespmem:s16+$0x4000] =	vst v0  }
0x14: {  	[tilespmem:s16+$0x4400] =	vst v1  }
0x15: {  	[tilespmem:s17+$0x4010] =	vst v0  }
0x16: {  	[tilespmem:s17+$0x4410] =	vst v1  }
0x17: {  	[tilespmem:s16+$0x4010] =	vst v0  }
0x18: {  	[tilespmem:s16+$0x4410] =	vst v1  }
0x19: {  	[tilespmem:s17+$0x4020] =	vst v0  }
0x1a: {  	[tilespmem:s17+$0x4420] =	vst v1  }
0x1b: {  	[tilespmem:s16+$0x4020] =	vst v0  }
0x1c: {  	[tilespmem:s16+$0x4420] =	vst v1  }
0x1d: {  	[tilespmem:s17+$0x4030] =	vst v0  }
0x1e: {  	[tilespmem:s17+$0x4430] =	vst v1  }
0x1f: {  	[tilespmem:s16+$0x4030] =	vst v0  }
0x20: {  	[tilespmem:s16+$0x4430] =	vst v1  }
0x21: {  	[tilespmem:s17+$0x4040] =	vst v0  }
0x22: {  	[tilespmem:s17+$0x4440] =	vst v1  }
0x23: {  	[tilespmem:s16+$0x4040] =	vst v0  }
0x24: {  	[tilespmem:s16+$0x4440] =	vst v1  }
0x25: {  	[tilespmem:s17+$0x4050] =	vst v0  }
0x26: {  	[tilespmem:s17+$0x4450] =	vst v1  }
0x27: {  	[tilespmem:s16+$0x4050] =	vst v0  }
0x28: {  	[tilespmem:s16+$0x4450] =	vst v1  }
0x29: {  	[tilespmem:s17+$0x4060] =	vst v0  }
0x2a: {  	[tilespmem:s17+$0x4460] =	vst v1  }
0x2b: {  	[tilespmem:s16+$0x4060] =	vst v0  }
0x2c: {  	[tilespmem:s16+$0x4460] =	vst v1  }
0x2d: {  	s18 =	sshll.u32 s15, $0xA;
	[tilespmem:s17+$0x4070] =	vst v0  }
0x2e: {  	s20 =	sand.u32 $0x3C00, s14;
	s18 =	sshrl.u32 s18, $0x2;
	[tilespmem:s17+$0x4470] =	vst v1  }
0x2f: {  	s21 =	sand.u32 $0x70, s14;
	s22 =	sadd.s32 s18, s20;
	[tilespmem:s16+$0x4070] =	vst v0  }
0x30: {  	s19 =	sshll.u32 s19, $0x9;
	s22 =	sadd.s32 s21, s22;
	[tilespmem:s16+$0x4470] =	vst v1  }
0x31: {  	s19 =	sshrl.u32 s19, $0x2;
	v4 =	vld [tilespmem:s22+$0x0]  }
0x32: {  	s20 =	sadd.s32 s19, s20  }
0x33: {  	s20 =	sadd.s32 s21, s20  }
0x34: {  	v3 =	vld [tilespmem:s20+$0x0];
	_ =	sdelay $0x1  }
0x35: {  	vm1 =	vgt.f32 v4, $0.0e+00  }
0x36: {  	v5 =	vmpcnt.ones.xlane vm1;
	_ =	sdelay $0x1  }
0x37: {  	vm1 =	vgt.f32 v3, $0.0e+00;
	(v2sf) =	vpush v5, $0x0  }
0x38: {  	v6 =	vmpcnt.ones.xlane vm1;
	_ =	sdelay $0x1  }
0x39: {  	(v2sf) =	vpush v6, $0x0;
	_ =	sdelay $0xb  }
0x3a: {  	s22 =	spop (v2sf)  }
0x3b: {  	p0 =	slt.s32 s22, $0x1  }
0x3c: {  	s24 =	simm.s32 $0x0;
	p1 =	por @!p0 $0x1, $0x1  }
0x3d: {  	s23 =	simm.s32 $0x20;
	s0 =	spop (v2sf);
	p2 =	por !p1, p0  }
0x3e: {  	s26 =	simm.s32 $0x0;
	p1 =	slt.s32 s0, $0x1;
	s24 =	simm.s32 @p2 $0x30  }
0x3f: {  	s20 =	simm.s32 $0x10;
	p2 =	por @!p1 $0x1, $0x1;
	s25 =	sand.u32 @!p0 $0xFFFFFF80, s24  }
0x40: {  	p2 =	por !p2, p1;
	s24 =	sand.u32 @!p0 $0x7F, s24;
	s25 =	sadd.s32 @!p0 s17, s25  }
0x41: {  	s29 =	sand.u32 $0x70, s20;
	s26 =	simm.s32 @p2 $0x30;
	s24 =	sor.u32 @!p0 s24, s25  }
0x42: {  	v5 =	vor.u32 s14, v2;
	vm1 =	vgt.f32 @!p0 v4, $0.0e+00;
	s25 =	sand.u32 @!p1 $0xFFFFFF80, s26;
	s28 =	sand.u32 @!p1 $0x7F, s26;
	s26 =	simm.s32 $0x80  }
0x43: {  	s21 =	sadd.s32 $0x0, s22;
	[tilespmem:s24+$0x4000] =	vst.msk @!p0 vm1, v5;
	s25 =	sadd.s32 @!p1 s16, s25;
	s30 =	sand.u32 $0x3C00, s26  }
0x44: {  	s22 =	sadd.s32 $0x0, s0;
	[tilespmem:s24+$0x4400] =	vst.msk @!p0 vm1, v4;
	vm1 =	vgt.f32 @!p1 v3, $0.0e+00;
	s28 =	sor.u32 @!p1 s28, s25;
	s31 =	sadd.s32 s18, s30  }
0x45: {  	s30 =	sadd.s32 s19, s30;
	s25 =	smov.u32 s21;
	s24 =	smov.u32 s22;
	[tilespmem:s28+$0x4000] =	vst.msk @!p1 vm1, v5  }
.LBB2_4:
0x46: {  	s31 =	sadd.s32 s29, s31;
	[tilespmem:s28+$0x4400] =	vst.msk @!p1 vm1, v3;
	s28 =	smov.u32 s23;
	s23 =	sadd.s32 $0x10, s23  }
0x47: {  	p0 =	sne.s32 s23, $0x800;
	v4 =	vld [tilespmem:s31+$0x0]  }
0x48: {  	s29 =	sadd.s32 s29, s30  }
0x49: {  	v3 =	vld [tilespmem:s29+$0x0];
	_ =	sdelay $0x2  }
0x4a: {  	vm1 =	vgt.f32 v4, $0.0e+00  }
0x4b: {  	v5 =	vmpcnt.ones.xlane vm1  }
0x4c: {  	vm1 =	vgt.f32 v3, $0.0e+00  }
0x4d: {  	v6 =	vmpcnt.ones.xlane vm1;
	(v2sf) =	vpush v5, $0x0;
	_ =	sdelay $0x1  }
0x4e: {  	(v2sf) =	vpush v6, $0x0;
	_ =	sdelay $0xc  }
0x4f: {  	s29 =	spop (v2sf)  }
0x50: {  	p2 =	slt.s32 s29, $0x1  }
0x51: {  	s25 =	sadd.s32 s25, s29;
	p1 =	slt.s32 @!p2 s21, $0x30  }
0x52: {  	s29 =	spop (v2sf);
	p3 =	por !p1, p2  }
0x53: {  	p1 =	slt.s32 s29, $0x1;
	s24 =	sadd.s32 s24, s29;
	s29 =	smov.u32 s21  }
0x54: {  	s21 =	smov.u32 s25;
	s29 =	simm.s32 @p3 $0x30;
	p3 =	slt.s32 @!p1 s22, $0x30  }
0x55: {  	s30 =	sand.u32 @!p2 $0xFFFFFF80, s29;
	s29 =	sand.u32 @!p2 $0x7F, s29;
	p3 =	por !p3, p1  }
.Ltmp0:
0x56: {  	s30 =	sadd.s32 @!p2 s17, s30;
	s22 =	simm.s32 @p3 $0x30;
	(pc) =	sbr.rel @p0 .LBB2_4-.Ltmp0, $4  }
0x57: {  	v5 =	vor.u32 s20, v2;
	vm1 =	vgt.f32 @!p2 v4, $0.0e+00;
	s29 =	sor.u32 @!p2 s29, s30;
	s20 =	sand.u32 @!p1 $0xFFFFFF80, s22;
	s22 =	sand.u32 @!p1 $0x7F, s22  }
0x58: {  	s26 =	sadd.s32 $0x80, s26;
	[tilespmem:s29+$0x4000] =	vst.msk @!p2 vm1, v5;
	s30 =	sadd.s32 @!p1 s16, s20;
	s20 =	smov.u32 s28  }
0x59: {  	s0 =	sand.u32 $0x3C00, s26;
	[tilespmem:s29+$0x4400] =	vst.msk @!p2 vm1, v4;
	vm1 =	vgt.f32 @!p1 v3, $0.0e+00;
	s28 =	sor.u32 @!p1 s22, s30;
	s22 =	smov.u32 s24  }
0x5a: {  	s31 =	sadd.s32 s18, s0;
	s29 =	sand.u32 $0x70, s20;
	s30 =	sadd.s32 s19, s0;
	[tilespmem:s28+$0x4000] =	vst.msk @!p1 vm1, v5  }
0x5b: {  	s0 =	sadd.s32 s29, s31;
	[tilespmem:s28+$0x4400] =	vst.msk @!p1 vm1, v3  }
0x5c: {  	v3 =	vld [tilespmem:s0+$0x0]  }
0x5d: {  	s30 =	sadd.s32 s29, s30  }
0x5e: {  	v4 =	vld [tilespmem:s30+$0x0];
	_ =	sdelay $0x2  }
0x5f: {  	vm1 =	vgt.f32 v3, $0.0e+00  }
0x60: {  	v5 =	vmpcnt.ones.xlane vm1  }
0x61: {  	vm1 =	vgt.f32 v4, $0.0e+00  }
0x62: {  	v6 =	vmpcnt.ones.xlane vm1;
	(v2sf) =	vpush v5, $0x0;
	_ =	sdelay $0x1  }
0x63: {  	(v2sf) =	vpush v6, $0x0;
	_ =	sdelay $0xc  }
0x64: {  	s31 =	spop (v2sf)  }
0x65: {  	p1 =	slt.s32 s31, $0x1  }
0x66: {  	s23 =	spop (v2sf);
	p0 =	slt.s32 @!p1 s21, $0x30  }
0x67: {  	p2 =	por !p0, p1;
	p0 =	slt.s32 s23, $0x1  }
0x68: {  	s21 =	simm.s32 @p2 $0x30;
	p2 =	slt.s32 @!p0 s22, $0x30  }
0x69: {  	s0 =	sadd.s32 s25, s31;
	s25 =	sand.u32 @!p1 $0xFFFFFF80, s21;
	p2 =	por !p2, p0  }
0x6a: {  	s21 =	sand.u32 @!p1 $0x7F, s21;
	s17 =	sadd.s32 @!p1 s17, s25;
	s22 =	simm.s32 @p2 $0x30  }
0x6b: {  	v5 =	vor.u32 s20, v2;
	vm1 =	vgt.f32 @!p1 v3, $0.0e+00;
	s17 =	sor.u32 @!p1 s21, s17;
	s20 =	sand.u32 @!p0 $0xFFFFFF80, s22  }
0x6c: {  	s21 =	sand.u32 @!p0 $0x7F, s22;
	[tilespmem:s17+$0x4000] =	vst.msk @!p1 vm1, v5;
	s16 =	sadd.s32 @!p0 s16, s20  }
0x6d: {  	[tilespmem:s17+$0x4400] =	vst.msk @!p1 vm1, v3;
	vm1 =	vgt.f32 @!p0 v4, $0.0e+00;
	s16 =	sor.u32 @!p0 s21, s16  }
0x6e: {  	s15 =	sadd.s32 $0x1, s15;
	[tilespmem:s16+$0x4000] =	vst.msk @!p0 vm1, v5  }
0x6f: {  	s23 =	sadd.s32 s24, s23;
	p2 =	slt.s32 s0, $0x20;
	[tilespmem:s16+$0x4400] =	vst.msk @!p0 vm1, v4;
	p0 =	sne.s32 s15, $0x4  }
.Ltmp1:
0x70: {  	s0 =	simm.s32 @!p2 $0x20;
	p1 =	slt.s32 s23, $0x20;
	(pc) =	sbr.rel @p0 .LBB2_3-.Ltmp1, $4  }
0x71: {  	v3 =	vmov s0;
	s23 =	simm.s32 @!p1 $0x20  }
0x72: {  	v3 =	vnsel vm0, $0x0, v3;
	v63 =	vmov s23  }
0x73: {  	[tilespmem:s18+$0x4020] =	vst v3;
	v3 =	vnsel vm0, $0x0, v63  }
0x74: {  	[tilespmem:s19+$0x4020] =	vst v3  }
0x75: {  	s0 =	sshll.u32 s13, $0x7  }
0x76: {  	s13 =	sadd.s32 s4, s0  }
0x77: {  	[hbm4b:s13+s1] =	stream.linear.scatter [tilespmem:s9], [sflag:$0x1], $0x400, $0x38;
	[tilespmem:$0x4800] =	vst v63  }
0x78: {  	s12 =	sadd.s32 $0x1, s12;
	_ =	swait.ge [sflag:s8], $0x400  }
0x79: {  	p0 =	sne.s32 s12, $0x8;
	[sflag:s8] =	ssyncset.done $0x0  }
.Ltmp2:
0x7a: {  	s0 =	sadd.s32 s5, s0;
	[sflag:s8] =	ssyncadd.s32 $0xFFFFFC00;
	(pc) =	sbr.rel @p0 .LBB2_2-.Ltmp2, $4  }
0x7b: {  	[hbm4b:s0+s1] =	stream.linear.scatter [tilespmem:s10], [sflag:$0x1], $0x400, $0x38;
	[tilespmem:$0x4800] =	vst v63  }
0x7c: {  	_ =	swait.ge [sflag:s8], $0x400  }
0x7d: {  	[sflag:s8] =	ssyncset.done $0x0  }
0x7e: {  	[sflag:s8] =	ssyncadd.s32 $0xFFFFFC00  }
0x7f: {  	s11 =	sadd.s32 $0x1, s11  }
0x80: {  	p0 =	sne.s32 s11, s7  }
.Ltmp3:
0x81: {  	_ = 	snop;
	(pc) =	sbr.rel @p0 .LBB2_1-.Ltmp3, $1  }
0x82: {  	_ =	sdelay $0x3  }
0x83: {  	_ =	sfence.sel $0x180000  }
0x84: {  	[bflag:$0x0] =	sbarrier.arrive $0xFFFF  }
0x85: {  	_ =	strace $0x90000047  }
0x86: {  	[bflag:$0x2] =	sbarrier.arrive $0xFFFF  }
0x87: {  	p0 =	sne.s32 s2, $0x0;
	s0 =	rddreg [dreg:$0x1]  }
0x88: {  	s0 =	sadd.s32 @!p0 $0x100000, s0  }
0x89: {  	[sflag:s0] =	ssyncadd.tile.s32 @!p0 $0x1;
	_ =	shalt  }
.Lfunc_end2:
_tile_overlayer_lowered:
.L_overlay_start_2:
0x8a: {  	(tag) =	ssettag $0x2  }
0x8b: {  	s0 =	rddreg [dreg:$0x0];
	s2 =	stileid.u32  }
0x8c: {  	s1 =	rddreg [dreg:$0x1];
	p0 =	sne.s32 s2, $0x0  }
0x8d: {  	s3 =	rddreg [dreg:$0x2];
	[bflag:$0x3] =	sbarrier.arrive $0xFFFF;
	s2 =	simm.s32 @!p0 $0x1C01  }
0x8e: {  	[timem:s3], [sflag:s2] =	dma.local @!p0 [hbm:s0], s1  }
0x8f: {  	s0 =	simm.s32 @!p0 $0x1  }
0x90: {  	_ =	swait.ge @!p0 [sflag:s0], s1  }
0x91: {  	s1 =	ssub.s32 @!p0 $0x0, s1;
	[sflag:s0] =	ssyncset.done @!p0 $0x0  }
0x92: {  	[sflag:s0] =	ssyncadd.s32 @!p0 s1  }
0x93: {  	[bflag:$0x3] =	sbarrier.arrive $0xFFFF  }
0x94: {  	_ =	shalt  }

</sc_bundles>
